<compile_context>
chip_gen: v7x
topology: tpu7x:2x2x1
jax: 0.10.2.dev20260603
libtpu: 0.0.44.dev20260713+nightly
codegen_flags: <defaults>
</compile_context>

<pallas_src>
import functools

import jax
import jax.numpy as jnp
from jax import lax
from jax.experimental import pallas as pl
from jax.experimental.pallas import tpu as pltpu
from jax.experimental.pallas import tpu_sc as plsc

N = 10000
E = 160000
H = 256
EO = 128
NO = 128
GO = 128

BN = 1000
BE = 2000

_lrelu = lambda t: jnp.where(t >= 0, t, 0.2 * t)
_relu = lambda t: jnp.maximum(t, 0.0)


def _mm(a, b):
    return jax.lax.dot_general(a, b, (((1,), (0,)), ((), ())),
                               preferred_element_type=jnp.float32)


def _tc_a_body(x_ref, wn0_ref, bn0_ref, wn1_ref, bn1_ref, ws_ref, wt_ref,
               wc_ref, bg0_ref, wg1_ref, bg1_ref, wu_ref, be1_ref, un_ref,
               bnn_ref, x1lo_ref, x1hi_ref, xs_ref, xt_ref, xclo_ref,
               xchi_ref, u1_ref, cu0_ref, ub_ref):
    x = x_ref[...]
    h = _lrelu(_mm(x, wn0_ref[...]) + bn0_ref[...])
    x1 = _lrelu(_mm(h, wn1_ref[...]) + bn1_ref[...])
    x1lo_ref[...] = x1[:, :128]
    x1hi_ref[...] = x1[:, 128:]
    xs_ref[...] = _mm(x1, ws_ref[...])
    xt_ref[...] = _mm(x1, wt_ref[...])
    xc = _mm(x1, wc_ref[...])
    xclo_ref[...] = xc[:, :128]
    xchi_ref[...] = xc[:, 128:]

    @pl.when(pl.program_id(0) == 0)
    def _():
        g1 = _lrelu(jnp.broadcast_to(bg0_ref[...], (8, 256)))
        u1 = _lrelu(_mm(g1, wg1_ref[...]) + bg1_ref[...])
        u1_ref[...] = u1
        cu0_ref[...] = _mm(u1, wu_ref[...]) + be1_ref[...]
        ub_ref[...] = _mm(u1, un_ref[...]) + bnn_ref[...]


def _tc_a(x, wn0, bn0, wn1, bn1, ws, wt, wc, bg0, wg1, bg1, wu, be1, un, bnn):
    nb = N // BN
    full = lambda s: pl.BlockSpec(s, lambda i: (0, 0))
    return pl.pallas_call(
        _tc_a_body,
        grid=(nb,),
        in_specs=[
            pl.BlockSpec((BN, 128), lambda i: (i, 0)),
            full((128, 256)), full((1, 256)), full((256, 256)), full((1, 256)),
            full((256, 256)), full((256, 256)), full((256, 256)),
            full((1, 256)), full((256, 256)), full((1, 256)),
            full((256, 256)), full((1, 256)), full((256, 256)), full((1, 256)),
        ],
        out_specs=[
            pl.BlockSpec((BN, 128), lambda i: (i, 0)),
            pl.BlockSpec((BN, 128), lambda i: (i, 0)),
            pl.BlockSpec((BN, 256), lambda i: (i, 0)),
            pl.BlockSpec((BN, 256), lambda i: (i, 0)),
            pl.BlockSpec((BN, 128), lambda i: (i, 0)),
            pl.BlockSpec((BN, 128), lambda i: (i, 0)),
            pl.BlockSpec((8, 256), lambda i: (0, 0)),
            pl.BlockSpec((8, 256), lambda i: (0, 0)),
            pl.BlockSpec((8, 256), lambda i: (0, 0)),
        ],
        out_shape=[
            jax.ShapeDtypeStruct((N, 128), jnp.float32),
            jax.ShapeDtypeStruct((N, 128), jnp.float32),
            jax.ShapeDtypeStruct((N, 256), jnp.float32),
            jax.ShapeDtypeStruct((N, 256), jnp.float32),
            jax.ShapeDtypeStruct((N, 128), jnp.float32),
            jax.ShapeDtypeStruct((N, 128), jnp.float32),
            jax.ShapeDtypeStruct((8, 256), jnp.float32),
            jax.ShapeDtypeStruct((8, 256), jnp.float32),
            jax.ShapeDtypeStruct((8, 256), jnp.float32),
        ],
    )(x, wn0, bn0, wn1, bn1, ws, wt, wc, bg0, wg1, bg1, wu, be1, un, bnn)


def _tc_b_body(e_ref, gsum_ref, we0_ref, be0_ref, we1_ref, beb_ref,
               we_ref, cu0_ref, w2_ref, b2_ref, w3_ref, b3_ref,
               e2_ref, sume2_ref):
    h = _lrelu(_mm(e_ref[...], we0_ref[...]) + be0_ref[...])
    e1 = _lrelu(_mm(h, we1_ref[...]) + beb_ref[...])
    h1 = _lrelu(_mm(e1, we_ref[...]) + gsum_ref[...] + cu0_ref[0:1, :])
    h2 = _lrelu(_mm(h1, w2_ref[...]) + b2_ref[...])
    e2 = _relu(_mm(h2, w3_ref[...]) + b3_ref[...])
    e2_ref[...] = e2
    s = jnp.sum(e2, axis=0, keepdims=True)

    @pl.when(pl.program_id(0) == 0)
    def _():
        sume2_ref[...] = jnp.zeros_like(sume2_ref)

    sume2_ref[...] += jnp.broadcast_to(s, (8, 128))


def _tc_b(e, gsum, we0, be0, we1, beb, we, cu0, w2, b2, w3, b3):
    nb = E // BE
    full = lambda s: pl.BlockSpec(s, lambda i: (0, 0))
    return pl.pallas_call(
        _tc_b_body,
        grid=(nb,),
        in_specs=[
            pl.BlockSpec((BE, 16), lambda i: (i, 0)),
            pl.BlockSpec((BE, 256), lambda i: (i, 0)),
            full((16, 256)), full((1, 256)), full((256, 256)), full((1, 256)),
            full((256, 256)), full((8, 256)),
            full((256, 256)), full((1, 256)), full((256, 128)), full((1, 128)),
        ],
        out_specs=[
            pl.BlockSpec((BE, 128), lambda i: (i, 0)),
            pl.BlockSpec((8, 128), lambda i: (0, 0)),
        ],
        out_shape=[
            jax.ShapeDtypeStruct((E, 128), jnp.float32),
            jax.ShapeDtypeStruct((8, 128), jnp.float32),
        ],
    )(e, gsum, we0, be0, we1, beb, we, cu0, w2, b2, w3, b3)


def _tc_d_body(sege0_ref, sege1_ref, segzlo_ref, segzhi_ref, cnt_ref,
               x1lo_ref, x1hi_ref, ub_ref, sume2_ref, u1_ref,
               a_ref, ba_ref, bb_ref,
               w2_ref, b2_ref, w3_ref, b3_ref,
               wg0a_ref, wg0b_ref, wg0c_ref, bg0_ref, wg1_ref, bg1_ref,
               wg2_ref, bg2_ref, qu_ref, b1e_ref, qs_ref, qt_ref,
               xs2_ref, xt2_ref, cu1_ref, sumx2_ref):
    cnt = jnp.sum(cnt_ref[...], axis=1)[:, None]
    inv = 1.0 / jnp.maximum(cnt, 1.0)
    pos = (cnt > 0).astype(jnp.float32)
    t = (_mm(sege0_ref[...] + sege1_ref[...], a_ref[...])
         + jnp.concatenate([segzlo_ref[...], segzhi_ref[...]], axis=1))
    t = t * inv
    t = t + (_mm(x1lo_ref[...], ba_ref[...])
             + _mm(x1hi_ref[...], bb_ref[...])) * pos
    n1 = _lrelu(t + ub_ref[0:1, :])
    n2 = _lrelu(_mm(n1, w2_ref[...]) + b2_ref[...])
    x2 = _relu(_mm(n2, w3_ref[...]) + b3_ref[...])
    xs2_ref[...] = _mm(x2, qs_ref[...])
    xt2_ref[...] = _mm(x2, qt_ref[...])
    s = jnp.sum(x2, axis=0, keepdims=True)

    @pl.when(pl.program_id(0) == 0)
    def _():
        sumx2_ref[...] = jnp.zeros_like(sumx2_ref)

    sumx2_ref[...] += jnp.broadcast_to(s, (8, 128))

    @pl.when(pl.program_id(0) == pl.num_programs(0) - 1)
    def _():
        g1 = _lrelu(_mm(sumx2_ref[...], wg0a_ref[...])
                    + _mm(sume2_ref[...], wg0b_ref[...])
                    + _mm(u1_ref[...], wg0c_ref[...]) + bg0_ref[...])
        g2 = _lrelu(_mm(g1, wg1_ref[...]) + bg1_ref[...])
        u2 = _relu(_mm(g2, wg2_ref[...]) + bg2_ref[...])
        cu1_ref[...] = _mm(u2, qu_ref[...]) + b1e_ref[...]


def _tc_d(sege0, sege1, segzlo, segzhi, cnt_all, x1lo, x1hi, ub, sume2, u1,
          a, ba, bb, w2, b2, w3, b3,
          wg0a, wg0b, wg0c, bg0, wg1, bg1, wg2, bg2, qu, b1e, qs, qt):
    nb = N // BN
    full = lambda s: pl.BlockSpec(s, lambda i: (0, 0))
    return pl.pallas_call(
        _tc_d_body,
        grid=(nb,),
        in_specs=[
            pl.BlockSpec((BN, 128), lambda i: (i, 0)),
            pl.BlockSpec((BN, 128), lambda i: (i, 0)),
            pl.BlockSpec((BN, 128), lambda i: (i, 0)),
            pl.BlockSpec((BN, 128), lambda i: (i, 0)),
            pl.BlockSpec((BN, 32), lambda i: (i, 0)),
            pl.BlockSpec((BN, 128), lambda i: (i, 0)),
            pl.BlockSpec((BN, 128), lambda i: (i, 0)),
            full((8, 256)), full((8, 128)), full((8, 256)),
            full((128, 256)), full((128, 256)), full((128, 256)),
            full((256, 256)), full((1, 256)), full((256, 128)), full((1, 128)),
            full((128, 256)), full((128, 256)), full((256, 256)), full((1, 256)),
            full((256, 256)), full((1, 256)), full((256, 128)), full((1, 128)),
            full((128, 128)), full((1, 128)), full((128, 128)), full((128, 128)),
        ],
        out_specs=[
            pl.BlockSpec((BN, 128), lambda i: (i, 0)),
            pl.BlockSpec((BN, 128), lambda i: (i, 0)),
            pl.BlockSpec((8, 128), lambda i: (0, 0)),
            pl.BlockSpec((8, 128), lambda i: (0, 0)),
        ],
        out_shape=[
            jax.ShapeDtypeStruct((N, 128), jnp.float32),
            jax.ShapeDtypeStruct((N, 128), jnp.float32),
            jax.ShapeDtypeStruct((8, 128), jnp.float32),
            jax.ShapeDtypeStruct((8, 128), jnp.float32),
        ],
    )(sege0, sege1, segzlo, segzhi, cnt_all, x1lo, x1hi, ub, sume2, u1,
      a, ba, bb, w2, b2, w3, b3,
      wg0a, wg0b, wg0c, bg0, wg1, bg1, wg2, bg2, qu, b1e, qs, qt)


def _tc_f_body(e2_ref, gsum2_ref, qe_ref, cu1_ref, out_ref):
    e3 = _relu(_mm(e2_ref[...], qe_ref[...])
               + gsum2_ref[...] + cu1_ref[0:1, :])
    m = jnp.max(e3, axis=-1, keepdims=True)
    p = jnp.exp(e3 - m)
    out_ref[...] = p / jnp.sum(p, axis=-1, keepdims=True)


def _tc_f(e2, gsum2, qe, cu1):
    nb = E // BE
    full = lambda s: pl.BlockSpec(s, lambda i: (0, 0))
    return pl.pallas_call(
        _tc_f_body,
        grid=(nb,),
        in_specs=[
            pl.BlockSpec((BE, 128), lambda i: (i, 0)),
            pl.BlockSpec((BE, 128), lambda i: (i, 0)),
            full((128, 128)), full((8, 128)),
        ],
        out_specs=[pl.BlockSpec((BE, 128), lambda i: (i, 0))],
        out_shape=[jax.ShapeDtypeStruct((E, 128), jnp.float32)],
    )(e2, gsum2, qe, cu1)[0]


_CE = 40


def _sc_gather_pair(table_a, table_b, src2d, tgt2d, width):
    info = plsc.get_sparse_core_info()
    nw = info.num_cores * info.num_subcores
    ew = E // nw
    ce = _CE
    nch = ew // ce
    nvec = width // 16
    mesh = plsc.VectorSubcoreMesh(core_axis_name="c", subcore_axis_name="s")

    @functools.partial(
        pl.kernel,
        out_type=jax.ShapeDtypeStruct((E, width), jnp.float32),
        mesh=mesh,
        compiler_params=pltpu.CompilerParams(needs_layout_passes=False),
        scratch_types=[
            pltpu.VMEM((128, ce), jnp.int32),
            pltpu.VMEM((128, ce), jnp.int32),
            pltpu.VMEM((2, ce, width), jnp.float32),
            pltpu.VMEM((2, ce, width), jnp.float32),
            pltpu.SemaphoreType.DMA,
            pltpu.SemaphoreType.DMA,
        ],
    )
    def k(ta_hbm, tb_hbm, src_hbm, tgt_hbm, out_hbm, sidx, tidx, bufa, bufb,
          sem, osem):
        wid = lax.axis_index("s") * info.num_cores + lax.axis_index("c")
        base = wid * ew
        pltpu.sync_copy(src_hbm.at[wid], sidx)
        pltpu.sync_copy(tgt_hbm.at[wid], tidx)
        pltpu.async_copy(ta_hbm.at[sidx.at[0]], bufa.at[0], sem)
        pltpu.async_copy(tb_hbm.at[tidx.at[0]], bufb.at[0], sem)

        def chunk(k_, _):
            p = lax.rem(k_, 2)

            @pl.when(k_ >= 1)
            def _():
                pltpu.make_async_copy(bufa.at[p],
                                      out_hbm.at[pl.ds(0, ce)], osem).wait()

            @pl.when(k_ + 1 < nch)
            def _():
                q = lax.rem(k_ + 1, 2)
                pltpu.async_copy(ta_hbm.at[sidx.at[k_ + 1]], bufa.at[q], sem)
                pltpu.async_copy(tb_hbm.at[tidx.at[k_ + 1]], bufb.at[q], sem)

            pltpu.make_async_copy(ta_hbm.at[pl.ds(0, ce)], bufa.at[p], sem).wait()
            pltpu.make_async_copy(tb_hbm.at[pl.ds(0, ce)], bufb.at[p], sem).wait()

            def row(r_, _):
                for j in range(nvec):
                    bufa[p, r_, pl.ds(j * 16, 16)] = (
                        bufa[p, r_, pl.ds(j * 16, 16)]
                        + bufb[p, r_, pl.ds(j * 16, 16)])
                return ()

            lax.fori_loop(0, ce, row, (), unroll=False)
            pltpu.async_copy(bufa.at[p], out_hbm.at[pl.ds(base + k_ * ce, ce)],
                             osem)
            return ()

        lax.fori_loop(0, nch, chunk, (), unroll=False)
        pltpu.make_async_copy(bufa.at[0], out_hbm.at[pl.ds(0, ce)], osem).wait()

    return k(table_a, table_b, src2d, tgt2d)


NC = 10016


def _sc_gather_pair_cnt(table_a, table_b, src2d, tgt2d, width, srcc):
    info = plsc.get_sparse_core_info()
    nw = info.num_cores * info.num_subcores
    ew = E // nw
    ce = _CE
    nch = ew // ce
    nvec = width // 16
    mesh = plsc.VectorSubcoreMesh(core_axis_name="c", subcore_axis_name="s")

    @functools.partial(
        pl.kernel,
        out_type=[
            jax.ShapeDtypeStruct((E, width), jnp.float32),
            jax.ShapeDtypeStruct((nw, NC), jnp.float32),
        ],
        mesh=mesh,
        compiler_params=pltpu.CompilerParams(needs_layout_passes=False),
        scratch_types=[
            pltpu.VMEM((128, ce), jnp.int32),
            pltpu.VMEM((128, ce), jnp.int32),
            pltpu.VMEM((40, 128), jnp.int32),
            pltpu.VMEM((NC,), jnp.float32),
            pltpu.VMEM((2, ce, width), jnp.float32),
            pltpu.VMEM((2, ce, width), jnp.float32),
            pltpu.SemaphoreType.DMA,
            pltpu.SemaphoreType.DMA,
        ],
    )
    def k(ta_hbm, tb_hbm, src_hbm, tgt_hbm, srcc_hbm, out_hbm, cnt_hbm,
          sidx, tidx, cidx, cntv, bufa, bufb, sem, osem):
        wid = lax.axis_index("s") * info.num_cores + lax.axis_index("c")
        base = wid * ew
        pltpu.sync_copy(src_hbm.at[wid], sidx)
        pltpu.sync_copy(tgt_hbm.at[wid], tidx)
        pltpu.sync_copy(srcc_hbm.at[wid], cidx)
        pltpu.async_copy(ta_hbm.at[sidx.at[0]], bufa.at[0], sem)
        pltpu.async_copy(tb_hbm.at[tidx.at[0]], bufb.at[0], sem)

        zeros16 = jnp.zeros((16,), jnp.float32)

        def zz(i, _):
            cntv[pl.ds(i * 16, 16)] = zeros16
            return ()

        lax.fori_loop(0, NC // 16, zz, (), unroll=False)
        ones16 = jnp.ones((16,), jnp.float32)

        def crow(r_, _):
            for j in range(8):
                iv = cidx[r_, pl.ds(j * 16, 16)]
                plsc.addupdate_scatter(cntv, [iv], ones16)
            return ()

        lax.fori_loop(0, 40, crow, (), unroll=False)
        pltpu.sync_copy(cntv, cnt_hbm.at[wid])

        def chunk(k_, _):
            p = lax.rem(k_, 2)

            @pl.when(k_ >= 1)
            def _():
                pltpu.make_async_copy(bufa.at[p],
                                      out_hbm.at[pl.ds(0, ce)], osem).wait()

            @pl.when(k_ + 1 < nch)
            def _():
                q = lax.rem(k_ + 1, 2)
                pltpu.async_copy(ta_hbm.at[sidx.at[k_ + 1]], bufa.at[q], sem)
                pltpu.async_copy(tb_hbm.at[tidx.at[k_ + 1]], bufb.at[q], sem)

            pltpu.make_async_copy(ta_hbm.at[pl.ds(0, ce)], bufa.at[p], sem).wait()
            pltpu.make_async_copy(tb_hbm.at[pl.ds(0, ce)], bufb.at[p], sem).wait()

            def row(r_, _):
                for j in range(nvec):
                    bufa[p, r_, pl.ds(j * 16, 16)] = (
                        bufa[p, r_, pl.ds(j * 16, 16)]
                        + bufb[p, r_, pl.ds(j * 16, 16)])
                return ()

            lax.fori_loop(0, ce, row, (), unroll=False)
            pltpu.async_copy(bufa.at[p], out_hbm.at[pl.ds(base + k_ * ce, ce)],
                             osem)
            return ()

        lax.fori_loop(0, nch, chunk, (), unroll=False)
        pltpu.make_async_copy(bufa.at[0], out_hbm.at[pl.ds(0, ce)], osem).wait()

    return k(table_a, table_b, src2d, tgt2d, srcc)


NP = 10112


def _sc_segment_xc(xclo, xchi, srcst, tgtst, zx):
    info = plsc.get_sparse_core_info()
    ns = info.num_subcores
    ew = E // ns
    ce = 80
    stripe = NP // ns
    mesh = plsc.VectorSubcoreMesh(core_axis_name="c", subcore_axis_name="s")

    nch = ew // ce

    @functools.partial(
        pl.kernel,
        out_type=[
            jax.ShapeDtypeStruct((NP, 128), jnp.float32),
            jax.ShapeDtypeStruct((NP, 128), jnp.float32),
        ],
        mesh=mesh,
        compiler_params=pltpu.CompilerParams(needs_layout_passes=False),
        scratch_types=[
            pltpu.VMEM_SHARED((NP, 128), jnp.float32),
            pltpu.VMEM((2, ce), jnp.int32),
            pltpu.VMEM((2, ce), jnp.int32),
            pltpu.VMEM((2, ce, 128), jnp.float32),
            pltpu.SemaphoreType.DMA,
            pltpu.SemaphoreType.DMA,
        ],
    )
    def k(xclo_hbm, xchi_hbm, srcst_hbm, tgtst_hbm, zx_hbm,
          seglo_hbm, seghi_hbm, accz, sidxb, tidxb, bufg, isem, gsem):
        cid = lax.axis_index("c")
        sid = lax.axis_index("s")
        row0 = sid * stripe
        pltpu.sync_copy(zx_hbm.at[pl.ds(row0, stripe)],
                        accz.at[pl.ds(row0, stripe)])
        plsc.subcore_barrier()

        def body(xc_hbm):
            pltpu.sync_copy(srcst_hbm.at[sid, 0], sidxb.at[0])
            pltpu.sync_copy(tgtst_hbm.at[sid, 0], tidxb.at[0])
            pltpu.async_copy(xc_hbm.at[tidxb.at[0]], bufg.at[0], gsem)
            pltpu.async_copy(srcst_hbm.at[sid, 1], sidxb.at[1], isem)
            pltpu.async_copy(tgtst_hbm.at[sid, 1], tidxb.at[1], isem)

            def chunk(k_, _):
                p = lax.rem(k_, 2)
                q = lax.rem(k_ + 1, 2)

                @pl.when(k_ + 1 < nch)
                def _():
                    pltpu.make_async_copy(srcst_hbm.at[sid, 0], sidxb.at[q],
                                          isem).wait()
                    pltpu.make_async_copy(tgtst_hbm.at[sid, 0], tidxb.at[q],
                                          isem).wait()
                    pltpu.async_copy(xc_hbm.at[tidxb.at[q]], bufg.at[q], gsem)

                pltpu.make_async_copy(xc_hbm.at[pl.ds(0, ce)], bufg.at[p],
                                      gsem).wait()
                pltpu.sync_copy(bufg.at[p], accz.at[sidxb.at[p]], add=True)

                @pl.when(k_ + 2 < nch)
                def _():
                    pltpu.async_copy(srcst_hbm.at[sid, k_ + 2], sidxb.at[p],
                                     isem)
                    pltpu.async_copy(tgtst_hbm.at[sid, k_ + 2], tidxb.at[p],
                                     isem)

                return ()

            lax.fori_loop(0, nch, chunk, (), unroll=False)

        @pl.when(cid == 0)
        def _():
            body(xclo_hbm)

        @pl.when(cid == 1)
        def _():
            body(xchi_hbm)

        plsc.subcore_barrier()

        @pl.when(cid == 0)
        def _():
            pltpu.sync_copy(accz.at[pl.ds(row0, stripe)],
                            seglo_hbm.at[pl.ds(row0, stripe)])

        @pl.when(cid == 1)
        def _():
            pltpu.sync_copy(accz.at[pl.ds(row0, stripe)],
                            seghi_hbm.at[pl.ds(row0, stripe)])

    return k(xclo, xchi, srcst, tgtst, zx)


def _sc_segment_e(e2, src, zx):
    info = plsc.get_sparse_core_info()
    nc, ns = info.num_cores, info.num_subcores
    ew = E // (nc * ns)
    ce = _CE
    stripe = NP // ns
    mesh = plsc.VectorSubcoreMesh(core_axis_name="c", subcore_axis_name="s")

    nch = ew // ce

    @functools.partial(
        pl.kernel,
        out_type=[
            jax.ShapeDtypeStruct((NP, 128), jnp.float32),
            jax.ShapeDtypeStruct((NP, 128), jnp.float32),
        ],
        mesh=mesh,
        compiler_params=pltpu.CompilerParams(needs_layout_passes=False),
        scratch_types=[
            pltpu.VMEM_SHARED((NP, 128), jnp.float32),
            pltpu.VMEM((128, ce), jnp.int32),
            pltpu.VMEM((2, ce, 128), jnp.float32),
            pltpu.SemaphoreType.DMA,
        ],
    )
    def k(e2_hbm, src_hbm, zx_hbm, sege0_hbm, sege1_hbm,
          acce, sidx, bufe, sem):
        cid = lax.axis_index("c")
        sid = lax.axis_index("s")
        row0 = sid * stripe
        pltpu.sync_copy(zx_hbm.at[pl.ds(row0, stripe)],
                        acce.at[pl.ds(row0, stripe)])
        wid = cid * ns + sid
        pltpu.sync_copy(src_hbm.at[wid], sidx)
        plsc.subcore_barrier()

        base = wid * ew
        pltpu.async_copy(e2_hbm.at[pl.ds(base, ce)], bufe.at[0], sem)

        def chunk(k_, _):
            p = lax.rem(k_, 2)
            pltpu.make_async_copy(e2_hbm.at[pl.ds(0, ce)], bufe.at[p],
                                  sem).wait()

            @pl.when(k_ + 1 < nch)
            def _():
                q = lax.rem(k_ + 1, 2)
                pltpu.async_copy(e2_hbm.at[pl.ds(base + (k_ + 1) * ce, ce)],
                                 bufe.at[q], sem)

            pltpu.sync_copy(bufe.at[p], acce.at[sidx.at[k_]], add=True)
            return ()

        lax.fori_loop(0, nch, chunk, (), unroll=False)
        plsc.subcore_barrier()

        @pl.when(cid == 0)
        def _():
            pltpu.sync_copy(acce.at[pl.ds(row0, stripe)],
                            sege0_hbm.at[pl.ds(row0, stripe)])

        @pl.when(cid == 1)
        def _():
            pltpu.sync_copy(acce.at[pl.ds(row0, stripe)],
                            sege1_hbm.at[pl.ds(row0, stripe)])

    return k(e2, src, zx)


def kernel(x, edge_index, e, params):
    f32 = jnp.float32
    src = edge_index[:, 0]
    tgt = edge_index[:, 1]
    r = lambda b: b.reshape(1, -1)

    wn, bn = params["emb_node"]
    we_, be_ = params["emb_edge"]
    wg, bg = params["emb_glob"]
    w0e, b0e = params["gnn0_edge"]
    w0n, b0n = params["gnn0_node"]
    w0g, b0g = params["gnn0_glob"]
    w1e, b1e = params["gnn1_edge"]

    W1 = w0e[0]
    We, Ws, Wt, Wu = W1[0:256], W1[256:512], W1[512:768], W1[768:1024]
    Wn1 = w0n[0]
    A, B, C, U = Wn1[0:128], Wn1[128:384], Wn1[384:640], Wn1[640:896]
    Q = w1e[0]
    Qe, Qs, Qt, Qu = Q[0:128], Q[128:256], Q[256:384], Q[384:512]
    Wg0 = w0g[0]

    def idx3(a, nw, ce, rows):
        a3 = a.reshape(nw, -1, ce)
        return jnp.pad(a3, ((0, 0), (0, rows - a3.shape[1]), (0, 0)))

    src40 = idx3(src, 32, _CE, 128)
    tgt40 = idx3(tgt, 32, _CE, 128)
    srcst = src.reshape(16, -1, 80)
    tgtst = tgt.reshape(16, -1, 80)
    srcp = jnp.pad(src.reshape(32, 5000), ((0, 0), (0, 120)),
                   constant_values=NC - 8).reshape(32, 40, 128)

    x1lo, x1hi, xs, xt, xclo, xchi, u1, cu0, ub = _tc_a(
        x, wn[0], r(bn[0]), wn[1], r(bn[1]), Ws, Wt, C,
        r(bg[0]), wg[1], r(bg[1]), Wu, r(b0e[0]), U, r(b0n[0]))

    gsum, cnt_pad = _sc_gather_pair_cnt(xs, xt, src40, tgt40, 256, srcp)
    cnt_all = cnt_pad[:, :N]

    zx = jnp.zeros((NP, 128), f32)
    segzlo, segzhi = _sc_segment_xc(xclo, xchi, srcst, tgtst, zx)

    e2, sume2 = _tc_b(
        e, gsum, we_[0], r(be_[0]), we_[1], r(be_[1]), We, cu0,
        w0e[1], r(b0e[1]), w0e[2], r(b0e[2]))

    sege0, sege1 = _sc_segment_e(e2, src40, zx)

    xs2, xt2, cu1, _sumx2 = _tc_d(
        sege0[:N], sege1[:N], segzlo[:N], segzhi[:N], cnt_all.T,
        x1lo, x1hi, ub, sume2, u1,
        A, B[:128], B[128:],
        w0n[1], r(b0n[1]), w0n[2], r(b0n[2]),
        Wg0[0:128], Wg0[128:256], Wg0[256:512], r(b0g[0]),
        w0g[1], r(b0g[1]), w0g[2], r(b0g[2]), Qu, r(b1e[0]), Qs, Qt)

    gsum2 = _sc_gather_pair(xs2, xt2, src40, tgt40, 128)

    return _tc_f(e2, gsum2, Qe, cu1)

# --- scband reference (transcript-rebuilt; emitter-appended) ---
"""Pipeline reference for scband-pmspgnn-60988535603417 (READ-ONLY COPY).

The authoritative reference and input builder live on the scoring server;
editing this copy changes nothing except your own understanding.
"""

import jax, jax.numpy as jnp
import numpy as np

N = 10000
E = 160000
DF = 128
DE = 16
H = 256
NO = 128
EO = 128
GO = 128


def _mlp_params(key, dims):
    Ws = []
    bs = []
    for i in range(len(dims) - 1):
        key, k = jax.random.split(key)
        Ws.append(jax.random.normal(k, (dims[i], dims[i + 1]), jnp.float32) / np.sqrt(dims[i]))
        bs.append(jnp.zeros((dims[i + 1],), jnp.float32))
    return (Ws, bs)


def setup_inputs(seed: int = 0) -> dict:
    key = jax.random.key(seed)
    ks = jax.random.split(key, 12)
    x = jax.random.normal(ks[0], (N, DF), jnp.float32)
    e = jax.random.normal(ks[1], (E, DE), jnp.float32)
    edge_index = jax.random.randint(ks[2], (E, 2), 0, N, jnp.int32)
    params = {
        "emb_node": _mlp_params(ks[3], [DF, H, H]),
        "emb_edge": _mlp_params(ks[4], [DE, H, H]),
        "emb_glob": _mlp_params(ks[5], [1, H, H]),
        "gnn0_edge": _mlp_params(ks[6], [4 * H, H, H, EO]),
        "gnn0_node": _mlp_params(ks[7], [EO + 2 * H + H, H, H, NO]),
        "gnn0_glob": _mlp_params(ks[8], [NO + EO + H, H, H, GO]),
        "gnn1_edge": _mlp_params(ks[9], [EO + 2 * NO + GO, EO]),
        "gnn1_node": _mlp_params(ks[10], [EO + 2 * NO + GO, NO]),
        "gnn1_glob": _mlp_params(ks[11], [NO + EO + GO, GO]),
    }
    return {"x": x, "edge_index": edge_index, "e": e, "params": params}


def _run_mlp(h, p, act, final_act):
    Ws, bs = p
    n = len(Ws)
    for i in range(n):
        h = h @ Ws[i] + bs[i]
        h = final_act(h) if i == n - 1 else act(h)
    return h


def _forward(x, e, params, edge_index):
    lrelu = lambda t: jax.nn.leaky_relu(t, 0.2)
    relu = jax.nn.relu
    src = edge_index[:, 0]
    tgt = edge_index[:, 1]
    n_nodes = x.shape[0]
    n_edges = e.shape[0]
    u = jnp.zeros((1, 1), jnp.float32)
    # GraphMLP embedding (batch-norm at inference with fresh moving stats ~ identity)
    x = _run_mlp(x, params["emb_node"], lrelu, lrelu)
    e = _run_mlp(e, params["emb_edge"], lrelu, lrelu)
    u = _run_mlp(u, params["emb_glob"], lrelu, lrelu)
    for tag in ("gnn0", "gnn1"):
        # edge update: message = [e, x_src, x_tgt], concat broadcast global
        ue = jnp.repeat(u, n_edges, axis=0)
        em = jnp.concatenate([e, x[src], x[tgt]], axis=1)
        e = _run_mlp(jnp.concatenate([em, ue], axis=1), params[tag + "_edge"], lrelu, relu)
        # node update: mean-aggregate messages by source index (aggregate='mean')
        nm = jnp.concatenate([e, x[src], x[tgt]], axis=1)
        sums = jax.ops.segment_sum(nm, src, num_segments=n_nodes)
        cnt = jax.ops.segment_sum(jnp.ones((n_edges, 1), jnp.float32), src, num_segments=n_nodes)
        agg = sums / jnp.maximum(cnt, 1.0)
        uv = jnp.repeat(u, n_nodes, axis=0)
        x = _run_mlp(jnp.concatenate([agg, uv], axis=1), params[tag + "_node"], lrelu, relu)
        # global update: reduce_sum over nodes and edges (node/edge_aggregation default 'sum')
        x_ = jnp.sum(x, axis=0, keepdims=True)
        e_ = jnp.sum(e, axis=0, keepdims=True)
        u = _run_mlp(jnp.concatenate([x_, e_, u], axis=1), params[tag + "_glob"], lrelu, relu)
    # PMSPGNN returns edge features after softmax edge_activation
    return jax.nn.softmax(e, axis=-1)


def reference(x, edge_index, e, params):
    return _forward(x, e, params, edge_index)

if __name__ == "__main__":
    import jax
    _d = setup_inputs()
    print(jax.jit(kernel)(*tuple(_d.values())))

</pallas_src>

<mosaic_0001>
#map = affine_map<(d0, d1) -> (0, 0)>
#map1 = affine_map<(d0, d1) -> (0, 0, 0)>
module attributes {stable_mosaic.version = 14 : i64} {
  func.func @k(%arg0: i32, %arg1: i32, %arg2: memref<10000x128xf32, #tpu.memory_space<hbm>>, %arg3: memref<10000x128xf32, #tpu.memory_space<hbm>>, %arg4: memref<32x128x40xi32, #tpu.memory_space<hbm>>, %arg5: memref<32x128x40xi32, #tpu.memory_space<hbm>>, %arg6: memref<160000x128xf32, #tpu.memory_space<hbm>>, %arg7: memref<128x40xi32, #tpu.memory_space<vmem>>, %arg8: memref<128x40xi32, #tpu.memory_space<vmem>>, %arg9: memref<2x40x128xf32, #tpu.memory_space<vmem>>, %arg10: memref<2x40x128xf32, #tpu.memory_space<vmem>>, %arg11: memref<!tpu.dma_semaphore, #tpu.memory_space<semaphore_mem>>, %arg12: memref<!tpu.dma_semaphore, #tpu.memory_space<semaphore_mem>>) attributes {dimension_semantics = [#tpu.dimension_semantics<core_parallel>, #tpu.dimension_semantics<subcore_parallel>], iteration_bounds = array<i64: 2, 16>, scalar_prefetch = 0 : i64, scratch_operands = 6 : i64, tpu.core_type = #tpu.core_type<sc_vector_subcore>, window_params = [{transform_indices = #map}, {transform_indices = #map}, {transform_indices = #map1}, {transform_indices = #map1}, {transform_indices = #map}]} {
    %mul3A = arith.constant 2 : i32
    %mul3A_0 = arith.muli %arg1, %mul3A : i32
    %add3A = arith.addi %mul3A_0, %arg0 : i32
    %mul3A_1 = arith.constant 5000 : i32
    %mul3A_2 = arith.muli %add3A, %mul3A_1 : i32
    "tpu.region"() ({
      %run_scoped3A = tpu.sem_alloc : memref<!tpu.dma_semaphore, #tpu.memory_space<semaphore_mem>>
      %dma_start3A_44 = arith.constant 0 : i32
      %dma_start3A_45 = arith.constant 0 : i32
      %dma_start3A_46 = tpu.memref_slice %arg4[%add3A, %dma_start3A_44, %dma_start3A_45] : memref<32x128x40xi32, #tpu.memory_space<hbm>> -> memref<1x128x40xi32, #tpu.memory_space<hbm>>
      %dma_start3A_47 = tpu.memref_squeeze %dma_start3A_46 : memref<1x128x40xi32, #tpu.memory_space<hbm>> -> memref<128x40xi32, #tpu.memory_space<hbm>>
      %dma_start3A_48 = arith.constant 0 : i32
      %dma_start3A_49 = arith.constant 0 : i32
      %dma_start3A_50 = tpu.memref_slice %arg4[%add3A, %dma_start3A_48, %dma_start3A_49] : memref<32x128x40xi32, #tpu.memory_space<hbm>> -> memref<1x128x40xi32, #tpu.memory_space<hbm>>
      %dma_start3A_51 = tpu.memref_squeeze %dma_start3A_50 : memref<1x128x40xi32, #tpu.memory_space<hbm>> -> memref<128x40xi32, #tpu.memory_space<hbm>>
      tpu.enqueue_dma source(%dma_start3A_51 : memref<128x40xi32, #tpu.memory_space<hbm>>) target(%arg7 : memref<128x40xi32, #tpu.memory_space<vmem>>) target_semaphore(%run_scoped3A : memref<!tpu.dma_semaphore, #tpu.memory_space<semaphore_mem>>)
      %dma_wait3A_52 = arith.constant 0 : i32
      %dma_wait3A_53 = arith.constant 0 : i32
      %dma_wait3A_54 = tpu.memref_slice %arg4[%add3A, %dma_wait3A_52, %dma_wait3A_53] : memref<32x128x40xi32, #tpu.memory_space<hbm>> -> memref<1x128x40xi32, #tpu.memory_space<hbm>>
      %dma_wait3A_55 = tpu.memref_squeeze %dma_wait3A_54 : memref<1x128x40xi32, #tpu.memory_space<hbm>> -> memref<128x40xi32, #tpu.memory_space<hbm>>
      %dma_wait3A_56 = arith.constant 0 : i32
      %dma_wait3A_57 = arith.constant 0 : i32
      %dma_wait3A_58 = tpu.memref_slice %arg4[%add3A, %dma_wait3A_56, %dma_wait3A_57] : memref<32x128x40xi32, #tpu.memory_space<hbm>> -> memref<1x128x40xi32, #tpu.memory_space<hbm>>
      %dma_wait3A_59 = tpu.memref_squeeze %dma_wait3A_58 : memref<1x128x40xi32, #tpu.memory_space<hbm>> -> memref<128x40xi32, #tpu.memory_space<hbm>>
      tpu.wait_dma2 semaphore(%run_scoped3A : memref<!tpu.dma_semaphore, #tpu.memory_space<semaphore_mem>>) src(%dma_wait3A_59 : memref<128x40xi32, #tpu.memory_space<hbm>>) dst(%arg7 : memref<128x40xi32, #tpu.memory_space<vmem>>)
      tpu.yield
    }) : () -> ()
    "tpu.region"() ({
      %run_scoped3A = tpu.sem_alloc : memref<!tpu.dma_semaphore, #tpu.memory_space<semaphore_mem>>
      %dma_start3A_44 = arith.constant 0 : i32
      %dma_start3A_45 = arith.constant 0 : i32
      %dma_start3A_46 = tpu.memref_slice %arg5[%add3A, %dma_start3A_44, %dma_start3A_45] : memref<32x128x40xi32, #tpu.memory_space<hbm>> -> memref<1x128x40xi32, #tpu.memory_space<hbm>>
      %dma_start3A_47 = tpu.memref_squeeze %dma_start3A_46 : memref<1x128x40xi32, #tpu.memory_space<hbm>> -> memref<128x40xi32, #tpu.memory_space<hbm>>
      %dma_start3A_48 = arith.constant 0 : i32
      %dma_start3A_49 = arith.constant 0 : i32
      %dma_start3A_50 = tpu.memref_slice %arg5[%add3A, %dma_start3A_48, %dma_start3A_49] : memref<32x128x40xi32, #tpu.memory_space<hbm>> -> memref<1x128x40xi32, #tpu.memory_space<hbm>>
      %dma_start3A_51 = tpu.memref_squeeze %dma_start3A_50 : memref<1x128x40xi32, #tpu.memory_space<hbm>> -> memref<128x40xi32, #tpu.memory_space<hbm>>
      tpu.enqueue_dma source(%dma_start3A_51 : memref<128x40xi32, #tpu.memory_space<hbm>>) target(%arg8 : memref<128x40xi32, #tpu.memory_space<vmem>>) target_semaphore(%run_scoped3A : memref<!tpu.dma_semaphore, #tpu.memory_space<semaphore_mem>>)
      %dma_wait3A_52 = arith.constant 0 : i32
      %dma_wait3A_53 = arith.constant 0 : i32
      %dma_wait3A_54 = tpu.memref_slice %arg5[%add3A, %dma_wait3A_52, %dma_wait3A_53] : memref<32x128x40xi32, #tpu.memory_space<hbm>> -> memref<1x128x40xi32, #tpu.memory_space<hbm>>
      %dma_wait3A_55 = tpu.memref_squeeze %dma_wait3A_54 : memref<1x128x40xi32, #tpu.memory_space<hbm>> -> memref<128x40xi32, #tpu.memory_space<hbm>>
      %dma_wait3A_56 = arith.constant 0 : i32
      %dma_wait3A_57 = arith.constant 0 : i32
      %dma_wait3A_58 = tpu.memref_slice %arg5[%add3A, %dma_wait3A_56, %dma_wait3A_57] : memref<32x128x40xi32, #tpu.memory_space<hbm>> -> memref<1x128x40xi32, #tpu.memory_space<hbm>>
      %dma_wait3A_59 = tpu.memref_squeeze %dma_wait3A_58 : memref<1x128x40xi32, #tpu.memory_space<hbm>> -> memref<128x40xi32, #tpu.memory_space<hbm>>
      tpu.wait_dma2 semaphore(%run_scoped3A : memref<!tpu.dma_semaphore, #tpu.memory_space<semaphore_mem>>) src(%dma_wait3A_59 : memref<128x40xi32, #tpu.memory_space<hbm>>) dst(%arg8 : memref<128x40xi32, #tpu.memory_space<vmem>>)
      tpu.yield
    }) : () -> ()
    %dma_start3A = arith.constant 0 : i32
    %dma_start3A_3 = arith.constant 0 : i32
    %dma_start3A_4 = arith.constant 0 : i32
    %dma_start3A_5 = arith.constant 0 : i32
    %dma_start3A_6 = tpu.memref_slice %arg9[%dma_start3A_3, %dma_start3A_4, %dma_start3A_5] : memref<2x40x128xf32, #tpu.memory_space<vmem>> -> memref<1x40x128xf32, #tpu.memory_space<vmem>>
    %dma_start3A_7 = tpu.memref_squeeze %dma_start3A_6 : memref<1x40x128xf32, #tpu.memory_space<vmem>> -> memref<40x128xf32, #tpu.memory_space<vmem>>
    %dma_start3A_8 = arith.constant 0 : i32
    %dma_start3A_9 = tpu.memref_slice %arg7[%dma_start3A, %dma_start3A_8] : memref<128x40xi32, #tpu.memory_space<vmem>> -> memref<1x40xi32, #tpu.memory_space<vmem>>
    %dma_start3A_10 = tpu.memref_squeeze %dma_start3A_9 : memref<1x40xi32, #tpu.memory_space<vmem>> -> memref<40xi32, #tpu.memory_space<vmem>>
    %dma_start3A_11 = arith.constant 0 : i32
    %dma_start3A_12 = arith.constant 0 : i32
    %dma_start3A_13 = tpu.memref_slice %arg2[%dma_start3A_11, %dma_start3A_12] : memref<10000x128xf32, #tpu.memory_space<hbm>> -> memref<10000x128xf32, #tpu.memory_space<hbm>>
    tpu.enqueue_indirect_dma source(%dma_start3A_13 : memref<10000x128xf32, #tpu.memory_space<hbm>>) target(%dma_start3A_7 : memref<40x128xf32, #tpu.memory_space<vmem>>) offsets(%dma_start3A_10 : memref<40xi32, #tpu.memory_space<vmem>>) semaphore(%arg11 : memref<!tpu.dma_semaphore, #tpu.memory_space<semaphore_mem>>)
    %dma_start3A_14 = arith.constant 0 : i32
    %dma_start3A_15 = arith.constant 0 : i32
    %dma_start3A_16 = arith.constant 0 : i32
    %dma_start3A_17 = arith.constant 0 : i32
    %dma_start3A_18 = tpu.memref_slice %arg10[%dma_start3A_15, %dma_start3A_16, %dma_start3A_17] : memref<2x40x128xf32, #tpu.memory_space<vmem>> -> memref<1x40x128xf32, #tpu.memory_space<vmem>>
    %dma_start3A_19 = tpu.memref_squeeze %dma_start3A_18 : memref<1x40x128xf32, #tpu.memory_space<vmem>> -> memref<40x128xf32, #tpu.memory_space<vmem>>
    %dma_start3A_20 = arith.constant 0 : i32
    %dma_start3A_21 = tpu.memref_slice %arg8[%dma_start3A_14, %dma_start3A_20] : memref<128x40xi32, #tpu.memory_space<vmem>> -> memref<1x40xi32, #tpu.memory_space<vmem>>
    %dma_start3A_22 = tpu.memref_squeeze %dma_start3A_21 : memref<1x40xi32, #tpu.memory_space<vmem>> -> memref<40xi32, #tpu.memory_space<vmem>>
    %dma_start3A_23 = arith.constant 0 : i32
    %dma_start3A_24 = arith.constant 0 : i32
    %dma_start3A_25 = tpu.memref_slice %arg3[%dma_start3A_23, %dma_start3A_24] : memref<10000x128xf32, #tpu.memory_space<hbm>> -> memref<10000x128xf32, #tpu.memory_space<hbm>>
    tpu.enqueue_indirect_dma source(%dma_start3A_25 : memref<10000x128xf32, #tpu.memory_space<hbm>>) target(%dma_start3A_19 : memref<40x128xf32, #tpu.memory_space<vmem>>) offsets(%dma_start3A_22 : memref<40xi32, #tpu.memory_space<vmem>>) semaphore(%arg11 : memref<!tpu.dma_semaphore, #tpu.memory_space<semaphore_mem>>)
    %scan3A = arith.constant 0 : i32
    %scan3A_26 = arith.constant 125 : i32
    %scan3A_27 = arith.addi %scan3A, %scan3A_26 : i32
    %scan3A_28 = arith.constant 1 : i32
    scf.for %scan3A_44 = %scan3A to %scan3A_27 step %scan3A_28  : i32 {
      %rem3A = arith.constant 2 : i32
      %rem3A_45 = arith.remsi %scan3A_44, %rem3A : i32
      %ge3A = arith.constant 1 : i32
      %ge3A_46 = arith.cmpi sge, %scan3A_44, %ge3A : i32
      %convert_element_type3A = arith.extui %ge3A_46 : i1 to i32
      %cond3A = arith.constant 0 : i32
      %cond3A_47 = arith.cmpi ne, %convert_element_type3A, %cond3A : i32
      scf.if %cond3A_47 {
        %dma_wait3A_102 = arith.constant 0 : i32
        %dma_wait3A_103 = arith.constant 0 : i32
        %dma_wait3A_104 = tpu.memref_slice %arg9[%rem3A_45, %dma_wait3A_102, %dma_wait3A_103] : memref<2x40x128xf32, #tpu.memory_space<vmem>> -> memref<1x40x128xf32, #tpu.memory_space<vmem>>
        %dma_wait3A_105 = tpu.memref_squeeze %dma_wait3A_104 : memref<1x40x128xf32, #tpu.memory_space<vmem>> -> memref<40x128xf32, #tpu.memory_space<vmem>>
        %dma_wait3A_106 = arith.constant 0 : i32
        %dma_wait3A_107 = arith.constant 0 : i32
        %dma_wait3A_108 = tpu.memref_slice %arg6[%dma_wait3A_106, %dma_wait3A_107] : memref<160000x128xf32, #tpu.memory_space<hbm>> -> memref<40x128xf32, #tpu.memory_space<hbm>>
        %dma_wait3A_109 = arith.constant 0 : i32
        %dma_wait3A_110 = arith.constant 0 : i32
        %dma_wait3A_111 = tpu.memref_slice %arg6[%dma_wait3A_109, %dma_wait3A_110] : memref<160000x128xf32, #tpu.memory_space<hbm>> -> memref<40x128xf32, #tpu.memory_space<hbm>>
        %dma_wait3A_112 = arith.constant 0 : i32
        %dma_wait3A_113 = arith.constant 0 : i32
        %dma_wait3A_114 = tpu.memref_slice %arg9[%rem3A_45, %dma_wait3A_112, %dma_wait3A_113] : memref<2x40x128xf32, #tpu.memory_space<vmem>> -> memref<1x40x128xf32, #tpu.memory_space<vmem>>
        %dma_wait3A_115 = tpu.memref_squeeze %dma_wait3A_114 : memref<1x40x128xf32, #tpu.memory_space<vmem>> -> memref<40x128xf32, #tpu.memory_space<vmem>>
        tpu.wait_dma2 semaphore(%arg12 : memref<!tpu.dma_semaphore, #tpu.memory_space<semaphore_mem>>) src(%dma_wait3A_115 : memref<40x128xf32, #tpu.memory_space<vmem>>) dst(%dma_wait3A_111 : memref<40x128xf32, #tpu.memory_space<hbm>>)
      } else {
      }
      %add3A_48 = arith.constant 1 : i32
      %add3A_49 = arith.addi %scan3A_44, %add3A_48 : i32
      %lt3A = arith.constant 125 : i32
      %lt3A_50 = arith.cmpi slt, %add3A_49, %lt3A : i32
      %convert_element_type3A_51 = arith.extui %lt3A_50 : i1 to i32
      %cond3A_52 = arith.constant 0 : i32
      %cond3A_53 = arith.cmpi ne, %convert_element_type3A_51, %cond3A_52 : i32
      scf.if %cond3A_53 {
        %add3A_102 = arith.constant 1 : i32
        %add3A_103 = arith.addi %scan3A_44, %add3A_102 : i32
        %rem3A_104 = arith.constant 2 : i32
        %rem3A_105 = arith.remsi %add3A_103, %rem3A_104 : i32
        %add3A_106 = arith.constant 1 : i32
        %add3A_107 = arith.addi %scan3A_44, %add3A_106 : i32
        %dma_start3A_108 = arith.constant 0 : i32
        %dma_start3A_109 = arith.constant 0 : i32
        %dma_start3A_110 = tpu.memref_slice %arg9[%rem3A_105, %dma_start3A_108, %dma_start3A_109] : memref<2x40x128xf32, #tpu.memory_space<vmem>> -> memref<1x40x128xf32, #tpu.memory_space<vmem>>
        %dma_start3A_111 = tpu.memref_squeeze %dma_start3A_110 : memref<1x40x128xf32, #tpu.memory_space<vmem>> -> memref<40x128xf32, #tpu.memory_space<vmem>>
        %dma_start3A_112 = arith.constant 0 : i32
        %dma_start3A_113 = tpu.memref_slice %arg7[%add3A_107, %dma_start3A_112] : memref<128x40xi32, #tpu.memory_space<vmem>> -> memref<1x40xi32, #tpu.memory_space<vmem>>
        %dma_start3A_114 = tpu.memref_squeeze %dma_start3A_113 : memref<1x40xi32, #tpu.memory_space<vmem>> -> memref<40xi32, #tpu.memory_space<vmem>>
        %dma_start3A_115 = arith.constant 0 : i32
        %dma_start3A_116 = arith.constant 0 : i32
        %dma_start3A_117 = tpu.memref_slice %arg2[%dma_start3A_115, %dma_start3A_116] : memref<10000x128xf32, #tpu.memory_space<hbm>> -> memref<10000x128xf32, #tpu.memory_space<hbm>>
        tpu.enqueue_indirect_dma source(%dma_start3A_117 : memref<10000x128xf32, #tpu.memory_space<hbm>>) target(%dma_start3A_111 : memref<40x128xf32, #tpu.memory_space<vmem>>) offsets(%dma_start3A_114 : memref<40xi32, #tpu.memory_space<vmem>>) semaphore(%arg11 : memref<!tpu.dma_semaphore, #tpu.memory_space<semaphore_mem>>)
        %add3A_118 = arith.constant 1 : i32
        %add3A_119 = arith.addi %scan3A_44, %add3A_118 : i32
        %dma_start3A_120 = arith.constant 0 : i32
        %dma_start3A_121 = arith.constant 0 : i32
        %dma_start3A_122 = tpu.memref_slice %arg10[%rem3A_105, %dma_start3A_120, %dma_start3A_121] : memref<2x40x128xf32, #tpu.memory_space<vmem>> -> memref<1x40x128xf32, #tpu.memory_space<vmem>>
        %dma_start3A_123 = tpu.memref_squeeze %dma_start3A_122 : memref<1x40x128xf32, #tpu.memory_space<vmem>> -> memref<40x128xf32, #tpu.memory_space<vmem>>
        %dma_start3A_124 = arith.constant 0 : i32
        %dma_start3A_125 = tpu.memref_slice %arg8[%add3A_119, %dma_start3A_124] : memref<128x40xi32, #tpu.memory_space<vmem>> -> memref<1x40xi32, #tpu.memory_space<vmem>>
        %dma_start3A_126 = tpu.memref_squeeze %dma_start3A_125 : memref<1x40xi32, #tpu.memory_space<vmem>> -> memref<40xi32, #tpu.memory_space<vmem>>
        %dma_start3A_127 = arith.constant 0 : i32
        %dma_start3A_128 = arith.constant 0 : i32
        %dma_start3A_129 = tpu.memref_slice %arg3[%dma_start3A_127, %dma_start3A_128] : memref<10000x128xf32, #tpu.memory_space<hbm>> -> memref<10000x128xf32, #tpu.memory_space<hbm>>
        tpu.enqueue_indirect_dma source(%dma_start3A_129 : memref<10000x128xf32, #tpu.memory_space<hbm>>) target(%dma_start3A_123 : memref<40x128xf32, #tpu.memory_space<vmem>>) offsets(%dma_start3A_126 : memref<40xi32, #tpu.memory_space<vmem>>) semaphore(%arg11 : memref<!tpu.dma_semaphore, #tpu.memory_space<semaphore_mem>>)
      } else {
      }
      %dma_wait3A_54 = arith.constant 0 : i32
      %dma_wait3A_55 = arith.constant 0 : i32
      %dma_wait3A_56 = tpu.memref_slice %arg9[%rem3A_45, %dma_wait3A_54, %dma_wait3A_55] : memref<2x40x128xf32, #tpu.memory_space<vmem>> -> memref<1x40x128xf32, #tpu.memory_space<vmem>>
      %dma_wait3A_57 = tpu.memref_squeeze %dma_wait3A_56 : memref<1x40x128xf32, #tpu.memory_space<vmem>> -> memref<40x128xf32, #tpu.memory_space<vmem>>
      %dma_wait3A_58 = arith.constant 0 : i32
      %dma_wait3A_59 = arith.constant 0 : i32
      %dma_wait3A_60 = tpu.memref_slice %arg2[%dma_wait3A_58, %dma_wait3A_59] : memref<10000x128xf32, #tpu.memory_space<hbm>> -> memref<40x128xf32, #tpu.memory_space<hbm>>
      %dma_wait3A_61 = arith.constant 0 : i32
      %dma_wait3A_62 = arith.constant 0 : i32
      %dma_wait3A_63 = tpu.memref_slice %arg9[%rem3A_45, %dma_wait3A_61, %dma_wait3A_62] : memref<2x40x128xf32, #tpu.memory_space<vmem>> -> memref<1x40x128xf32, #tpu.memory_space<vmem>>
      %dma_wait3A_64 = tpu.memref_squeeze %dma_wait3A_63 : memref<1x40x128xf32, #tpu.memory_space<vmem>> -> memref<40x128xf32, #tpu.memory_space<vmem>>
      %dma_wait3A_65 = arith.constant 0 : i32
      %dma_wait3A_66 = arith.constant 0 : i32
      %dma_wait3A_67 = tpu.memref_slice %arg2[%dma_wait3A_65, %dma_wait3A_66] : memref<10000x128xf32, #tpu.memory_space<hbm>> -> memref<40x128xf32, #tpu.memory_space<hbm>>
      tpu.wait_dma2 semaphore(%arg11 : memref<!tpu.dma_semaphore, #tpu.memory_space<semaphore_mem>>) src(%dma_wait3A_67 : memref<40x128xf32, #tpu.memory_space<hbm>>) dst(%dma_wait3A_64 : memref<40x128xf32, #tpu.memory_space<vmem>>)
      %dma_wait3A_68 = arith.constant 0 : i32
      %dma_wait3A_69 = arith.constant 0 : i32
      %dma_wait3A_70 = tpu.memref_slice %arg10[%rem3A_45, %dma_wait3A_68, %dma_wait3A_69] : memref<2x40x128xf32, #tpu.memory_space<vmem>> -> memref<1x40x128xf32, #tpu.memory_space<vmem>>
      %dma_wait3A_71 = tpu.memref_squeeze %dma_wait3A_70 : memref<1x40x128xf32, #tpu.memory_space<vmem>> -> memref<40x128xf32, #tpu.memory_space<vmem>>
      %dma_wait3A_72 = arith.constant 0 : i32
      %dma_wait3A_73 = arith.constant 0 : i32
      %dma_wait3A_74 = tpu.memref_slice %arg3[%dma_wait3A_72, %dma_wait3A_73] : memref<10000x128xf32, #tpu.memory_space<hbm>> -> memref<40x128xf32, #tpu.memory_space<hbm>>
      %dma_wait3A_75 = arith.constant 0 : i32
      %dma_wait3A_76 = arith.constant 0 : i32
      %dma_wait3A_77 = tpu.memref_slice %arg10[%rem3A_45, %dma_wait3A_75, %dma_wait3A_76] : memref<2x40x128xf32, #tpu.memory_space<vmem>> -> memref<1x40x128xf32, #tpu.memory_space<vmem>>
      %dma_wait3A_78 = tpu.memref_squeeze %dma_wait3A_77 : memref<1x40x128xf32, #tpu.memory_space<vmem>> -> memref<40x128xf32, #tpu.memory_space<vmem>>
      %dma_wait3A_79 = arith.constant 0 : i32
      %dma_wait3A_80 = arith.constant 0 : i32
      %dma_wait3A_81 = tpu.memref_slice %arg3[%dma_wait3A_79, %dma_wait3A_80] : memref<10000x128xf32, #tpu.memory_space<hbm>> -> memref<40x128xf32, #tpu.memory_space<hbm>>
      tpu.wait_dma2 semaphore(%arg11 : memref<!tpu.dma_semaphore, #tpu.memory_space<semaphore_mem>>) src(%dma_wait3A_81 : memref<40x128xf32, #tpu.memory_space<hbm>>) dst(%dma_wait3A_78 : memref<40x128xf32, #tpu.memory_space<vmem>>)
      %scan3A_82 = arith.constant 0 : i32
      %scan3A_83 = arith.constant 40 : i32
      %scan3A_84 = arith.addi %scan3A_82, %scan3A_83 : i32
      %scan3A_85 = arith.constant 1 : i32
      scf.for %scan3A_102 = %scan3A_82 to %scan3A_84 step %scan3A_85  : i32 {
        %get3A = arith.index_cast %rem3A_45 : i32 to index
        %get3A_103 = arith.index_cast %scan3A_102 : i32 to index
        %get3A_104 = arith.constant 0 : index
        %get3A_105 = tpu.vector_load %arg9[%get3A, %get3A_103, %get3A_104] {strides = array<i32>} : memref<2x40x128xf32, #tpu.memory_space<vmem>>, vector<16xf32>,
        %get3A_106 = arith.index_cast %rem3A_45 : i32 to index
        %get3A_107 = arith.index_cast %scan3A_102 : i32 to index
        %get3A_108 = arith.constant 0 : index
        %get3A_109 = tpu.vector_load %arg10[%get3A_106, %get3A_107, %get3A_108] {strides = array<i32>} : memref<2x40x128xf32, #tpu.memory_space<vmem>>, vector<16xf32>,
        %add3A_110 = arith.addf %get3A_105, %get3A_109 : vector<16xf32>
        %swap3A = arith.index_cast %rem3A_45 : i32 to index
        %swap3A_111 = arith.index_cast %scan3A_102 : i32 to index
        %swap3A_112 = arith.constant 0 : index
        %swap3A_113 = tpu.vector_load %arg9[%swap3A, %swap3A_111, %swap3A_112] {strides = array<i32>} : memref<2x40x128xf32, #tpu.memory_space<vmem>>, vector<16xf32>,
        tpu.vector_store %arg9[%swap3A, %swap3A_111, %swap3A_112], %add3A_110 {strides = array<i32>} : memref<2x40x128xf32, #tpu.memory_space<vmem>>, vector<16xf32>,
        %get3A_114 = arith.index_cast %rem3A_45 : i32 to index
        %get3A_115 = arith.index_cast %scan3A_102 : i32 to index
        %get3A_116 = arith.constant 16 : index
        %get3A_117 = tpu.vector_load %arg9[%get3A_114, %get3A_115, %get3A_116] {strides = array<i32>} : memref<2x40x128xf32, #tpu.memory_space<vmem>>, vector<16xf32>,
        %get3A_118 = arith.index_cast %rem3A_45 : i32 to index
        %get3A_119 = arith.index_cast %scan3A_102 : i32 to index
        %get3A_120 = arith.constant 16 : index
        %get3A_121 = tpu.vector_load %arg10[%get3A_118, %get3A_119, %get3A_120] {strides = array<i32>} : memref<2x40x128xf32, #tpu.memory_space<vmem>>, vector<16xf32>,
        %add3A_122 = arith.addf %get3A_117, %get3A_121 : vector<16xf32>
        %swap3A_123 = arith.index_cast %rem3A_45 : i32 to index
        %swap3A_124 = arith.index_cast %scan3A_102 : i32 to index
        %swap3A_125 = arith.constant 16 : index
        %swap3A_126 = tpu.vector_load %arg9[%swap3A_123, %swap3A_124, %swap3A_125] {strides = array<i32>} : memref<2x40x128xf32, #tpu.memory_space<vmem>>, vector<16xf32>,
        tpu.vector_store %arg9[%swap3A_123, %swap3A_124, %swap3A_125], %add3A_122 {strides = array<i32>} : memref<2x40x128xf32, #tpu.memory_space<vmem>>, vector<16xf32>,
        %get3A_127 = arith.index_cast %rem3A_45 : i32 to index
        %get3A_128 = arith.index_cast %scan3A_102 : i32 to index
        %get3A_129 = arith.constant 32 : index
        %get3A_130 = tpu.vector_load %arg9[%get3A_127, %get3A_128, %get3A_129] {strides = array<i32>} : memref<2x40x128xf32, #tpu.memory_space<vmem>>, vector<16xf32>,
        %get3A_131 = arith.index_cast %rem3A_45 : i32 to index
        %get3A_132 = arith.index_cast %scan3A_102 : i32 to index
        %get3A_133 = arith.constant 32 : index
        %get3A_134 = tpu.vector_load %arg10[%get3A_131, %get3A_132, %get3A_133] {strides = array<i32>} : memref<2x40x128xf32, #tpu.memory_space<vmem>>, vector<16xf32>,
        %add3A_135 = arith.addf %get3A_130, %get3A_134 : vector<16xf32>
        %swap3A_136 = arith.index_cast %rem3A_45 : i32 to index
        %swap3A_137 = arith.index_cast %scan3A_102 : i32 to index
        %swap3A_138 = arith.constant 32 : index
        %swap3A_139 = tpu.vector_load %arg9[%swap3A_136, %swap3A_137, %swap3A_138] {strides = array<i32>} : memref<2x40x128xf32, #tpu.memory_space<vmem>>, vector<16xf32>,
        tpu.vector_store %arg9[%swap3A_136, %swap3A_137, %swap3A_138], %add3A_135 {strides = array<i32>} : memref<2x40x128xf32, #tpu.memory_space<vmem>>, vector<16xf32>,
        %get3A_140 = arith.index_cast %rem3A_45 : i32 to index
        %get3A_141 = arith.index_cast %scan3A_102 : i32 to index
        %get3A_142 = arith.constant 48 : index
        %get3A_143 = tpu.vector_load %arg9[%get3A_140, %get3A_141, %get3A_142] {strides = array<i32>} : memref<2x40x128xf32, #tpu.memory_space<vmem>>, vector<16xf32>,
        %get3A_144 = arith.index_cast %rem3A_45 : i32 to index
        %get3A_145 = arith.index_cast %scan3A_102 : i32 to index
        %get3A_146 = arith.constant 48 : index
        %get3A_147 = tpu.vector_load %arg10[%get3A_144, %get3A_145, %get3A_146] {strides = array<i32>} : memref<2x40x128xf32, #tpu.memory_space<vmem>>, vector<16xf32>,
        %add3A_148 = arith.addf %get3A_143, %get3A_147 : vector<16xf32>
        %swap3A_149 = arith.index_cast %rem3A_45 : i32 to index
        %swap3A_150 = arith.index_cast %scan3A_102 : i32 to index
        %swap3A_151 = arith.constant 48 : index
        %swap3A_152 = tpu.vector_load %arg9[%swap3A_149, %swap3A_150, %swap3A_151] {strides = array<i32>} : memref<2x40x128xf32, #tpu.memory_space<vmem>>, vector<16xf32>,
        tpu.vector_store %arg9[%swap3A_149, %swap3A_150, %swap3A_151], %add3A_148 {strides = array<i32>} : memref<2x40x128xf32, #tpu.memory_space<vmem>>, vector<16xf32>,
        %get3A_153 = arith.index_cast %rem3A_45 : i32 to index
        %get3A_154 = arith.index_cast %scan3A_102 : i32 to index
        %get3A_155 = arith.constant 64 : index
        %get3A_156 = tpu.vector_load %arg9[%get3A_153, %get3A_154, %get3A_155] {strides = array<i32>} : memref<2x40x128xf32, #tpu.memory_space<vmem>>, vector<16xf32>,
        %get3A_157 = arith.index_cast %rem3A_45 : i32 to index
        %get3A_158 = arith.index_cast %scan3A_102 : i32 to index
        %get3A_159 = arith.constant 64 : index
        %get3A_160 = tpu.vector_load %arg10[%get3A_157, %get3A_158, %get3A_159] {strides = array<i32>} : memref<2x40x128xf32, #tpu.memory_space<vmem>>, vector<16xf32>,
        %add3A_161 = arith.addf %get3A_156, %get3A_160 : vector<16xf32>
        %swap3A_162 = arith.index_cast %rem3A_45 : i32 to index
        %swap3A_163 = arith.index_cast %scan3A_102 : i32 to index
        %swap3A_164 = arith.constant 64 : index
        %swap3A_165 = tpu.vector_load %arg9[%swap3A_162, %swap3A_163, %swap3A_164] {strides = array<i32>} : memref<2x40x128xf32, #tpu.memory_space<vmem>>, vector<16xf32>,
        tpu.vector_store %arg9[%swap3A_162, %swap3A_163, %swap3A_164], %add3A_161 {strides = array<i32>} : memref<2x40x128xf32, #tpu.memory_space<vmem>>, vector<16xf32>,
        %get3A_166 = arith.index_cast %rem3A_45 : i32 to index
        %get3A_167 = arith.index_cast %scan3A_102 : i32 to index
        %get3A_168 = arith.constant 80 : index
        %get3A_169 = tpu.vector_load %arg9[%get3A_166, %get3A_167, %get3A_168] {strides = array<i32>} : memref<2x40x128xf32, #tpu.memory_space<vmem>>, vector<16xf32>,
        %get3A_170 = arith.index_cast %rem3A_45 : i32 to index
        %get3A_171 = arith.index_cast %scan3A_102 : i32 to index
        %get3A_172 = arith.constant 80 : index
        %get3A_173 = tpu.vector_load %arg10[%get3A_170, %get3A_171, %get3A_172] {strides = array<i32>} : memref<2x40x128xf32, #tpu.memory_space<vmem>>, vector<16xf32>,
        %add3A_174 = arith.addf %get3A_169, %get3A_173 : vector<16xf32>
        %swap3A_175 = arith.index_cast %rem3A_45 : i32 to index
        %swap3A_176 = arith.index_cast %scan3A_102 : i32 to index
        %swap3A_177 = arith.constant 80 : index
        %swap3A_178 = tpu.vector_load %arg9[%swap3A_175, %swap3A_176, %swap3A_177] {strides = array<i32>} : memref<2x40x128xf32, #tpu.memory_space<vmem>>, vector<16xf32>,
        tpu.vector_store %arg9[%swap3A_175, %swap3A_176, %swap3A_177], %add3A_174 {strides = array<i32>} : memref<2x40x128xf32, #tpu.memory_space<vmem>>, vector<16xf32>,
        %get3A_179 = arith.index_cast %rem3A_45 : i32 to index
        %get3A_180 = arith.index_cast %scan3A_102 : i32 to index
        %get3A_181 = arith.constant 96 : index
        %get3A_182 = tpu.vector_load %arg9[%get3A_179, %get3A_180, %get3A_181] {strides = array<i32>} : memref<2x40x128xf32, #tpu.memory_space<vmem>>, vector<16xf32>,
        %get3A_183 = arith.index_cast %rem3A_45 : i32 to index
        %get3A_184 = arith.index_cast %scan3A_102 : i32 to index
        %get3A_185 = arith.constant 96 : index
        %get3A_186 = tpu.vector_load %arg10[%get3A_183, %get3A_184, %get3A_185] {strides = array<i32>} : memref<2x40x128xf32, #tpu.memory_space<vmem>>, vector<16xf32>,
        %add3A_187 = arith.addf %get3A_182, %get3A_186 : vector<16xf32>
        %swap3A_188 = arith.index_cast %rem3A_45 : i32 to index
        %swap3A_189 = arith.index_cast %scan3A_102 : i32 to index
        %swap3A_190 = arith.constant 96 : index
        %swap3A_191 = tpu.vector_load %arg9[%swap3A_188, %swap3A_189, %swap3A_190] {strides = array<i32>} : memref<2x40x128xf32, #tpu.memory_space<vmem>>, vector<16xf32>,
        tpu.vector_store %arg9[%swap3A_188, %swap3A_189, %swap3A_190], %add3A_187 {strides = array<i32>} : memref<2x40x128xf32, #tpu.memory_space<vmem>>, vector<16xf32>,
        %get3A_192 = arith.index_cast %rem3A_45 : i32 to index
        %get3A_193 = arith.index_cast %scan3A_102 : i32 to index
        %get3A_194 = arith.constant 112 : index
        %get3A_195 = tpu.vector_load %arg9[%get3A_192, %get3A_193, %get3A_194] {strides = array<i32>} : memref<2x40x128xf32, #tpu.memory_space<vmem>>, vector<16xf32>,
        %get3A_196 = arith.index_cast %rem3A_45 : i32 to index
        %get3A_197 = arith.index_cast %scan3A_102 : i32 to index
        %get3A_198 = arith.constant 112 : index
        %get3A_199 = tpu.vector_load %arg10[%get3A_196, %get3A_197, %get3A_198] {strides = array<i32>} : memref<2x40x128xf32, #tpu.memory_space<vmem>>, vector<16xf32>,
        %add3A_200 = arith.addf %get3A_195, %get3A_199 : vector<16xf32>
        %swap3A_201 = arith.index_cast %rem3A_45 : i32 to index
        %swap3A_202 = arith.index_cast %scan3A_102 : i32 to index
        %swap3A_203 = arith.constant 112 : index
        %swap3A_204 = tpu.vector_load %arg9[%swap3A_201, %swap3A_202, %swap3A_203] {strides = array<i32>} : memref<2x40x128xf32, #tpu.memory_space<vmem>>, vector<16xf32>,
        tpu.vector_store %arg9[%swap3A_201, %swap3A_202, %swap3A_203], %add3A_200 {strides = array<i32>} : memref<2x40x128xf32, #tpu.memory_space<vmem>>, vector<16xf32>,
      }
      %scan3A_86 = arith.constant 40 : i32
      %mul3A_87 = arith.constant 40 : i32
      %mul3A_88 = arith.muli %scan3A_44, %mul3A_87 : i32
      %add3A_89 = arith.addi %mul3A_2, %mul3A_88 : i32
      %dma_start3A_90 = arith.constant 0 : i32
      %dma_start3A_91 = arith.constant 0 : i32
      %dma_start3A_92 = tpu.memref_slice %arg9[%rem3A_45, %dma_start3A_90, %dma_start3A_91] : memref<2x40x128xf32, #tpu.memory_space<vmem>> -> memref<1x40x128xf32, #tpu.memory_space<vmem>>
      %dma_start3A_93 = tpu.memref_squeeze %dma_start3A_92 : memref<1x40x128xf32, #tpu.memory_space<vmem>> -> memref<40x128xf32, #tpu.memory_space<vmem>>
      %dma_start3A_94 = arith.constant 0 : i32
      %dma_start3A_95 = tpu.memref_slice %arg6[%add3A_89, %dma_start3A_94] : memref<160000x128xf32, #tpu.memory_space<hbm>> -> memref<40x128xf32, #tpu.memory_space<hbm>>
      %dma_start3A_96 = arith.constant 0 : i32
      %dma_start3A_97 = tpu.memref_slice %arg6[%add3A_89, %dma_start3A_96] : memref<160000x128xf32, #tpu.memory_space<hbm>> -> memref<40x128xf32, #tpu.memory_space<hbm>>
      %dma_start3A_98 = arith.constant 0 : i32
      %dma_start3A_99 = arith.constant 0 : i32
      %dma_start3A_100 = tpu.memref_slice %arg9[%rem3A_45, %dma_start3A_98, %dma_start3A_99] : memref<2x40x128xf32, #tpu.memory_space<vmem>> -> memref<1x40x128xf32, #tpu.memory_space<vmem>>
      %dma_start3A_101 = tpu.memref_squeeze %dma_start3A_100 : memref<1x40x128xf32, #tpu.memory_space<vmem>> -> memref<40x128xf32, #tpu.memory_space<vmem>>
      tpu.enqueue_dma source(%dma_start3A_101 : memref<40x128xf32, #tpu.memory_space<vmem>>) target(%dma_start3A_97 : memref<40x128xf32, #tpu.memory_space<hbm>>) target_semaphore(%arg12 : memref<!tpu.dma_semaphore, #tpu.memory_space<semaphore_mem>>)
    }
    %scan3A_29 = arith.constant 125 : i32
    %dma_wait3A = arith.constant 0 : i32
    %dma_wait3A_30 = arith.constant 0 : i32
    %dma_wait3A_31 = arith.constant 0 : i32
    %dma_wait3A_32 = tpu.memref_slice %arg9[%dma_wait3A, %dma_wait3A_30, %dma_wait3A_31] : memref<2x40x128xf32, #tpu.memory_space<vmem>> -> memref<1x40x128xf32, #tpu.memory_space<vmem>>
    %dma_wait3A_33 = tpu.memref_squeeze %dma_wait3A_32 : memref<1x40x128xf32, #tpu.memory_space<vmem>> -> memref<40x128xf32, #tpu.memory_space<vmem>>
    %dma_wait3A_34 = arith.constant 0 : i32
    %dma_wait3A_35 = arith.constant 0 : i32
    %dma_wait3A_36 = tpu.memref_slice %arg6[%dma_wait3A_34, %dma_wait3A_35] : memref<160000x128xf32, #tpu.memory_space<hbm>> -> memref<40x128xf32, #tpu.memory_space<hbm>>
    %dma_wait3A_37 = arith.constant 0 : i32
    %dma_wait3A_38 = arith.constant 0 : i32
    %dma_wait3A_39 = tpu.memref_slice %arg6[%dma_wait3A_37, %dma_wait3A_38] : memref<160000x128xf32, #tpu.memory_space<hbm>> -> memref<40x128xf32, #tpu.memory_space<hbm>>
    %dma_wait3A_40 = arith.constant 0 : i32
    %dma_wait3A_41 = arith.constant 0 : i32
    %dma_wait3A_42 = tpu.memref_slice %arg9[%dma_wait3A, %dma_wait3A_40, %dma_wait3A_41] : memref<2x40x128xf32, #tpu.memory_space<vmem>> -> memref<1x40x128xf32, #tpu.memory_space<vmem>>
    %dma_wait3A_43 = tpu.memref_squeeze %dma_wait3A_42 : memref<1x40x128xf32, #tpu.memory_space<vmem>> -> memref<40x128xf32, #tpu.memory_space<vmem>>
    tpu.wait_dma2 semaphore(%arg12 : memref<!tpu.dma_semaphore, #tpu.memory_space<semaphore_mem>>) src(%dma_wait3A_43 : memref<40x128xf32, #tpu.memory_space<vmem>>) dst(%dma_wait3A_39 : memref<40x128xf32, #tpu.memory_space<hbm>>)
    return
  }
}

#map = affine_map<(d0, d1) -> (0, 0)>
#map1 = affine_map<(d0, d1) -> (0, 0, 0)>
module attributes {stable_mosaic.version = 14 : i64} {
  func.func @k(%arg0: i32, %arg1: i32, %arg2: memref<10000x256xf32, #tpu.memory_space<hbm>>, %arg3: memref<10000x256xf32, #tpu.memory_space<hbm>>, %arg4: memref<32x128x40xi32, #tpu.memory_space<hbm>>, %arg5: memref<32x128x40xi32, #tpu.memory_space<hbm>>, %arg6: memref<32x40x128xi32, #tpu.memory_space<hbm>>, %arg7: memref<160000x256xf32, #tpu.memory_space<hbm>>, %arg8: memref<32x10016xf32, #tpu.memory_space<hbm>>, %arg9: memref<128x40xi32, #tpu.memory_space<vmem>>, %arg10: memref<128x40xi32, #tpu.memory_space<vmem>>, %arg11: memref<40x128xi32, #tpu.memory_space<vmem>>, %arg12: memref<10016xf32, #tpu.memory_space<vmem>>, %arg13: memref<2x40x256xf32, #tpu.memory_space<vmem>>, %arg14: memref<2x40x256xf32, #tpu.memory_space<vmem>>, %arg15: memref<!tpu.dma_semaphore, #tpu.memory_space<semaphore_mem>>, %arg16: memref<!tpu.dma_semaphore, #tpu.memory_space<semaphore_mem>>) attributes {dimension_semantics = [#tpu.dimension_semantics<core_parallel>, #tpu.dimension_semantics<subcore_parallel>], iteration_bounds = array<i64: 2, 16>, scalar_prefetch = 0 : i64, scratch_operands = 8 : i64, tpu.core_type = #tpu.core_type<sc_vector_subcore>, window_params = [{transform_indices = #map}, {transform_indices = #map}, {transform_indices = #map1}, {transform_indices = #map1}, {transform_indices = #map1}, {transform_indices = #map}, {transform_indices = #map}]} {
    %mul3A = arith.constant 2 : i32
    %mul3A_0 = arith.muli %arg1, %mul3A : i32
    %add3A = arith.addi %mul3A_0, %arg0 : i32
    %mul3A_1 = arith.constant 5000 : i32
    %mul3A_2 = arith.muli %add3A, %mul3A_1 : i32
    "tpu.region"() ({
      %run_scoped3A = tpu.sem_alloc : memref<!tpu.dma_semaphore, #tpu.memory_space<semaphore_mem>>
      %dma_start3A_57 = arith.constant 0 : i32
      %dma_start3A_58 = arith.constant 0 : i32
      %dma_start3A_59 = tpu.memref_slice %arg4[%add3A, %dma_start3A_57, %dma_start3A_58] : memref<32x128x40xi32, #tpu.memory_space<hbm>> -> memref<1x128x40xi32, #tpu.memory_space<hbm>>
      %dma_start3A_60 = tpu.memref_squeeze %dma_start3A_59 : memref<1x128x40xi32, #tpu.memory_space<hbm>> -> memref<128x40xi32, #tpu.memory_space<hbm>>
      %dma_start3A_61 = arith.constant 0 : i32
      %dma_start3A_62 = arith.constant 0 : i32
      %dma_start3A_63 = tpu.memref_slice %arg4[%add3A, %dma_start3A_61, %dma_start3A_62] : memref<32x128x40xi32, #tpu.memory_space<hbm>> -> memref<1x128x40xi32, #tpu.memory_space<hbm>>
      %dma_start3A_64 = tpu.memref_squeeze %dma_start3A_63 : memref<1x128x40xi32, #tpu.memory_space<hbm>> -> memref<128x40xi32, #tpu.memory_space<hbm>>
      tpu.enqueue_dma source(%dma_start3A_64 : memref<128x40xi32, #tpu.memory_space<hbm>>) target(%arg9 : memref<128x40xi32, #tpu.memory_space<vmem>>) target_semaphore(%run_scoped3A : memref<!tpu.dma_semaphore, #tpu.memory_space<semaphore_mem>>)
      %dma_wait3A_65 = arith.constant 0 : i32
      %dma_wait3A_66 = arith.constant 0 : i32
      %dma_wait3A_67 = tpu.memref_slice %arg4[%add3A, %dma_wait3A_65, %dma_wait3A_66] : memref<32x128x40xi32, #tpu.memory_space<hbm>> -> memref<1x128x40xi32, #tpu.memory_space<hbm>>
      %dma_wait3A_68 = tpu.memref_squeeze %dma_wait3A_67 : memref<1x128x40xi32, #tpu.memory_space<hbm>> -> memref<128x40xi32, #tpu.memory_space<hbm>>
      %dma_wait3A_69 = arith.constant 0 : i32
      %dma_wait3A_70 = arith.constant 0 : i32
      %dma_wait3A_71 = tpu.memref_slice %arg4[%add3A, %dma_wait3A_69, %dma_wait3A_70] : memref<32x128x40xi32, #tpu.memory_space<hbm>> -> memref<1x128x40xi32, #tpu.memory_space<hbm>>
      %dma_wait3A_72 = tpu.memref_squeeze %dma_wait3A_71 : memref<1x128x40xi32, #tpu.memory_space<hbm>> -> memref<128x40xi32, #tpu.memory_space<hbm>>
      tpu.wait_dma2 semaphore(%run_scoped3A : memref<!tpu.dma_semaphore, #tpu.memory_space<semaphore_mem>>) src(%dma_wait3A_72 : memref<128x40xi32, #tpu.memory_space<hbm>>) dst(%arg9 : memref<128x40xi32, #tpu.memory_space<vmem>>)
      tpu.yield
    }) : () -> ()
    "tpu.region"() ({
      %run_scoped3A = tpu.sem_alloc : memref<!tpu.dma_semaphore, #tpu.memory_space<semaphore_mem>>
      %dma_start3A_57 = arith.constant 0 : i32
      %dma_start3A_58 = arith.constant 0 : i32
      %dma_start3A_59 = tpu.memref_slice %arg5[%add3A, %dma_start3A_57, %dma_start3A_58] : memref<32x128x40xi32, #tpu.memory_space<hbm>> -> memref<1x128x40xi32, #tpu.memory_space<hbm>>
      %dma_start3A_60 = tpu.memref_squeeze %dma_start3A_59 : memref<1x128x40xi32, #tpu.memory_space<hbm>> -> memref<128x40xi32, #tpu.memory_space<hbm>>
      %dma_start3A_61 = arith.constant 0 : i32
      %dma_start3A_62 = arith.constant 0 : i32
      %dma_start3A_63 = tpu.memref_slice %arg5[%add3A, %dma_start3A_61, %dma_start3A_62] : memref<32x128x40xi32, #tpu.memory_space<hbm>> -> memref<1x128x40xi32, #tpu.memory_space<hbm>>
      %dma_start3A_64 = tpu.memref_squeeze %dma_start3A_63 : memref<1x128x40xi32, #tpu.memory_space<hbm>> -> memref<128x40xi32, #tpu.memory_space<hbm>>
      tpu.enqueue_dma source(%dma_start3A_64 : memref<128x40xi32, #tpu.memory_space<hbm>>) target(%arg10 : memref<128x40xi32, #tpu.memory_space<vmem>>) target_semaphore(%run_scoped3A : memref<!tpu.dma_semaphore, #tpu.memory_space<semaphore_mem>>)
      %dma_wait3A_65 = arith.constant 0 : i32
      %dma_wait3A_66 = arith.constant 0 : i32
      %dma_wait3A_67 = tpu.memref_slice %arg5[%add3A, %dma_wait3A_65, %dma_wait3A_66] : memref<32x128x40xi32, #tpu.memory_space<hbm>> -> memref<1x128x40xi32, #tpu.memory_space<hbm>>
      %dma_wait3A_68 = tpu.memref_squeeze %dma_wait3A_67 : memref<1x128x40xi32, #tpu.memory_space<hbm>> -> memref<128x40xi32, #tpu.memory_space<hbm>>
      %dma_wait3A_69 = arith.constant 0 : i32
      %dma_wait3A_70 = arith.constant 0 : i32
      %dma_wait3A_71 = tpu.memref_slice %arg5[%add3A, %dma_wait3A_69, %dma_wait3A_70] : memref<32x128x40xi32, #tpu.memory_space<hbm>> -> memref<1x128x40xi32, #tpu.memory_space<hbm>>
      %dma_wait3A_72 = tpu.memref_squeeze %dma_wait3A_71 : memref<1x128x40xi32, #tpu.memory_space<hbm>> -> memref<128x40xi32, #tpu.memory_space<hbm>>
      tpu.wait_dma2 semaphore(%run_scoped3A : memref<!tpu.dma_semaphore, #tpu.memory_space<semaphore_mem>>) src(%dma_wait3A_72 : memref<128x40xi32, #tpu.memory_space<hbm>>) dst(%arg10 : memref<128x40xi32, #tpu.memory_space<vmem>>)
      tpu.yield
    }) : () -> ()
    "tpu.region"() ({
      %run_scoped3A = tpu.sem_alloc : memref<!tpu.dma_semaphore, #tpu.memory_space<semaphore_mem>>
      %dma_start3A_57 = arith.constant 0 : i32
      %dma_start3A_58 = arith.constant 0 : i32
      %dma_start3A_59 = tpu.memref_slice %arg6[%add3A, %dma_start3A_57, %dma_start3A_58] : memref<32x40x128xi32, #tpu.memory_space<hbm>> -> memref<1x40x128xi32, #tpu.memory_space<hbm>>
      %dma_start3A_60 = tpu.memref_squeeze %dma_start3A_59 : memref<1x40x128xi32, #tpu.memory_space<hbm>> -> memref<40x128xi32, #tpu.memory_space<hbm>>
      %dma_start3A_61 = arith.constant 0 : i32
      %dma_start3A_62 = arith.constant 0 : i32
      %dma_start3A_63 = tpu.memref_slice %arg6[%add3A, %dma_start3A_61, %dma_start3A_62] : memref<32x40x128xi32, #tpu.memory_space<hbm>> -> memref<1x40x128xi32, #tpu.memory_space<hbm>>
      %dma_start3A_64 = tpu.memref_squeeze %dma_start3A_63 : memref<1x40x128xi32, #tpu.memory_space<hbm>> -> memref<40x128xi32, #tpu.memory_space<hbm>>
      tpu.enqueue_dma source(%dma_start3A_64 : memref<40x128xi32, #tpu.memory_space<hbm>>) target(%arg11 : memref<40x128xi32, #tpu.memory_space<vmem>>) target_semaphore(%run_scoped3A : memref<!tpu.dma_semaphore, #tpu.memory_space<semaphore_mem>>)
      %dma_wait3A_65 = arith.constant 0 : i32
      %dma_wait3A_66 = arith.constant 0 : i32
      %dma_wait3A_67 = tpu.memref_slice %arg6[%add3A, %dma_wait3A_65, %dma_wait3A_66] : memref<32x40x128xi32, #tpu.memory_space<hbm>> -> memref<1x40x128xi32, #tpu.memory_space<hbm>>
      %dma_wait3A_68 = tpu.memref_squeeze %dma_wait3A_67 : memref<1x40x128xi32, #tpu.memory_space<hbm>> -> memref<40x128xi32, #tpu.memory_space<hbm>>
      %dma_wait3A_69 = arith.constant 0 : i32
      %dma_wait3A_70 = arith.constant 0 : i32
      %dma_wait3A_71 = tpu.memref_slice %arg6[%add3A, %dma_wait3A_69, %dma_wait3A_70] : memref<32x40x128xi32, #tpu.memory_space<hbm>> -> memref<1x40x128xi32, #tpu.memory_space<hbm>>
      %dma_wait3A_72 = tpu.memref_squeeze %dma_wait3A_71 : memref<1x40x128xi32, #tpu.memory_space<hbm>> -> memref<40x128xi32, #tpu.memory_space<hbm>>
      tpu.wait_dma2 semaphore(%run_scoped3A : memref<!tpu.dma_semaphore, #tpu.memory_space<semaphore_mem>>) src(%dma_wait3A_72 : memref<40x128xi32, #tpu.memory_space<hbm>>) dst(%arg11 : memref<40x128xi32, #tpu.memory_space<vmem>>)
      tpu.yield
    }) : () -> ()
    %dma_start3A = arith.constant 0 : i32
    %dma_start3A_3 = arith.constant 0 : i32
    %dma_start3A_4 = arith.constant 0 : i32
    %dma_start3A_5 = arith.constant 0 : i32
    %dma_start3A_6 = tpu.memref_slice %arg13[%dma_start3A_3, %dma_start3A_4, %dma_start3A_5] : memref<2x40x256xf32, #tpu.memory_space<vmem>> -> memref<1x40x256xf32, #tpu.memory_space<vmem>>
    %dma_start3A_7 = tpu.memref_squeeze %dma_start3A_6 : memref<1x40x256xf32, #tpu.memory_space<vmem>> -> memref<40x256xf32, #tpu.memory_space<vmem>>
    %dma_start3A_8 = arith.constant 0 : i32
    %dma_start3A_9 = tpu.memref_slice %arg9[%dma_start3A, %dma_start3A_8] : memref<128x40xi32, #tpu.memory_space<vmem>> -> memref<1x40xi32, #tpu.memory_space<vmem>>
    %dma_start3A_10 = tpu.memref_squeeze %dma_start3A_9 : memref<1x40xi32, #tpu.memory_space<vmem>> -> memref<40xi32, #tpu.memory_space<vmem>>
    %dma_start3A_11 = arith.constant 0 : i32
    %dma_start3A_12 = arith.constant 0 : i32
    %dma_start3A_13 = tpu.memref_slice %arg2[%dma_start3A_11, %dma_start3A_12] : memref<10000x256xf32, #tpu.memory_space<hbm>> -> memref<10000x256xf32, #tpu.memory_space<hbm>>
    tpu.enqueue_indirect_dma source(%dma_start3A_13 : memref<10000x256xf32, #tpu.memory_space<hbm>>) target(%dma_start3A_7 : memref<40x256xf32, #tpu.memory_space<vmem>>) offsets(%dma_start3A_10 : memref<40xi32, #tpu.memory_space<vmem>>) semaphore(%arg15 : memref<!tpu.dma_semaphore, #tpu.memory_space<semaphore_mem>>)
    %dma_start3A_14 = arith.constant 0 : i32
    %dma_start3A_15 = arith.constant 0 : i32
    %dma_start3A_16 = arith.constant 0 : i32
    %dma_start3A_17 = arith.constant 0 : i32
    %dma_start3A_18 = tpu.memref_slice %arg14[%dma_start3A_15, %dma_start3A_16, %dma_start3A_17] : memref<2x40x256xf32, #tpu.memory_space<vmem>> -> memref<1x40x256xf32, #tpu.memory_space<vmem>>
    %dma_start3A_19 = tpu.memref_squeeze %dma_start3A_18 : memref<1x40x256xf32, #tpu.memory_space<vmem>> -> memref<40x256xf32, #tpu.memory_space<vmem>>
    %dma_start3A_20 = arith.constant 0 : i32
    %dma_start3A_21 = tpu.memref_slice %arg10[%dma_start3A_14, %dma_start3A_20] : memref<128x40xi32, #tpu.memory_space<vmem>> -> memref<1x40xi32, #tpu.memory_space<vmem>>
    %dma_start3A_22 = tpu.memref_squeeze %dma_start3A_21 : memref<1x40xi32, #tpu.memory_space<vmem>> -> memref<40xi32, #tpu.memory_space<vmem>>
    %dma_start3A_23 = arith.constant 0 : i32
    %dma_start3A_24 = arith.constant 0 : i32
    %dma_start3A_25 = tpu.memref_slice %arg3[%dma_start3A_23, %dma_start3A_24] : memref<10000x256xf32, #tpu.memory_space<hbm>> -> memref<10000x256xf32, #tpu.memory_space<hbm>>
    tpu.enqueue_indirect_dma source(%dma_start3A_25 : memref<10000x256xf32, #tpu.memory_space<hbm>>) target(%dma_start3A_19 : memref<40x256xf32, #tpu.memory_space<vmem>>) offsets(%dma_start3A_22 : memref<40xi32, #tpu.memory_space<vmem>>) semaphore(%arg15 : memref<!tpu.dma_semaphore, #tpu.memory_space<semaphore_mem>>)
    %broadcast_in_dim3A = arith.constant 0.000000e+00 : f32
    %broadcast_in_dim3A_26 = vector.broadcast %broadcast_in_dim3A : f32 to vector<16xf32>
    %scan3A = arith.constant 0 : i32
    %scan3A_27 = arith.constant 626 : i32
    %scan3A_28 = arith.addi %scan3A, %scan3A_27 : i32
    %scan3A_29 = arith.constant 1 : i32
    scf.for %scan3A_57 = %scan3A to %scan3A_28 step %scan3A_29  : i32 {
      %mul3A_58 = arith.constant 16 : i32
      %mul3A_59 = arith.muli %scan3A_57, %mul3A_58 : i32
      %swap3A = arith.index_cast %mul3A_59 : i32 to index
      %swap3A_60 = tpu.vector_load %arg12[%swap3A] {strides = array<i32>} : memref<10016xf32, #tpu.memory_space<vmem>>, vector<16xf32>,
      tpu.vector_store %arg12[%swap3A], %broadcast_in_dim3A_26 {strides = array<i32>} : memref<10016xf32, #tpu.memory_space<vmem>>, vector<16xf32>,
    }
    %scan3A_30 = arith.constant 626 : i32
    %broadcast_in_dim3A_31 = arith.constant 1.000000e+00 : f32
    %broadcast_in_dim3A_32 = vector.broadcast %broadcast_in_dim3A_31 : f32 to vector<16xf32>
    %scan3A_33 = arith.constant 0 : i32
    %scan3A_34 = arith.constant 40 : i32
    %scan3A_35 = arith.addi %scan3A_33, %scan3A_34 : i32
    %scan3A_36 = arith.constant 1 : i32
    scf.for %scan3A_57 = %scan3A_33 to %scan3A_35 step %scan3A_36  : i32 {
      %get3A = arith.index_cast %scan3A_57 : i32 to index
      %get3A_58 = arith.constant 0 : index
      %get3A_59 = tpu.vector_load %arg11[%get3A, %get3A_58] {strides = array<i32>} : memref<40x128xi32, #tpu.memory_space<vmem>>, vector<16xi32>,
      tpu.vector_store_idx %arg12[%get3A_59], %broadcast_in_dim3A_32 {add = true} : memref<10016xf32, #tpu.memory_space<vmem>>[vector<16xi32>], vector<16xf32>,
      %get3A_60 = arith.index_cast %scan3A_57 : i32 to index
      %get3A_61 = arith.constant 16 : index
      %get3A_62 = tpu.vector_load %arg11[%get3A_60, %get3A_61] {strides = array<i32>} : memref<40x128xi32, #tpu.memory_space<vmem>>, vector<16xi32>,
      tpu.vector_store_idx %arg12[%get3A_62], %broadcast_in_dim3A_32 {add = true} : memref<10016xf32, #tpu.memory_space<vmem>>[vector<16xi32>], vector<16xf32>,
      %get3A_63 = arith.index_cast %scan3A_57 : i32 to index
      %get3A_64 = arith.constant 32 : index
      %get3A_65 = tpu.vector_load %arg11[%get3A_63, %get3A_64] {strides = array<i32>} : memref<40x128xi32, #tpu.memory_space<vmem>>, vector<16xi32>,
      tpu.vector_store_idx %arg12[%get3A_65], %broadcast_in_dim3A_32 {add = true} : memref<10016xf32, #tpu.memory_space<vmem>>[vector<16xi32>], vector<16xf32>,
      %get3A_66 = arith.index_cast %scan3A_57 : i32 to index
      %get3A_67 = arith.constant 48 : index
      %get3A_68 = tpu.vector_load %arg11[%get3A_66, %get3A_67] {strides = array<i32>} : memref<40x128xi32, #tpu.memory_space<vmem>>, vector<16xi32>,
      tpu.vector_store_idx %arg12[%get3A_68], %broadcast_in_dim3A_32 {add = true} : memref<10016xf32, #tpu.memory_space<vmem>>[vector<16xi32>], vector<16xf32>,
      %get3A_69 = arith.index_cast %scan3A_57 : i32 to index
      %get3A_70 = arith.constant 64 : index
      %get3A_71 = tpu.vector_load %arg11[%get3A_69, %get3A_70] {strides = array<i32>} : memref<40x128xi32, #tpu.memory_space<vmem>>, vector<16xi32>,
      tpu.vector_store_idx %arg12[%get3A_71], %broadcast_in_dim3A_32 {add = true} : memref<10016xf32, #tpu.memory_space<vmem>>[vector<16xi32>], vector<16xf32>,
      %get3A_72 = arith.index_cast %scan3A_57 : i32 to index
      %get3A_73 = arith.constant 80 : index
      %get3A_74 = tpu.vector_load %arg11[%get3A_72, %get3A_73] {strides = array<i32>} : memref<40x128xi32, #tpu.memory_space<vmem>>, vector<16xi32>,
      tpu.vector_store_idx %arg12[%get3A_74], %broadcast_in_dim3A_32 {add = true} : memref<10016xf32, #tpu.memory_space<vmem>>[vector<16xi32>], vector<16xf32>,
      %get3A_75 = arith.index_cast %scan3A_57 : i32 to index
      %get3A_76 = arith.constant 96 : index
      %get3A_77 = tpu.vector_load %arg11[%get3A_75, %get3A_76] {strides = array<i32>} : memref<40x128xi32, #tpu.memory_space<vmem>>, vector<16xi32>,
      tpu.vector_store_idx %arg12[%get3A_77], %broadcast_in_dim3A_32 {add = true} : memref<10016xf32, #tpu.memory_space<vmem>>[vector<16xi32>], vector<16xf32>,
      %get3A_78 = arith.index_cast %scan3A_57 : i32 to index
      %get3A_79 = arith.constant 112 : index
      %get3A_80 = tpu.vector_load %arg11[%get3A_78, %get3A_79] {strides = array<i32>} : memref<40x128xi32, #tpu.memory_space<vmem>>, vector<16xi32>,
      tpu.vector_store_idx %arg12[%get3A_80], %broadcast_in_dim3A_32 {add = true} : memref<10016xf32, #tpu.memory_space<vmem>>[vector<16xi32>], vector<16xf32>,
    }
    %scan3A_37 = arith.constant 40 : i32
    "tpu.region"() ({
      %run_scoped3A = tpu.sem_alloc : memref<!tpu.dma_semaphore, #tpu.memory_space<semaphore_mem>>
      %dma_start3A_57 = arith.constant 0 : i32
      %dma_start3A_58 = tpu.memref_slice %arg8[%add3A, %dma_start3A_57] : memref<32x10016xf32, #tpu.memory_space<hbm>> -> memref<1x10016xf32, #tpu.memory_space<hbm>>
      %dma_start3A_59 = tpu.memref_squeeze %dma_start3A_58 : memref<1x10016xf32, #tpu.memory_space<hbm>> -> memref<10016xf32, #tpu.memory_space<hbm>>
      %dma_start3A_60 = arith.constant 0 : i32
      %dma_start3A_61 = tpu.memref_slice %arg8[%add3A, %dma_start3A_60] : memref<32x10016xf32, #tpu.memory_space<hbm>> -> memref<1x10016xf32, #tpu.memory_space<hbm>>
      %dma_start3A_62 = tpu.memref_squeeze %dma_start3A_61 : memref<1x10016xf32, #tpu.memory_space<hbm>> -> memref<10016xf32, #tpu.memory_space<hbm>>
      tpu.enqueue_dma source(%arg12 : memref<10016xf32, #tpu.memory_space<vmem>>) target(%dma_start3A_62 : memref<10016xf32, #tpu.memory_space<hbm>>) target_semaphore(%run_scoped3A : memref<!tpu.dma_semaphore, #tpu.memory_space<semaphore_mem>>)
      %dma_wait3A_63 = arith.constant 0 : i32
      %dma_wait3A_64 = tpu.memref_slice %arg8[%add3A, %dma_wait3A_63] : memref<32x10016xf32, #tpu.memory_space<hbm>> -> memref<1x10016xf32, #tpu.memory_space<hbm>>
      %dma_wait3A_65 = tpu.memref_squeeze %dma_wait3A_64 : memref<1x10016xf32, #tpu.memory_space<hbm>> -> memref<10016xf32, #tpu.memory_space<hbm>>
      %dma_wait3A_66 = arith.constant 0 : i32
      %dma_wait3A_67 = tpu.memref_slice %arg8[%add3A, %dma_wait3A_66] : memref<32x10016xf32, #tpu.memory_space<hbm>> -> memref<1x10016xf32, #tpu.memory_space<hbm>>
      %dma_wait3A_68 = tpu.memref_squeeze %dma_wait3A_67 : memref<1x10016xf32, #tpu.memory_space<hbm>> -> memref<10016xf32, #tpu.memory_space<hbm>>
      tpu.wait_dma2 semaphore(%run_scoped3A : memref<!tpu.dma_semaphore, #tpu.memory_space<semaphore_mem>>) src(%arg12 : memref<10016xf32, #tpu.memory_space<vmem>>) dst(%dma_wait3A_68 : memref<10016xf32, #tpu.memory_space<hbm>>)
      tpu.yield
    }) : () -> ()
    %scan3A_38 = arith.constant 0 : i32
    %scan3A_39 = arith.constant 125 : i32
    %scan3A_40 = arith.addi %scan3A_38, %scan3A_39 : i32
    %scan3A_41 = arith.constant 1 : i32
    scf.for %scan3A_57 = %scan3A_38 to %scan3A_40 step %scan3A_41  : i32 {
      %rem3A = arith.constant 2 : i32
      %rem3A_58 = arith.remsi %scan3A_57, %rem3A : i32
      %ge3A = arith.constant 1 : i32
      %ge3A_59 = arith.cmpi sge, %scan3A_57, %ge3A : i32
      %convert_element_type3A = arith.extui %ge3A_59 : i1 to i32
      %cond3A = arith.constant 0 : i32
      %cond3A_60 = arith.cmpi ne, %convert_element_type3A, %cond3A : i32
      scf.if %cond3A_60 {
        %dma_wait3A_115 = arith.constant 0 : i32
        %dma_wait3A_116 = arith.constant 0 : i32
        %dma_wait3A_117 = tpu.memref_slice %arg13[%rem3A_58, %dma_wait3A_115, %dma_wait3A_116] : memref<2x40x256xf32, #tpu.memory_space<vmem>> -> memref<1x40x256xf32, #tpu.memory_space<vmem>>
        %dma_wait3A_118 = tpu.memref_squeeze %dma_wait3A_117 : memref<1x40x256xf32, #tpu.memory_space<vmem>> -> memref<40x256xf32, #tpu.memory_space<vmem>>
        %dma_wait3A_119 = arith.constant 0 : i32
        %dma_wait3A_120 = arith.constant 0 : i32
        %dma_wait3A_121 = tpu.memref_slice %arg7[%dma_wait3A_119, %dma_wait3A_120] : memref<160000x256xf32, #tpu.memory_space<hbm>> -> memref<40x256xf32, #tpu.memory_space<hbm>>
        %dma_wait3A_122 = arith.constant 0 : i32
        %dma_wait3A_123 = arith.constant 0 : i32
        %dma_wait3A_124 = tpu.memref_slice %arg7[%dma_wait3A_122, %dma_wait3A_123] : memref<160000x256xf32, #tpu.memory_space<hbm>> -> memref<40x256xf32, #tpu.memory_space<hbm>>
        %dma_wait3A_125 = arith.constant 0 : i32
        %dma_wait3A_126 = arith.constant 0 : i32
        %dma_wait3A_127 = tpu.memref_slice %arg13[%rem3A_58, %dma_wait3A_125, %dma_wait3A_126] : memref<2x40x256xf32, #tpu.memory_space<vmem>> -> memref<1x40x256xf32, #tpu.memory_space<vmem>>
        %dma_wait3A_128 = tpu.memref_squeeze %dma_wait3A_127 : memref<1x40x256xf32, #tpu.memory_space<vmem>> -> memref<40x256xf32, #tpu.memory_space<vmem>>
        tpu.wait_dma2 semaphore(%arg16 : memref<!tpu.dma_semaphore, #tpu.memory_space<semaphore_mem>>) src(%dma_wait3A_128 : memref<40x256xf32, #tpu.memory_space<vmem>>) dst(%dma_wait3A_124 : memref<40x256xf32, #tpu.memory_space<hbm>>)
      } else {
      }
      %add3A_61 = arith.constant 1 : i32
      %add3A_62 = arith.addi %scan3A_57, %add3A_61 : i32
      %lt3A = arith.constant 125 : i32
      %lt3A_63 = arith.cmpi slt, %add3A_62, %lt3A : i32
      %convert_element_type3A_64 = arith.extui %lt3A_63 : i1 to i32
      %cond3A_65 = arith.constant 0 : i32
      %cond3A_66 = arith.cmpi ne, %convert_element_type3A_64, %cond3A_65 : i32
      scf.if %cond3A_66 {
        %add3A_115 = arith.constant 1 : i32
        %add3A_116 = arith.addi %scan3A_57, %add3A_115 : i32
        %rem3A_117 = arith.constant 2 : i32
        %rem3A_118 = arith.remsi %add3A_116, %rem3A_117 : i32
        %add3A_119 = arith.constant 1 : i32
        %add3A_120 = arith.addi %scan3A_57, %add3A_119 : i32
        %dma_start3A_121 = arith.constant 0 : i32
        %dma_start3A_122 = arith.constant 0 : i32
        %dma_start3A_123 = tpu.memref_slice %arg13[%rem3A_118, %dma_start3A_121, %dma_start3A_122] : memref<2x40x256xf32, #tpu.memory_space<vmem>> -> memref<1x40x256xf32, #tpu.memory_space<vmem>>
        %dma_start3A_124 = tpu.memref_squeeze %dma_start3A_123 : memref<1x40x256xf32, #tpu.memory_space<vmem>> -> memref<40x256xf32, #tpu.memory_space<vmem>>
        %dma_start3A_125 = arith.constant 0 : i32
        %dma_start3A_126 = tpu.memref_slice %arg9[%add3A_120, %dma_start3A_125] : memref<128x40xi32, #tpu.memory_space<vmem>> -> memref<1x40xi32, #tpu.memory_space<vmem>>
        %dma_start3A_127 = tpu.memref_squeeze %dma_start3A_126 : memref<1x40xi32, #tpu.memory_space<vmem>> -> memref<40xi32, #tpu.memory_space<vmem>>
        %dma_start3A_128 = arith.constant 0 : i32
        %dma_start3A_129 = arith.constant 0 : i32
        %dma_start3A_130 = tpu.memref_slice %arg2[%dma_start3A_128, %dma_start3A_129] : memref<10000x256xf32, #tpu.memory_space<hbm>> -> memref<10000x256xf32, #tpu.memory_space<hbm>>
        tpu.enqueue_indirect_dma source(%dma_start3A_130 : memref<10000x256xf32, #tpu.memory_space<hbm>>) target(%dma_start3A_124 : memref<40x256xf32, #tpu.memory_space<vmem>>) offsets(%dma_start3A_127 : memref<40xi32, #tpu.memory_space<vmem>>) semaphore(%arg15 : memref<!tpu.dma_semaphore, #tpu.memory_space<semaphore_mem>>)
        %add3A_131 = arith.constant 1 : i32
        %add3A_132 = arith.addi %scan3A_57, %add3A_131 : i32
        %dma_start3A_133 = arith.constant 0 : i32
        %dma_start3A_134 = arith.constant 0 : i32
        %dma_start3A_135 = tpu.memref_slice %arg14[%rem3A_118, %dma_start3A_133, %dma_start3A_134] : memref<2x40x256xf32, #tpu.memory_space<vmem>> -> memref<1x40x256xf32, #tpu.memory_space<vmem>>
        %dma_start3A_136 = tpu.memref_squeeze %dma_start3A_135 : memref<1x40x256xf32, #tpu.memory_space<vmem>> -> memref<40x256xf32, #tpu.memory_space<vmem>>
        %dma_start3A_137 = arith.constant 0 : i32
        %dma_start3A_138 = tpu.memref_slice %arg10[%add3A_132, %dma_start3A_137] : memref<128x40xi32, #tpu.memory_space<vmem>> -> memref<1x40xi32, #tpu.memory_space<vmem>>
        %dma_start3A_139 = tpu.memref_squeeze %dma_start3A_138 : memref<1x40xi32, #tpu.memory_space<vmem>> -> memref<40xi32, #tpu.memory_space<vmem>>
        %dma_start3A_140 = arith.constant 0 : i32
        %dma_start3A_141 = arith.constant 0 : i32
        %dma_start3A_142 = tpu.memref_slice %arg3[%dma_start3A_140, %dma_start3A_141] : memref<10000x256xf32, #tpu.memory_space<hbm>> -> memref<10000x256xf32, #tpu.memory_space<hbm>>
        tpu.enqueue_indirect_dma source(%dma_start3A_142 : memref<10000x256xf32, #tpu.memory_space<hbm>>) target(%dma_start3A_136 : memref<40x256xf32, #tpu.memory_space<vmem>>) offsets(%dma_start3A_139 : memref<40xi32, #tpu.memory_space<vmem>>) semaphore(%arg15 : memref<!tpu.dma_semaphore, #tpu.memory_space<semaphore_mem>>)
      } else {
      }
      %dma_wait3A_67 = arith.constant 0 : i32
      %dma_wait3A_68 = arith.constant 0 : i32
      %dma_wait3A_69 = tpu.memref_slice %arg13[%rem3A_58, %dma_wait3A_67, %dma_wait3A_68] : memref<2x40x256xf32, #tpu.memory_space<vmem>> -> memref<1x40x256xf32, #tpu.memory_space<vmem>>
      %dma_wait3A_70 = tpu.memref_squeeze %dma_wait3A_69 : memref<1x40x256xf32, #tpu.memory_space<vmem>> -> memref<40x256xf32, #tpu.memory_space<vmem>>
      %dma_wait3A_71 = arith.constant 0 : i32
      %dma_wait3A_72 = arith.constant 0 : i32
      %dma_wait3A_73 = tpu.memref_slice %arg2[%dma_wait3A_71, %dma_wait3A_72] : memref<10000x256xf32, #tpu.memory_space<hbm>> -> memref<40x256xf32, #tpu.memory_space<hbm>>
      %dma_wait3A_74 = arith.constant 0 : i32
      %dma_wait3A_75 = arith.constant 0 : i32
      %dma_wait3A_76 = tpu.memref_slice %arg13[%rem3A_58, %dma_wait3A_74, %dma_wait3A_75] : memref<2x40x256xf32, #tpu.memory_space<vmem>> -> memref<1x40x256xf32, #tpu.memory_space<vmem>>
      %dma_wait3A_77 = tpu.memref_squeeze %dma_wait3A_76 : memref<1x40x256xf32, #tpu.memory_space<vmem>> -> memref<40x256xf32, #tpu.memory_space<vmem>>
      %dma_wait3A_78 = arith.constant 0 : i32
      %dma_wait3A_79 = arith.constant 0 : i32
      %dma_wait3A_80 = tpu.memref_slice %arg2[%dma_wait3A_78, %dma_wait3A_79] : memref<10000x256xf32, #tpu.memory_space<hbm>> -> memref<40x256xf32, #tpu.memory_space<hbm>>
      tpu.wait_dma2 semaphore(%arg15 : memref<!tpu.dma_semaphore, #tpu.memory_space<semaphore_mem>>) src(%dma_wait3A_80 : memref<40x256xf32, #tpu.memory_space<hbm>>) dst(%dma_wait3A_77 : memref<40x256xf32, #tpu.memory_space<vmem>>)
      %dma_wait3A_81 = arith.constant 0 : i32
      %dma_wait3A_82 = arith.constant 0 : i32
      %dma_wait3A_83 = tpu.memref_slice %arg14[%rem3A_58, %dma_wait3A_81, %dma_wait3A_82] : memref<2x40x256xf32, #tpu.memory_space<vmem>> -> memref<1x40x256xf32, #tpu.memory_space<vmem>>
      %dma_wait3A_84 = tpu.memref_squeeze %dma_wait3A_83 : memref<1x40x256xf32, #tpu.memory_space<vmem>> -> memref<40x256xf32, #tpu.memory_space<vmem>>
      %dma_wait3A_85 = arith.constant 0 : i32
      %dma_wait3A_86 = arith.constant 0 : i32
      %dma_wait3A_87 = tpu.memref_slice %arg3[%dma_wait3A_85, %dma_wait3A_86] : memref<10000x256xf32, #tpu.memory_space<hbm>> -> memref<40x256xf32, #tpu.memory_space<hbm>>
      %dma_wait3A_88 = arith.constant 0 : i32
      %dma_wait3A_89 = arith.constant 0 : i32
      %dma_wait3A_90 = tpu.memref_slice %arg14[%rem3A_58, %dma_wait3A_88, %dma_wait3A_89] : memref<2x40x256xf32, #tpu.memory_space<vmem>> -> memref<1x40x256xf32, #tpu.memory_space<vmem>>
      %dma_wait3A_91 = tpu.memref_squeeze %dma_wait3A_90 : memref<1x40x256xf32, #tpu.memory_space<vmem>> -> memref<40x256xf32, #tpu.memory_space<vmem>>
      %dma_wait3A_92 = arith.constant 0 : i32
      %dma_wait3A_93 = arith.constant 0 : i32
      %dma_wait3A_94 = tpu.memref_slice %arg3[%dma_wait3A_92, %dma_wait3A_93] : memref<10000x256xf32, #tpu.memory_space<hbm>> -> memref<40x256xf32, #tpu.memory_space<hbm>>
      tpu.wait_dma2 semaphore(%arg15 : memref<!tpu.dma_semaphore, #tpu.memory_space<semaphore_mem>>) src(%dma_wait3A_94 : memref<40x256xf32, #tpu.memory_space<hbm>>) dst(%dma_wait3A_91 : memref<40x256xf32, #tpu.memory_space<vmem>>)
      %scan3A_95 = arith.constant 0 : i32
      %scan3A_96 = arith.constant 40 : i32
      %scan3A_97 = arith.addi %scan3A_95, %scan3A_96 : i32
      %scan3A_98 = arith.constant 1 : i32
      scf.for %scan3A_115 = %scan3A_95 to %scan3A_97 step %scan3A_98  : i32 {
        %get3A = arith.index_cast %rem3A_58 : i32 to index
        %get3A_116 = arith.index_cast %scan3A_115 : i32 to index
        %get3A_117 = arith.constant 0 : index
        %get3A_118 = tpu.vector_load %arg13[%get3A, %get3A_116, %get3A_117] {strides = array<i32>} : memref<2x40x256xf32, #tpu.memory_space<vmem>>, vector<16xf32>,
        %get3A_119 = arith.index_cast %rem3A_58 : i32 to index
        %get3A_120 = arith.index_cast %scan3A_115 : i32 to index
        %get3A_121 = arith.constant 0 : index
        %get3A_122 = tpu.vector_load %arg14[%get3A_119, %get3A_120, %get3A_121] {strides = array<i32>} : memref<2x40x256xf32, #tpu.memory_space<vmem>>, vector<16xf32>,
        %add3A_123 = arith.addf %get3A_118, %get3A_122 : vector<16xf32>
        %swap3A = arith.index_cast %rem3A_58 : i32 to index
        %swap3A_124 = arith.index_cast %scan3A_115 : i32 to index
        %swap3A_125 = arith.constant 0 : index
        %swap3A_126 = tpu.vector_load %arg13[%swap3A, %swap3A_124, %swap3A_125] {strides = array<i32>} : memref<2x40x256xf32, #tpu.memory_space<vmem>>, vector<16xf32>,
        tpu.vector_store %arg13[%swap3A, %swap3A_124, %swap3A_125], %add3A_123 {strides = array<i32>} : memref<2x40x256xf32, #tpu.memory_space<vmem>>, vector<16xf32>,
        %get3A_127 = arith.index_cast %rem3A_58 : i32 to index
        %get3A_128 = arith.index_cast %scan3A_115 : i32 to index
        %get3A_129 = arith.constant 16 : index
        %get3A_130 = tpu.vector_load %arg13[%get3A_127, %get3A_128, %get3A_129] {strides = array<i32>} : memref<2x40x256xf32, #tpu.memory_space<vmem>>, vector<16xf32>,
        %get3A_131 = arith.index_cast %rem3A_58 : i32 to index
        %get3A_132 = arith.index_cast %scan3A_115 : i32 to index
        %get3A_133 = arith.constant 16 : index
        %get3A_134 = tpu.vector_load %arg14[%get3A_131, %get3A_132, %get3A_133] {strides = array<i32>} : memref<2x40x256xf32, #tpu.memory_space<vmem>>, vector<16xf32>,
        %add3A_135 = arith.addf %get3A_130, %get3A_134 : vector<16xf32>
        %swap3A_136 = arith.index_cast %rem3A_58 : i32 to index
        %swap3A_137 = arith.index_cast %scan3A_115 : i32 to index
        %swap3A_138 = arith.constant 16 : index
        %swap3A_139 = tpu.vector_load %arg13[%swap3A_136, %swap3A_137, %swap3A_138] {strides = array<i32>} : memref<2x40x256xf32, #tpu.memory_space<vmem>>, vector<16xf32>,
        tpu.vector_store %arg13[%swap3A_136, %swap3A_137, %swap3A_138], %add3A_135 {strides = array<i32>} : memref<2x40x256xf32, #tpu.memory_space<vmem>>, vector<16xf32>,
        %get3A_140 = arith.index_cast %rem3A_58 : i32 to index
        %get3A_141 = arith.index_cast %scan3A_115 : i32 to index
        %get3A_142 = arith.constant 32 : index
        %get3A_143 = tpu.vector_load %arg13[%get3A_140, %get3A_141, %get3A_142] {strides = array<i32>} : memref<2x40x256xf32, #tpu.memory_space<vmem>>, vector<16xf32>,
        %get3A_144 = arith.index_cast %rem3A_58 : i32 to index
        %get3A_145 = arith.index_cast %scan3A_115 : i32 to index
        %get3A_146 = arith.constant 32 : index
        %get3A_147 = tpu.vector_load %arg14[%get3A_144, %get3A_145, %get3A_146] {strides = array<i32>} : memref<2x40x256xf32, #tpu.memory_space<vmem>>, vector<16xf32>,
        %add3A_148 = arith.addf %get3A_143, %get3A_147 : vector<16xf32>
        %swap3A_149 = arith.index_cast %rem3A_58 : i32 to index
        %swap3A_150 = arith.index_cast %scan3A_115 : i32 to index
        %swap3A_151 = arith.constant 32 : index
        %swap3A_152 = tpu.vector_load %arg13[%swap3A_149, %swap3A_150, %swap3A_151] {strides = array<i32>} : memref<2x40x256xf32, #tpu.memory_space<vmem>>, vector<16xf32>,
        tpu.vector_store %arg13[%swap3A_149, %swap3A_150, %swap3A_151], %add3A_148 {strides = array<i32>} : memref<2x40x256xf32, #tpu.memory_space<vmem>>, vector<16xf32>,
        %get3A_153 = arith.index_cast %rem3A_58 : i32 to index
        %get3A_154 = arith.index_cast %scan3A_115 : i32 to index
        %get3A_155 = arith.constant 48 : index
        %get3A_156 = tpu.vector_load %arg13[%get3A_153, %get3A_154, %get3A_155] {strides = array<i32>} : memref<2x40x256xf32, #tpu.memory_space<vmem>>, vector<16xf32>,
        %get3A_157 = arith.index_cast %rem3A_58 : i32 to index
        %get3A_158 = arith.index_cast %scan3A_115 : i32 to index
        %get3A_159 = arith.constant 48 : index
        %get3A_160 = tpu.vector_load %arg14[%get3A_157, %get3A_158, %get3A_159] {strides = array<i32>} : memref<2x40x256xf32, #tpu.memory_space<vmem>>, vector<16xf32>,
        %add3A_161 = arith.addf %get3A_156, %get3A_160 : vector<16xf32>
        %swap3A_162 = arith.index_cast %rem3A_58 : i32 to index
        %swap3A_163 = arith.index_cast %scan3A_115 : i32 to index
        %swap3A_164 = arith.constant 48 : index
        %swap3A_165 = tpu.vector_load %arg13[%swap3A_162, %swap3A_163, %swap3A_164] {strides = array<i32>} : memref<2x40x256xf32, #tpu.memory_space<vmem>>, vector<16xf32>,
        tpu.vector_store %arg13[%swap3A_162, %swap3A_163, %swap3A_164], %add3A_161 {strides = array<i32>} : memref<2x40x256xf32, #tpu.memory_space<vmem>>, vector<16xf32>,
        %get3A_166 = arith.index_cast %rem3A_58 : i32 to index
        %get3A_167 = arith.index_cast %scan3A_115 : i32 to index
        %get3A_168 = arith.constant 64 : index
        %get3A_169 = tpu.vector_load %arg13[%get3A_166, %get3A_167, %get3A_168] {strides = array<i32>} : memref<2x40x256xf32, #tpu.memory_space<vmem>>, vector<16xf32>,
        %get3A_170 = arith.index_cast %rem3A_58 : i32 to index
        %get3A_171 = arith.index_cast %scan3A_115 : i32 to index
        %get3A_172 = arith.constant 64 : index
        %get3A_173 = tpu.vector_load %arg14[%get3A_170, %get3A_171, %get3A_172] {strides = array<i32>} : memref<2x40x256xf32, #tpu.memory_space<vmem>>, vector<16xf32>,
        %add3A_174 = arith.addf %get3A_169, %get3A_173 : vector<16xf32>
        %swap3A_175 = arith.index_cast %rem3A_58 : i32 to index
        %swap3A_176 = arith.index_cast %scan3A_115 : i32 to index
        %swap3A_177 = arith.constant 64 : index
        %swap3A_178 = tpu.vector_load %arg13[%swap3A_175, %swap3A_176, %swap3A_177] {strides = array<i32>} : memref<2x40x256xf32, #tpu.memory_space<vmem>>, vector<16xf32>,
        tpu.vector_store %arg13[%swap3A_175, %swap3A_176, %swap3A_177], %add3A_174 {strides = array<i32>} : memref<2x40x256xf32, #tpu.memory_space<vmem>>, vector<16xf32>,
        %get3A_179 = arith.index_cast %rem3A_58 : i32 to index
        %get3A_180 = arith.index_cast %scan3A_115 : i32 to index
        %get3A_181 = arith.constant 80 : index
        %get3A_182 = tpu.vector_load %arg13[%get3A_179, %get3A_180, %get3A_181] {strides = array<i32>} : memref<2x40x256xf32, #tpu.memory_space<vmem>>, vector<16xf32>,
        %get3A_183 = arith.index_cast %rem3A_58 : i32 to index
        %get3A_184 = arith.index_cast %scan3A_115 : i32 to index
        %get3A_185 = arith.constant 80 : index
        %get3A_186 = tpu.vector_load %arg14[%get3A_183, %get3A_184, %get3A_185] {strides = array<i32>} : memref<2x40x256xf32, #tpu.memory_space<vmem>>, vector<16xf32>,
        %add3A_187 = arith.addf %get3A_182, %get3A_186 : vector<16xf32>
        %swap3A_188 = arith.index_cast %rem3A_58 : i32 to index
        %swap3A_189 = arith.index_cast %scan3A_115 : i32 to index
        %swap3A_190 = arith.constant 80 : index
        %swap3A_191 = tpu.vector_load %arg13[%swap3A_188, %swap3A_189, %swap3A_190] {strides = array<i32>} : memref<2x40x256xf32, #tpu.memory_space<vmem>>, vector<16xf32>,
        tpu.vector_store %arg13[%swap3A_188, %swap3A_189, %swap3A_190], %add3A_187 {strides = array<i32>} : memref<2x40x256xf32, #tpu.memory_space<vmem>>, vector<16xf32>,
        %get3A_192 = arith.index_cast %rem3A_58 : i32 to index
        %get3A_193 = arith.index_cast %scan3A_115 : i32 to index
        %get3A_194 = arith.constant 96 : index
        %get3A_195 = tpu.vector_load %arg13[%get3A_192, %get3A_193, %get3A_194] {strides = array<i32>} : memref<2x40x256xf32, #tpu.memory_space<vmem>>, vector<16xf32>,
        %get3A_196 = arith.index_cast %rem3A_58 : i32 to index
        %get3A_197 = arith.index_cast %scan3A_115 : i32 to index
        %get3A_198 = arith.constant 96 : index
        %get3A_199 = tpu.vector_load %arg14[%get3A_196, %get3A_197, %get3A_198] {strides = array<i32>} : memref<2x40x256xf32, #tpu.memory_space<vmem>>, vector<16xf32>,
        %add3A_200 = arith.addf %get3A_195, %get3A_199 : vector<16xf32>
        %swap3A_201 = arith.index_cast %rem3A_58 : i32 to index
        %swap3A_202 = arith.index_cast %scan3A_115 : i32 to index
        %swap3A_203 = arith.constant 96 : index
        %swap3A_204 = tpu.vector_load %arg13[%swap3A_201, %swap3A_202, %swap3A_203] {strides = array<i32>} : memref<2x40x256xf32, #tpu.memory_space<vmem>>, vector<16xf32>,
        tpu.vector_store %arg13[%swap3A_201, %swap3A_202, %swap3A_203], %add3A_200 {strides = array<i32>} : memref<2x40x256xf32, #tpu.memory_space<vmem>>, vector<16xf32>,
        %get3A_205 = arith.index_cast %rem3A_58 : i32 to index
        %get3A_206 = arith.index_cast %scan3A_115 : i32 to index
        %get3A_207 = arith.constant 112 : index
        %get3A_208 = tpu.vector_load %arg13[%get3A_205, %get3A_206, %get3A_207] {strides = array<i32>} : memref<2x40x256xf32, #tpu.memory_space<vmem>>, vector<16xf32>,
        %get3A_209 = arith.index_cast %rem3A_58 : i32 to index
        %get3A_210 = arith.index_cast %scan3A_115 : i32 to index
        %get3A_211 = arith.constant 112 : index
        %get3A_212 = tpu.vector_load %arg14[%get3A_209, %get3A_210, %get3A_211] {strides = array<i32>} : memref<2x40x256xf32, #tpu.memory_space<vmem>>, vector<16xf32>,
        %add3A_213 = arith.addf %get3A_208, %get3A_212 : vector<16xf32>
        %swap3A_214 = arith.index_cast %rem3A_58 : i32 to index
        %swap3A_215 = arith.index_cast %scan3A_115 : i32 to index
        %swap3A_216 = arith.constant 112 : index
        %swap3A_217 = tpu.vector_load %arg13[%swap3A_214, %swap3A_215, %swap3A_216] {strides = array<i32>} : memref<2x40x256xf32, #tpu.memory_space<vmem>>, vector<16xf32>,
        tpu.vector_store %arg13[%swap3A_214, %swap3A_215, %swap3A_216], %add3A_213 {strides = array<i32>} : memref<2x40x256xf32, #tpu.memory_space<vmem>>, vector<16xf32>,
        %get3A_218 = arith.index_cast %rem3A_58 : i32 to index
        %get3A_219 = arith.index_cast %scan3A_115 : i32 to index
        %get3A_220 = arith.constant 128 : index
        %get3A_221 = tpu.vector_load %arg13[%get3A_218, %get3A_219, %get3A_220] {strides = array<i32>} : memref<2x40x256xf32, #tpu.memory_space<vmem>>, vector<16xf32>,
        %get3A_222 = arith.index_cast %rem3A_58 : i32 to index
        %get3A_223 = arith.index_cast %scan3A_115 : i32 to index
        %get3A_224 = arith.constant 128 : index
        %get3A_225 = tpu.vector_load %arg14[%get3A_222, %get3A_223, %get3A_224] {strides = array<i32>} : memref<2x40x256xf32, #tpu.memory_space<vmem>>, vector<16xf32>,
        %add3A_226 = arith.addf %get3A_221, %get3A_225 : vector<16xf32>
        %swap3A_227 = arith.index_cast %rem3A_58 : i32 to index
        %swap3A_228 = arith.index_cast %scan3A_115 : i32 to index
        %swap3A_229 = arith.constant 128 : index
        %swap3A_230 = tpu.vector_load %arg13[%swap3A_227, %swap3A_228, %swap3A_229] {strides = array<i32>} : memref<2x40x256xf32, #tpu.memory_space<vmem>>, vector<16xf32>,
        tpu.vector_store %arg13[%swap3A_227, %swap3A_228, %swap3A_229], %add3A_226 {strides = array<i32>} : memref<2x40x256xf32, #tpu.memory_space<vmem>>, vector<16xf32>,
        %get3A_231 = arith.index_cast %rem3A_58 : i32 to index
        %get3A_232 = arith.index_cast %scan3A_115 : i32 to index
        %get3A_233 = arith.constant 144 : index
        %get3A_234 = tpu.vector_load %arg13[%get3A_231, %get3A_232, %get3A_233] {strides = array<i32>} : memref<2x40x256xf32, #tpu.memory_space<vmem>>, vector<16xf32>,
        %get3A_235 = arith.index_cast %rem3A_58 : i32 to index
        %get3A_236 = arith.index_cast %scan3A_115 : i32 to index
        %get3A_237 = arith.constant 144 : index
        %get3A_238 = tpu.vector_load %arg14[%get3A_235, %get3A_236, %get3A_237] {strides = array<i32>} : memref<2x40x256xf32, #tpu.memory_space<vmem>>, vector<16xf32>,
        %add3A_239 = arith.addf %get3A_234, %get3A_238 : vector<16xf32>
        %swap3A_240 = arith.index_cast %rem3A_58 : i32 to index
        %swap3A_241 = arith.index_cast %scan3A_115 : i32 to index
        %swap3A_242 = arith.constant 144 : index
        %swap3A_243 = tpu.vector_load %arg13[%swap3A_240, %swap3A_241, %swap3A_242] {strides = array<i32>} : memref<2x40x256xf32, #tpu.memory_space<vmem>>, vector<16xf32>,
        tpu.vector_store %arg13[%swap3A_240, %swap3A_241, %swap3A_242], %add3A_239 {strides = array<i32>} : memref<2x40x256xf32, #tpu.memory_space<vmem>>, vector<16xf32>,
        %get3A_244 = arith.index_cast %rem3A_58 : i32 to index
        %get3A_245 = arith.index_cast %scan3A_115 : i32 to index
        %get3A_246 = arith.constant 160 : index
        %get3A_247 = tpu.vector_load %arg13[%get3A_244, %get3A_245, %get3A_246] {strides = array<i32>} : memref<2x40x256xf32, #tpu.memory_space<vmem>>, vector<16xf32>,
        %get3A_248 = arith.index_cast %rem3A_58 : i32 to index
        %get3A_249 = arith.index_cast %scan3A_115 : i32 to index
        %get3A_250 = arith.constant 160 : index
        %get3A_251 = tpu.vector_load %arg14[%get3A_248, %get3A_249, %get3A_250] {strides = array<i32>} : memref<2x40x256xf32, #tpu.memory_space<vmem>>, vector<16xf32>,
        %add3A_252 = arith.addf %get3A_247, %get3A_251 : vector<16xf32>
        %swap3A_253 = arith.index_cast %rem3A_58 : i32 to index
        %swap3A_254 = arith.index_cast %scan3A_115 : i32 to index
        %swap3A_255 = arith.constant 160 : index
        %swap3A_256 = tpu.vector_load %arg13[%swap3A_253, %swap3A_254, %swap3A_255] {strides = array<i32>} : memref<2x40x256xf32, #tpu.memory_space<vmem>>, vector<16xf32>,
        tpu.vector_store %arg13[%swap3A_253, %swap3A_254, %swap3A_255], %add3A_252 {strides = array<i32>} : memref<2x40x256xf32, #tpu.memory_space<vmem>>, vector<16xf32>,
        %get3A_257 = arith.index_cast %rem3A_58 : i32 to index
        %get3A_258 = arith.index_cast %scan3A_115 : i32 to index
        %get3A_259 = arith.constant 176 : index
        %get3A_260 = tpu.vector_load %arg13[%get3A_257, %get3A_258, %get3A_259] {strides = array<i32>} : memref<2x40x256xf32, #tpu.memory_space<vmem>>, vector<16xf32>,
        %get3A_261 = arith.index_cast %rem3A_58 : i32 to index
        %get3A_262 = arith.index_cast %scan3A_115 : i32 to index
        %get3A_263 = arith.constant 176 : index
        %get3A_264 = tpu.vector_load %arg14[%get3A_261, %get3A_262, %get3A_263] {strides = array<i32>} : memref<2x40x256xf32, #tpu.memory_space<vmem>>, vector<16xf32>,
        %add3A_265 = arith.addf %get3A_260, %get3A_264 : vector<16xf32>
        %swap3A_266 = arith.index_cast %rem3A_58 : i32 to index
        %swap3A_267 = arith.index_cast %scan3A_115 : i32 to index
        %swap3A_268 = arith.constant 176 : index
        %swap3A_269 = tpu.vector_load %arg13[%swap3A_266, %swap3A_267, %swap3A_268] {strides = array<i32>} : memref<2x40x256xf32, #tpu.memory_space<vmem>>, vector<16xf32>,
        tpu.vector_store %arg13[%swap3A_266, %swap3A_267, %swap3A_268], %add3A_265 {strides = array<i32>} : memref<2x40x256xf32, #tpu.memory_space<vmem>>, vector<16xf32>,
        %get3A_270 = arith.index_cast %rem3A_58 : i32 to index
        %get3A_271 = arith.index_cast %scan3A_115 : i32 to index
        %get3A_272 = arith.constant 192 : index
        %get3A_273 = tpu.vector_load %arg13[%get3A_270, %get3A_271, %get3A_272] {strides = array<i32>} : memref<2x40x256xf32, #tpu.memory_space<vmem>>, vector<16xf32>,
        %get3A_274 = arith.index_cast %rem3A_58 : i32 to index
        %get3A_275 = arith.index_cast %scan3A_115 : i32 to index
        %get3A_276 = arith.constant 192 : index
        %get3A_277 = tpu.vector_load %arg14[%get3A_274, %get3A_275, %get3A_276] {strides = array<i32>} : memref<2x40x256xf32, #tpu.memory_space<vmem>>, vector<16xf32>,
        %add3A_278 = arith.addf %get3A_273, %get3A_277 : vector<16xf32>
        %swap3A_279 = arith.index_cast %rem3A_58 : i32 to index
        %swap3A_280 = arith.index_cast %scan3A_115 : i32 to index
        %swap3A_281 = arith.constant 192 : index
        %swap3A_282 = tpu.vector_load %arg13[%swap3A_279, %swap3A_280, %swap3A_281] {strides = array<i32>} : memref<2x40x256xf32, #tpu.memory_space<vmem>>, vector<16xf32>,
        tpu.vector_store %arg13[%swap3A_279, %swap3A_280, %swap3A_281], %add3A_278 {strides = array<i32>} : memref<2x40x256xf32, #tpu.memory_space<vmem>>, vector<16xf32>,
        %get3A_283 = arith.index_cast %rem3A_58 : i32 to index
        %get3A_284 = arith.index_cast %scan3A_115 : i32 to index
        %get3A_285 = arith.constant 208 : index
        %get3A_286 = tpu.vector_load %arg13[%get3A_283, %get3A_284, %get3A_285] {strides = array<i32>} : memref<2x40x256xf32, #tpu.memory_space<vmem>>, vector<16xf32>,
        %get3A_287 = arith.index_cast %rem3A_58 : i32 to index
        %get3A_288 = arith.index_cast %scan3A_115 : i32 to index
        %get3A_289 = arith.constant 208 : index
        %get3A_290 = tpu.vector_load %arg14[%get3A_287, %get3A_288, %get3A_289] {strides = array<i32>} : memref<2x40x256xf32, #tpu.memory_space<vmem>>, vector<16xf32>,
        %add3A_291 = arith.addf %get3A_286, %get3A_290 : vector<16xf32>
        %swap3A_292 = arith.index_cast %rem3A_58 : i32 to index
        %swap3A_293 = arith.index_cast %scan3A_115 : i32 to index
        %swap3A_294 = arith.constant 208 : index
        %swap3A_295 = tpu.vector_load %arg13[%swap3A_292, %swap3A_293, %swap3A_294] {strides = array<i32>} : memref<2x40x256xf32, #tpu.memory_space<vmem>>, vector<16xf32>,
        tpu.vector_store %arg13[%swap3A_292, %swap3A_293, %swap3A_294], %add3A_291 {strides = array<i32>} : memref<2x40x256xf32, #tpu.memory_space<vmem>>, vector<16xf32>,
        %get3A_296 = arith.index_cast %rem3A_58 : i32 to index
        %get3A_297 = arith.index_cast %scan3A_115 : i32 to index
        %get3A_298 = arith.constant 224 : index
        %get3A_299 = tpu.vector_load %arg13[%get3A_296, %get3A_297, %get3A_298] {strides = array<i32>} : memref<2x40x256xf32, #tpu.memory_space<vmem>>, vector<16xf32>,
        %get3A_300 = arith.index_cast %rem3A_58 : i32 to index
        %get3A_301 = arith.index_cast %scan3A_115 : i32 to index
        %get3A_302 = arith.constant 224 : index
        %get3A_303 = tpu.vector_load %arg14[%get3A_300, %get3A_301, %get3A_302] {strides = array<i32>} : memref<2x40x256xf32, #tpu.memory_space<vmem>>, vector<16xf32>,
        %add3A_304 = arith.addf %get3A_299, %get3A_303 : vector<16xf32>
        %swap3A_305 = arith.index_cast %rem3A_58 : i32 to index
        %swap3A_306 = arith.index_cast %scan3A_115 : i32 to index
        %swap3A_307 = arith.constant 224 : index
        %swap3A_308 = tpu.vector_load %arg13[%swap3A_305, %swap3A_306, %swap3A_307] {strides = array<i32>} : memref<2x40x256xf32, #tpu.memory_space<vmem>>, vector<16xf32>,
        tpu.vector_store %arg13[%swap3A_305, %swap3A_306, %swap3A_307], %add3A_304 {strides = array<i32>} : memref<2x40x256xf32, #tpu.memory_space<vmem>>, vector<16xf32>,
        %get3A_309 = arith.index_cast %rem3A_58 : i32 to index
        %get3A_310 = arith.index_cast %scan3A_115 : i32 to index
        %get3A_311 = arith.constant 240 : index
        %get3A_312 = tpu.vector_load %arg13[%get3A_309, %get3A_310, %get3A_311] {strides = array<i32>} : memref<2x40x256xf32, #tpu.memory_space<vmem>>, vector<16xf32>,
        %get3A_313 = arith.index_cast %rem3A_58 : i32 to index
        %get3A_314 = arith.index_cast %scan3A_115 : i32 to index
        %get3A_315 = arith.constant 240 : index
        %get3A_316 = tpu.vector_load %arg14[%get3A_313, %get3A_314, %get3A_315] {strides = array<i32>} : memref<2x40x256xf32, #tpu.memory_space<vmem>>, vector<16xf32>,
        %add3A_317 = arith.addf %get3A_312, %get3A_316 : vector<16xf32>
        %swap3A_318 = arith.index_cast %rem3A_58 : i32 to index
        %swap3A_319 = arith.index_cast %scan3A_115 : i32 to index
        %swap3A_320 = arith.constant 240 : index
        %swap3A_321 = tpu.vector_load %arg13[%swap3A_318, %swap3A_319, %swap3A_320] {strides = array<i32>} : memref<2x40x256xf32, #tpu.memory_space<vmem>>, vector<16xf32>,
        tpu.vector_store %arg13[%swap3A_318, %swap3A_319, %swap3A_320], %add3A_317 {strides = array<i32>} : memref<2x40x256xf32, #tpu.memory_space<vmem>>, vector<16xf32>,
      }
      %scan3A_99 = arith.constant 40 : i32
      %mul3A_100 = arith.constant 40 : i32
      %mul3A_101 = arith.muli %scan3A_57, %mul3A_100 : i32
      %add3A_102 = arith.addi %mul3A_2, %mul3A_101 : i32
      %dma_start3A_103 = arith.constant 0 : i32
      %dma_start3A_104 = arith.constant 0 : i32
      %dma_start3A_105 = tpu.memref_slice %arg13[%rem3A_58, %dma_start3A_103, %dma_start3A_104] : memref<2x40x256xf32, #tpu.memory_space<vmem>> -> memref<1x40x256xf32, #tpu.memory_space<vmem>>
      %dma_start3A_106 = tpu.memref_squeeze %dma_start3A_105 : memref<1x40x256xf32, #tpu.memory_space<vmem>> -> memref<40x256xf32, #tpu.memory_space<vmem>>
      %dma_start3A_107 = arith.constant 0 : i32
      %dma_start3A_108 = tpu.memref_slice %arg7[%add3A_102, %dma_start3A_107] : memref<160000x256xf32, #tpu.memory_space<hbm>> -> memref<40x256xf32, #tpu.memory_space<hbm>>
      %dma_start3A_109 = arith.constant 0 : i32
      %dma_start3A_110 = tpu.memref_slice %arg7[%add3A_102, %dma_start3A_109] : memref<160000x256xf32, #tpu.memory_space<hbm>> -> memref<40x256xf32, #tpu.memory_space<hbm>>
      %dma_start3A_111 = arith.constant 0 : i32
      %dma_start3A_112 = arith.constant 0 : i32
      %dma_start3A_113 = tpu.memref_slice %arg13[%rem3A_58, %dma_start3A_111, %dma_start3A_112] : memref<2x40x256xf32, #tpu.memory_space<vmem>> -> memref<1x40x256xf32, #tpu.memory_space<vmem>>
      %dma_start3A_114 = tpu.memref_squeeze %dma_start3A_113 : memref<1x40x256xf32, #tpu.memory_space<vmem>> -> memref<40x256xf32, #tpu.memory_space<vmem>>
      tpu.enqueue_dma source(%dma_start3A_114 : memref<40x256xf32, #tpu.memory_space<vmem>>) target(%dma_start3A_110 : memref<40x256xf32, #tpu.memory_space<hbm>>) target_semaphore(%arg16 : memref<!tpu.dma_semaphore, #tpu.memory_space<semaphore_mem>>)
    }
    %scan3A_42 = arith.constant 125 : i32
    %dma_wait3A = arith.constant 0 : i32
    %dma_wait3A_43 = arith.constant 0 : i32
    %dma_wait3A_44 = arith.constant 0 : i32
    %dma_wait3A_45 = tpu.memref_slice %arg13[%dma_wait3A, %dma_wait3A_43, %dma_wait3A_44] : memref<2x40x256xf32, #tpu.memory_space<vmem>> -> memref<1x40x256xf32, #tpu.memory_space<vmem>>
    %dma_wait3A_46 = tpu.memref_squeeze %dma_wait3A_45 : memref<1x40x256xf32, #tpu.memory_space<vmem>> -> memref<40x256xf32, #tpu.memory_space<vmem>>
    %dma_wait3A_47 = arith.constant 0 : i32
    %dma_wait3A_48 = arith.constant 0 : i32
    %dma_wait3A_49 = tpu.memref_slice %arg7[%dma_wait3A_47, %dma_wait3A_48] : memref<160000x256xf32, #tpu.memory_space<hbm>> -> memref<40x256xf32, #tpu.memory_space<hbm>>
    %dma_wait3A_50 = arith.constant 0 : i32
    %dma_wait3A_51 = arith.constant 0 : i32
    %dma_wait3A_52 = tpu.memref_slice %arg7[%dma_wait3A_50, %dma_wait3A_51] : memref<160000x256xf32, #tpu.memory_space<hbm>> -> memref<40x256xf32, #tpu.memory_space<hbm>>
    %dma_wait3A_53 = arith.constant 0 : i32
    %dma_wait3A_54 = arith.constant 0 : i32
    %dma_wait3A_55 = tpu.memref_slice %arg13[%dma_wait3A, %dma_wait3A_53, %dma_wait3A_54] : memref<2x40x256xf32, #tpu.memory_space<vmem>> -> memref<1x40x256xf32, #tpu.memory_space<vmem>>
    %dma_wait3A_56 = tpu.memref_squeeze %dma_wait3A_55 : memref<1x40x256xf32, #tpu.memory_space<vmem>> -> memref<40x256xf32, #tpu.memory_space<vmem>>
    tpu.wait_dma2 semaphore(%arg16 : memref<!tpu.dma_semaphore, #tpu.memory_space<semaphore_mem>>) src(%dma_wait3A_56 : memref<40x256xf32, #tpu.memory_space<vmem>>) dst(%dma_wait3A_52 : memref<40x256xf32, #tpu.memory_space<hbm>>)
    return
  }
}

#map = affine_map<(d0, d1) -> (0, 0)>
#map1 = affine_map<(d0, d1) -> (0, 0, 0)>
module attributes {stable_mosaic.version = 14 : i64} {
  func.func @k(%arg0: i32, %arg1: i32, %arg2: memref<160000x128xf32, #tpu.memory_space<hbm>>, %arg3: memref<32x128x40xi32, #tpu.memory_space<hbm>>, %arg4: memref<10112x128xf32, #tpu.memory_space<hbm>>, %arg5: memref<10112x128xf32, #tpu.memory_space<hbm>>, %arg6: memref<10112x128xf32, #tpu.memory_space<hbm>>, %arg7: memref<10112x128xf32, #tpu.memory_space<vmem_shared>>, %arg8: memref<128x40xi32, #tpu.memory_space<vmem>>, %arg9: memref<2x40x128xf32, #tpu.memory_space<vmem>>, %arg10: memref<!tpu.dma_semaphore, #tpu.memory_space<semaphore_mem>>) attributes {dimension_semantics = [#tpu.dimension_semantics<core_parallel>, #tpu.dimension_semantics<subcore_parallel>], iteration_bounds = array<i64: 2, 16>, scalar_prefetch = 0 : i64, scratch_operands = 4 : i64, tpu.core_type = #tpu.core_type<sc_vector_subcore>, window_params = [{transform_indices = #map}, {transform_indices = #map1}, {transform_indices = #map}, {transform_indices = #map}, {transform_indices = #map}]} {
    %mul3A = arith.constant 632 : i32
    %mul3A_0 = arith.muli %arg1, %mul3A : i32
    "tpu.region"() ({
      %run_scoped3A = tpu.sem_alloc : memref<!tpu.dma_semaphore, #tpu.memory_space<semaphore_mem>>
      %dma_start3A_29 = arith.constant 0 : i32
      %dma_start3A_30 = tpu.memref_slice %arg7[%mul3A_0, %dma_start3A_29] : memref<10112x128xf32, #tpu.memory_space<vmem_shared>> -> memref<632x128xf32, #tpu.memory_space<vmem_shared>>
      %dma_start3A_31 = arith.constant 0 : i32
      %dma_start3A_32 = tpu.memref_slice %arg4[%mul3A_0, %dma_start3A_31] : memref<10112x128xf32, #tpu.memory_space<hbm>> -> memref<632x128xf32, #tpu.memory_space<hbm>>
      tpu.enqueue_dma source(%dma_start3A_32 : memref<632x128xf32, #tpu.memory_space<hbm>>) target(%dma_start3A_30 : memref<632x128xf32, #tpu.memory_space<vmem_shared>>) target_semaphore(%run_scoped3A : memref<!tpu.dma_semaphore, #tpu.memory_space<semaphore_mem>>)
      %dma_wait3A = arith.constant 0 : i32
      %dma_wait3A_33 = tpu.memref_slice %arg7[%mul3A_0, %dma_wait3A] : memref<10112x128xf32, #tpu.memory_space<vmem_shared>> -> memref<632x128xf32, #tpu.memory_space<vmem_shared>>
      %dma_wait3A_34 = arith.constant 0 : i32
      %dma_wait3A_35 = tpu.memref_slice %arg4[%mul3A_0, %dma_wait3A_34] : memref<10112x128xf32, #tpu.memory_space<hbm>> -> memref<632x128xf32, #tpu.memory_space<hbm>>
      tpu.wait_dma2 semaphore(%run_scoped3A : memref<!tpu.dma_semaphore, #tpu.memory_space<semaphore_mem>>) src(%dma_wait3A_35 : memref<632x128xf32, #tpu.memory_space<hbm>>) dst(%dma_wait3A_33 : memref<632x128xf32, #tpu.memory_space<vmem_shared>>)
      tpu.yield
    }) : () -> ()
    %mul3A_1 = arith.constant 16 : i32
    %mul3A_2 = arith.muli %arg0, %mul3A_1 : i32
    %add3A = arith.addi %mul3A_2, %arg1 : i32
    "tpu.region"() ({
      %run_scoped3A = tpu.sem_alloc : memref<!tpu.dma_semaphore, #tpu.memory_space<semaphore_mem>>
      %dma_start3A_29 = arith.constant 0 : i32
      %dma_start3A_30 = arith.constant 0 : i32
      %dma_start3A_31 = tpu.memref_slice %arg3[%add3A, %dma_start3A_29, %dma_start3A_30] : memref<32x128x40xi32, #tpu.memory_space<hbm>> -> memref<1x128x40xi32, #tpu.memory_space<hbm>>
      %dma_start3A_32 = tpu.memref_squeeze %dma_start3A_31 : memref<1x128x40xi32, #tpu.memory_space<hbm>> -> memref<128x40xi32, #tpu.memory_space<hbm>>
      %dma_start3A_33 = arith.constant 0 : i32
      %dma_start3A_34 = arith.constant 0 : i32
      %dma_start3A_35 = tpu.memref_slice %arg3[%add3A, %dma_start3A_33, %dma_start3A_34] : memref<32x128x40xi32, #tpu.memory_space<hbm>> -> memref<1x128x40xi32, #tpu.memory_space<hbm>>
      %dma_start3A_36 = tpu.memref_squeeze %dma_start3A_35 : memref<1x128x40xi32, #tpu.memory_space<hbm>> -> memref<128x40xi32, #tpu.memory_space<hbm>>
      tpu.enqueue_dma source(%dma_start3A_36 : memref<128x40xi32, #tpu.memory_space<hbm>>) target(%arg8 : memref<128x40xi32, #tpu.memory_space<vmem>>) target_semaphore(%run_scoped3A : memref<!tpu.dma_semaphore, #tpu.memory_space<semaphore_mem>>)
      %dma_wait3A = arith.constant 0 : i32
      %dma_wait3A_37 = arith.constant 0 : i32
      %dma_wait3A_38 = tpu.memref_slice %arg3[%add3A, %dma_wait3A, %dma_wait3A_37] : memref<32x128x40xi32, #tpu.memory_space<hbm>> -> memref<1x128x40xi32, #tpu.memory_space<hbm>>
      %dma_wait3A_39 = tpu.memref_squeeze %dma_wait3A_38 : memref<1x128x40xi32, #tpu.memory_space<hbm>> -> memref<128x40xi32, #tpu.memory_space<hbm>>
      %dma_wait3A_40 = arith.constant 0 : i32
      %dma_wait3A_41 = arith.constant 0 : i32
      %dma_wait3A_42 = tpu.memref_slice %arg3[%add3A, %dma_wait3A_40, %dma_wait3A_41] : memref<32x128x40xi32, #tpu.memory_space<hbm>> -> memref<1x128x40xi32, #tpu.memory_space<hbm>>
      %dma_wait3A_43 = tpu.memref_squeeze %dma_wait3A_42 : memref<1x128x40xi32, #tpu.memory_space<hbm>> -> memref<128x40xi32, #tpu.memory_space<hbm>>
      tpu.wait_dma2 semaphore(%run_scoped3A : memref<!tpu.dma_semaphore, #tpu.memory_space<semaphore_mem>>) src(%dma_wait3A_43 : memref<128x40xi32, #tpu.memory_space<hbm>>) dst(%arg8 : memref<128x40xi32, #tpu.memory_space<vmem>>)
      tpu.yield
    }) : () -> ()
    %barrier3A = arith.constant 0 : index
    tpu.barrier barrier_id(%barrier3A)
    %mul3A_3 = arith.constant 5000 : i32
    %mul3A_4 = arith.muli %add3A, %mul3A_3 : i32
    %dma_start3A = arith.constant 0 : i32
    %dma_start3A_5 = arith.constant 0 : i32
    %dma_start3A_6 = arith.constant 0 : i32
    %dma_start3A_7 = tpu.memref_slice %arg9[%dma_start3A, %dma_start3A_5, %dma_start3A_6] : memref<2x40x128xf32, #tpu.memory_space<vmem>> -> memref<1x40x128xf32, #tpu.memory_space<vmem>>
    %dma_start3A_8 = tpu.memref_squeeze %dma_start3A_7 : memref<1x40x128xf32, #tpu.memory_space<vmem>> -> memref<40x128xf32, #tpu.memory_space<vmem>>
    %dma_start3A_9 = arith.constant 0 : i32
    %dma_start3A_10 = tpu.memref_slice %arg2[%mul3A_4, %dma_start3A_9] : memref<160000x128xf32, #tpu.memory_space<hbm>> -> memref<40x128xf32, #tpu.memory_space<hbm>>
    %dma_start3A_11 = arith.constant 0 : i32
    %dma_start3A_12 = arith.constant 0 : i32
    %dma_start3A_13 = tpu.memref_slice %arg9[%dma_start3A, %dma_start3A_11, %dma_start3A_12] : memref<2x40x128xf32, #tpu.memory_space<vmem>> -> memref<1x40x128xf32, #tpu.memory_space<vmem>>
    %dma_start3A_14 = tpu.memref_squeeze %dma_start3A_13 : memref<1x40x128xf32, #tpu.memory_space<vmem>> -> memref<40x128xf32, #tpu.memory_space<vmem>>
    %dma_start3A_15 = arith.constant 0 : i32
    %dma_start3A_16 = tpu.memref_slice %arg2[%mul3A_4, %dma_start3A_15] : memref<160000x128xf32, #tpu.memory_space<hbm>> -> memref<40x128xf32, #tpu.memory_space<hbm>>
    tpu.enqueue_dma source(%dma_start3A_16 : memref<40x128xf32, #tpu.memory_space<hbm>>) target(%dma_start3A_14 : memref<40x128xf32, #tpu.memory_space<vmem>>) target_semaphore(%arg10 : memref<!tpu.dma_semaphore, #tpu.memory_space<semaphore_mem>>)
    %scan3A = arith.constant 0 : i32
    %scan3A_17 = arith.constant 125 : i32
    %scan3A_18 = arith.addi %scan3A, %scan3A_17 : i32
    %scan3A_19 = arith.constant 1 : i32
    scf.for %scan3A_29 = %scan3A to %scan3A_18 step %scan3A_19  : i32 {
      %rem3A = arith.constant 2 : i32
      %rem3A_30 = arith.remsi %scan3A_29, %rem3A : i32
      %dma_wait3A = arith.constant 0 : i32
      %dma_wait3A_31 = arith.constant 0 : i32
      %dma_wait3A_32 = tpu.memref_slice %arg9[%rem3A_30, %dma_wait3A, %dma_wait3A_31] : memref<2x40x128xf32, #tpu.memory_space<vmem>> -> memref<1x40x128xf32, #tpu.memory_space<vmem>>
      %dma_wait3A_33 = tpu.memref_squeeze %dma_wait3A_32 : memref<1x40x128xf32, #tpu.memory_space<vmem>> -> memref<40x128xf32, #tpu.memory_space<vmem>>
      %dma_wait3A_34 = arith.constant 0 : i32
      %dma_wait3A_35 = arith.constant 0 : i32
      %dma_wait3A_36 = tpu.memref_slice %arg2[%dma_wait3A_34, %dma_wait3A_35] : memref<160000x128xf32, #tpu.memory_space<hbm>> -> memref<40x128xf32, #tpu.memory_space<hbm>>
      %dma_wait3A_37 = arith.constant 0 : i32
      %dma_wait3A_38 = arith.constant 0 : i32
      %dma_wait3A_39 = tpu.memref_slice %arg9[%rem3A_30, %dma_wait3A_37, %dma_wait3A_38] : memref<2x40x128xf32, #tpu.memory_space<vmem>> -> memref<1x40x128xf32, #tpu.memory_space<vmem>>
      %dma_wait3A_40 = tpu.memref_squeeze %dma_wait3A_39 : memref<1x40x128xf32, #tpu.memory_space<vmem>> -> memref<40x128xf32, #tpu.memory_space<vmem>>
      %dma_wait3A_41 = arith.constant 0 : i32
      %dma_wait3A_42 = arith.constant 0 : i32
      %dma_wait3A_43 = tpu.memref_slice %arg2[%dma_wait3A_41, %dma_wait3A_42] : memref<160000x128xf32, #tpu.memory_space<hbm>> -> memref<40x128xf32, #tpu.memory_space<hbm>>
      tpu.wait_dma2 semaphore(%arg10 : memref<!tpu.dma_semaphore, #tpu.memory_space<semaphore_mem>>) src(%dma_wait3A_43 : memref<40x128xf32, #tpu.memory_space<hbm>>) dst(%dma_wait3A_40 : memref<40x128xf32, #tpu.memory_space<vmem>>)
      %add3A_44 = arith.constant 1 : i32
      %add3A_45 = arith.addi %scan3A_29, %add3A_44 : i32
      %lt3A = arith.constant 125 : i32
      %lt3A_46 = arith.cmpi slt, %add3A_45, %lt3A : i32
      %convert_element_type3A_47 = arith.extui %lt3A_46 : i1 to i32
      %cond3A_48 = arith.constant 0 : i32
      %cond3A_49 = arith.cmpi ne, %convert_element_type3A_47, %cond3A_48 : i32
      scf.if %cond3A_49 {
        %add3A_50 = arith.constant 1 : i32
        %add3A_51 = arith.addi %scan3A_29, %add3A_50 : i32
        %rem3A_52 = arith.constant 2 : i32
        %rem3A_53 = arith.remsi %add3A_51, %rem3A_52 : i32
        %add3A_54 = arith.constant 1 : i32
        %add3A_55 = arith.addi %scan3A_29, %add3A_54 : i32
        %mul3A_56 = arith.constant 40 : i32
        %mul3A_57 = arith.muli %add3A_55, %mul3A_56 : i32
        %add3A_58 = arith.addi %mul3A_4, %mul3A_57 : i32
        %dma_start3A_59 = arith.constant 0 : i32
        %dma_start3A_60 = arith.constant 0 : i32
        %dma_start3A_61 = tpu.memref_slice %arg9[%rem3A_53, %dma_start3A_59, %dma_start3A_60] : memref<2x40x128xf32, #tpu.memory_space<vmem>> -> memref<1x40x128xf32, #tpu.memory_space<vmem>>
        %dma_start3A_62 = tpu.memref_squeeze %dma_start3A_61 : memref<1x40x128xf32, #tpu.memory_space<vmem>> -> memref<40x128xf32, #tpu.memory_space<vmem>>
        %dma_start3A_63 = arith.constant 0 : i32
        %dma_start3A_64 = tpu.memref_slice %arg2[%add3A_58, %dma_start3A_63] : memref<160000x128xf32, #tpu.memory_space<hbm>> -> memref<40x128xf32, #tpu.memory_space<hbm>>
        %dma_start3A_65 = arith.constant 0 : i32
        %dma_start3A_66 = arith.constant 0 : i32
        %dma_start3A_67 = tpu.memref_slice %arg9[%rem3A_53, %dma_start3A_65, %dma_start3A_66] : memref<2x40x128xf32, #tpu.memory_space<vmem>> -> memref<1x40x128xf32, #tpu.memory_space<vmem>>
        %dma_start3A_68 = tpu.memref_squeeze %dma_start3A_67 : memref<1x40x128xf32, #tpu.memory_space<vmem>> -> memref<40x128xf32, #tpu.memory_space<vmem>>
        %dma_start3A_69 = arith.constant 0 : i32
        %dma_start3A_70 = tpu.memref_slice %arg2[%add3A_58, %dma_start3A_69] : memref<160000x128xf32, #tpu.memory_space<hbm>> -> memref<40x128xf32, #tpu.memory_space<hbm>>
        tpu.enqueue_dma source(%dma_start3A_70 : memref<40x128xf32, #tpu.memory_space<hbm>>) target(%dma_start3A_68 : memref<40x128xf32, #tpu.memory_space<vmem>>) target_semaphore(%arg10 : memref<!tpu.dma_semaphore, #tpu.memory_space<semaphore_mem>>)
      } else {
      }
      "tpu.region"() ({
        %run_scoped3A = tpu.sem_alloc : memref<!tpu.dma_semaphore, #tpu.memory_space<semaphore_mem>>
        %dma_start3A_50 = arith.constant 0 : i32
        %dma_start3A_51 = arith.constant 0 : i32
        %dma_start3A_52 = tpu.memref_slice %arg9[%rem3A_30, %dma_start3A_50, %dma_start3A_51] : memref<2x40x128xf32, #tpu.memory_space<vmem>> -> memref<1x40x128xf32, #tpu.memory_space<vmem>>
        %dma_start3A_53 = tpu.memref_squeeze %dma_start3A_52 : memref<1x40x128xf32, #tpu.memory_space<vmem>> -> memref<40x128xf32, #tpu.memory_space<vmem>>
        %dma_start3A_54 = arith.constant 0 : i32
        %dma_start3A_55 = tpu.memref_slice %arg8[%scan3A_29, %dma_start3A_54] : memref<128x40xi32, #tpu.memory_space<vmem>> -> memref<1x40xi32, #tpu.memory_space<vmem>>
        %dma_start3A_56 = tpu.memref_squeeze %dma_start3A_55 : memref<1x40xi32, #tpu.memory_space<vmem>> -> memref<40xi32, #tpu.memory_space<vmem>>
        %dma_start3A_57 = arith.constant 0 : i32
        %dma_start3A_58 = arith.constant 0 : i32
        %dma_start3A_59 = tpu.memref_slice %arg7[%dma_start3A_57, %dma_start3A_58] : memref<10112x128xf32, #tpu.memory_space<vmem_shared>> -> memref<10112x128xf32, #tpu.memory_space<vmem_shared>>
        tpu.enqueue_indirect_dma source(%dma_start3A_53 : memref<40x128xf32, #tpu.memory_space<vmem>>) target(%dma_start3A_59 : memref<10112x128xf32, #tpu.memory_space<vmem_shared>>) offsets(%dma_start3A_56 : memref<40xi32, #tpu.memory_space<vmem>>) semaphore(%run_scoped3A : memref<!tpu.dma_semaphore, #tpu.memory_space<semaphore_mem>>) {add = true}
        %dma_wait3A_60 = arith.constant 0 : i32
        %dma_wait3A_61 = arith.constant 0 : i32
        %dma_wait3A_62 = tpu.memref_slice %arg9[%rem3A_30, %dma_wait3A_60, %dma_wait3A_61] : memref<2x40x128xf32, #tpu.memory_space<vmem>> -> memref<1x40x128xf32, #tpu.memory_space<vmem>>
        %dma_wait3A_63 = tpu.memref_squeeze %dma_wait3A_62 : memref<1x40x128xf32, #tpu.memory_space<vmem>> -> memref<40x128xf32, #tpu.memory_space<vmem>>
        %dma_wait3A_64 = arith.constant 0 : i32
        %dma_wait3A_65 = tpu.memref_slice %arg8[%scan3A_29, %dma_wait3A_64] : memref<128x40xi32, #tpu.memory_space<vmem>> -> memref<1x40xi32, #tpu.memory_space<vmem>>
        %dma_wait3A_66 = tpu.memref_squeeze %dma_wait3A_65 : memref<1x40xi32, #tpu.memory_space<vmem>> -> memref<40xi32, #tpu.memory_space<vmem>>
        %dma_wait3A_67 = arith.constant 0 : i32
        %dma_wait3A_68 = arith.constant 0 : i32
        %dma_wait3A_69 = tpu.memref_slice %arg7[%dma_wait3A_67, %dma_wait3A_68] : memref<10112x128xf32, #tpu.memory_space<vmem_shared>> -> memref<10112x128xf32, #tpu.memory_space<vmem_shared>>
        tpu.wait_indirect_dma semaphore(%run_scoped3A : memref<!tpu.dma_semaphore, #tpu.memory_space<semaphore_mem>>) src(%dma_wait3A_63 : memref<40x128xf32, #tpu.memory_space<vmem>>) dst(%dma_wait3A_69 : memref<10112x128xf32, #tpu.memory_space<vmem_shared>>)
        tpu.yield
      }) : () -> ()
    }
    %scan3A_20 = arith.constant 125 : i32
    %barrier3A_21 = arith.constant 0 : index
    tpu.barrier barrier_id(%barrier3A_21)
    %eq3A = arith.constant 0 : i32
    %eq3A_22 = arith.cmpi eq, %arg0, %eq3A : i32
    %convert_element_type3A = arith.extui %eq3A_22 : i1 to i32
    %cond3A = arith.constant 0 : i32
    %cond3A_23 = arith.cmpi ne, %convert_element_type3A, %cond3A : i32
    scf.if %cond3A_23 {
      "tpu.region"() ({
        %run_scoped3A = tpu.sem_alloc : memref<!tpu.dma_semaphore, #tpu.memory_space<semaphore_mem>>
        %dma_start3A_29 = arith.constant 0 : i32
        %dma_start3A_30 = tpu.memref_slice %arg5[%mul3A_0, %dma_start3A_29] : memref<10112x128xf32, #tpu.memory_space<hbm>> -> memref<632x128xf32, #tpu.memory_space<hbm>>
        %dma_start3A_31 = arith.constant 0 : i32
        %dma_start3A_32 = tpu.memref_slice %arg7[%mul3A_0, %dma_start3A_31] : memref<10112x128xf32, #tpu.memory_space<vmem_shared>> -> memref<632x128xf32, #tpu.memory_space<vmem_shared>>
        tpu.enqueue_dma source(%dma_start3A_32 : memref<632x128xf32, #tpu.memory_space<vmem_shared>>) target(%dma_start3A_30 : memref<632x128xf32, #tpu.memory_space<hbm>>) target_semaphore(%run_scoped3A : memref<!tpu.dma_semaphore, #tpu.memory_space<semaphore_mem>>)
        %dma_wait3A = arith.constant 0 : i32
        %dma_wait3A_33 = tpu.memref_slice %arg5[%mul3A_0, %dma_wait3A] : memref<10112x128xf32, #tpu.memory_space<hbm>> -> memref<632x128xf32, #tpu.memory_space<hbm>>
        %dma_wait3A_34 = arith.constant 0 : i32
        %dma_wait3A_35 = tpu.memref_slice %arg7[%mul3A_0, %dma_wait3A_34] : memref<10112x128xf32, #tpu.memory_space<vmem_shared>> -> memref<632x128xf32, #tpu.memory_space<vmem_shared>>
        tpu.wait_dma2 semaphore(%run_scoped3A : memref<!tpu.dma_semaphore, #tpu.memory_space<semaphore_mem>>) src(%dma_wait3A_35 : memref<632x128xf32, #tpu.memory_space<vmem_shared>>) dst(%dma_wait3A_33 : memref<632x128xf32, #tpu.memory_space<hbm>>)
        tpu.yield
      }) : () -> ()
    } else {
    }
    %eq3A_24 = arith.constant 1 : i32
    %eq3A_25 = arith.cmpi eq, %arg0, %eq3A_24 : i32
    %convert_element_type3A_26 = arith.extui %eq3A_25 : i1 to i32
    %cond3A_27 = arith.constant 0 : i32
    %cond3A_28 = arith.cmpi ne, %convert_element_type3A_26, %cond3A_27 : i32
    scf.if %cond3A_28 {
      "tpu.region"() ({
        %run_scoped3A = tpu.sem_alloc : memref<!tpu.dma_semaphore, #tpu.memory_space<semaphore_mem>>
        %dma_start3A_29 = arith.constant 0 : i32
        %dma_start3A_30 = tpu.memref_slice %arg6[%mul3A_0, %dma_start3A_29] : memref<10112x128xf32, #tpu.memory_space<hbm>> -> memref<632x128xf32, #tpu.memory_space<hbm>>
        %dma_start3A_31 = arith.constant 0 : i32
        %dma_start3A_32 = tpu.memref_slice %arg7[%mul3A_0, %dma_start3A_31] : memref<10112x128xf32, #tpu.memory_space<vmem_shared>> -> memref<632x128xf32, #tpu.memory_space<vmem_shared>>
        tpu.enqueue_dma source(%dma_start3A_32 : memref<632x128xf32, #tpu.memory_space<vmem_shared>>) target(%dma_start3A_30 : memref<632x128xf32, #tpu.memory_space<hbm>>) target_semaphore(%run_scoped3A : memref<!tpu.dma_semaphore, #tpu.memory_space<semaphore_mem>>)
        %dma_wait3A = arith.constant 0 : i32
        %dma_wait3A_33 = tpu.memref_slice %arg6[%mul3A_0, %dma_wait3A] : memref<10112x128xf32, #tpu.memory_space<hbm>> -> memref<632x128xf32, #tpu.memory_space<hbm>>
        %dma_wait3A_34 = arith.constant 0 : i32
        %dma_wait3A_35 = tpu.memref_slice %arg7[%mul3A_0, %dma_wait3A_34] : memref<10112x128xf32, #tpu.memory_space<vmem_shared>> -> memref<632x128xf32, #tpu.memory_space<vmem_shared>>
        tpu.wait_dma2 semaphore(%run_scoped3A : memref<!tpu.dma_semaphore, #tpu.memory_space<semaphore_mem>>) src(%dma_wait3A_35 : memref<632x128xf32, #tpu.memory_space<vmem_shared>>) dst(%dma_wait3A_33 : memref<632x128xf32, #tpu.memory_space<hbm>>)
        tpu.yield
      }) : () -> ()
    } else {
    }
    return
  }
}

#map = affine_map<(d0, d1) -> (0, 0)>
#map1 = affine_map<(d0, d1) -> (0, 0, 0)>
module attributes {stable_mosaic.version = 14 : i64} {
  func.func @k(%arg0: i32, %arg1: i32, %arg2: memref<10000x128xf32, #tpu.memory_space<hbm>>, %arg3: memref<10000x128xf32, #tpu.memory_space<hbm>>, %arg4: memref<16x125x80xi32, #tpu.memory_space<hbm>>, %arg5: memref<16x125x80xi32, #tpu.memory_space<hbm>>, %arg6: memref<10112x128xf32, #tpu.memory_space<hbm>>, %arg7: memref<10112x128xf32, #tpu.memory_space<hbm>>, %arg8: memref<10112x128xf32, #tpu.memory_space<hbm>>, %arg9: memref<10112x128xf32, #tpu.memory_space<vmem_shared>>, %arg10: memref<2x80xi32, #tpu.memory_space<vmem>>, %arg11: memref<2x80xi32, #tpu.memory_space<vmem>>, %arg12: memref<2x80x128xf32, #tpu.memory_space<vmem>>, %arg13: memref<!tpu.dma_semaphore, #tpu.memory_space<semaphore_mem>>, %arg14: memref<!tpu.dma_semaphore, #tpu.memory_space<semaphore_mem>>) attributes {dimension_semantics = [#tpu.dimension_semantics<core_parallel>, #tpu.dimension_semantics<subcore_parallel>], iteration_bounds = array<i64: 2, 16>, scalar_prefetch = 0 : i64, scratch_operands = 6 : i64, tpu.core_type = #tpu.core_type<sc_vector_subcore>, window_params = [{transform_indices = #map}, {transform_indices = #map}, {transform_indices = #map1}, {transform_indices = #map1}, {transform_indices = #map}, {transform_indices = #map}, {transform_indices = #map}]} {
    %mul3A = arith.constant 632 : i32
    %mul3A_0 = arith.muli %arg1, %mul3A : i32
    "tpu.region"() ({
      %run_scoped3A = tpu.sem_alloc : memref<!tpu.dma_semaphore, #tpu.memory_space<semaphore_mem>>
      %dma_start3A = arith.constant 0 : i32
      %dma_start3A_19 = tpu.memref_slice %arg9[%mul3A_0, %dma_start3A] : memref<10112x128xf32, #tpu.memory_space<vmem_shared>> -> memref<632x128xf32, #tpu.memory_space<vmem_shared>>
      %dma_start3A_20 = arith.constant 0 : i32
      %dma_start3A_21 = tpu.memref_slice %arg6[%mul3A_0, %dma_start3A_20] : memref<10112x128xf32, #tpu.memory_space<hbm>> -> memref<632x128xf32, #tpu.memory_space<hbm>>
      tpu.enqueue_dma source(%dma_start3A_21 : memref<632x128xf32, #tpu.memory_space<hbm>>) target(%dma_start3A_19 : memref<632x128xf32, #tpu.memory_space<vmem_shared>>) target_semaphore(%run_scoped3A : memref<!tpu.dma_semaphore, #tpu.memory_space<semaphore_mem>>)
      %dma_wait3A = arith.constant 0 : i32
      %dma_wait3A_22 = tpu.memref_slice %arg9[%mul3A_0, %dma_wait3A] : memref<10112x128xf32, #tpu.memory_space<vmem_shared>> -> memref<632x128xf32, #tpu.memory_space<vmem_shared>>
      %dma_wait3A_23 = arith.constant 0 : i32
      %dma_wait3A_24 = tpu.memref_slice %arg6[%mul3A_0, %dma_wait3A_23] : memref<10112x128xf32, #tpu.memory_space<hbm>> -> memref<632x128xf32, #tpu.memory_space<hbm>>
      tpu.wait_dma2 semaphore(%run_scoped3A : memref<!tpu.dma_semaphore, #tpu.memory_space<semaphore_mem>>) src(%dma_wait3A_24 : memref<632x128xf32, #tpu.memory_space<hbm>>) dst(%dma_wait3A_22 : memref<632x128xf32, #tpu.memory_space<vmem_shared>>)
      tpu.yield
    }) : () -> ()
    %barrier3A = arith.constant 0 : index
    tpu.barrier barrier_id(%barrier3A)
    %eq3A = arith.constant 0 : i32
    %eq3A_1 = arith.cmpi eq, %arg0, %eq3A : i32
    %convert_element_type3A = arith.extui %eq3A_1 : i1 to i32
    %cond3A = arith.constant 0 : i32
    %cond3A_2 = arith.cmpi ne, %convert_element_type3A, %cond3A : i32
    scf.if %cond3A_2 {
      %run_scoped3A = arith.constant 0 : i32
      %run_scoped3A_19 = arith.constant 0 : i32
      "tpu.region"() ({
        %run_scoped3A_65 = tpu.sem_alloc : memref<!tpu.dma_semaphore, #tpu.memory_space<semaphore_mem>>
        %dma_start3A_66 = arith.constant 0 : i32
        %dma_start3A_67 = tpu.memref_slice %arg10[%run_scoped3A_19, %dma_start3A_66] : memref<2x80xi32, #tpu.memory_space<vmem>> -> memref<1x80xi32, #tpu.memory_space<vmem>>
        %dma_start3A_68 = tpu.memref_squeeze %dma_start3A_67 : memref<1x80xi32, #tpu.memory_space<vmem>> -> memref<80xi32, #tpu.memory_space<vmem>>
        %dma_start3A_69 = arith.constant 0 : i32
        %dma_start3A_70 = tpu.memref_slice %arg4[%arg1, %run_scoped3A, %dma_start3A_69] : memref<16x125x80xi32, #tpu.memory_space<hbm>> -> memref<1x1x80xi32, #tpu.memory_space<hbm>>
        %dma_start3A_71 = tpu.memref_squeeze %dma_start3A_70 : memref<1x1x80xi32, #tpu.memory_space<hbm>> -> memref<80xi32, #tpu.memory_space<hbm>>
        %dma_start3A_72 = arith.constant 0 : i32
        %dma_start3A_73 = tpu.memref_slice %arg10[%run_scoped3A_19, %dma_start3A_72] : memref<2x80xi32, #tpu.memory_space<vmem>> -> memref<1x80xi32, #tpu.memory_space<vmem>>
        %dma_start3A_74 = tpu.memref_squeeze %dma_start3A_73 : memref<1x80xi32, #tpu.memory_space<vmem>> -> memref<80xi32, #tpu.memory_space<vmem>>
        %dma_start3A_75 = arith.constant 0 : i32
        %dma_start3A_76 = tpu.memref_slice %arg4[%arg1, %run_scoped3A, %dma_start3A_75] : memref<16x125x80xi32, #tpu.memory_space<hbm>> -> memref<1x1x80xi32, #tpu.memory_space<hbm>>
        %dma_start3A_77 = tpu.memref_squeeze %dma_start3A_76 : memref<1x1x80xi32, #tpu.memory_space<hbm>> -> memref<80xi32, #tpu.memory_space<hbm>>
        tpu.enqueue_dma source(%dma_start3A_77 : memref<80xi32, #tpu.memory_space<hbm>>) target(%dma_start3A_74 : memref<80xi32, #tpu.memory_space<vmem>>) target_semaphore(%run_scoped3A_65 : memref<!tpu.dma_semaphore, #tpu.memory_space<semaphore_mem>>)
        %dma_wait3A = arith.constant 0 : i32
        %dma_wait3A_78 = tpu.memref_slice %arg10[%run_scoped3A_19, %dma_wait3A] : memref<2x80xi32, #tpu.memory_space<vmem>> -> memref<1x80xi32, #tpu.memory_space<vmem>>
        %dma_wait3A_79 = tpu.memref_squeeze %dma_wait3A_78 : memref<1x80xi32, #tpu.memory_space<vmem>> -> memref<80xi32, #tpu.memory_space<vmem>>
        %dma_wait3A_80 = arith.constant 0 : i32
        %dma_wait3A_81 = tpu.memref_slice %arg4[%arg1, %run_scoped3A, %dma_wait3A_80] : memref<16x125x80xi32, #tpu.memory_space<hbm>> -> memref<1x1x80xi32, #tpu.memory_space<hbm>>
        %dma_wait3A_82 = tpu.memref_squeeze %dma_wait3A_81 : memref<1x1x80xi32, #tpu.memory_space<hbm>> -> memref<80xi32, #tpu.memory_space<hbm>>
        %dma_wait3A_83 = arith.constant 0 : i32
        %dma_wait3A_84 = tpu.memref_slice %arg10[%run_scoped3A_19, %dma_wait3A_83] : memref<2x80xi32, #tpu.memory_space<vmem>> -> memref<1x80xi32, #tpu.memory_space<vmem>>
        %dma_wait3A_85 = tpu.memref_squeeze %dma_wait3A_84 : memref<1x80xi32, #tpu.memory_space<vmem>> -> memref<80xi32, #tpu.memory_space<vmem>>
        %dma_wait3A_86 = arith.constant 0 : i32
        %dma_wait3A_87 = tpu.memref_slice %arg4[%arg1, %run_scoped3A, %dma_wait3A_86] : memref<16x125x80xi32, #tpu.memory_space<hbm>> -> memref<1x1x80xi32, #tpu.memory_space<hbm>>
        %dma_wait3A_88 = tpu.memref_squeeze %dma_wait3A_87 : memref<1x1x80xi32, #tpu.memory_space<hbm>> -> memref<80xi32, #tpu.memory_space<hbm>>
        tpu.wait_dma2 semaphore(%run_scoped3A_65 : memref<!tpu.dma_semaphore, #tpu.memory_space<semaphore_mem>>) src(%dma_wait3A_88 : memref<80xi32, #tpu.memory_space<hbm>>) dst(%dma_wait3A_85 : memref<80xi32, #tpu.memory_space<vmem>>)
        tpu.yield
      }) : () -> ()
      %run_scoped3A_20 = arith.constant 0 : i32
      %run_scoped3A_21 = arith.constant 0 : i32
      "tpu.region"() ({
        %run_scoped3A_65 = tpu.sem_alloc : memref<!tpu.dma_semaphore, #tpu.memory_space<semaphore_mem>>
        %dma_start3A_66 = arith.constant 0 : i32
        %dma_start3A_67 = tpu.memref_slice %arg11[%run_scoped3A_21, %dma_start3A_66] : memref<2x80xi32, #tpu.memory_space<vmem>> -> memref<1x80xi32, #tpu.memory_space<vmem>>
        %dma_start3A_68 = tpu.memref_squeeze %dma_start3A_67 : memref<1x80xi32, #tpu.memory_space<vmem>> -> memref<80xi32, #tpu.memory_space<vmem>>
        %dma_start3A_69 = arith.constant 0 : i32
        %dma_start3A_70 = tpu.memref_slice %arg5[%arg1, %run_scoped3A_20, %dma_start3A_69] : memref<16x125x80xi32, #tpu.memory_space<hbm>> -> memref<1x1x80xi32, #tpu.memory_space<hbm>>
        %dma_start3A_71 = tpu.memref_squeeze %dma_start3A_70 : memref<1x1x80xi32, #tpu.memory_space<hbm>> -> memref<80xi32, #tpu.memory_space<hbm>>
        %dma_start3A_72 = arith.constant 0 : i32
        %dma_start3A_73 = tpu.memref_slice %arg11[%run_scoped3A_21, %dma_start3A_72] : memref<2x80xi32, #tpu.memory_space<vmem>> -> memref<1x80xi32, #tpu.memory_space<vmem>>
        %dma_start3A_74 = tpu.memref_squeeze %dma_start3A_73 : memref<1x80xi32, #tpu.memory_space<vmem>> -> memref<80xi32, #tpu.memory_space<vmem>>
        %dma_start3A_75 = arith.constant 0 : i32
        %dma_start3A_76 = tpu.memref_slice %arg5[%arg1, %run_scoped3A_20, %dma_start3A_75] : memref<16x125x80xi32, #tpu.memory_space<hbm>> -> memref<1x1x80xi32, #tpu.memory_space<hbm>>
        %dma_start3A_77 = tpu.memref_squeeze %dma_start3A_76 : memref<1x1x80xi32, #tpu.memory_space<hbm>> -> memref<80xi32, #tpu.memory_space<hbm>>
        tpu.enqueue_dma source(%dma_start3A_77 : memref<80xi32, #tpu.memory_space<hbm>>) target(%dma_start3A_74 : memref<80xi32, #tpu.memory_space<vmem>>) target_semaphore(%run_scoped3A_65 : memref<!tpu.dma_semaphore, #tpu.memory_space<semaphore_mem>>)
        %dma_wait3A = arith.constant 0 : i32
        %dma_wait3A_78 = tpu.memref_slice %arg11[%run_scoped3A_21, %dma_wait3A] : memref<2x80xi32, #tpu.memory_space<vmem>> -> memref<1x80xi32, #tpu.memory_space<vmem>>
        %dma_wait3A_79 = tpu.memref_squeeze %dma_wait3A_78 : memref<1x80xi32, #tpu.memory_space<vmem>> -> memref<80xi32, #tpu.memory_space<vmem>>
        %dma_wait3A_80 = arith.constant 0 : i32
        %dma_wait3A_81 = tpu.memref_slice %arg5[%arg1, %run_scoped3A_20, %dma_wait3A_80] : memref<16x125x80xi32, #tpu.memory_space<hbm>> -> memref<1x1x80xi32, #tpu.memory_space<hbm>>
        %dma_wait3A_82 = tpu.memref_squeeze %dma_wait3A_81 : memref<1x1x80xi32, #tpu.memory_space<hbm>> -> memref<80xi32, #tpu.memory_space<hbm>>
        %dma_wait3A_83 = arith.constant 0 : i32
        %dma_wait3A_84 = tpu.memref_slice %arg11[%run_scoped3A_21, %dma_wait3A_83] : memref<2x80xi32, #tpu.memory_space<vmem>> -> memref<1x80xi32, #tpu.memory_space<vmem>>
        %dma_wait3A_85 = tpu.memref_squeeze %dma_wait3A_84 : memref<1x80xi32, #tpu.memory_space<vmem>> -> memref<80xi32, #tpu.memory_space<vmem>>
        %dma_wait3A_86 = arith.constant 0 : i32
        %dma_wait3A_87 = tpu.memref_slice %arg5[%arg1, %run_scoped3A_20, %dma_wait3A_86] : memref<16x125x80xi32, #tpu.memory_space<hbm>> -> memref<1x1x80xi32, #tpu.memory_space<hbm>>
        %dma_wait3A_88 = tpu.memref_squeeze %dma_wait3A_87 : memref<1x1x80xi32, #tpu.memory_space<hbm>> -> memref<80xi32, #tpu.memory_space<hbm>>
        tpu.wait_dma2 semaphore(%run_scoped3A_65 : memref<!tpu.dma_semaphore, #tpu.memory_space<semaphore_mem>>) src(%dma_wait3A_88 : memref<80xi32, #tpu.memory_space<hbm>>) dst(%dma_wait3A_85 : memref<80xi32, #tpu.memory_space<vmem>>)
        tpu.yield
      }) : () -> ()
      %dma_start3A = arith.constant 0 : i32
      %dma_start3A_22 = arith.constant 0 : i32
      %dma_start3A_23 = arith.constant 0 : i32
      %dma_start3A_24 = arith.constant 0 : i32
      %dma_start3A_25 = tpu.memref_slice %arg12[%dma_start3A_22, %dma_start3A_23, %dma_start3A_24] : memref<2x80x128xf32, #tpu.memory_space<vmem>> -> memref<1x80x128xf32, #tpu.memory_space<vmem>>
      %dma_start3A_26 = tpu.memref_squeeze %dma_start3A_25 : memref<1x80x128xf32, #tpu.memory_space<vmem>> -> memref<80x128xf32, #tpu.memory_space<vmem>>
      %dma_start3A_27 = arith.constant 0 : i32
      %dma_start3A_28 = tpu.memref_slice %arg11[%dma_start3A, %dma_start3A_27] : memref<2x80xi32, #tpu.memory_space<vmem>> -> memref<1x80xi32, #tpu.memory_space<vmem>>
      %dma_start3A_29 = tpu.memref_squeeze %dma_start3A_28 : memref<1x80xi32, #tpu.memory_space<vmem>> -> memref<80xi32, #tpu.memory_space<vmem>>
      %dma_start3A_30 = arith.constant 0 : i32
      %dma_start3A_31 = arith.constant 0 : i32
      %dma_start3A_32 = tpu.memref_slice %arg2[%dma_start3A_30, %dma_start3A_31] : memref<10000x128xf32, #tpu.memory_space<hbm>> -> memref<10000x128xf32, #tpu.memory_space<hbm>>
      tpu.enqueue_indirect_dma source(%dma_start3A_32 : memref<10000x128xf32, #tpu.memory_space<hbm>>) target(%dma_start3A_26 : memref<80x128xf32, #tpu.memory_space<vmem>>) offsets(%dma_start3A_29 : memref<80xi32, #tpu.memory_space<vmem>>) semaphore(%arg14 : memref<!tpu.dma_semaphore, #tpu.memory_space<semaphore_mem>>)
      %dma_start3A_33 = arith.constant 1 : i32
      %dma_start3A_34 = arith.constant 1 : i32
      %dma_start3A_35 = arith.constant 0 : i32
      %dma_start3A_36 = tpu.memref_slice %arg10[%dma_start3A_34, %dma_start3A_35] : memref<2x80xi32, #tpu.memory_space<vmem>> -> memref<1x80xi32, #tpu.memory_space<vmem>>
      %dma_start3A_37 = tpu.memref_squeeze %dma_start3A_36 : memref<1x80xi32, #tpu.memory_space<vmem>> -> memref<80xi32, #tpu.memory_space<vmem>>
      %dma_start3A_38 = arith.constant 0 : i32
      %dma_start3A_39 = tpu.memref_slice %arg4[%arg1, %dma_start3A_33, %dma_start3A_38] : memref<16x125x80xi32, #tpu.memory_space<hbm>> -> memref<1x1x80xi32, #tpu.memory_space<hbm>>
      %dma_start3A_40 = tpu.memref_squeeze %dma_start3A_39 : memref<1x1x80xi32, #tpu.memory_space<hbm>> -> memref<80xi32, #tpu.memory_space<hbm>>
      %dma_start3A_41 = arith.constant 0 : i32
      %dma_start3A_42 = tpu.memref_slice %arg10[%dma_start3A_34, %dma_start3A_41] : memref<2x80xi32, #tpu.memory_space<vmem>> -> memref<1x80xi32, #tpu.memory_space<vmem>>
      %dma_start3A_43 = tpu.memref_squeeze %dma_start3A_42 : memref<1x80xi32, #tpu.memory_space<vmem>> -> memref<80xi32, #tpu.memory_space<vmem>>
      %dma_start3A_44 = arith.constant 0 : i32
      %dma_start3A_45 = tpu.memref_slice %arg4[%arg1, %dma_start3A_33, %dma_start3A_44] : memref<16x125x80xi32, #tpu.memory_space<hbm>> -> memref<1x1x80xi32, #tpu.memory_space<hbm>>
      %dma_start3A_46 = tpu.memref_squeeze %dma_start3A_45 : memref<1x1x80xi32, #tpu.memory_space<hbm>> -> memref<80xi32, #tpu.memory_space<hbm>>
      tpu.enqueue_dma source(%dma_start3A_46 : memref<80xi32, #tpu.memory_space<hbm>>) target(%dma_start3A_43 : memref<80xi32, #tpu.memory_space<vmem>>) target_semaphore(%arg13 : memref<!tpu.dma_semaphore, #tpu.memory_space<semaphore_mem>>)
      %dma_start3A_47 = arith.constant 1 : i32
      %dma_start3A_48 = arith.constant 1 : i32
      %dma_start3A_49 = arith.constant 0 : i32
      %dma_start3A_50 = tpu.memref_slice %arg11[%dma_start3A_48, %dma_start3A_49] : memref<2x80xi32, #tpu.memory_space<vmem>> -> memref<1x80xi32, #tpu.memory_space<vmem>>
      %dma_start3A_51 = tpu.memref_squeeze %dma_start3A_50 : memref<1x80xi32, #tpu.memory_space<vmem>> -> memref<80xi32, #tpu.memory_space<vmem>>
      %dma_start3A_52 = arith.constant 0 : i32
      %dma_start3A_53 = tpu.memref_slice %arg5[%arg1, %dma_start3A_47, %dma_start3A_52] : memref<16x125x80xi32, #tpu.memory_space<hbm>> -> memref<1x1x80xi32, #tpu.memory_space<hbm>>
      %dma_start3A_54 = tpu.memref_squeeze %dma_start3A_53 : memref<1x1x80xi32, #tpu.memory_space<hbm>> -> memref<80xi32, #tpu.memory_space<hbm>>
      %dma_start3A_55 = arith.constant 0 : i32
      %dma_start3A_56 = tpu.memref_slice %arg11[%dma_start3A_48, %dma_start3A_55] : memref<2x80xi32, #tpu.memory_space<vmem>> -> memref<1x80xi32, #tpu.memory_space<vmem>>
      %dma_start3A_57 = tpu.memref_squeeze %dma_start3A_56 : memref<1x80xi32, #tpu.memory_space<vmem>> -> memref<80xi32, #tpu.memory_space<vmem>>
      %dma_start3A_58 = arith.constant 0 : i32
      %dma_start3A_59 = tpu.memref_slice %arg5[%arg1, %dma_start3A_47, %dma_start3A_58] : memref<16x125x80xi32, #tpu.memory_space<hbm>> -> memref<1x1x80xi32, #tpu.memory_space<hbm>>
      %dma_start3A_60 = tpu.memref_squeeze %dma_start3A_59 : memref<1x1x80xi32, #tpu.memory_space<hbm>> -> memref<80xi32, #tpu.memory_space<hbm>>
      tpu.enqueue_dma source(%dma_start3A_60 : memref<80xi32, #tpu.memory_space<hbm>>) target(%dma_start3A_57 : memref<80xi32, #tpu.memory_space<vmem>>) target_semaphore(%arg13 : memref<!tpu.dma_semaphore, #tpu.memory_space<semaphore_mem>>)
      %scan3A = arith.constant 0 : i32
      %scan3A_61 = arith.constant 125 : i32
      %scan3A_62 = arith.addi %scan3A, %scan3A_61 : i32
      %scan3A_63 = arith.constant 1 : i32
      scf.for %scan3A_65 = %scan3A to %scan3A_62 step %scan3A_63  : i32 {
        %rem3A = arith.constant 2 : i32
        %rem3A_66 = arith.remsi %scan3A_65, %rem3A : i32
        %add3A = arith.constant 1 : i32
        %add3A_67 = arith.addi %scan3A_65, %add3A : i32
        %rem3A_68 = arith.constant 2 : i32
        %rem3A_69 = arith.remsi %add3A_67, %rem3A_68 : i32
        %add3A_70 = arith.constant 1 : i32
        %add3A_71 = arith.addi %scan3A_65, %add3A_70 : i32
        %lt3A = arith.constant 125 : i32
        %lt3A_72 = arith.cmpi slt, %add3A_71, %lt3A : i32
        %convert_element_type3A_73 = arith.extui %lt3A_72 : i1 to i32
        %cond3A_74 = arith.constant 0 : i32
        %cond3A_75 = arith.cmpi ne, %convert_element_type3A_73, %cond3A_74 : i32
        scf.if %cond3A_75 {
          %dma_wait3A_96 = arith.constant 0 : i32
          %dma_wait3A_97 = arith.constant 0 : i32
          %dma_wait3A_98 = tpu.memref_slice %arg10[%rem3A_69, %dma_wait3A_97] : memref<2x80xi32, #tpu.memory_space<vmem>> -> memref<1x80xi32, #tpu.memory_space<vmem>>
          %dma_wait3A_99 = tpu.memref_squeeze %dma_wait3A_98 : memref<1x80xi32, #tpu.memory_space<vmem>> -> memref<80xi32, #tpu.memory_space<vmem>>
          %dma_wait3A_100 = arith.constant 0 : i32
          %dma_wait3A_101 = tpu.memref_slice %arg4[%arg1, %dma_wait3A_96, %dma_wait3A_100] : memref<16x125x80xi32, #tpu.memory_space<hbm>> -> memref<1x1x80xi32, #tpu.memory_space<hbm>>
          %dma_wait3A_102 = tpu.memref_squeeze %dma_wait3A_101 : memref<1x1x80xi32, #tpu.memory_space<hbm>> -> memref<80xi32, #tpu.memory_space<hbm>>
          %dma_wait3A_103 = arith.constant 0 : i32
          %dma_wait3A_104 = tpu.memref_slice %arg10[%rem3A_69, %dma_wait3A_103] : memref<2x80xi32, #tpu.memory_space<vmem>> -> memref<1x80xi32, #tpu.memory_space<vmem>>
          %dma_wait3A_105 = tpu.memref_squeeze %dma_wait3A_104 : memref<1x80xi32, #tpu.memory_space<vmem>> -> memref<80xi32, #tpu.memory_space<vmem>>
          %dma_wait3A_106 = arith.constant 0 : i32
          %dma_wait3A_107 = tpu.memref_slice %arg4[%arg1, %dma_wait3A_96, %dma_wait3A_106] : memref<16x125x80xi32, #tpu.memory_space<hbm>> -> memref<1x1x80xi32, #tpu.memory_space<hbm>>
          %dma_wait3A_108 = tpu.memref_squeeze %dma_wait3A_107 : memref<1x1x80xi32, #tpu.memory_space<hbm>> -> memref<80xi32, #tpu.memory_space<hbm>>
          tpu.wait_dma2 semaphore(%arg13 : memref<!tpu.dma_semaphore, #tpu.memory_space<semaphore_mem>>) src(%dma_wait3A_108 : memref<80xi32, #tpu.memory_space<hbm>>) dst(%dma_wait3A_105 : memref<80xi32, #tpu.memory_space<vmem>>)
          %dma_wait3A_109 = arith.constant 0 : i32
          %dma_wait3A_110 = arith.constant 0 : i32
          %dma_wait3A_111 = tpu.memref_slice %arg11[%rem3A_69, %dma_wait3A_110] : memref<2x80xi32, #tpu.memory_space<vmem>> -> memref<1x80xi32, #tpu.memory_space<vmem>>
          %dma_wait3A_112 = tpu.memref_squeeze %dma_wait3A_111 : memref<1x80xi32, #tpu.memory_space<vmem>> -> memref<80xi32, #tpu.memory_space<vmem>>
          %dma_wait3A_113 = arith.constant 0 : i32
          %dma_wait3A_114 = tpu.memref_slice %arg5[%arg1, %dma_wait3A_109, %dma_wait3A_113] : memref<16x125x80xi32, #tpu.memory_space<hbm>> -> memref<1x1x80xi32, #tpu.memory_space<hbm>>
          %dma_wait3A_115 = tpu.memref_squeeze %dma_wait3A_114 : memref<1x1x80xi32, #tpu.memory_space<hbm>> -> memref<80xi32, #tpu.memory_space<hbm>>
          %dma_wait3A_116 = arith.constant 0 : i32
          %dma_wait3A_117 = tpu.memref_slice %arg11[%rem3A_69, %dma_wait3A_116] : memref<2x80xi32, #tpu.memory_space<vmem>> -> memref<1x80xi32, #tpu.memory_space<vmem>>
          %dma_wait3A_118 = tpu.memref_squeeze %dma_wait3A_117 : memref<1x80xi32, #tpu.memory_space<vmem>> -> memref<80xi32, #tpu.memory_space<vmem>>
          %dma_wait3A_119 = arith.constant 0 : i32
          %dma_wait3A_120 = tpu.memref_slice %arg5[%arg1, %dma_wait3A_109, %dma_wait3A_119] : memref<16x125x80xi32, #tpu.memory_space<hbm>> -> memref<1x1x80xi32, #tpu.memory_space<hbm>>
          %dma_wait3A_121 = tpu.memref_squeeze %dma_wait3A_120 : memref<1x1x80xi32, #tpu.memory_space<hbm>> -> memref<80xi32, #tpu.memory_space<hbm>>
          tpu.wait_dma2 semaphore(%arg13 : memref<!tpu.dma_semaphore, #tpu.memory_space<semaphore_mem>>) src(%dma_wait3A_121 : memref<80xi32, #tpu.memory_space<hbm>>) dst(%dma_wait3A_118 : memref<80xi32, #tpu.memory_space<vmem>>)
          %dma_start3A_122 = arith.constant 0 : i32
          %dma_start3A_123 = arith.constant 0 : i32
          %dma_start3A_124 = tpu.memref_slice %arg12[%rem3A_69, %dma_start3A_122, %dma_start3A_123] : memref<2x80x128xf32, #tpu.memory_space<vmem>> -> memref<1x80x128xf32, #tpu.memory_space<vmem>>
          %dma_start3A_125 = tpu.memref_squeeze %dma_start3A_124 : memref<1x80x128xf32, #tpu.memory_space<vmem>> -> memref<80x128xf32, #tpu.memory_space<vmem>>
          %dma_start3A_126 = arith.constant 0 : i32
          %dma_start3A_127 = tpu.memref_slice %arg11[%rem3A_69, %dma_start3A_126] : memref<2x80xi32, #tpu.memory_space<vmem>> -> memref<1x80xi32, #tpu.memory_space<vmem>>
          %dma_start3A_128 = tpu.memref_squeeze %dma_start3A_127 : memref<1x80xi32, #tpu.memory_space<vmem>> -> memref<80xi32, #tpu.memory_space<vmem>>
          %dma_start3A_129 = arith.constant 0 : i32
          %dma_start3A_130 = arith.constant 0 : i32
          %dma_start3A_131 = tpu.memref_slice %arg2[%dma_start3A_129, %dma_start3A_130] : memref<10000x128xf32, #tpu.memory_space<hbm>> -> memref<10000x128xf32, #tpu.memory_space<hbm>>
          tpu.enqueue_indirect_dma source(%dma_start3A_131 : memref<10000x128xf32, #tpu.memory_space<hbm>>) target(%dma_start3A_125 : memref<80x128xf32, #tpu.memory_space<vmem>>) offsets(%dma_start3A_128 : memref<80xi32, #tpu.memory_space<vmem>>) semaphore(%arg14 : memref<!tpu.dma_semaphore, #tpu.memory_space<semaphore_mem>>)
        } else {
        }
        %dma_wait3A = arith.constant 0 : i32
        %dma_wait3A_76 = arith.constant 0 : i32
        %dma_wait3A_77 = tpu.memref_slice %arg12[%rem3A_66, %dma_wait3A, %dma_wait3A_76] : memref<2x80x128xf32, #tpu.memory_space<vmem>> -> memref<1x80x128xf32, #tpu.memory_space<vmem>>
        %dma_wait3A_78 = tpu.memref_squeeze %dma_wait3A_77 : memref<1x80x128xf32, #tpu.memory_space<vmem>> -> memref<80x128xf32, #tpu.memory_space<vmem>>
        %dma_wait3A_79 = arith.constant 0 : i32
        %dma_wait3A_80 = arith.constant 0 : i32
        %dma_wait3A_81 = tpu.memref_slice %arg2[%dma_wait3A_79, %dma_wait3A_80] : memref<10000x128xf32, #tpu.memory_space<hbm>> -> memref<80x128xf32, #tpu.memory_space<hbm>>
        %dma_wait3A_82 = arith.constant 0 : i32
        %dma_wait3A_83 = arith.constant 0 : i32
        %dma_wait3A_84 = tpu.memref_slice %arg12[%rem3A_66, %dma_wait3A_82, %dma_wait3A_83] : memref<2x80x128xf32, #tpu.memory_space<vmem>> -> memref<1x80x128xf32, #tpu.memory_space<vmem>>
        %dma_wait3A_85 = tpu.memref_squeeze %dma_wait3A_84 : memref<1x80x128xf32, #tpu.memory_space<vmem>> -> memref<80x128xf32, #tpu.memory_space<vmem>>
        %dma_wait3A_86 = arith.constant 0 : i32
        %dma_wait3A_87 = arith.constant 0 : i32
        %dma_wait3A_88 = tpu.memref_slice %arg2[%dma_wait3A_86, %dma_wait3A_87] : memref<10000x128xf32, #tpu.memory_space<hbm>> -> memref<80x128xf32, #tpu.memory_space<hbm>>
        tpu.wait_dma2 semaphore(%arg14 : memref<!tpu.dma_semaphore, #tpu.memory_space<semaphore_mem>>) src(%dma_wait3A_88 : memref<80x128xf32, #tpu.memory_space<hbm>>) dst(%dma_wait3A_85 : memref<80x128xf32, #tpu.memory_space<vmem>>)
        "tpu.region"() ({
          %run_scoped3A_96 = tpu.sem_alloc : memref<!tpu.dma_semaphore, #tpu.memory_space<semaphore_mem>>
          %dma_start3A_97 = arith.constant 0 : i32
          %dma_start3A_98 = arith.constant 0 : i32
          %dma_start3A_99 = tpu.memref_slice %arg12[%rem3A_66, %dma_start3A_97, %dma_start3A_98] : memref<2x80x128xf32, #tpu.memory_space<vmem>> -> memref<1x80x128xf32, #tpu.memory_space<vmem>>
          %dma_start3A_100 = tpu.memref_squeeze %dma_start3A_99 : memref<1x80x128xf32, #tpu.memory_space<vmem>> -> memref<80x128xf32, #tpu.memory_space<vmem>>
          %dma_start3A_101 = arith.constant 0 : i32
          %dma_start3A_102 = tpu.memref_slice %arg10[%rem3A_66, %dma_start3A_101] : memref<2x80xi32, #tpu.memory_space<vmem>> -> memref<1x80xi32, #tpu.memory_space<vmem>>
          %dma_start3A_103 = tpu.memref_squeeze %dma_start3A_102 : memref<1x80xi32, #tpu.memory_space<vmem>> -> memref<80xi32, #tpu.memory_space<vmem>>
          %dma_start3A_104 = arith.constant 0 : i32
          %dma_start3A_105 = arith.constant 0 : i32
          %dma_start3A_106 = tpu.memref_slice %arg9[%dma_start3A_104, %dma_start3A_105] : memref<10112x128xf32, #tpu.memory_space<vmem_shared>> -> memref<10112x128xf32, #tpu.memory_space<vmem_shared>>
          tpu.enqueue_indirect_dma source(%dma_start3A_100 : memref<80x128xf32, #tpu.memory_space<vmem>>) target(%dma_start3A_106 : memref<10112x128xf32, #tpu.memory_space<vmem_shared>>) offsets(%dma_start3A_103 : memref<80xi32, #tpu.memory_space<vmem>>) semaphore(%run_scoped3A_96 : memref<!tpu.dma_semaphore, #tpu.memory_space<semaphore_mem>>) {add = true}
          %dma_wait3A_107 = arith.constant 0 : i32
          %dma_wait3A_108 = arith.constant 0 : i32
          %dma_wait3A_109 = tpu.memref_slice %arg12[%rem3A_66, %dma_wait3A_107, %dma_wait3A_108] : memref<2x80x128xf32, #tpu.memory_space<vmem>> -> memref<1x80x128xf32, #tpu.memory_space<vmem>>
          %dma_wait3A_110 = tpu.memref_squeeze %dma_wait3A_109 : memref<1x80x128xf32, #tpu.memory_space<vmem>> -> memref<80x128xf32, #tpu.memory_space<vmem>>
          %dma_wait3A_111 = arith.constant 0 : i32
          %dma_wait3A_112 = tpu.memref_slice %arg10[%rem3A_66, %dma_wait3A_111] : memref<2x80xi32, #tpu.memory_space<vmem>> -> memref<1x80xi32, #tpu.memory_space<vmem>>
          %dma_wait3A_113 = tpu.memref_squeeze %dma_wait3A_112 : memref<1x80xi32, #tpu.memory_space<vmem>> -> memref<80xi32, #tpu.memory_space<vmem>>
          %dma_wait3A_114 = arith.constant 0 : i32
          %dma_wait3A_115 = arith.constant 0 : i32
          %dma_wait3A_116 = tpu.memref_slice %arg9[%dma_wait3A_114, %dma_wait3A_115] : memref<10112x128xf32, #tpu.memory_space<vmem_shared>> -> memref<10112x128xf32, #tpu.memory_space<vmem_shared>>
          tpu.wait_indirect_dma semaphore(%run_scoped3A_96 : memref<!tpu.dma_semaphore, #tpu.memory_space<semaphore_mem>>) src(%dma_wait3A_110 : memref<80x128xf32, #tpu.memory_space<vmem>>) dst(%dma_wait3A_116 : memref<10112x128xf32, #tpu.memory_space<vmem_shared>>)
          tpu.yield
        }) : () -> ()
        %add3A_89 = arith.constant 2 : i32
        %add3A_90 = arith.addi %scan3A_65, %add3A_89 : i32
        %lt3A_91 = arith.constant 125 : i32
        %lt3A_92 = arith.cmpi slt, %add3A_90, %lt3A_91 : i32
        %convert_element_type3A_93 = arith.extui %lt3A_92 : i1 to i32
        %cond3A_94 = arith.constant 0 : i32
        %cond3A_95 = arith.cmpi ne, %convert_element_type3A_93, %cond3A_94 : i32
        scf.if %cond3A_95 {
          %add3A_96 = arith.constant 2 : i32
          %add3A_97 = arith.addi %scan3A_65, %add3A_96 : i32
          %dma_start3A_98 = arith.constant 0 : i32
          %dma_start3A_99 = tpu.memref_slice %arg10[%rem3A_66, %dma_start3A_98] : memref<2x80xi32, #tpu.memory_space<vmem>> -> memref<1x80xi32, #tpu.memory_space<vmem>>
          %dma_start3A_100 = tpu.memref_squeeze %dma_start3A_99 : memref<1x80xi32, #tpu.memory_space<vmem>> -> memref<80xi32, #tpu.memory_space<vmem>>
          %dma_start3A_101 = arith.constant 0 : i32
          %dma_start3A_102 = tpu.memref_slice %arg4[%arg1, %add3A_97, %dma_start3A_101] : memref<16x125x80xi32, #tpu.memory_space<hbm>> -> memref<1x1x80xi32, #tpu.memory_space<hbm>>
          %dma_start3A_103 = tpu.memref_squeeze %dma_start3A_102 : memref<1x1x80xi32, #tpu.memory_space<hbm>> -> memref<80xi32, #tpu.memory_space<hbm>>
          %dma_start3A_104 = arith.constant 0 : i32
          %dma_start3A_105 = tpu.memref_slice %arg10[%rem3A_66, %dma_start3A_104] : memref<2x80xi32, #tpu.memory_space<vmem>> -> memref<1x80xi32, #tpu.memory_space<vmem>>
          %dma_start3A_106 = tpu.memref_squeeze %dma_start3A_105 : memref<1x80xi32, #tpu.memory_space<vmem>> -> memref<80xi32, #tpu.memory_space<vmem>>
          %dma_start3A_107 = arith.constant 0 : i32
          %dma_start3A_108 = tpu.memref_slice %arg4[%arg1, %add3A_97, %dma_start3A_107] : memref<16x125x80xi32, #tpu.memory_space<hbm>> -> memref<1x1x80xi32, #tpu.memory_space<hbm>>
          %dma_start3A_109 = tpu.memref_squeeze %dma_start3A_108 : memref<1x1x80xi32, #tpu.memory_space<hbm>> -> memref<80xi32, #tpu.memory_space<hbm>>
          tpu.enqueue_dma source(%dma_start3A_109 : memref<80xi32, #tpu.memory_space<hbm>>) target(%dma_start3A_106 : memref<80xi32, #tpu.memory_space<vmem>>) target_semaphore(%arg13 : memref<!tpu.dma_semaphore, #tpu.memory_space<semaphore_mem>>)
          %add3A_110 = arith.constant 2 : i32
          %add3A_111 = arith.addi %scan3A_65, %add3A_110 : i32
          %dma_start3A_112 = arith.constant 0 : i32
          %dma_start3A_113 = tpu.memref_slice %arg11[%rem3A_66, %dma_start3A_112] : memref<2x80xi32, #tpu.memory_space<vmem>> -> memref<1x80xi32, #tpu.memory_space<vmem>>
          %dma_start3A_114 = tpu.memref_squeeze %dma_start3A_113 : memref<1x80xi32, #tpu.memory_space<vmem>> -> memref<80xi32, #tpu.memory_space<vmem>>
          %dma_start3A_115 = arith.constant 0 : i32
          %dma_start3A_116 = tpu.memref_slice %arg5[%arg1, %add3A_111, %dma_start3A_115] : memref<16x125x80xi32, #tpu.memory_space<hbm>> -> memref<1x1x80xi32, #tpu.memory_space<hbm>>
          %dma_start3A_117 = tpu.memref_squeeze %dma_start3A_116 : memref<1x1x80xi32, #tpu.memory_space<hbm>> -> memref<80xi32, #tpu.memory_space<hbm>>
          %dma_start3A_118 = arith.constant 0 : i32
          %dma_start3A_119 = tpu.memref_slice %arg11[%rem3A_66, %dma_start3A_118] : memref<2x80xi32, #tpu.memory_space<vmem>> -> memref<1x80xi32, #tpu.memory_space<vmem>>
          %dma_start3A_120 = tpu.memref_squeeze %dma_start3A_119 : memref<1x80xi32, #tpu.memory_space<vmem>> -> memref<80xi32, #tpu.memory_space<vmem>>
          %dma_start3A_121 = arith.constant 0 : i32
          %dma_start3A_122 = tpu.memref_slice %arg5[%arg1, %add3A_111, %dma_start3A_121] : memref<16x125x80xi32, #tpu.memory_space<hbm>> -> memref<1x1x80xi32, #tpu.memory_space<hbm>>
          %dma_start3A_123 = tpu.memref_squeeze %dma_start3A_122 : memref<1x1x80xi32, #tpu.memory_space<hbm>> -> memref<80xi32, #tpu.memory_space<hbm>>
          tpu.enqueue_dma source(%dma_start3A_123 : memref<80xi32, #tpu.memory_space<hbm>>) target(%dma_start3A_120 : memref<80xi32, #tpu.memory_space<vmem>>) target_semaphore(%arg13 : memref<!tpu.dma_semaphore, #tpu.memory_space<semaphore_mem>>)
        } else {
        }
      }
      %scan3A_64 = arith.constant 125 : i32
    } else {
    }
    %eq3A_3 = arith.constant 1 : i32
    %eq3A_4 = arith.cmpi eq, %arg0, %eq3A_3 : i32
    %convert_element_type3A_5 = arith.extui %eq3A_4 : i1 to i32
    %cond3A_6 = arith.constant 0 : i32
    %cond3A_7 = arith.cmpi ne, %convert_element_type3A_5, %cond3A_6 : i32
    scf.if %cond3A_7 {
      %run_scoped3A = arith.constant 0 : i32
      %run_scoped3A_19 = arith.constant 0 : i32
      "tpu.region"() ({
        %run_scoped3A_65 = tpu.sem_alloc : memref<!tpu.dma_semaphore, #tpu.memory_space<semaphore_mem>>
        %dma_start3A_66 = arith.constant 0 : i32
        %dma_start3A_67 = tpu.memref_slice %arg10[%run_scoped3A_19, %dma_start3A_66] : memref<2x80xi32, #tpu.memory_space<vmem>> -> memref<1x80xi32, #tpu.memory_space<vmem>>
        %dma_start3A_68 = tpu.memref_squeeze %dma_start3A_67 : memref<1x80xi32, #tpu.memory_space<vmem>> -> memref<80xi32, #tpu.memory_space<vmem>>
        %dma_start3A_69 = arith.constant 0 : i32
        %dma_start3A_70 = tpu.memref_slice %arg4[%arg1, %run_scoped3A, %dma_start3A_69] : memref<16x125x80xi32, #tpu.memory_space<hbm>> -> memref<1x1x80xi32, #tpu.memory_space<hbm>>
        %dma_start3A_71 = tpu.memref_squeeze %dma_start3A_70 : memref<1x1x80xi32, #tpu.memory_space<hbm>> -> memref<80xi32, #tpu.memory_space<hbm>>
        %dma_start3A_72 = arith.constant 0 : i32
        %dma_start3A_73 = tpu.memref_slice %arg10[%run_scoped3A_19, %dma_start3A_72] : memref<2x80xi32, #tpu.memory_space<vmem>> -> memref<1x80xi32, #tpu.memory_space<vmem>>
        %dma_start3A_74 = tpu.memref_squeeze %dma_start3A_73 : memref<1x80xi32, #tpu.memory_space<vmem>> -> memref<80xi32, #tpu.memory_space<vmem>>
        %dma_start3A_75 = arith.constant 0 : i32
        %dma_start3A_76 = tpu.memref_slice %arg4[%arg1, %run_scoped3A, %dma_start3A_75] : memref<16x125x80xi32, #tpu.memory_space<hbm>> -> memref<1x1x80xi32, #tpu.memory_space<hbm>>
        %dma_start3A_77 = tpu.memref_squeeze %dma_start3A_76 : memref<1x1x80xi32, #tpu.memory_space<hbm>> -> memref<80xi32, #tpu.memory_space<hbm>>
        tpu.enqueue_dma source(%dma_start3A_77 : memref<80xi32, #tpu.memory_space<hbm>>) target(%dma_start3A_74 : memref<80xi32, #tpu.memory_space<vmem>>) target_semaphore(%run_scoped3A_65 : memref<!tpu.dma_semaphore, #tpu.memory_space<semaphore_mem>>)
        %dma_wait3A = arith.constant 0 : i32
        %dma_wait3A_78 = tpu.memref_slice %arg10[%run_scoped3A_19, %dma_wait3A] : memref<2x80xi32, #tpu.memory_space<vmem>> -> memref<1x80xi32, #tpu.memory_space<vmem>>
        %dma_wait3A_79 = tpu.memref_squeeze %dma_wait3A_78 : memref<1x80xi32, #tpu.memory_space<vmem>> -> memref<80xi32, #tpu.memory_space<vmem>>
        %dma_wait3A_80 = arith.constant 0 : i32
        %dma_wait3A_81 = tpu.memref_slice %arg4[%arg1, %run_scoped3A, %dma_wait3A_80] : memref<16x125x80xi32, #tpu.memory_space<hbm>> -> memref<1x1x80xi32, #tpu.memory_space<hbm>>
        %dma_wait3A_82 = tpu.memref_squeeze %dma_wait3A_81 : memref<1x1x80xi32, #tpu.memory_space<hbm>> -> memref<80xi32, #tpu.memory_space<hbm>>
        %dma_wait3A_83 = arith.constant 0 : i32
        %dma_wait3A_84 = tpu.memref_slice %arg10[%run_scoped3A_19, %dma_wait3A_83] : memref<2x80xi32, #tpu.memory_space<vmem>> -> memref<1x80xi32, #tpu.memory_space<vmem>>
        %dma_wait3A_85 = tpu.memref_squeeze %dma_wait3A_84 : memref<1x80xi32, #tpu.memory_space<vmem>> -> memref<80xi32, #tpu.memory_space<vmem>>
        %dma_wait3A_86 = arith.constant 0 : i32
        %dma_wait3A_87 = tpu.memref_slice %arg4[%arg1, %run_scoped3A, %dma_wait3A_86] : memref<16x125x80xi32, #tpu.memory_space<hbm>> -> memref<1x1x80xi32, #tpu.memory_space<hbm>>
        %dma_wait3A_88 = tpu.memref_squeeze %dma_wait3A_87 : memref<1x1x80xi32, #tpu.memory_space<hbm>> -> memref<80xi32, #tpu.memory_space<hbm>>
        tpu.wait_dma2 semaphore(%run_scoped3A_65 : memref<!tpu.dma_semaphore, #tpu.memory_space<semaphore_mem>>) src(%dma_wait3A_88 : memref<80xi32, #tpu.memory_space<hbm>>) dst(%dma_wait3A_85 : memref<80xi32, #tpu.memory_space<vmem>>)
        tpu.yield
      }) : () -> ()
      %run_scoped3A_20 = arith.constant 0 : i32
      %run_scoped3A_21 = arith.constant 0 : i32
      "tpu.region"() ({
        %run_scoped3A_65 = tpu.sem_alloc : memref<!tpu.dma_semaphore, #tpu.memory_space<semaphore_mem>>
        %dma_start3A_66 = arith.constant 0 : i32
        %dma_start3A_67 = tpu.memref_slice %arg11[%run_scoped3A_21, %dma_start3A_66] : memref<2x80xi32, #tpu.memory_space<vmem>> -> memref<1x80xi32, #tpu.memory_space<vmem>>
        %dma_start3A_68 = tpu.memref_squeeze %dma_start3A_67 : memref<1x80xi32, #tpu.memory_space<vmem>> -> memref<80xi32, #tpu.memory_space<vmem>>
        %dma_start3A_69 = arith.constant 0 : i32
        %dma_start3A_70 = tpu.memref_slice %arg5[%arg1, %run_scoped3A_20, %dma_start3A_69] : memref<16x125x80xi32, #tpu.memory_space<hbm>> -> memref<1x1x80xi32, #tpu.memory_space<hbm>>
        %dma_start3A_71 = tpu.memref_squeeze %dma_start3A_70 : memref<1x1x80xi32, #tpu.memory_space<hbm>> -> memref<80xi32, #tpu.memory_space<hbm>>
        %dma_start3A_72 = arith.constant 0 : i32
        %dma_start3A_73 = tpu.memref_slice %arg11[%run_scoped3A_21, %dma_start3A_72] : memref<2x80xi32, #tpu.memory_space<vmem>> -> memref<1x80xi32, #tpu.memory_space<vmem>>
        %dma_start3A_74 = tpu.memref_squeeze %dma_start3A_73 : memref<1x80xi32, #tpu.memory_space<vmem>> -> memref<80xi32, #tpu.memory_space<vmem>>
        %dma_start3A_75 = arith.constant 0 : i32
        %dma_start3A_76 = tpu.memref_slice %arg5[%arg1, %run_scoped3A_20, %dma_start3A_75] : memref<16x125x80xi32, #tpu.memory_space<hbm>> -> memref<1x1x80xi32, #tpu.memory_space<hbm>>
        %dma_start3A_77 = tpu.memref_squeeze %dma_start3A_76 : memref<1x1x80xi32, #tpu.memory_space<hbm>> -> memref<80xi32, #tpu.memory_space<hbm>>
        tpu.enqueue_dma source(%dma_start3A_77 : memref<80xi32, #tpu.memory_space<hbm>>) target(%dma_start3A_74 : memref<80xi32, #tpu.memory_space<vmem>>) target_semaphore(%run_scoped3A_65 : memref<!tpu.dma_semaphore, #tpu.memory_space<semaphore_mem>>)
        %dma_wait3A = arith.constant 0 : i32
        %dma_wait3A_78 = tpu.memref_slice %arg11[%run_scoped3A_21, %dma_wait3A] : memref<2x80xi32, #tpu.memory_space<vmem>> -> memref<1x80xi32, #tpu.memory_space<vmem>>
        %dma_wait3A_79 = tpu.memref_squeeze %dma_wait3A_78 : memref<1x80xi32, #tpu.memory_space<vmem>> -> memref<80xi32, #tpu.memory_space<vmem>>
        %dma_wait3A_80 = arith.constant 0 : i32
        %dma_wait3A_81 = tpu.memref_slice %arg5[%arg1, %run_scoped3A_20, %dma_wait3A_80] : memref<16x125x80xi32, #tpu.memory_space<hbm>> -> memref<1x1x80xi32, #tpu.memory_space<hbm>>
        %dma_wait3A_82 = tpu.memref_squeeze %dma_wait3A_81 : memref<1x1x80xi32, #tpu.memory_space<hbm>> -> memref<80xi32, #tpu.memory_space<hbm>>
        %dma_wait3A_83 = arith.constant 0 : i32
        %dma_wait3A_84 = tpu.memref_slice %arg11[%run_scoped3A_21, %dma_wait3A_83] : memref<2x80xi32, #tpu.memory_space<vmem>> -> memref<1x80xi32, #tpu.memory_space<vmem>>
        %dma_wait3A_85 = tpu.memref_squeeze %dma_wait3A_84 : memref<1x80xi32, #tpu.memory_space<vmem>> -> memref<80xi32, #tpu.memory_space<vmem>>
        %dma_wait3A_86 = arith.constant 0 : i32
        %dma_wait3A_87 = tpu.memref_slice %arg5[%arg1, %run_scoped3A_20, %dma_wait3A_86] : memref<16x125x80xi32, #tpu.memory_space<hbm>> -> memref<1x1x80xi32, #tpu.memory_space<hbm>>
        %dma_wait3A_88 = tpu.memref_squeeze %dma_wait3A_87 : memref<1x1x80xi32, #tpu.memory_space<hbm>> -> memref<80xi32, #tpu.memory_space<hbm>>
        tpu.wait_dma2 semaphore(%run_scoped3A_65 : memref<!tpu.dma_semaphore, #tpu.memory_space<semaphore_mem>>) src(%dma_wait3A_88 : memref<80xi32, #tpu.memory_space<hbm>>) dst(%dma_wait3A_85 : memref<80xi32, #tpu.memory_space<vmem>>)
        tpu.yield
      }) : () -> ()
      %dma_start3A = arith.constant 0 : i32
      %dma_start3A_22 = arith.constant 0 : i32
      %dma_start3A_23 = arith.constant 0 : i32
      %dma_start3A_24 = arith.constant 0 : i32
      %dma_start3A_25 = tpu.memref_slice %arg12[%dma_start3A_22, %dma_start3A_23, %dma_start3A_24] : memref<2x80x128xf32, #tpu.memory_space<vmem>> -> memref<1x80x128xf32, #tpu.memory_space<vmem>>
      %dma_start3A_26 = tpu.memref_squeeze %dma_start3A_25 : memref<1x80x128xf32, #tpu.memory_space<vmem>> -> memref<80x128xf32, #tpu.memory_space<vmem>>
      %dma_start3A_27 = arith.constant 0 : i32
      %dma_start3A_28 = tpu.memref_slice %arg11[%dma_start3A, %dma_start3A_27] : memref<2x80xi32, #tpu.memory_space<vmem>> -> memref<1x80xi32, #tpu.memory_space<vmem>>
      %dma_start3A_29 = tpu.memref_squeeze %dma_start3A_28 : memref<1x80xi32, #tpu.memory_space<vmem>> -> memref<80xi32, #tpu.memory_space<vmem>>
      %dma_start3A_30 = arith.constant 0 : i32
      %dma_start3A_31 = arith.constant 0 : i32
      %dma_start3A_32 = tpu.memref_slice %arg3[%dma_start3A_30, %dma_start3A_31] : memref<10000x128xf32, #tpu.memory_space<hbm>> -> memref<10000x128xf32, #tpu.memory_space<hbm>>
      tpu.enqueue_indirect_dma source(%dma_start3A_32 : memref<10000x128xf32, #tpu.memory_space<hbm>>) target(%dma_start3A_26 : memref<80x128xf32, #tpu.memory_space<vmem>>) offsets(%dma_start3A_29 : memref<80xi32, #tpu.memory_space<vmem>>) semaphore(%arg14 : memref<!tpu.dma_semaphore, #tpu.memory_space<semaphore_mem>>)
      %dma_start3A_33 = arith.constant 1 : i32
      %dma_start3A_34 = arith.constant 1 : i32
      %dma_start3A_35 = arith.constant 0 : i32
      %dma_start3A_36 = tpu.memref_slice %arg10[%dma_start3A_34, %dma_start3A_35] : memref<2x80xi32, #tpu.memory_space<vmem>> -> memref<1x80xi32, #tpu.memory_space<vmem>>
      %dma_start3A_37 = tpu.memref_squeeze %dma_start3A_36 : memref<1x80xi32, #tpu.memory_space<vmem>> -> memref<80xi32, #tpu.memory_space<vmem>>
      %dma_start3A_38 = arith.constant 0 : i32
      %dma_start3A_39 = tpu.memref_slice %arg4[%arg1, %dma_start3A_33, %dma_start3A_38] : memref<16x125x80xi32, #tpu.memory_space<hbm>> -> memref<1x1x80xi32, #tpu.memory_space<hbm>>
      %dma_start3A_40 = tpu.memref_squeeze %dma_start3A_39 : memref<1x1x80xi32, #tpu.memory_space<hbm>> -> memref<80xi32, #tpu.memory_space<hbm>>
      %dma_start3A_41 = arith.constant 0 : i32
      %dma_start3A_42 = tpu.memref_slice %arg10[%dma_start3A_34, %dma_start3A_41] : memref<2x80xi32, #tpu.memory_space<vmem>> -> memref<1x80xi32, #tpu.memory_space<vmem>>
      %dma_start3A_43 = tpu.memref_squeeze %dma_start3A_42 : memref<1x80xi32, #tpu.memory_space<vmem>> -> memref<80xi32, #tpu.memory_space<vmem>>
      %dma_start3A_44 = arith.constant 0 : i32
      %dma_start3A_45 = tpu.memref_slice %arg4[%arg1, %dma_start3A_33, %dma_start3A_44] : memref<16x125x80xi32, #tpu.memory_space<hbm>> -> memref<1x1x80xi32, #tpu.memory_space<hbm>>
      %dma_start3A_46 = tpu.memref_squeeze %dma_start3A_45 : memref<1x1x80xi32, #tpu.memory_space<hbm>> -> memref<80xi32, #tpu.memory_space<hbm>>
      tpu.enqueue_dma source(%dma_start3A_46 : memref<80xi32, #tpu.memory_space<hbm>>) target(%dma_start3A_43 : memref<80xi32, #tpu.memory_space<vmem>>) target_semaphore(%arg13 : memref<!tpu.dma_semaphore, #tpu.memory_space<semaphore_mem>>)
      %dma_start3A_47 = arith.constant 1 : i32
      %dma_start3A_48 = arith.constant 1 : i32
      %dma_start3A_49 = arith.constant 0 : i32
      %dma_start3A_50 = tpu.memref_slice %arg11[%dma_start3A_48, %dma_start3A_49] : memref<2x80xi32, #tpu.memory_space<vmem>> -> memref<1x80xi32, #tpu.memory_space<vmem>>
      %dma_start3A_51 = tpu.memref_squeeze %dma_start3A_50 : memref<1x80xi32, #tpu.memory_space<vmem>> -> memref<80xi32, #tpu.memory_space<vmem>>
      %dma_start3A_52 = arith.constant 0 : i32
      %dma_start3A_53 = tpu.memref_slice %arg5[%arg1, %dma_start3A_47, %dma_start3A_52] : memref<16x125x80xi32, #tpu.memory_space<hbm>> -> memref<1x1x80xi32, #tpu.memory_space<hbm>>
      %dma_start3A_54 = tpu.memref_squeeze %dma_start3A_53 : memref<1x1x80xi32, #tpu.memory_space<hbm>> -> memref<80xi32, #tpu.memory_space<hbm>>
      %dma_start3A_55 = arith.constant 0 : i32
      %dma_start3A_56 = tpu.memref_slice %arg11[%dma_start3A_48, %dma_start3A_55] : memref<2x80xi32, #tpu.memory_space<vmem>> -> memref<1x80xi32, #tpu.memory_space<vmem>>
      %dma_start3A_57 = tpu.memref_squeeze %dma_start3A_56 : memref<1x80xi32, #tpu.memory_space<vmem>> -> memref<80xi32, #tpu.memory_space<vmem>>
      %dma_start3A_58 = arith.constant 0 : i32
      %dma_start3A_59 = tpu.memref_slice %arg5[%arg1, %dma_start3A_47, %dma_start3A_58] : memref<16x125x80xi32, #tpu.memory_space<hbm>> -> memref<1x1x80xi32, #tpu.memory_space<hbm>>
      %dma_start3A_60 = tpu.memref_squeeze %dma_start3A_59 : memref<1x1x80xi32, #tpu.memory_space<hbm>> -> memref<80xi32, #tpu.memory_space<hbm>>
      tpu.enqueue_dma source(%dma_start3A_60 : memref<80xi32, #tpu.memory_space<hbm>>) target(%dma_start3A_57 : memref<80xi32, #tpu.memory_space<vmem>>) target_semaphore(%arg13 : memref<!tpu.dma_semaphore, #tpu.memory_space<semaphore_mem>>)
      %scan3A = arith.constant 0 : i32
      %scan3A_61 = arith.constant 125 : i32
      %scan3A_62 = arith.addi %scan3A, %scan3A_61 : i32
      %scan3A_63 = arith.constant 1 : i32
      scf.for %scan3A_65 = %scan3A to %scan3A_62 step %scan3A_63  : i32 {
        %rem3A = arith.constant 2 : i32
        %rem3A_66 = arith.remsi %scan3A_65, %rem3A : i32
        %add3A = arith.constant 1 : i32
        %add3A_67 = arith.addi %scan3A_65, %add3A : i32
        %rem3A_68 = arith.constant 2 : i32
        %rem3A_69 = arith.remsi %add3A_67, %rem3A_68 : i32
        %add3A_70 = arith.constant 1 : i32
        %add3A_71 = arith.addi %scan3A_65, %add3A_70 : i32
        %lt3A = arith.constant 125 : i32
        %lt3A_72 = arith.cmpi slt, %add3A_71, %lt3A : i32
        %convert_element_type3A_73 = arith.extui %lt3A_72 : i1 to i32
        %cond3A_74 = arith.constant 0 : i32
        %cond3A_75 = arith.cmpi ne, %convert_element_type3A_73, %cond3A_74 : i32
        scf.if %cond3A_75 {
          %dma_wait3A_96 = arith.constant 0 : i32
          %dma_wait3A_97 = arith.constant 0 : i32
          %dma_wait3A_98 = tpu.memref_slice %arg10[%rem3A_69, %dma_wait3A_97] : memref<2x80xi32, #tpu.memory_space<vmem>> -> memref<1x80xi32, #tpu.memory_space<vmem>>
          %dma_wait3A_99 = tpu.memref_squeeze %dma_wait3A_98 : memref<1x80xi32, #tpu.memory_space<vmem>> -> memref<80xi32, #tpu.memory_space<vmem>>
          %dma_wait3A_100 = arith.constant 0 : i32
          %dma_wait3A_101 = tpu.memref_slice %arg4[%arg1, %dma_wait3A_96, %dma_wait3A_100] : memref<16x125x80xi32, #tpu.memory_space<hbm>> -> memref<1x1x80xi32, #tpu.memory_space<hbm>>
          %dma_wait3A_102 = tpu.memref_squeeze %dma_wait3A_101 : memref<1x1x80xi32, #tpu.memory_space<hbm>> -> memref<80xi32, #tpu.memory_space<hbm>>
          %dma_wait3A_103 = arith.constant 0 : i32
          %dma_wait3A_104 = tpu.memref_slice %arg10[%rem3A_69, %dma_wait3A_103] : memref<2x80xi32, #tpu.memory_space<vmem>> -> memref<1x80xi32, #tpu.memory_space<vmem>>
          %dma_wait3A_105 = tpu.memref_squeeze %dma_wait3A_104 : memref<1x80xi32, #tpu.memory_space<vmem>> -> memref<80xi32, #tpu.memory_space<vmem>>
          %dma_wait3A_106 = arith.constant 0 : i32
          %dma_wait3A_107 = tpu.memref_slice %arg4[%arg1, %dma_wait3A_96, %dma_wait3A_106] : memref<16x125x80xi32, #tpu.memory_space<hbm>> -> memref<1x1x80xi32, #tpu.memory_space<hbm>>
          %dma_wait3A_108 = tpu.memref_squeeze %dma_wait3A_107 : memref<1x1x80xi32, #tpu.memory_space<hbm>> -> memref<80xi32, #tpu.memory_space<hbm>>
          tpu.wait_dma2 semaphore(%arg13 : memref<!tpu.dma_semaphore, #tpu.memory_space<semaphore_mem>>) src(%dma_wait3A_108 : memref<80xi32, #tpu.memory_space<hbm>>) dst(%dma_wait3A_105 : memref<80xi32, #tpu.memory_space<vmem>>)
          %dma_wait3A_109 = arith.constant 0 : i32
          %dma_wait3A_110 = arith.constant 0 : i32
          %dma_wait3A_111 = tpu.memref_slice %arg11[%rem3A_69, %dma_wait3A_110] : memref<2x80xi32, #tpu.memory_space<vmem>> -> memref<1x80xi32, #tpu.memory_space<vmem>>
          %dma_wait3A_112 = tpu.memref_squeeze %dma_wait3A_111 : memref<1x80xi32, #tpu.memory_space<vmem>> -> memref<80xi32, #tpu.memory_space<vmem>>
          %dma_wait3A_113 = arith.constant 0 : i32
          %dma_wait3A_114 = tpu.memref_slice %arg5[%arg1, %dma_wait3A_109, %dma_wait3A_113] : memref<16x125x80xi32, #tpu.memory_space<hbm>> -> memref<1x1x80xi32, #tpu.memory_space<hbm>>
          %dma_wait3A_115 = tpu.memref_squeeze %dma_wait3A_114 : memref<1x1x80xi32, #tpu.memory_space<hbm>> -> memref<80xi32, #tpu.memory_space<hbm>>
          %dma_wait3A_116 = arith.constant 0 : i32
          %dma_wait3A_117 = tpu.memref_slice %arg11[%rem3A_69, %dma_wait3A_116] : memref<2x80xi32, #tpu.memory_space<vmem>> -> memref<1x80xi32, #tpu.memory_space<vmem>>
          %dma_wait3A_118 = tpu.memref_squeeze %dma_wait3A_117 : memref<1x80xi32, #tpu.memory_space<vmem>> -> memref<80xi32, #tpu.memory_space<vmem>>
          %dma_wait3A_119 = arith.constant 0 : i32
          %dma_wait3A_120 = tpu.memref_slice %arg5[%arg1, %dma_wait3A_109, %dma_wait3A_119] : memref<16x125x80xi32, #tpu.memory_space<hbm>> -> memref<1x1x80xi32, #tpu.memory_space<hbm>>
          %dma_wait3A_121 = tpu.memref_squeeze %dma_wait3A_120 : memref<1x1x80xi32, #tpu.memory_space<hbm>> -> memref<80xi32, #tpu.memory_space<hbm>>
          tpu.wait_dma2 semaphore(%arg13 : memref<!tpu.dma_semaphore, #tpu.memory_space<semaphore_mem>>) src(%dma_wait3A_121 : memref<80xi32, #tpu.memory_space<hbm>>) dst(%dma_wait3A_118 : memref<80xi32, #tpu.memory_space<vmem>>)
          %dma_start3A_122 = arith.constant 0 : i32
          %dma_start3A_123 = arith.constant 0 : i32
          %dma_start3A_124 = tpu.memref_slice %arg12[%rem3A_69, %dma_start3A_122, %dma_start3A_123] : memref<2x80x128xf32, #tpu.memory_space<vmem>> -> memref<1x80x128xf32, #tpu.memory_space<vmem>>
          %dma_start3A_125 = tpu.memref_squeeze %dma_start3A_124 : memref<1x80x128xf32, #tpu.memory_space<vmem>> -> memref<80x128xf32, #tpu.memory_space<vmem>>
          %dma_start3A_126 = arith.constant 0 : i32
          %dma_start3A_127 = tpu.memref_slice %arg11[%rem3A_69, %dma_start3A_126] : memref<2x80xi32, #tpu.memory_space<vmem>> -> memref<1x80xi32, #tpu.memory_space<vmem>>
          %dma_start3A_128 = tpu.memref_squeeze %dma_start3A_127 : memref<1x80xi32, #tpu.memory_space<vmem>> -> memref<80xi32, #tpu.memory_space<vmem>>
          %dma_start3A_129 = arith.constant 0 : i32
          %dma_start3A_130 = arith.constant 0 : i32
          %dma_start3A_131 = tpu.memref_slice %arg3[%dma_start3A_129, %dma_start3A_130] : memref<10000x128xf32, #tpu.memory_space<hbm>> -> memref<10000x128xf32, #tpu.memory_space<hbm>>
          tpu.enqueue_indirect_dma source(%dma_start3A_131 : memref<10000x128xf32, #tpu.memory_space<hbm>>) target(%dma_start3A_125 : memref<80x128xf32, #tpu.memory_space<vmem>>) offsets(%dma_start3A_128 : memref<80xi32, #tpu.memory_space<vmem>>) semaphore(%arg14 : memref<!tpu.dma_semaphore, #tpu.memory_space<semaphore_mem>>)
        } else {
        }
        %dma_wait3A = arith.constant 0 : i32
        %dma_wait3A_76 = arith.constant 0 : i32
        %dma_wait3A_77 = tpu.memref_slice %arg12[%rem3A_66, %dma_wait3A, %dma_wait3A_76] : memref<2x80x128xf32, #tpu.memory_space<vmem>> -> memref<1x80x128xf32, #tpu.memory_space<vmem>>
        %dma_wait3A_78 = tpu.memref_squeeze %dma_wait3A_77 : memref<1x80x128xf32, #tpu.memory_space<vmem>> -> memref<80x128xf32, #tpu.memory_space<vmem>>
        %dma_wait3A_79 = arith.constant 0 : i32
        %dma_wait3A_80 = arith.constant 0 : i32
        %dma_wait3A_81 = tpu.memref_slice %arg3[%dma_wait3A_79, %dma_wait3A_80] : memref<10000x128xf32, #tpu.memory_space<hbm>> -> memref<80x128xf32, #tpu.memory_space<hbm>>
        %dma_wait3A_82 = arith.constant 0 : i32
        %dma_wait3A_83 = arith.constant 0 : i32
        %dma_wait3A_84 = tpu.memref_slice %arg12[%rem3A_66, %dma_wait3A_82, %dma_wait3A_83] : memref<2x80x128xf32, #tpu.memory_space<vmem>> -> memref<1x80x128xf32, #tpu.memory_space<vmem>>
        %dma_wait3A_85 = tpu.memref_squeeze %dma_wait3A_84 : memref<1x80x128xf32, #tpu.memory_space<vmem>> -> memref<80x128xf32, #tpu.memory_space<vmem>>
        %dma_wait3A_86 = arith.constant 0 : i32
        %dma_wait3A_87 = arith.constant 0 : i32
        %dma_wait3A_88 = tpu.memref_slice %arg3[%dma_wait3A_86, %dma_wait3A_87] : memref<10000x128xf32, #tpu.memory_space<hbm>> -> memref<80x128xf32, #tpu.memory_space<hbm>>
        tpu.wait_dma2 semaphore(%arg14 : memref<!tpu.dma_semaphore, #tpu.memory_space<semaphore_mem>>) src(%dma_wait3A_88 : memref<80x128xf32, #tpu.memory_space<hbm>>) dst(%dma_wait3A_85 : memref<80x128xf32, #tpu.memory_space<vmem>>)
        "tpu.region"() ({
          %run_scoped3A_96 = tpu.sem_alloc : memref<!tpu.dma_semaphore, #tpu.memory_space<semaphore_mem>>
          %dma_start3A_97 = arith.constant 0 : i32
          %dma_start3A_98 = arith.constant 0 : i32
          %dma_start3A_99 = tpu.memref_slice %arg12[%rem3A_66, %dma_start3A_97, %dma_start3A_98] : memref<2x80x128xf32, #tpu.memory_space<vmem>> -> memref<1x80x128xf32, #tpu.memory_space<vmem>>
          %dma_start3A_100 = tpu.memref_squeeze %dma_start3A_99 : memref<1x80x128xf32, #tpu.memory_space<vmem>> -> memref<80x128xf32, #tpu.memory_space<vmem>>
          %dma_start3A_101 = arith.constant 0 : i32
          %dma_start3A_102 = tpu.memref_slice %arg10[%rem3A_66, %dma_start3A_101] : memref<2x80xi32, #tpu.memory_space<vmem>> -> memref<1x80xi32, #tpu.memory_space<vmem>>
          %dma_start3A_103 = tpu.memref_squeeze %dma_start3A_102 : memref<1x80xi32, #tpu.memory_space<vmem>> -> memref<80xi32, #tpu.memory_space<vmem>>
          %dma_start3A_104 = arith.constant 0 : i32
          %dma_start3A_105 = arith.constant 0 : i32
          %dma_start3A_106 = tpu.memref_slice %arg9[%dma_start3A_104, %dma_start3A_105] : memref<10112x128xf32, #tpu.memory_space<vmem_shared>> -> memref<10112x128xf32, #tpu.memory_space<vmem_shared>>
          tpu.enqueue_indirect_dma source(%dma_start3A_100 : memref<80x128xf32, #tpu.memory_space<vmem>>) target(%dma_start3A_106 : memref<10112x128xf32, #tpu.memory_space<vmem_shared>>) offsets(%dma_start3A_103 : memref<80xi32, #tpu.memory_space<vmem>>) semaphore(%run_scoped3A_96 : memref<!tpu.dma_semaphore, #tpu.memory_space<semaphore_mem>>) {add = true}
          %dma_wait3A_107 = arith.constant 0 : i32
          %dma_wait3A_108 = arith.constant 0 : i32
          %dma_wait3A_109 = tpu.memref_slice %arg12[%rem3A_66, %dma_wait3A_107, %dma_wait3A_108] : memref<2x80x128xf32, #tpu.memory_space<vmem>> -> memref<1x80x128xf32, #tpu.memory_space<vmem>>
          %dma_wait3A_110 = tpu.memref_squeeze %dma_wait3A_109 : memref<1x80x128xf32, #tpu.memory_space<vmem>> -> memref<80x128xf32, #tpu.memory_space<vmem>>
          %dma_wait3A_111 = arith.constant 0 : i32
          %dma_wait3A_112 = tpu.memref_slice %arg10[%rem3A_66, %dma_wait3A_111] : memref<2x80xi32, #tpu.memory_space<vmem>> -> memref<1x80xi32, #tpu.memory_space<vmem>>
          %dma_wait3A_113 = tpu.memref_squeeze %dma_wait3A_112 : memref<1x80xi32, #tpu.memory_space<vmem>> -> memref<80xi32, #tpu.memory_space<vmem>>
          %dma_wait3A_114 = arith.constant 0 : i32
          %dma_wait3A_115 = arith.constant 0 : i32
          %dma_wait3A_116 = tpu.memref_slice %arg9[%dma_wait3A_114, %dma_wait3A_115] : memref<10112x128xf32, #tpu.memory_space<vmem_shared>> -> memref<10112x128xf32, #tpu.memory_space<vmem_shared>>
          tpu.wait_indirect_dma semaphore(%run_scoped3A_96 : memref<!tpu.dma_semaphore, #tpu.memory_space<semaphore_mem>>) src(%dma_wait3A_110 : memref<80x128xf32, #tpu.memory_space<vmem>>) dst(%dma_wait3A_116 : memref<10112x128xf32, #tpu.memory_space<vmem_shared>>)
          tpu.yield
        }) : () -> ()
        %add3A_89 = arith.constant 2 : i32
        %add3A_90 = arith.addi %scan3A_65, %add3A_89 : i32
        %lt3A_91 = arith.constant 125 : i32
        %lt3A_92 = arith.cmpi slt, %add3A_90, %lt3A_91 : i32
        %convert_element_type3A_93 = arith.extui %lt3A_92 : i1 to i32
        %cond3A_94 = arith.constant 0 : i32
        %cond3A_95 = arith.cmpi ne, %convert_element_type3A_93, %cond3A_94 : i32
        scf.if %cond3A_95 {
          %add3A_96 = arith.constant 2 : i32
          %add3A_97 = arith.addi %scan3A_65, %add3A_96 : i32
          %dma_start3A_98 = arith.constant 0 : i32
          %dma_start3A_99 = tpu.memref_slice %arg10[%rem3A_66, %dma_start3A_98] : memref<2x80xi32, #tpu.memory_space<vmem>> -> memref<1x80xi32, #tpu.memory_space<vmem>>
          %dma_start3A_100 = tpu.memref_squeeze %dma_start3A_99 : memref<1x80xi32, #tpu.memory_space<vmem>> -> memref<80xi32, #tpu.memory_space<vmem>>
          %dma_start3A_101 = arith.constant 0 : i32
          %dma_start3A_102 = tpu.memref_slice %arg4[%arg1, %add3A_97, %dma_start3A_101] : memref<16x125x80xi32, #tpu.memory_space<hbm>> -> memref<1x1x80xi32, #tpu.memory_space<hbm>>
          %dma_start3A_103 = tpu.memref_squeeze %dma_start3A_102 : memref<1x1x80xi32, #tpu.memory_space<hbm>> -> memref<80xi32, #tpu.memory_space<hbm>>
          %dma_start3A_104 = arith.constant 0 : i32
          %dma_start3A_105 = tpu.memref_slice %arg10[%rem3A_66, %dma_start3A_104] : memref<2x80xi32, #tpu.memory_space<vmem>> -> memref<1x80xi32, #tpu.memory_space<vmem>>
          %dma_start3A_106 = tpu.memref_squeeze %dma_start3A_105 : memref<1x80xi32, #tpu.memory_space<vmem>> -> memref<80xi32, #tpu.memory_space<vmem>>
          %dma_start3A_107 = arith.constant 0 : i32
          %dma_start3A_108 = tpu.memref_slice %arg4[%arg1, %add3A_97, %dma_start3A_107] : memref<16x125x80xi32, #tpu.memory_space<hbm>> -> memref<1x1x80xi32, #tpu.memory_space<hbm>>
          %dma_start3A_109 = tpu.memref_squeeze %dma_start3A_108 : memref<1x1x80xi32, #tpu.memory_space<hbm>> -> memref<80xi32, #tpu.memory_space<hbm>>
          tpu.enqueue_dma source(%dma_start3A_109 : memref<80xi32, #tpu.memory_space<hbm>>) target(%dma_start3A_106 : memref<80xi32, #tpu.memory_space<vmem>>) target_semaphore(%arg13 : memref<!tpu.dma_semaphore, #tpu.memory_space<semaphore_mem>>)
          %add3A_110 = arith.constant 2 : i32
          %add3A_111 = arith.addi %scan3A_65, %add3A_110 : i32
          %dma_start3A_112 = arith.constant 0 : i32
          %dma_start3A_113 = tpu.memref_slice %arg11[%rem3A_66, %dma_start3A_112] : memref<2x80xi32, #tpu.memory_space<vmem>> -> memref<1x80xi32, #tpu.memory_space<vmem>>
          %dma_start3A_114 = tpu.memref_squeeze %dma_start3A_113 : memref<1x80xi32, #tpu.memory_space<vmem>> -> memref<80xi32, #tpu.memory_space<vmem>>
          %dma_start3A_115 = arith.constant 0 : i32
          %dma_start3A_116 = tpu.memref_slice %arg5[%arg1, %add3A_111, %dma_start3A_115] : memref<16x125x80xi32, #tpu.memory_space<hbm>> -> memref<1x1x80xi32, #tpu.memory_space<hbm>>
          %dma_start3A_117 = tpu.memref_squeeze %dma_start3A_116 : memref<1x1x80xi32, #tpu.memory_space<hbm>> -> memref<80xi32, #tpu.memory_space<hbm>>
          %dma_start3A_118 = arith.constant 0 : i32
          %dma_start3A_119 = tpu.memref_slice %arg11[%rem3A_66, %dma_start3A_118] : memref<2x80xi32, #tpu.memory_space<vmem>> -> memref<1x80xi32, #tpu.memory_space<vmem>>
          %dma_start3A_120 = tpu.memref_squeeze %dma_start3A_119 : memref<1x80xi32, #tpu.memory_space<vmem>> -> memref<80xi32, #tpu.memory_space<vmem>>
          %dma_start3A_121 = arith.constant 0 : i32
          %dma_start3A_122 = tpu.memref_slice %arg5[%arg1, %add3A_111, %dma_start3A_121] : memref<16x125x80xi32, #tpu.memory_space<hbm>> -> memref<1x1x80xi32, #tpu.memory_space<hbm>>
          %dma_start3A_123 = tpu.memref_squeeze %dma_start3A_122 : memref<1x1x80xi32, #tpu.memory_space<hbm>> -> memref<80xi32, #tpu.memory_space<hbm>>
          tpu.enqueue_dma source(%dma_start3A_123 : memref<80xi32, #tpu.memory_space<hbm>>) target(%dma_start3A_120 : memref<80xi32, #tpu.memory_space<vmem>>) target_semaphore(%arg13 : memref<!tpu.dma_semaphore, #tpu.memory_space<semaphore_mem>>)
        } else {
        }
      }
      %scan3A_64 = arith.constant 125 : i32
    } else {
    }
    %barrier3A_8 = arith.constant 0 : index
    tpu.barrier barrier_id(%barrier3A_8)
    %eq3A_9 = arith.constant 0 : i32
    %eq3A_10 = arith.cmpi eq, %arg0, %eq3A_9 : i32
    %convert_element_type3A_11 = arith.extui %eq3A_10 : i1 to i32
    %cond3A_12 = arith.constant 0 : i32
    %cond3A_13 = arith.cmpi ne, %convert_element_type3A_11, %cond3A_12 : i32
    scf.if %cond3A_13 {
      "tpu.region"() ({
        %run_scoped3A = tpu.sem_alloc : memref<!tpu.dma_semaphore, #tpu.memory_space<semaphore_mem>>
        %dma_start3A = arith.constant 0 : i32
        %dma_start3A_19 = tpu.memref_slice %arg7[%mul3A_0, %dma_start3A] : memref<10112x128xf32, #tpu.memory_space<hbm>> -> memref<632x128xf32, #tpu.memory_space<hbm>>
        %dma_start3A_20 = arith.constant 0 : i32
        %dma_start3A_21 = tpu.memref_slice %arg9[%mul3A_0, %dma_start3A_20] : memref<10112x128xf32, #tpu.memory_space<vmem_shared>> -> memref<632x128xf32, #tpu.memory_space<vmem_shared>>
        tpu.enqueue_dma source(%dma_start3A_21 : memref<632x128xf32, #tpu.memory_space<vmem_shared>>) target(%dma_start3A_19 : memref<632x128xf32, #tpu.memory_space<hbm>>) target_semaphore(%run_scoped3A : memref<!tpu.dma_semaphore, #tpu.memory_space<semaphore_mem>>)
        %dma_wait3A = arith.constant 0 : i32
        %dma_wait3A_22 = tpu.memref_slice %arg7[%mul3A_0, %dma_wait3A] : memref<10112x128xf32, #tpu.memory_space<hbm>> -> memref<632x128xf32, #tpu.memory_space<hbm>>
        %dma_wait3A_23 = arith.constant 0 : i32
        %dma_wait3A_24 = tpu.memref_slice %arg9[%mul3A_0, %dma_wait3A_23] : memref<10112x128xf32, #tpu.memory_space<vmem_shared>> -> memref<632x128xf32, #tpu.memory_space<vmem_shared>>
        tpu.wait_dma2 semaphore(%run_scoped3A : memref<!tpu.dma_semaphore, #tpu.memory_space<semaphore_mem>>) src(%dma_wait3A_24 : memref<632x128xf32, #tpu.memory_space<vmem_shared>>) dst(%dma_wait3A_22 : memref<632x128xf32, #tpu.memory_space<hbm>>)
        tpu.yield
      }) : () -> ()
    } else {
    }
    %eq3A_14 = arith.constant 1 : i32
    %eq3A_15 = arith.cmpi eq, %arg0, %eq3A_14 : i32
    %convert_element_type3A_16 = arith.extui %eq3A_15 : i1 to i32
    %cond3A_17 = arith.constant 0 : i32
    %cond3A_18 = arith.cmpi ne, %convert_element_type3A_16, %cond3A_17 : i32
    scf.if %cond3A_18 {
      "tpu.region"() ({
        %run_scoped3A = tpu.sem_alloc : memref<!tpu.dma_semaphore, #tpu.memory_space<semaphore_mem>>
        %dma_start3A = arith.constant 0 : i32
        %dma_start3A_19 = tpu.memref_slice %arg8[%mul3A_0, %dma_start3A] : memref<10112x128xf32, #tpu.memory_space<hbm>> -> memref<632x128xf32, #tpu.memory_space<hbm>>
        %dma_start3A_20 = arith.constant 0 : i32
        %dma_start3A_21 = tpu.memref_slice %arg9[%mul3A_0, %dma_start3A_20] : memref<10112x128xf32, #tpu.memory_space<vmem_shared>> -> memref<632x128xf32, #tpu.memory_space<vmem_shared>>
        tpu.enqueue_dma source(%dma_start3A_21 : memref<632x128xf32, #tpu.memory_space<vmem_shared>>) target(%dma_start3A_19 : memref<632x128xf32, #tpu.memory_space<hbm>>) target_semaphore(%run_scoped3A : memref<!tpu.dma_semaphore, #tpu.memory_space<semaphore_mem>>)
        %dma_wait3A = arith.constant 0 : i32
        %dma_wait3A_22 = tpu.memref_slice %arg8[%mul3A_0, %dma_wait3A] : memref<10112x128xf32, #tpu.memory_space<hbm>> -> memref<632x128xf32, #tpu.memory_space<hbm>>
        %dma_wait3A_23 = arith.constant 0 : i32
        %dma_wait3A_24 = tpu.memref_slice %arg9[%mul3A_0, %dma_wait3A_23] : memref<10112x128xf32, #tpu.memory_space<vmem_shared>> -> memref<632x128xf32, #tpu.memory_space<vmem_shared>>
        tpu.wait_dma2 semaphore(%run_scoped3A : memref<!tpu.dma_semaphore, #tpu.memory_space<semaphore_mem>>) src(%dma_wait3A_24 : memref<632x128xf32, #tpu.memory_space<vmem_shared>>) dst(%dma_wait3A_22 : memref<632x128xf32, #tpu.memory_space<hbm>>)
        tpu.yield
      }) : () -> ()
    } else {
    }
    return
  }
}

module attributes {stable_mosaic.version = 14 : i64} {
  func.func @_tc_a_body(%arg0: i32, %arg1: memref<1000x128xf32, #tpu.memory_space<vmem>>, %arg2: memref<128x256xf32, #tpu.memory_space<vmem>>, %arg3: memref<1x256xf32, #tpu.memory_space<vmem>>, %arg4: memref<256x256xf32, #tpu.memory_space<vmem>>, %arg5: memref<1x256xf32, #tpu.memory_space<vmem>>, %arg6: memref<256x256xf32, #tpu.memory_space<vmem>>, %arg7: memref<256x256xf32, #tpu.memory_space<vmem>>, %arg8: memref<256x256xf32, #tpu.memory_space<vmem>>, %arg9: memref<1x256xf32, #tpu.memory_space<vmem>>, %arg10: memref<256x256xf32, #tpu.memory_space<vmem>>, %arg11: memref<1x256xf32, #tpu.memory_space<vmem>>, %arg12: memref<256x256xf32, #tpu.memory_space<vmem>>, %arg13: memref<1x256xf32, #tpu.memory_space<vmem>>, %arg14: memref<256x256xf32, #tpu.memory_space<vmem>>, %arg15: memref<1x256xf32, #tpu.memory_space<vmem>>, %arg16: memref<1000x128xf32, #tpu.memory_space<vmem>>, %arg17: memref<1000x128xf32, #tpu.memory_space<vmem>>, %arg18: memref<1000x256xf32, #tpu.memory_space<vmem>>, %arg19: memref<1000x256xf32, #tpu.memory_space<vmem>>, %arg20: memref<1000x128xf32, #tpu.memory_space<vmem>>, %arg21: memref<1000x128xf32, #tpu.memory_space<vmem>>, %arg22: memref<8x256xf32, #tpu.memory_space<vmem>>, %arg23: memref<8x256xf32, #tpu.memory_space<vmem>>, %arg24: memref<8x256xf32, #tpu.memory_space<vmem>>) attributes {dimension_semantics = [#tpu.dimension_semantics<arbitrary>], iteration_bounds = array<i64: 10>, scalar_prefetch = 0 : i64, scratch_operands = 0 : i64, tpu.core_type = #tpu.core_type<tc>, window_params = [{transform_indices = @transform_0, window_bounds = array<i64: 1000, 128>}, {pipeline_mode = #tpu.pipeline_mode<synchronous>, transform_indices = @transform_1, window_bounds = array<i64: 128, 256>}, {pipeline_mode = #tpu.pipeline_mode<synchronous>, transform_indices = @transform_2, window_bounds = array<i64: 1, 256>}, {pipeline_mode = #tpu.pipeline_mode<synchronous>, transform_indices = @transform_3, window_bounds = array<i64: 256, 256>}, {pipeline_mode = #tpu.pipeline_mode<synchronous>, transform_indices = @transform_4, window_bounds = array<i64: 1, 256>}, {pipeline_mode = #tpu.pipeline_mode<synchronous>, transform_indices = @transform_5, window_bounds = array<i64: 256, 256>}, {pipeline_mode = #tpu.pipeline_mode<synchronous>, transform_indices = @transform_6, window_bounds = array<i64: 256, 256>}, {pipeline_mode = #tpu.pipeline_mode<synchronous>, transform_indices = @transform_7, window_bounds = array<i64: 256, 256>}, {pipeline_mode = #tpu.pipeline_mode<synchronous>, transform_indices = @transform_8, window_bounds = array<i64: 1, 256>}, {pipeline_mode = #tpu.pipeline_mode<synchronous>, transform_indices = @transform_9, window_bounds = array<i64: 256, 256>}, {pipeline_mode = #tpu.pipeline_mode<synchronous>, transform_indices = @transform_10, window_bounds = array<i64: 1, 256>}, {pipeline_mode = #tpu.pipeline_mode<synchronous>, transform_indices = @transform_11, window_bounds = array<i64: 256, 256>}, {pipeline_mode = #tpu.pipeline_mode<synchronous>, transform_indices = @transform_12, window_bounds = array<i64: 1, 256>}, {pipeline_mode = #tpu.pipeline_mode<synchronous>, transform_indices = @transform_13, window_bounds = array<i64: 256, 256>}, {pipeline_mode = #tpu.pipeline_mode<synchronous>, transform_indices = @transform_14, window_bounds = array<i64: 1, 256>}, {transform_indices = @transform_15, window_bounds = array<i64: 1000, 128>}, {transform_indices = @transform_16, window_bounds = array<i64: 1000, 128>}, {transform_indices = @transform_17, window_bounds = array<i64: 1000, 256>}, {transform_indices = @transform_18, window_bounds = array<i64: 1000, 256>}, {transform_indices = @transform_19, window_bounds = array<i64: 1000, 128>}, {transform_indices = @transform_20, window_bounds = array<i64: 1000, 128>}, {pipeline_mode = #tpu.pipeline_mode<synchronous>, transform_indices = @transform_21, window_bounds = array<i64: 8, 256>}, {pipeline_mode = #tpu.pipeline_mode<synchronous>, transform_indices = @transform_22, window_bounds = array<i64: 8, 256>}, {pipeline_mode = #tpu.pipeline_mode<synchronous>, transform_indices = @transform_23, window_bounds = array<i64: 8, 256>}]} {
    %get3A = arith.constant 0 : index
    %get3A_0 = arith.constant 0 : index
    %get3A_1 = vector.load %arg1[%get3A, %get3A_0] : memref<1000x128xf32, #tpu.memory_space<vmem>>, vector<1000x128xf32>
    %get3A_2 = arith.constant 0 : index
    %get3A_3 = arith.constant 0 : index
    %get3A_4 = vector.load %arg2[%get3A_2, %get3A_3] : memref<128x256xf32, #tpu.memory_space<vmem>>, vector<128x256xf32>
    %dot_general3A = arith.constant dense<0.000000e+00> : vector<1000x256xf32>
    %dot_general3A_5 = tpu.matmul %get3A_1, %get3A_4, %dot_general3A {dimension_numbers = #tpu.dot_dimension_numbers<[1], [0], [0], [1], [0, 0, 1, 1], [], []>, transpose_lhs_hint = false} : vector<1000x128xf32>, vector<128x256xf32>, vector<1000x256xf32> -> vector<1000x256xf32>
    %get3A_6 = arith.constant 0 : index
    %get3A_7 = arith.constant 0 : index
    %get3A_8 = vector.load %arg3[%get3A_6, %get3A_7] : memref<1x256xf32, #tpu.memory_space<vmem>>, vector<1x256xf32>
    %add3A = vector.broadcast %get3A_8 : vector<1x256xf32> to vector<1000x256xf32>
    %add3A_9 = arith.addf %dot_general3A_5, %add3A : vector<1000x256xf32>
    %ge3A = arith.constant 0.000000e+00 : f32
    %ge3A_10 = vector.broadcast %ge3A : f32 to vector<1000x256xf32>
    %ge3A_11 = arith.cmpf oge, %add3A_9, %ge3A_10 : vector<1000x256xf32>
    %mul3A = arith.constant 2.000000e-01 : f32
    %mul3A_12 = vector.broadcast %mul3A : f32 to vector<1000x256xf32>
    %mul3A_13 = arith.mulf %mul3A_12, %add3A_9 : vector<1000x256xf32>
    %select_n3A = arith.select %ge3A_11, %add3A_9, %mul3A_13 : vector<1000x256xi1>, vector<1000x256xf32>
    %get3A_14 = arith.constant 0 : index
    %get3A_15 = arith.constant 0 : index
    %get3A_16 = vector.load %arg4[%get3A_14, %get3A_15] : memref<256x256xf32, #tpu.memory_space<vmem>>, vector<256x256xf32>
    %dot_general3A_17 = arith.constant dense<0.000000e+00> : vector<1000x256xf32>
    %dot_general3A_18 = tpu.matmul %select_n3A, %get3A_16, %dot_general3A_17 {dimension_numbers = #tpu.dot_dimension_numbers<[1], [0], [0], [1], [0, 0, 1, 1], [], []>, transpose_lhs_hint = false} : vector<1000x256xf32>, vector<256x256xf32>, vector<1000x256xf32> -> vector<1000x256xf32>
    %get3A_19 = arith.constant 0 : index
    %get3A_20 = arith.constant 0 : index
    %get3A_21 = vector.load %arg5[%get3A_19, %get3A_20] : memref<1x256xf32, #tpu.memory_space<vmem>>, vector<1x256xf32>
    %add3A_22 = vector.broadcast %get3A_21 : vector<1x256xf32> to vector<1000x256xf32>
    %add3A_23 = arith.addf %dot_general3A_18, %add3A_22 : vector<1000x256xf32>
    %ge3A_24 = arith.constant 0.000000e+00 : f32
    %ge3A_25 = vector.broadcast %ge3A_24 : f32 to vector<1000x256xf32>
    %ge3A_26 = arith.cmpf oge, %add3A_23, %ge3A_25 : vector<1000x256xf32>
    %mul3A_27 = arith.constant 2.000000e-01 : f32
    %mul3A_28 = vector.broadcast %mul3A_27 : f32 to vector<1000x256xf32>
    %mul3A_29 = arith.mulf %mul3A_28, %add3A_23 : vector<1000x256xf32>
    %select_n3A_30 = arith.select %ge3A_26, %add3A_23, %mul3A_29 : vector<1000x256xi1>, vector<1000x256xf32>
    %slice3A = vector.extract_strided_slice %select_n3A_30 {offsets = [0, 0], sizes = [1000, 128], strides = [1, 1]} : vector<1000x256xf32> to vector<1000x128xf32>
    %swap3A = arith.constant 0 : index
    %swap3A_31 = arith.constant 0 : index
    %swap3A_32 = vector.load %arg16[%swap3A, %swap3A_31] : memref<1000x128xf32, #tpu.memory_space<vmem>>, vector<1000x128xf32>
    tpu.vector_store %arg16[%swap3A, %swap3A_31], %slice3A {strides = array<i32>} : memref<1000x128xf32, #tpu.memory_space<vmem>>, vector<1000x128xf32>,
    %slice3A_33 = vector.extract_strided_slice %select_n3A_30 {offsets = [0, 128], sizes = [1000, 128], strides = [1, 1]} : vector<1000x256xf32> to vector<1000x128xf32>
    %swap3A_34 = arith.constant 0 : index
    %swap3A_35 = arith.constant 0 : index
    %swap3A_36 = vector.load %arg17[%swap3A_34, %swap3A_35] : memref<1000x128xf32, #tpu.memory_space<vmem>>, vector<1000x128xf32>
    tpu.vector_store %arg17[%swap3A_34, %swap3A_35], %slice3A_33 {strides = array<i32>} : memref<1000x128xf32, #tpu.memory_space<vmem>>, vector<1000x128xf32>,
    %get3A_37 = arith.constant 0 : index
    %get3A_38 = arith.constant 0 : index
    %get3A_39 = vector.load %arg6[%get3A_37, %get3A_38] : memref<256x256xf32, #tpu.memory_space<vmem>>, vector<256x256xf32>
    %dot_general3A_40 = arith.constant dense<0.000000e+00> : vector<1000x256xf32>
    %dot_general3A_41 = tpu.matmul %select_n3A_30, %get3A_39, %dot_general3A_40 {dimension_numbers = #tpu.dot_dimension_numbers<[1], [0], [0], [1], [0, 0, 1, 1], [], []>, transpose_lhs_hint = false} : vector<1000x256xf32>, vector<256x256xf32>, vector<1000x256xf32> -> vector<1000x256xf32>
    %swap3A_42 = arith.constant 0 : index
    %swap3A_43 = arith.constant 0 : index
    %swap3A_44 = vector.load %arg18[%swap3A_42, %swap3A_43] : memref<1000x256xf32, #tpu.memory_space<vmem>>, vector<1000x256xf32>
    tpu.vector_store %arg18[%swap3A_42, %swap3A_43], %dot_general3A_41 {strides = array<i32>} : memref<1000x256xf32, #tpu.memory_space<vmem>>, vector<1000x256xf32>,
    %get3A_45 = arith.constant 0 : index
    %get3A_46 = arith.constant 0 : index
    %get3A_47 = vector.load %arg7[%get3A_45, %get3A_46] : memref<256x256xf32, #tpu.memory_space<vmem>>, vector<256x256xf32>
    %dot_general3A_48 = arith.constant dense<0.000000e+00> : vector<1000x256xf32>
    %dot_general3A_49 = tpu.matmul %select_n3A_30, %get3A_47, %dot_general3A_48 {dimension_numbers = #tpu.dot_dimension_numbers<[1], [0], [0], [1], [0, 0, 1, 1], [], []>, transpose_lhs_hint = false} : vector<1000x256xf32>, vector<256x256xf32>, vector<1000x256xf32> -> vector<1000x256xf32>
    %swap3A_50 = arith.constant 0 : index
    %swap3A_51 = arith.constant 0 : index
    %swap3A_52 = vector.load %arg19[%swap3A_50, %swap3A_51] : memref<1000x256xf32, #tpu.memory_space<vmem>>, vector<1000x256xf32>
    tpu.vector_store %arg19[%swap3A_50, %swap3A_51], %dot_general3A_49 {strides = array<i32>} : memref<1000x256xf32, #tpu.memory_space<vmem>>, vector<1000x256xf32>,
    %get3A_53 = arith.constant 0 : index
    %get3A_54 = arith.constant 0 : index
    %get3A_55 = vector.load %arg8[%get3A_53, %get3A_54] : memref<256x256xf32, #tpu.memory_space<vmem>>, vector<256x256xf32>
    %dot_general3A_56 = arith.constant dense<0.000000e+00> : vector<1000x256xf32>
    %dot_general3A_57 = tpu.matmul %select_n3A_30, %get3A_55, %dot_general3A_56 {dimension_numbers = #tpu.dot_dimension_numbers<[1], [0], [0], [1], [0, 0, 1, 1], [], []>, transpose_lhs_hint = false} : vector<1000x256xf32>, vector<256x256xf32>, vector<1000x256xf32> -> vector<1000x256xf32>
    %slice3A_58 = vector.extract_strided_slice %dot_general3A_57 {offsets = [0, 0], sizes = [1000, 128], strides = [1, 1]} : vector<1000x256xf32> to vector<1000x128xf32>
    %swap3A_59 = arith.constant 0 : index
    %swap3A_60 = arith.constant 0 : index
    %swap3A_61 = vector.load %arg20[%swap3A_59, %swap3A_60] : memref<1000x128xf32, #tpu.memory_space<vmem>>, vector<1000x128xf32>
    tpu.vector_store %arg20[%swap3A_59, %swap3A_60], %slice3A_58 {strides = array<i32>} : memref<1000x128xf32, #tpu.memory_space<vmem>>, vector<1000x128xf32>,
    %slice3A_62 = vector.extract_strided_slice %dot_general3A_57 {offsets = [0, 128], sizes = [1000, 128], strides = [1, 1]} : vector<1000x256xf32> to vector<1000x128xf32>
    %swap3A_63 = arith.constant 0 : index
    %swap3A_64 = arith.constant 0 : index
    %swap3A_65 = vector.load %arg21[%swap3A_63, %swap3A_64] : memref<1000x128xf32, #tpu.memory_space<vmem>>, vector<1000x128xf32>
    tpu.vector_store %arg21[%swap3A_63, %swap3A_64], %slice3A_62 {strides = array<i32>} : memref<1000x128xf32, #tpu.memory_space<vmem>>, vector<1000x128xf32>,
    %eq3A = arith.constant 0 : i32
    %eq3A_66 = arith.cmpi eq, %arg0, %eq3A : i32
    %convert_element_type3A = arith.extui %eq3A_66 : i1 to i32
    %cond3A = arith.constant 0 : i32
    %cond3A_67 = arith.cmpi ne, %convert_element_type3A, %cond3A : i32
    scf.if %cond3A_67 {
      %get3A_68 = arith.constant 0 : index
      %get3A_69 = arith.constant 0 : index
      %get3A_70 = vector.load %arg9[%get3A_68, %get3A_69] : memref<1x256xf32, #tpu.memory_space<vmem>>, vector<1x256xf32>
      %broadcast_in_dim3A = vector.shape_cast %get3A_70 : vector<1x256xf32> to vector<1x256xf32>
      %broadcast_in_dim3A_71 = vector.broadcast %broadcast_in_dim3A : vector<1x256xf32> to vector<8x256xf32>
      %ge3A_72 = arith.constant 0.000000e+00 : f32
      %ge3A_73 = vector.broadcast %ge3A_72 : f32 to vector<8x256xf32>
      %ge3A_74 = arith.cmpf oge, %broadcast_in_dim3A_71, %ge3A_73 : vector<8x256xf32>
      %mul3A_75 = arith.constant 2.000000e-01 : f32
      %mul3A_76 = vector.broadcast %mul3A_75 : f32 to vector<8x256xf32>
      %mul3A_77 = arith.mulf %mul3A_76, %broadcast_in_dim3A_71 : vector<8x256xf32>
      %select_n3A_78 = arith.select %ge3A_74, %broadcast_in_dim3A_71, %mul3A_77 : vector<8x256xi1>, vector<8x256xf32>
      %get3A_79 = arith.constant 0 : index
      %get3A_80 = arith.constant 0 : index
      %get3A_81 = vector.load %arg10[%get3A_79, %get3A_80] : memref<256x256xf32, #tpu.memory_space<vmem>>, vector<256x256xf32>
      %dot_general3A_82 = arith.constant dense<0.000000e+00> : vector<8x256xf32>
      %dot_general3A_83 = tpu.matmul %select_n3A_78, %get3A_81, %dot_general3A_82 {dimension_numbers = #tpu.dot_dimension_numbers<[1], [0], [0], [1], [0, 0, 1, 1], [], []>, transpose_lhs_hint = false} : vector<8x256xf32>, vector<256x256xf32>, vector<8x256xf32> -> vector<8x256xf32>
      %get3A_84 = arith.constant 0 : index
      %get3A_85 = arith.constant 0 : index
      %get3A_86 = vector.load %arg11[%get3A_84, %get3A_85] : memref<1x256xf32, #tpu.memory_space<vmem>>, vector<1x256xf32>
      %add3A_87 = vector.broadcast %get3A_86 : vector<1x256xf32> to vector<8x256xf32>
      %add3A_88 = arith.addf %dot_general3A_83, %add3A_87 : vector<8x256xf32>
      %ge3A_89 = arith.constant 0.000000e+00 : f32
      %ge3A_90 = vector.broadcast %ge3A_89 : f32 to vector<8x256xf32>
      %ge3A_91 = arith.cmpf oge, %add3A_88, %ge3A_90 : vector<8x256xf32>
      %mul3A_92 = arith.constant 2.000000e-01 : f32
      %mul3A_93 = vector.broadcast %mul3A_92 : f32 to vector<8x256xf32>
      %mul3A_94 = arith.mulf %mul3A_93, %add3A_88 : vector<8x256xf32>
      %select_n3A_95 = arith.select %ge3A_91, %add3A_88, %mul3A_94 : vector<8x256xi1>, vector<8x256xf32>
      %swap3A_96 = arith.constant 0 : index
      %swap3A_97 = arith.constant 0 : index
      %swap3A_98 = vector.load %arg22[%swap3A_96, %swap3A_97] : memref<8x256xf32, #tpu.memory_space<vmem>>, vector<8x256xf32>
      tpu.vector_store %arg22[%swap3A_96, %swap3A_97], %select_n3A_95 {strides = array<i32>} : memref<8x256xf32, #tpu.memory_space<vmem>>, vector<8x256xf32>,
      %get3A_99 = arith.constant 0 : index
      %get3A_100 = arith.constant 0 : index
      %get3A_101 = vector.load %arg12[%get3A_99, %get3A_100] : memref<256x256xf32, #tpu.memory_space<vmem>>, vector<256x256xf32>
      %dot_general3A_102 = arith.constant dense<0.000000e+00> : vector<8x256xf32>
      %dot_general3A_103 = tpu.matmul %select_n3A_95, %get3A_101, %dot_general3A_102 {dimension_numbers = #tpu.dot_dimension_numbers<[1], [0], [0], [1], [0, 0, 1, 1], [], []>, transpose_lhs_hint = false} : vector<8x256xf32>, vector<256x256xf32>, vector<8x256xf32> -> vector<8x256xf32>
      %get3A_104 = arith.constant 0 : index
      %get3A_105 = arith.constant 0 : index
      %get3A_106 = vector.load %arg13[%get3A_104, %get3A_105] : memref<1x256xf32, #tpu.memory_space<vmem>>, vector<1x256xf32>
      %add3A_107 = vector.broadcast %get3A_106 : vector<1x256xf32> to vector<8x256xf32>
      %add3A_108 = arith.addf %dot_general3A_103, %add3A_107 : vector<8x256xf32>
      %swap3A_109 = arith.constant 0 : index
      %swap3A_110 = arith.constant 0 : index
      %swap3A_111 = vector.load %arg23[%swap3A_109, %swap3A_110] : memref<8x256xf32, #tpu.memory_space<vmem>>, vector<8x256xf32>
      tpu.vector_store %arg23[%swap3A_109, %swap3A_110], %add3A_108 {strides = array<i32>} : memref<8x256xf32, #tpu.memory_space<vmem>>, vector<8x256xf32>,
      %get3A_112 = arith.constant 0 : index
      %get3A_113 = arith.constant 0 : index
      %get3A_114 = vector.load %arg14[%get3A_112, %get3A_113] : memref<256x256xf32, #tpu.memory_space<vmem>>, vector<256x256xf32>
      %dot_general3A_115 = arith.constant dense<0.000000e+00> : vector<8x256xf32>
      %dot_general3A_116 = tpu.matmul %select_n3A_95, %get3A_114, %dot_general3A_115 {dimension_numbers = #tpu.dot_dimension_numbers<[1], [0], [0], [1], [0, 0, 1, 1], [], []>, transpose_lhs_hint = false} : vector<8x256xf32>, vector<256x256xf32>, vector<8x256xf32> -> vector<8x256xf32>
      %get3A_117 = arith.constant 0 : index
      %get3A_118 = arith.constant 0 : index
      %get3A_119 = vector.load %arg15[%get3A_117, %get3A_118] : memref<1x256xf32, #tpu.memory_space<vmem>>, vector<1x256xf32>
      %add3A_120 = vector.broadcast %get3A_119 : vector<1x256xf32> to vector<8x256xf32>
      %add3A_121 = arith.addf %dot_general3A_116, %add3A_120 : vector<8x256xf32>
      %swap3A_122 = arith.constant 0 : index
      %swap3A_123 = arith.constant 0 : index
      %swap3A_124 = vector.load %arg24[%swap3A_122, %swap3A_123] : memref<8x256xf32, #tpu.memory_space<vmem>>, vector<8x256xf32>
      tpu.vector_store %arg24[%swap3A_122, %swap3A_123], %add3A_121 {strides = array<i32>} : memref<8x256xf32, #tpu.memory_space<vmem>>, vector<8x256xf32>,
    } else {
    }
    return
  }
  func.func @transform_0(%arg0: i32) -> (i32, i32) {
    %c0_i32 = arith.constant 0 : i32
    %c0_i32_0 = arith.constant 0 : i32
    return %arg0, %c0_i32 : i32, i32
  }
  func.func @transform_1(%arg0: i32) -> (i32, i32) {
    %c0_i32 = arith.constant 0 : i32
    %c0_i32_0 = arith.constant 0 : i32
    %c0_i32_1 = arith.constant 0 : i32
    return %c0_i32, %c0_i32_0 : i32, i32
  }
  func.func @transform_2(%arg0: i32) -> (i32, i32) {
    %c0_i32 = arith.constant 0 : i32
    %c0_i32_0 = arith.constant 0 : i32
    %c0_i32_1 = arith.constant 0 : i32
    return %c0_i32, %c0_i32_0 : i32, i32
  }
  func.func @transform_3(%arg0: i32) -> (i32, i32) {
    %c0_i32 = arith.constant 0 : i32
    %c0_i32_0 = arith.constant 0 : i32
    %c0_i32_1 = arith.constant 0 : i32
    return %c0_i32, %c0_i32_0 : i32, i32
  }
  func.func @transform_4(%arg0: i32) -> (i32, i32) {
    %c0_i32 = arith.constant 0 : i32
    %c0_i32_0 = arith.constant 0 : i32
    %c0_i32_1 = arith.constant 0 : i32
    return %c0_i32, %c0_i32_0 : i32, i32
  }
  func.func @transform_5(%arg0: i32) -> (i32, i32) {
    %c0_i32 = arith.constant 0 : i32
    %c0_i32_0 = arith.constant 0 : i32
    %c0_i32_1 = arith.constant 0 : i32
    return %c0_i32, %c0_i32_0 : i32, i32
  }
  func.func @transform_6(%arg0: i32) -> (i32, i32) {
    %c0_i32 = arith.constant 0 : i32
    %c0_i32_0 = arith.constant 0 : i32
    %c0_i32_1 = arith.constant 0 : i32
    return %c0_i32, %c0_i32_0 : i32, i32
  }
  func.func @transform_7(%arg0: i32) -> (i32, i32) {
    %c0_i32 = arith.constant 0 : i32
    %c0_i32_0 = arith.constant 0 : i32
    %c0_i32_1 = arith.constant 0 : i32
    return %c0_i32, %c0_i32_0 : i32, i32
  }
  func.func @transform_8(%arg0: i32) -> (i32, i32) {
    %c0_i32 = arith.constant 0 : i32
    %c0_i32_0 = arith.constant 0 : i32
    %c0_i32_1 = arith.constant 0 : i32
    return %c0_i32, %c0_i32_0 : i32, i32
  }
  func.func @transform_9(%arg0: i32) -> (i32, i32) {
    %c0_i32 = arith.constant 0 : i32
    %c0_i32_0 = arith.constant 0 : i32
    %c0_i32_1 = arith.constant 0 : i32
    return %c0_i32, %c0_i32_0 : i32, i32
  }
  func.func @transform_10(%arg0: i32) -> (i32, i32) {
    %c0_i32 = arith.constant 0 : i32
    %c0_i32_0 = arith.constant 0 : i32
    %c0_i32_1 = arith.constant 0 : i32
    return %c0_i32, %c0_i32_0 : i32, i32
  }
  func.func @transform_11(%arg0: i32) -> (i32, i32) {
    %c0_i32 = arith.constant 0 : i32
    %c0_i32_0 = arith.constant 0 : i32
    %c0_i32_1 = arith.constant 0 : i32
    return %c0_i32, %c0_i32_0 : i32, i32
  }
  func.func @transform_12(%arg0: i32) -> (i32, i32) {
    %c0_i32 = arith.constant 0 : i32
    %c0_i32_0 = arith.constant 0 : i32
    %c0_i32_1 = arith.constant 0 : i32
    return %c0_i32, %c0_i32_0 : i32, i32
  }
  func.func @transform_13(%arg0: i32) -> (i32, i32) {
    %c0_i32 = arith.constant 0 : i32
    %c0_i32_0 = arith.constant 0 : i32
    %c0_i32_1 = arith.constant 0 : i32
    return %c0_i32, %c0_i32_0 : i32, i32
  }
  func.func @transform_14(%arg0: i32) -> (i32, i32) {
    %c0_i32 = arith.constant 0 : i32
    %c0_i32_0 = arith.constant 0 : i32
    %c0_i32_1 = arith.constant 0 : i32
    return %c0_i32, %c0_i32_0 : i32, i32
  }
  func.func @transform_15(%arg0: i32) -> (i32, i32) {
    %c0_i32 = arith.constant 0 : i32
    %c0_i32_0 = arith.constant 0 : i32
    return %arg0, %c0_i32 : i32, i32
  }
  func.func @transform_16(%arg0: i32) -> (i32, i32) {
    %c0_i32 = arith.constant 0 : i32
    %c0_i32_0 = arith.constant 0 : i32
    return %arg0, %c0_i32 : i32, i32
  }
  func.func @transform_17(%arg0: i32) -> (i32, i32) {
    %c0_i32 = arith.constant 0 : i32
    %c0_i32_0 = arith.constant 0 : i32
    return %arg0, %c0_i32 : i32, i32
  }
  func.func @transform_18(%arg0: i32) -> (i32, i32) {
    %c0_i32 = arith.constant 0 : i32
    %c0_i32_0 = arith.constant 0 : i32
    return %arg0, %c0_i32 : i32, i32
  }
  func.func @transform_19(%arg0: i32) -> (i32, i32) {
    %c0_i32 = arith.constant 0 : i32
    %c0_i32_0 = arith.constant 0 : i32
    return %arg0, %c0_i32 : i32, i32
  }
  func.func @transform_20(%arg0: i32) -> (i32, i32) {
    %c0_i32 = arith.constant 0 : i32
    %c0_i32_0 = arith.constant 0 : i32
    return %arg0, %c0_i32 : i32, i32
  }
  func.func @transform_21(%arg0: i32) -> (i32, i32) {
    %c0_i32 = arith.constant 0 : i32
    %c0_i32_0 = arith.constant 0 : i32
    %c0_i32_1 = arith.constant 0 : i32
    return %c0_i32, %c0_i32_0 : i32, i32
  }
  func.func @transform_22(%arg0: i32) -> (i32, i32) {
    %c0_i32 = arith.constant 0 : i32
    %c0_i32_0 = arith.constant 0 : i32
    %c0_i32_1 = arith.constant 0 : i32
    return %c0_i32, %c0_i32_0 : i32, i32
  }
  func.func @transform_23(%arg0: i32) -> (i32, i32) {
    %c0_i32 = arith.constant 0 : i32
    %c0_i32_0 = arith.constant 0 : i32
    %c0_i32_1 = arith.constant 0 : i32
    return %c0_i32, %c0_i32_0 : i32, i32
  }
}

module attributes {stable_mosaic.version = 14 : i64} {
  func.func @_tc_b_body(%arg0: i32, %arg1: memref<2000x16xf32, #tpu.memory_space<vmem>>, %arg2: memref<2000x256xf32, #tpu.memory_space<vmem>>, %arg3: memref<16x256xf32, #tpu.memory_space<vmem>>, %arg4: memref<1x256xf32, #tpu.memory_space<vmem>>, %arg5: memref<256x256xf32, #tpu.memory_space<vmem>>, %arg6: memref<1x256xf32, #tpu.memory_space<vmem>>, %arg7: memref<256x256xf32, #tpu.memory_space<vmem>>, %arg8: memref<8x256xf32, #tpu.memory_space<vmem>>, %arg9: memref<256x256xf32, #tpu.memory_space<vmem>>, %arg10: memref<1x256xf32, #tpu.memory_space<vmem>>, %arg11: memref<256x128xf32, #tpu.memory_space<vmem>>, %arg12: memref<1x128xf32, #tpu.memory_space<vmem>>, %arg13: memref<2000x128xf32, #tpu.memory_space<vmem>>, %arg14: memref<8x128xf32, #tpu.memory_space<vmem>>) attributes {dimension_semantics = [#tpu.dimension_semantics<arbitrary>], iteration_bounds = array<i64: 80>, scalar_prefetch = 0 : i64, scratch_operands = 0 : i64, tpu.core_type = #tpu.core_type<tc>, window_params = [{transform_indices = @transform_0, window_bounds = array<i64: 2000, 16>}, {transform_indices = @transform_1, window_bounds = array<i64: 2000, 256>}, {pipeline_mode = #tpu.pipeline_mode<synchronous>, transform_indices = @transform_2, window_bounds = array<i64: 16, 256>}, {pipeline_mode = #tpu.pipeline_mode<synchronous>, transform_indices = @transform_3, window_bounds = array<i64: 1, 256>}, {pipeline_mode = #tpu.pipeline_mode<synchronous>, transform_indices = @transform_4, window_bounds = array<i64: 256, 256>}, {pipeline_mode = #tpu.pipeline_mode<synchronous>, transform_indices = @transform_5, window_bounds = array<i64: 1, 256>}, {pipeline_mode = #tpu.pipeline_mode<synchronous>, transform_indices = @transform_6, window_bounds = array<i64: 256, 256>}, {pipeline_mode = #tpu.pipeline_mode<synchronous>, transform_indices = @transform_7, window_bounds = array<i64: 8, 256>}, {pipeline_mode = #tpu.pipeline_mode<synchronous>, transform_indices = @transform_8, window_bounds = array<i64: 256, 256>}, {pipeline_mode = #tpu.pipeline_mode<synchronous>, transform_indices = @transform_9, window_bounds = array<i64: 1, 256>}, {pipeline_mode = #tpu.pipeline_mode<synchronous>, transform_indices = @transform_10, window_bounds = array<i64: 256, 128>}, {pipeline_mode = #tpu.pipeline_mode<synchronous>, transform_indices = @transform_11, window_bounds = array<i64: 1, 128>}, {transform_indices = @transform_12, window_bounds = array<i64: 2000, 128>}, {pipeline_mode = #tpu.pipeline_mode<synchronous>, transform_indices = @transform_13, window_bounds = array<i64: 8, 128>}]} {
    %get3A = arith.constant 0 : index
    %get3A_0 = arith.constant 0 : index
    %get3A_1 = vector.load %arg1[%get3A, %get3A_0] : memref<2000x16xf32, #tpu.memory_space<vmem>>, vector<2000x16xf32>
    %get3A_2 = arith.constant 0 : index
    %get3A_3 = arith.constant 0 : index
    %get3A_4 = vector.load %arg3[%get3A_2, %get3A_3] : memref<16x256xf32, #tpu.memory_space<vmem>>, vector<16x256xf32>
    %dot_general3A = arith.constant dense<0.000000e+00> : vector<2000x256xf32>
    %dot_general3A_5 = tpu.matmul %get3A_1, %get3A_4, %dot_general3A {dimension_numbers = #tpu.dot_dimension_numbers<[1], [0], [0], [1], [0, 0, 1, 1], [], []>, transpose_lhs_hint = false} : vector<2000x16xf32>, vector<16x256xf32>, vector<2000x256xf32> -> vector<2000x256xf32>
    %get3A_6 = arith.constant 0 : index
    %get3A_7 = arith.constant 0 : index
    %get3A_8 = vector.load %arg4[%get3A_6, %get3A_7] : memref<1x256xf32, #tpu.memory_space<vmem>>, vector<1x256xf32>
    %add3A = vector.broadcast %get3A_8 : vector<1x256xf32> to vector<2000x256xf32>
    %add3A_9 = arith.addf %dot_general3A_5, %add3A : vector<2000x256xf32>
    %ge3A = arith.constant 0.000000e+00 : f32
    %ge3A_10 = vector.broadcast %ge3A : f32 to vector<2000x256xf32>
    %ge3A_11 = arith.cmpf oge, %add3A_9, %ge3A_10 : vector<2000x256xf32>
    %mul3A = arith.constant 2.000000e-01 : f32
    %mul3A_12 = vector.broadcast %mul3A : f32 to vector<2000x256xf32>
    %mul3A_13 = arith.mulf %mul3A_12, %add3A_9 : vector<2000x256xf32>
    %select_n3A = arith.select %ge3A_11, %add3A_9, %mul3A_13 : vector<2000x256xi1>, vector<2000x256xf32>
    %get3A_14 = arith.constant 0 : index
    %get3A_15 = arith.constant 0 : index
    %get3A_16 = vector.load %arg5[%get3A_14, %get3A_15] : memref<256x256xf32, #tpu.memory_space<vmem>>, vector<256x256xf32>
    %dot_general3A_17 = arith.constant dense<0.000000e+00> : vector<2000x256xf32>
    %dot_general3A_18 = tpu.matmul %select_n3A, %get3A_16, %dot_general3A_17 {dimension_numbers = #tpu.dot_dimension_numbers<[1], [0], [0], [1], [0, 0, 1, 1], [], []>, transpose_lhs_hint = false} : vector<2000x256xf32>, vector<256x256xf32>, vector<2000x256xf32> -> vector<2000x256xf32>
    %get3A_19 = arith.constant 0 : index
    %get3A_20 = arith.constant 0 : index
    %get3A_21 = vector.load %arg6[%get3A_19, %get3A_20] : memref<1x256xf32, #tpu.memory_space<vmem>>, vector<1x256xf32>
    %add3A_22 = vector.broadcast %get3A_21 : vector<1x256xf32> to vector<2000x256xf32>
    %add3A_23 = arith.addf %dot_general3A_18, %add3A_22 : vector<2000x256xf32>
    %ge3A_24 = arith.constant 0.000000e+00 : f32
    %ge3A_25 = vector.broadcast %ge3A_24 : f32 to vector<2000x256xf32>
    %ge3A_26 = arith.cmpf oge, %add3A_23, %ge3A_25 : vector<2000x256xf32>
    %mul3A_27 = arith.constant 2.000000e-01 : f32
    %mul3A_28 = vector.broadcast %mul3A_27 : f32 to vector<2000x256xf32>
    %mul3A_29 = arith.mulf %mul3A_28, %add3A_23 : vector<2000x256xf32>
    %select_n3A_30 = arith.select %ge3A_26, %add3A_23, %mul3A_29 : vector<2000x256xi1>, vector<2000x256xf32>
    %get3A_31 = arith.constant 0 : index
    %get3A_32 = arith.constant 0 : index
    %get3A_33 = vector.load %arg7[%get3A_31, %get3A_32] : memref<256x256xf32, #tpu.memory_space<vmem>>, vector<256x256xf32>
    %dot_general3A_34 = arith.constant dense<0.000000e+00> : vector<2000x256xf32>
    %dot_general3A_35 = tpu.matmul %select_n3A_30, %get3A_33, %dot_general3A_34 {dimension_numbers = #tpu.dot_dimension_numbers<[1], [0], [0], [1], [0, 0, 1, 1], [], []>, transpose_lhs_hint = false} : vector<2000x256xf32>, vector<256x256xf32>, vector<2000x256xf32> -> vector<2000x256xf32>
    %get3A_36 = arith.constant 0 : index
    %get3A_37 = arith.constant 0 : index
    %get3A_38 = vector.load %arg2[%get3A_36, %get3A_37] : memref<2000x256xf32, #tpu.memory_space<vmem>>, vector<2000x256xf32>
    %add3A_39 = arith.addf %dot_general3A_35, %get3A_38 : vector<2000x256xf32>
    %get3A_40 = arith.constant 0 : index
    %get3A_41 = arith.constant 0 : index
    %get3A_42 = vector.load %arg8[%get3A_40, %get3A_41] : memref<8x256xf32, #tpu.memory_space<vmem>>, vector<1x256xf32>
    %add3A_43 = vector.broadcast %get3A_42 : vector<1x256xf32> to vector<2000x256xf32>
    %add3A_44 = arith.addf %add3A_39, %add3A_43 : vector<2000x256xf32>
    %ge3A_45 = arith.constant 0.000000e+00 : f32
    %ge3A_46 = vector.broadcast %ge3A_45 : f32 to vector<2000x256xf32>
    %ge3A_47 = arith.cmpf oge, %add3A_44, %ge3A_46 : vector<2000x256xf32>
    %mul3A_48 = arith.constant 2.000000e-01 : f32
    %mul3A_49 = vector.broadcast %mul3A_48 : f32 to vector<2000x256xf32>
    %mul3A_50 = arith.mulf %mul3A_49, %add3A_44 : vector<2000x256xf32>
    %select_n3A_51 = arith.select %ge3A_47, %add3A_44, %mul3A_50 : vector<2000x256xi1>, vector<2000x256xf32>
    %get3A_52 = arith.constant 0 : index
    %get3A_53 = arith.constant 0 : index
    %get3A_54 = vector.load %arg9[%get3A_52, %get3A_53] : memref<256x256xf32, #tpu.memory_space<vmem>>, vector<256x256xf32>
    %dot_general3A_55 = arith.constant dense<0.000000e+00> : vector<2000x256xf32>
    %dot_general3A_56 = tpu.matmul %select_n3A_51, %get3A_54, %dot_general3A_55 {dimension_numbers = #tpu.dot_dimension_numbers<[1], [0], [0], [1], [0, 0, 1, 1], [], []>, transpose_lhs_hint = false} : vector<2000x256xf32>, vector<256x256xf32>, vector<2000x256xf32> -> vector<2000x256xf32>
    %get3A_57 = arith.constant 0 : index
    %get3A_58 = arith.constant 0 : index
    %get3A_59 = vector.load %arg10[%get3A_57, %get3A_58] : memref<1x256xf32, #tpu.memory_space<vmem>>, vector<1x256xf32>
    %add3A_60 = vector.broadcast %get3A_59 : vector<1x256xf32> to vector<2000x256xf32>
    %add3A_61 = arith.addf %dot_general3A_56, %add3A_60 : vector<2000x256xf32>
    %ge3A_62 = arith.constant 0.000000e+00 : f32
    %ge3A_63 = vector.broadcast %ge3A_62 : f32 to vector<2000x256xf32>
    %ge3A_64 = arith.cmpf oge, %add3A_61, %ge3A_63 : vector<2000x256xf32>
    %mul3A_65 = arith.constant 2.000000e-01 : f32
    %mul3A_66 = vector.broadcast %mul3A_65 : f32 to vector<2000x256xf32>
    %mul3A_67 = arith.mulf %mul3A_66, %add3A_61 : vector<2000x256xf32>
    %select_n3A_68 = arith.select %ge3A_64, %add3A_61, %mul3A_67 : vector<2000x256xi1>, vector<2000x256xf32>
    %get3A_69 = arith.constant 0 : index
    %get3A_70 = arith.constant 0 : index
    %get3A_71 = vector.load %arg11[%get3A_69, %get3A_70] : memref<256x128xf32, #tpu.memory_space<vmem>>, vector<256x128xf32>
    %dot_general3A_72 = arith.constant dense<0.000000e+00> : vector<2000x128xf32>
    %dot_general3A_73 = tpu.matmul %select_n3A_68, %get3A_71, %dot_general3A_72 {dimension_numbers = #tpu.dot_dimension_numbers<[1], [0], [0], [1], [0, 0, 1, 1], [], []>, transpose_lhs_hint = false} : vector<2000x256xf32>, vector<256x128xf32>, vector<2000x128xf32> -> vector<2000x128xf32>
    %get3A_74 = arith.constant 0 : index
    %get3A_75 = arith.constant 0 : index
    %get3A_76 = vector.load %arg12[%get3A_74, %get3A_75] : memref<1x128xf32, #tpu.memory_space<vmem>>, vector<1x128xf32>
    %add3A_77 = vector.broadcast %get3A_76 : vector<1x128xf32> to vector<2000x128xf32>
    %add3A_78 = arith.addf %dot_general3A_73, %add3A_77 : vector<2000x128xf32>
    %max3A = arith.constant 0.000000e+00 : f32
    %max3A_79 = vector.broadcast %max3A : f32 to vector<2000x128xf32>
    %max3A_80 = arith.maximumf %add3A_78, %max3A_79 : vector<2000x128xf32>
    %swap3A = arith.constant 0 : index
    %swap3A_81 = arith.constant 0 : index
    %swap3A_82 = vector.load %arg13[%swap3A, %swap3A_81] : memref<2000x128xf32, #tpu.memory_space<vmem>>, vector<2000x128xf32>
    tpu.vector_store %arg13[%swap3A, %swap3A_81], %max3A_80 {strides = array<i32>} : memref<2000x128xf32, #tpu.memory_space<vmem>>, vector<2000x128xf32>,
    %reduce_sum3A = arith.constant dense<0.000000e+00> : vector<128xf32>
    %reduce_sum3A_83 = vector.multi_reduction <add>, %max3A_80, %reduce_sum3A [0] : vector<2000x128xf32> to vector<128xf32>
    %broadcast_in_dim3A = vector.shape_cast %reduce_sum3A_83 : vector<128xf32> to vector<1x128xf32>
    %eq3A = arith.constant 0 : i32
    %eq3A_84 = arith.cmpi eq, %arg0, %eq3A : i32
    %convert_element_type3A = arith.extui %eq3A_84 : i1 to i32
    %cond3A = arith.constant 0 : i32
    %cond3A_85 = arith.cmpi ne, %convert_element_type3A, %cond3A : i32
    scf.if %cond3A_85 {
      %broadcast_in_dim3A_95 = arith.constant 0.000000e+00 : f32
      %broadcast_in_dim3A_96 = vector.broadcast %broadcast_in_dim3A_95 : f32 to vector<8x128xf32>
      %swap3A_97 = arith.constant 0 : index
      %swap3A_98 = arith.constant 0 : index
      %swap3A_99 = vector.load %arg14[%swap3A_97, %swap3A_98] : memref<8x128xf32, #tpu.memory_space<vmem>>, vector<8x128xf32>
      tpu.vector_store %arg14[%swap3A_97, %swap3A_98], %broadcast_in_dim3A_96 {strides = array<i32>} : memref<8x128xf32, #tpu.memory_space<vmem>>, vector<8x128xf32>,
    } else {
    }
    %get3A_86 = arith.constant 0 : index
    %get3A_87 = arith.constant 0 : index
    %get3A_88 = vector.load %arg14[%get3A_86, %get3A_87] : memref<8x128xf32, #tpu.memory_space<vmem>>, vector<8x128xf32>
    %broadcast_in_dim3A_89 = vector.shape_cast %broadcast_in_dim3A : vector<1x128xf32> to vector<1x128xf32>
    %broadcast_in_dim3A_90 = vector.broadcast %broadcast_in_dim3A_89 : vector<1x128xf32> to vector<8x128xf32>
    %add3A_91 = arith.addf %get3A_88, %broadcast_in_dim3A_90 : vector<8x128xf32>
    %swap3A_92 = arith.constant 0 : index
    %swap3A_93 = arith.constant 0 : index
    %swap3A_94 = vector.load %arg14[%swap3A_92, %swap3A_93] : memref<8x128xf32, #tpu.memory_space<vmem>>, vector<8x128xf32>
    tpu.vector_store %arg14[%swap3A_92, %swap3A_93], %add3A_91 {strides = array<i32>} : memref<8x128xf32, #tpu.memory_space<vmem>>, vector<8x128xf32>,
    return
  }
  func.func @transform_0(%arg0: i32) -> (i32, i32) {
    %c0_i32 = arith.constant 0 : i32
    %c0_i32_0 = arith.constant 0 : i32
    return %arg0, %c0_i32 : i32, i32
  }
  func.func @transform_1(%arg0: i32) -> (i32, i32) {
    %c0_i32 = arith.constant 0 : i32
    %c0_i32_0 = arith.constant 0 : i32
    return %arg0, %c0_i32 : i32, i32
  }
  func.func @transform_2(%arg0: i32) -> (i32, i32) {
    %c0_i32 = arith.constant 0 : i32
    %c0_i32_0 = arith.constant 0 : i32
    %c0_i32_1 = arith.constant 0 : i32
    return %c0_i32, %c0_i32_0 : i32, i32
  }
  func.func @transform_3(%arg0: i32) -> (i32, i32) {
    %c0_i32 = arith.constant 0 : i32
    %c0_i32_0 = arith.constant 0 : i32
    %c0_i32_1 = arith.constant 0 : i32
    return %c0_i32, %c0_i32_0 : i32, i32
  }
  func.func @transform_4(%arg0: i32) -> (i32, i32) {
    %c0_i32 = arith.constant 0 : i32
    %c0_i32_0 = arith.constant 0 : i32
    %c0_i32_1 = arith.constant 0 : i32
    return %c0_i32, %c0_i32_0 : i32, i32
  }
  func.func @transform_5(%arg0: i32) -> (i32, i32) {
    %c0_i32 = arith.constant 0 : i32
    %c0_i32_0 = arith.constant 0 : i32
    %c0_i32_1 = arith.constant 0 : i32
    return %c0_i32, %c0_i32_0 : i32, i32
  }
  func.func @transform_6(%arg0: i32) -> (i32, i32) {
    %c0_i32 = arith.constant 0 : i32
    %c0_i32_0 = arith.constant 0 : i32
    %c0_i32_1 = arith.constant 0 : i32
    return %c0_i32, %c0_i32_0 : i32, i32
  }
  func.func @transform_7(%arg0: i32) -> (i32, i32) {
    %c0_i32 = arith.constant 0 : i32
    %c0_i32_0 = arith.constant 0 : i32
    %c0_i32_1 = arith.constant 0 : i32
    return %c0_i32, %c0_i32_0 : i32, i32
  }
  func.func @transform_8(%arg0: i32) -> (i32, i32) {
    %c0_i32 = arith.constant 0 : i32
    %c0_i32_0 = arith.constant 0 : i32
    %c0_i32_1 = arith.constant 0 : i32
    return %c0_i32, %c0_i32_0 : i32, i32
  }
  func.func @transform_9(%arg0: i32) -> (i32, i32) {
    %c0_i32 = arith.constant 0 : i32
    %c0_i32_0 = arith.constant 0 : i32
    %c0_i32_1 = arith.constant 0 : i32
    return %c0_i32, %c0_i32_0 : i32, i32
  }
  func.func @transform_10(%arg0: i32) -> (i32, i32) {
    %c0_i32 = arith.constant 0 : i32
    %c0_i32_0 = arith.constant 0 : i32
    %c0_i32_1 = arith.constant 0 : i32
    return %c0_i32, %c0_i32_0 : i32, i32
  }
  func.func @transform_11(%arg0: i32) -> (i32, i32) {
    %c0_i32 = arith.constant 0 : i32
    %c0_i32_0 = arith.constant 0 : i32
    %c0_i32_1 = arith.constant 0 : i32
    return %c0_i32, %c0_i32_0 : i32, i32
  }
  func.func @transform_12(%arg0: i32) -> (i32, i32) {
    %c0_i32 = arith.constant 0 : i32
    %c0_i32_0 = arith.constant 0 : i32
    return %arg0, %c0_i32 : i32, i32
  }
  func.func @transform_13(%arg0: i32) -> (i32, i32) {
    %c0_i32 = arith.constant 0 : i32
    %c0_i32_0 = arith.constant 0 : i32
    %c0_i32_1 = arith.constant 0 : i32
    return %c0_i32, %c0_i32_0 : i32, i32
  }
}

module attributes {stable_mosaic.version = 14 : i64} {
  func.func @_tc_d_body(%arg0: i32, %arg1: memref<1000x128xf32, #tpu.memory_space<vmem>>, %arg2: memref<1000x128xf32, #tpu.memory_space<vmem>>, %arg3: memref<1000x128xf32, #tpu.memory_space<vmem>>, %arg4: memref<1000x128xf32, #tpu.memory_space<vmem>>, %arg5: memref<1000x32xf32, #tpu.memory_space<vmem>>, %arg6: memref<1000x128xf32, #tpu.memory_space<vmem>>, %arg7: memref<1000x128xf32, #tpu.memory_space<vmem>>, %arg8: memref<8x256xf32, #tpu.memory_space<vmem>>, %arg9: memref<8x128xf32, #tpu.memory_space<vmem>>, %arg10: memref<8x256xf32, #tpu.memory_space<vmem>>, %arg11: memref<128x256xf32, #tpu.memory_space<vmem>>, %arg12: memref<128x256xf32, #tpu.memory_space<vmem>>, %arg13: memref<128x256xf32, #tpu.memory_space<vmem>>, %arg14: memref<256x256xf32, #tpu.memory_space<vmem>>, %arg15: memref<1x256xf32, #tpu.memory_space<vmem>>, %arg16: memref<256x128xf32, #tpu.memory_space<vmem>>, %arg17: memref<1x128xf32, #tpu.memory_space<vmem>>, %arg18: memref<128x256xf32, #tpu.memory_space<vmem>>, %arg19: memref<128x256xf32, #tpu.memory_space<vmem>>, %arg20: memref<256x256xf32, #tpu.memory_space<vmem>>, %arg21: memref<1x256xf32, #tpu.memory_space<vmem>>, %arg22: memref<256x256xf32, #tpu.memory_space<vmem>>, %arg23: memref<1x256xf32, #tpu.memory_space<vmem>>, %arg24: memref<256x128xf32, #tpu.memory_space<vmem>>, %arg25: memref<1x128xf32, #tpu.memory_space<vmem>>, %arg26: memref<128x128xf32, #tpu.memory_space<vmem>>, %arg27: memref<1x128xf32, #tpu.memory_space<vmem>>, %arg28: memref<128x128xf32, #tpu.memory_space<vmem>>, %arg29: memref<128x128xf32, #tpu.memory_space<vmem>>, %arg30: memref<1000x128xf32, #tpu.memory_space<vmem>>, %arg31: memref<1000x128xf32, #tpu.memory_space<vmem>>, %arg32: memref<8x128xf32, #tpu.memory_space<vmem>>, %arg33: memref<8x128xf32, #tpu.memory_space<vmem>>) attributes {dimension_semantics = [#tpu.dimension_semantics<arbitrary>], iteration_bounds = array<i64: 10>, scalar_prefetch = 0 : i64, scratch_operands = 0 : i64, tpu.core_type = #tpu.core_type<tc>, window_params = [{transform_indices = @transform_0, window_bounds = array<i64: 1000, 128>}, {transform_indices = @transform_1, window_bounds = array<i64: 1000, 128>}, {transform_indices = @transform_2, window_bounds = array<i64: 1000, 128>}, {transform_indices = @transform_3, window_bounds = array<i64: 1000, 128>}, {transform_indices = @transform_4, window_bounds = array<i64: 1000, 32>}, {transform_indices = @transform_5, window_bounds = array<i64: 1000, 128>}, {transform_indices = @transform_6, window_bounds = array<i64: 1000, 128>}, {pipeline_mode = #tpu.pipeline_mode<synchronous>, transform_indices = @transform_7, window_bounds = array<i64: 8, 256>}, {pipeline_mode = #tpu.pipeline_mode<synchronous>, transform_indices = @transform_8, window_bounds = array<i64: 8, 128>}, {pipeline_mode = #tpu.pipeline_mode<synchronous>, transform_indices = @transform_9, window_bounds = array<i64: 8, 256>}, {pipeline_mode = #tpu.pipeline_mode<synchronous>, transform_indices = @transform_10, window_bounds = array<i64: 128, 256>}, {pipeline_mode = #tpu.pipeline_mode<synchronous>, transform_indices = @transform_11, window_bounds = array<i64: 128, 256>}, {pipeline_mode = #tpu.pipeline_mode<synchronous>, transform_indices = @transform_12, window_bounds = array<i64: 128, 256>}, {pipeline_mode = #tpu.pipeline_mode<synchronous>, transform_indices = @transform_13, window_bounds = array<i64: 256, 256>}, {pipeline_mode = #tpu.pipeline_mode<synchronous>, transform_indices = @transform_14, window_bounds = array<i64: 1, 256>}, {pipeline_mode = #tpu.pipeline_mode<synchronous>, transform_indices = @transform_15, window_bounds = array<i64: 256, 128>}, {pipeline_mode = #tpu.pipeline_mode<synchronous>, transform_indices = @transform_16, window_bounds = array<i64: 1, 128>}, {pipeline_mode = #tpu.pipeline_mode<synchronous>, transform_indices = @transform_17, window_bounds = array<i64: 128, 256>}, {pipeline_mode = #tpu.pipeline_mode<synchronous>, transform_indices = @transform_18, window_bounds = array<i64: 128, 256>}, {pipeline_mode = #tpu.pipeline_mode<synchronous>, transform_indices = @transform_19, window_bounds = array<i64: 256, 256>}, {pipeline_mode = #tpu.pipeline_mode<synchronous>, transform_indices = @transform_20, window_bounds = array<i64: 1, 256>}, {pipeline_mode = #tpu.pipeline_mode<synchronous>, transform_indices = @transform_21, window_bounds = array<i64: 256, 256>}, {pipeline_mode = #tpu.pipeline_mode<synchronous>, transform_indices = @transform_22, window_bounds = array<i64: 1, 256>}, {pipeline_mode = #tpu.pipeline_mode<synchronous>, transform_indices = @transform_23, window_bounds = array<i64: 256, 128>}, {pipeline_mode = #tpu.pipeline_mode<synchronous>, transform_indices = @transform_24, window_bounds = array<i64: 1, 128>}, {pipeline_mode = #tpu.pipeline_mode<synchronous>, transform_indices = @transform_25, window_bounds = array<i64: 128, 128>}, {pipeline_mode = #tpu.pipeline_mode<synchronous>, transform_indices = @transform_26, window_bounds = array<i64: 1, 128>}, {pipeline_mode = #tpu.pipeline_mode<synchronous>, transform_indices = @transform_27, window_bounds = array<i64: 128, 128>}, {pipeline_mode = #tpu.pipeline_mode<synchronous>, transform_indices = @transform_28, window_bounds = array<i64: 128, 128>}, {transform_indices = @transform_29, window_bounds = array<i64: 1000, 128>}, {transform_indices = @transform_30, window_bounds = array<i64: 1000, 128>}, {pipeline_mode = #tpu.pipeline_mode<synchronous>, transform_indices = @transform_31, window_bounds = array<i64: 8, 128>}, {pipeline_mode = #tpu.pipeline_mode<synchronous>, transform_indices = @transform_32, window_bounds = array<i64: 8, 128>}]} {
    %get3A = arith.constant 0 : index
    %get3A_0 = arith.constant 0 : index
    %get3A_1 = vector.load %arg5[%get3A, %get3A_0] : memref<1000x32xf32, #tpu.memory_space<vmem>>, vector<1000x32xf32>
    %reduce_sum3A = arith.constant dense<0.000000e+00> : vector<1000xf32>
    %reduce_sum3A_2 = vector.multi_reduction <add>, %get3A_1, %reduce_sum3A [1] : vector<1000x32xf32> to vector<1000xf32>
    %broadcast_in_dim3A = vector.shape_cast %reduce_sum3A_2 : vector<1000xf32> to vector<1000x1xf32>
    %max3A = arith.constant 1.000000e+00 : f32
    %max3A_3 = vector.broadcast %max3A : f32 to vector<1000x1xf32>
    %max3A_4 = arith.maximumf %broadcast_in_dim3A, %max3A_3 : vector<1000x1xf32>
    %div3A = arith.constant 1.000000e+00 : f32
    %div3A_5 = vector.broadcast %div3A : f32 to vector<1000x1xf32>
    %div3A_6 = arith.divf %div3A_5, %max3A_4 : vector<1000x1xf32>
    %gt3A = arith.constant 0.000000e+00 : f32
    %gt3A_7 = vector.broadcast %gt3A : f32 to vector<1000x1xf32>
    %gt3A_8 = arith.cmpf ogt, %broadcast_in_dim3A, %gt3A_7 : vector<1000x1xf32>
    %convert_element_type3A = arith.extui %gt3A_8 : vector<1000x1xi1> to vector<1000x1xi32>
    %convert_element_type3A_9 = arith.sitofp %convert_element_type3A : vector<1000x1xi32> to vector<1000x1xf32>
    %get3A_10 = arith.constant 0 : index
    %get3A_11 = arith.constant 0 : index
    %get3A_12 = vector.load %arg1[%get3A_10, %get3A_11] : memref<1000x128xf32, #tpu.memory_space<vmem>>, vector<1000x128xf32>
    %get3A_13 = arith.constant 0 : index
    %get3A_14 = arith.constant 0 : index
    %get3A_15 = vector.load %arg2[%get3A_13, %get3A_14] : memref<1000x128xf32, #tpu.memory_space<vmem>>, vector<1000x128xf32>
    %add3A = arith.addf %get3A_12, %get3A_15 : vector<1000x128xf32>
    %get3A_16 = arith.constant 0 : index
    %get3A_17 = arith.constant 0 : index
    %get3A_18 = vector.load %arg11[%get3A_16, %get3A_17] : memref<128x256xf32, #tpu.memory_space<vmem>>, vector<128x256xf32>
    %dot_general3A = arith.constant dense<0.000000e+00> : vector<1000x256xf32>
    %dot_general3A_19 = tpu.matmul %add3A, %get3A_18, %dot_general3A {dimension_numbers = #tpu.dot_dimension_numbers<[1], [0], [0], [1], [0, 0, 1, 1], [], []>, transpose_lhs_hint = false} : vector<1000x128xf32>, vector<128x256xf32>, vector<1000x256xf32> -> vector<1000x256xf32>
    %get3A_20 = arith.constant 0 : index
    %get3A_21 = arith.constant 0 : index
    %get3A_22 = vector.load %arg3[%get3A_20, %get3A_21] : memref<1000x128xf32, #tpu.memory_space<vmem>>, vector<1000x128xf32>
    %get3A_23 = arith.constant 0 : index
    %get3A_24 = arith.constant 0 : index
    %get3A_25 = vector.load %arg4[%get3A_23, %get3A_24] : memref<1000x128xf32, #tpu.memory_space<vmem>>, vector<1000x128xf32>
    %concatenate3A = tpu.concatenate %get3A_22, %get3A_25 in 1 : vector<1000x128xf32>, vector<1000x128xf32> -> vector<1000x256xf32>
    %add3A_26 = arith.addf %dot_general3A_19, %concatenate3A : vector<1000x256xf32>
    %mul3A = vector.broadcast %div3A_6 : vector<1000x1xf32> to vector<1000x256xf32>
    %mul3A_27 = arith.mulf %add3A_26, %mul3A : vector<1000x256xf32>
    %get3A_28 = arith.constant 0 : index
    %get3A_29 = arith.constant 0 : index
    %get3A_30 = vector.load %arg6[%get3A_28, %get3A_29] : memref<1000x128xf32, #tpu.memory_space<vmem>>, vector<1000x128xf32>
    %get3A_31 = arith.constant 0 : index
    %get3A_32 = arith.constant 0 : index
    %get3A_33 = vector.load %arg12[%get3A_31, %get3A_32] : memref<128x256xf32, #tpu.memory_space<vmem>>, vector<128x256xf32>
    %dot_general3A_34 = arith.constant dense<0.000000e+00> : vector<1000x256xf32>
    %dot_general3A_35 = tpu.matmul %get3A_30, %get3A_33, %dot_general3A_34 {dimension_numbers = #tpu.dot_dimension_numbers<[1], [0], [0], [1], [0, 0, 1, 1], [], []>, transpose_lhs_hint = false} : vector<1000x128xf32>, vector<128x256xf32>, vector<1000x256xf32> -> vector<1000x256xf32>
    %get3A_36 = arith.constant 0 : index
    %get3A_37 = arith.constant 0 : index
    %get3A_38 = vector.load %arg7[%get3A_36, %get3A_37] : memref<1000x128xf32, #tpu.memory_space<vmem>>, vector<1000x128xf32>
    %get3A_39 = arith.constant 0 : index
    %get3A_40 = arith.constant 0 : index
    %get3A_41 = vector.load %arg13[%get3A_39, %get3A_40] : memref<128x256xf32, #tpu.memory_space<vmem>>, vector<128x256xf32>
    %dot_general3A_42 = arith.constant dense<0.000000e+00> : vector<1000x256xf32>
    %dot_general3A_43 = tpu.matmul %get3A_38, %get3A_41, %dot_general3A_42 {dimension_numbers = #tpu.dot_dimension_numbers<[1], [0], [0], [1], [0, 0, 1, 1], [], []>, transpose_lhs_hint = false} : vector<1000x128xf32>, vector<128x256xf32>, vector<1000x256xf32> -> vector<1000x256xf32>
    %add3A_44 = arith.addf %dot_general3A_35, %dot_general3A_43 : vector<1000x256xf32>
    %mul3A_45 = vector.broadcast %convert_element_type3A_9 : vector<1000x1xf32> to vector<1000x256xf32>
    %mul3A_46 = arith.mulf %add3A_44, %mul3A_45 : vector<1000x256xf32>
    %add3A_47 = arith.addf %mul3A_27, %mul3A_46 : vector<1000x256xf32>
    %get3A_48 = arith.constant 0 : index
    %get3A_49 = arith.constant 0 : index
    %get3A_50 = vector.load %arg8[%get3A_48, %get3A_49] : memref<8x256xf32, #tpu.memory_space<vmem>>, vector<1x256xf32>
    %add3A_51 = vector.broadcast %get3A_50 : vector<1x256xf32> to vector<1000x256xf32>
    %add3A_52 = arith.addf %add3A_47, %add3A_51 : vector<1000x256xf32>
    %ge3A = arith.constant 0.000000e+00 : f32
    %ge3A_53 = vector.broadcast %ge3A : f32 to vector<1000x256xf32>
    %ge3A_54 = arith.cmpf oge, %add3A_52, %ge3A_53 : vector<1000x256xf32>
    %mul3A_55 = arith.constant 2.000000e-01 : f32
    %mul3A_56 = vector.broadcast %mul3A_55 : f32 to vector<1000x256xf32>
    %mul3A_57 = arith.mulf %mul3A_56, %add3A_52 : vector<1000x256xf32>
    %select_n3A = arith.select %ge3A_54, %add3A_52, %mul3A_57 : vector<1000x256xi1>, vector<1000x256xf32>
    %get3A_58 = arith.constant 0 : index
    %get3A_59 = arith.constant 0 : index
    %get3A_60 = vector.load %arg14[%get3A_58, %get3A_59] : memref<256x256xf32, #tpu.memory_space<vmem>>, vector<256x256xf32>
    %dot_general3A_61 = arith.constant dense<0.000000e+00> : vector<1000x256xf32>
    %dot_general3A_62 = tpu.matmul %select_n3A, %get3A_60, %dot_general3A_61 {dimension_numbers = #tpu.dot_dimension_numbers<[1], [0], [0], [1], [0, 0, 1, 1], [], []>, transpose_lhs_hint = false} : vector<1000x256xf32>, vector<256x256xf32>, vector<1000x256xf32> -> vector<1000x256xf32>
    %get3A_63 = arith.constant 0 : index
    %get3A_64 = arith.constant 0 : index
    %get3A_65 = vector.load %arg15[%get3A_63, %get3A_64] : memref<1x256xf32, #tpu.memory_space<vmem>>, vector<1x256xf32>
    %add3A_66 = vector.broadcast %get3A_65 : vector<1x256xf32> to vector<1000x256xf32>
    %add3A_67 = arith.addf %dot_general3A_62, %add3A_66 : vector<1000x256xf32>
    %ge3A_68 = arith.constant 0.000000e+00 : f32
    %ge3A_69 = vector.broadcast %ge3A_68 : f32 to vector<1000x256xf32>
    %ge3A_70 = arith.cmpf oge, %add3A_67, %ge3A_69 : vector<1000x256xf32>
    %mul3A_71 = arith.constant 2.000000e-01 : f32
    %mul3A_72 = vector.broadcast %mul3A_71 : f32 to vector<1000x256xf32>
    %mul3A_73 = arith.mulf %mul3A_72, %add3A_67 : vector<1000x256xf32>
    %select_n3A_74 = arith.select %ge3A_70, %add3A_67, %mul3A_73 : vector<1000x256xi1>, vector<1000x256xf32>
    %get3A_75 = arith.constant 0 : index
    %get3A_76 = arith.constant 0 : index
    %get3A_77 = vector.load %arg16[%get3A_75, %get3A_76] : memref<256x128xf32, #tpu.memory_space<vmem>>, vector<256x128xf32>
    %dot_general3A_78 = arith.constant dense<0.000000e+00> : vector<1000x128xf32>
    %dot_general3A_79 = tpu.matmul %select_n3A_74, %get3A_77, %dot_general3A_78 {dimension_numbers = #tpu.dot_dimension_numbers<[1], [0], [0], [1], [0, 0, 1, 1], [], []>, transpose_lhs_hint = false} : vector<1000x256xf32>, vector<256x128xf32>, vector<1000x128xf32> -> vector<1000x128xf32>
    %get3A_80 = arith.constant 0 : index
    %get3A_81 = arith.constant 0 : index
    %get3A_82 = vector.load %arg17[%get3A_80, %get3A_81] : memref<1x128xf32, #tpu.memory_space<vmem>>, vector<1x128xf32>
    %add3A_83 = vector.broadcast %get3A_82 : vector<1x128xf32> to vector<1000x128xf32>
    %add3A_84 = arith.addf %dot_general3A_79, %add3A_83 : vector<1000x128xf32>
    %max3A_85 = arith.constant 0.000000e+00 : f32
    %max3A_86 = vector.broadcast %max3A_85 : f32 to vector<1000x128xf32>
    %max3A_87 = arith.maximumf %add3A_84, %max3A_86 : vector<1000x128xf32>
    %get3A_88 = arith.constant 0 : index
    %get3A_89 = arith.constant 0 : index
    %get3A_90 = vector.load %arg28[%get3A_88, %get3A_89] : memref<128x128xf32, #tpu.memory_space<vmem>>, vector<128x128xf32>
    %dot_general3A_91 = arith.constant dense<0.000000e+00> : vector<1000x128xf32>
    %dot_general3A_92 = tpu.matmul %max3A_87, %get3A_90, %dot_general3A_91 {dimension_numbers = #tpu.dot_dimension_numbers<[1], [0], [0], [1], [0, 0, 1, 1], [], []>, transpose_lhs_hint = false} : vector<1000x128xf32>, vector<128x128xf32>, vector<1000x128xf32> -> vector<1000x128xf32>
    %swap3A = arith.constant 0 : index
    %swap3A_93 = arith.constant 0 : index
    %swap3A_94 = vector.load %arg30[%swap3A, %swap3A_93] : memref<1000x128xf32, #tpu.memory_space<vmem>>, vector<1000x128xf32>
    tpu.vector_store %arg30[%swap3A, %swap3A_93], %dot_general3A_92 {strides = array<i32>} : memref<1000x128xf32, #tpu.memory_space<vmem>>, vector<1000x128xf32>,
    %get3A_95 = arith.constant 0 : index
    %get3A_96 = arith.constant 0 : index
    %get3A_97 = vector.load %arg29[%get3A_95, %get3A_96] : memref<128x128xf32, #tpu.memory_space<vmem>>, vector<128x128xf32>
    %dot_general3A_98 = arith.constant dense<0.000000e+00> : vector<1000x128xf32>
    %dot_general3A_99 = tpu.matmul %max3A_87, %get3A_97, %dot_general3A_98 {dimension_numbers = #tpu.dot_dimension_numbers<[1], [0], [0], [1], [0, 0, 1, 1], [], []>, transpose_lhs_hint = false} : vector<1000x128xf32>, vector<128x128xf32>, vector<1000x128xf32> -> vector<1000x128xf32>
    %swap3A_100 = arith.constant 0 : index
    %swap3A_101 = arith.constant 0 : index
    %swap3A_102 = vector.load %arg31[%swap3A_100, %swap3A_101] : memref<1000x128xf32, #tpu.memory_space<vmem>>, vector<1000x128xf32>
    tpu.vector_store %arg31[%swap3A_100, %swap3A_101], %dot_general3A_99 {strides = array<i32>} : memref<1000x128xf32, #tpu.memory_space<vmem>>, vector<1000x128xf32>,
    %reduce_sum3A_103 = arith.constant dense<0.000000e+00> : vector<128xf32>
    %reduce_sum3A_104 = vector.multi_reduction <add>, %max3A_87, %reduce_sum3A_103 [0] : vector<1000x128xf32> to vector<128xf32>
    %broadcast_in_dim3A_105 = vector.shape_cast %reduce_sum3A_104 : vector<128xf32> to vector<1x128xf32>
    %eq3A = arith.constant 0 : i32
    %eq3A_106 = arith.cmpi eq, %arg0, %eq3A : i32
    %convert_element_type3A_107 = arith.extui %eq3A_106 : i1 to i32
    %cond3A = arith.constant 0 : i32
    %cond3A_108 = arith.cmpi ne, %convert_element_type3A_107, %cond3A : i32
    scf.if %cond3A_108 {
      %broadcast_in_dim3A_123 = arith.constant 0.000000e+00 : f32
      %broadcast_in_dim3A_124 = vector.broadcast %broadcast_in_dim3A_123 : f32 to vector<8x128xf32>
      %swap3A_125 = arith.constant 0 : index
      %swap3A_126 = arith.constant 0 : index
      %swap3A_127 = vector.load %arg33[%swap3A_125, %swap3A_126] : memref<8x128xf32, #tpu.memory_space<vmem>>, vector<8x128xf32>
      tpu.vector_store %arg33[%swap3A_125, %swap3A_126], %broadcast_in_dim3A_124 {strides = array<i32>} : memref<8x128xf32, #tpu.memory_space<vmem>>, vector<8x128xf32>,
    } else {
    }
    %get3A_109 = arith.constant 0 : index
    %get3A_110 = arith.constant 0 : index
    %get3A_111 = vector.load %arg33[%get3A_109, %get3A_110] : memref<8x128xf32, #tpu.memory_space<vmem>>, vector<8x128xf32>
    %broadcast_in_dim3A_112 = vector.shape_cast %broadcast_in_dim3A_105 : vector<1x128xf32> to vector<1x128xf32>
    %broadcast_in_dim3A_113 = vector.broadcast %broadcast_in_dim3A_112 : vector<1x128xf32> to vector<8x128xf32>
    %add3A_114 = arith.addf %get3A_111, %broadcast_in_dim3A_113 : vector<8x128xf32>
    %swap3A_115 = arith.constant 0 : index
    %swap3A_116 = arith.constant 0 : index
    %swap3A_117 = vector.load %arg33[%swap3A_115, %swap3A_116] : memref<8x128xf32, #tpu.memory_space<vmem>>, vector<8x128xf32>
    tpu.vector_store %arg33[%swap3A_115, %swap3A_116], %add3A_114 {strides = array<i32>} : memref<8x128xf32, #tpu.memory_space<vmem>>, vector<8x128xf32>,
    %eq3A_118 = arith.constant 9 : i32
    %eq3A_119 = arith.cmpi eq, %arg0, %eq3A_118 : i32
    %convert_element_type3A_120 = arith.extui %eq3A_119 : i1 to i32
    %cond3A_121 = arith.constant 0 : i32
    %cond3A_122 = arith.cmpi ne, %convert_element_type3A_120, %cond3A_121 : i32
    scf.if %cond3A_122 {
      %get3A_123 = arith.constant 0 : index
      %get3A_124 = arith.constant 0 : index
      %get3A_125 = vector.load %arg33[%get3A_123, %get3A_124] : memref<8x128xf32, #tpu.memory_space<vmem>>, vector<8x128xf32>
      %get3A_126 = arith.constant 0 : index
      %get3A_127 = arith.constant 0 : index
      %get3A_128 = vector.load %arg18[%get3A_126, %get3A_127] : memref<128x256xf32, #tpu.memory_space<vmem>>, vector<128x256xf32>
      %dot_general3A_129 = arith.constant dense<0.000000e+00> : vector<8x256xf32>
      %dot_general3A_130 = tpu.matmul %get3A_125, %get3A_128, %dot_general3A_129 {dimension_numbers = #tpu.dot_dimension_numbers<[1], [0], [0], [1], [0, 0, 1, 1], [], []>, transpose_lhs_hint = false} : vector<8x128xf32>, vector<128x256xf32>, vector<8x256xf32> -> vector<8x256xf32>
      %get3A_131 = arith.constant 0 : index
      %get3A_132 = arith.constant 0 : index
      %get3A_133 = vector.load %arg9[%get3A_131, %get3A_132] : memref<8x128xf32, #tpu.memory_space<vmem>>, vector<8x128xf32>
      %get3A_134 = arith.constant 0 : index
      %get3A_135 = arith.constant 0 : index
      %get3A_136 = vector.load %arg19[%get3A_134, %get3A_135] : memref<128x256xf32, #tpu.memory_space<vmem>>, vector<128x256xf32>
      %dot_general3A_137 = arith.constant dense<0.000000e+00> : vector<8x256xf32>
      %dot_general3A_138 = tpu.matmul %get3A_133, %get3A_136, %dot_general3A_137 {dimension_numbers = #tpu.dot_dimension_numbers<[1], [0], [0], [1], [0, 0, 1, 1], [], []>, transpose_lhs_hint = false} : vector<8x128xf32>, vector<128x256xf32>, vector<8x256xf32> -> vector<8x256xf32>
      %add3A_139 = arith.addf %dot_general3A_130, %dot_general3A_138 : vector<8x256xf32>
      %get3A_140 = arith.constant 0 : index
      %get3A_141 = arith.constant 0 : index
      %get3A_142 = vector.load %arg10[%get3A_140, %get3A_141] : memref<8x256xf32, #tpu.memory_space<vmem>>, vector<8x256xf32>
      %get3A_143 = arith.constant 0 : index
      %get3A_144 = arith.constant 0 : index
      %get3A_145 = vector.load %arg20[%get3A_143, %get3A_144] : memref<256x256xf32, #tpu.memory_space<vmem>>, vector<256x256xf32>
      %dot_general3A_146 = arith.constant dense<0.000000e+00> : vector<8x256xf32>
      %dot_general3A_147 = tpu.matmul %get3A_142, %get3A_145, %dot_general3A_146 {dimension_numbers = #tpu.dot_dimension_numbers<[1], [0], [0], [1], [0, 0, 1, 1], [], []>, transpose_lhs_hint = false} : vector<8x256xf32>, vector<256x256xf32>, vector<8x256xf32> -> vector<8x256xf32>
      %add3A_148 = arith.addf %add3A_139, %dot_general3A_147 : vector<8x256xf32>
      %get3A_149 = arith.constant 0 : index
      %get3A_150 = arith.constant 0 : index
      %get3A_151 = vector.load %arg21[%get3A_149, %get3A_150] : memref<1x256xf32, #tpu.memory_space<vmem>>, vector<1x256xf32>
      %add3A_152 = vector.broadcast %get3A_151 : vector<1x256xf32> to vector<8x256xf32>
      %add3A_153 = arith.addf %add3A_148, %add3A_152 : vector<8x256xf32>
      %ge3A_154 = arith.constant 0.000000e+00 : f32
      %ge3A_155 = vector.broadcast %ge3A_154 : f32 to vector<8x256xf32>
      %ge3A_156 = arith.cmpf oge, %add3A_153, %ge3A_155 : vector<8x256xf32>
      %mul3A_157 = arith.constant 2.000000e-01 : f32
      %mul3A_158 = vector.broadcast %mul3A_157 : f32 to vector<8x256xf32>
      %mul3A_159 = arith.mulf %mul3A_158, %add3A_153 : vector<8x256xf32>
      %select_n3A_160 = arith.select %ge3A_156, %add3A_153, %mul3A_159 : vector<8x256xi1>, vector<8x256xf32>
      %get3A_161 = arith.constant 0 : index
      %get3A_162 = arith.constant 0 : index
      %get3A_163 = vector.load %arg22[%get3A_161, %get3A_162] : memref<256x256xf32, #tpu.memory_space<vmem>>, vector<256x256xf32>
      %dot_general3A_164 = arith.constant dense<0.000000e+00> : vector<8x256xf32>
      %dot_general3A_165 = tpu.matmul %select_n3A_160, %get3A_163, %dot_general3A_164 {dimension_numbers = #tpu.dot_dimension_numbers<[1], [0], [0], [1], [0, 0, 1, 1], [], []>, transpose_lhs_hint = false} : vector<8x256xf32>, vector<256x256xf32>, vector<8x256xf32> -> vector<8x256xf32>
      %get3A_166 = arith.constant 0 : index
      %get3A_167 = arith.constant 0 : index
      %get3A_168 = vector.load %arg23[%get3A_166, %get3A_167] : memref<1x256xf32, #tpu.memory_space<vmem>>, vector<1x256xf32>
      %add3A_169 = vector.broadcast %get3A_168 : vector<1x256xf32> to vector<8x256xf32>
      %add3A_170 = arith.addf %dot_general3A_165, %add3A_169 : vector<8x256xf32>
      %ge3A_171 = arith.constant 0.000000e+00 : f32
      %ge3A_172 = vector.broadcast %ge3A_171 : f32 to vector<8x256xf32>
      %ge3A_173 = arith.cmpf oge, %add3A_170, %ge3A_172 : vector<8x256xf32>
      %mul3A_174 = arith.constant 2.000000e-01 : f32
      %mul3A_175 = vector.broadcast %mul3A_174 : f32 to vector<8x256xf32>
      %mul3A_176 = arith.mulf %mul3A_175, %add3A_170 : vector<8x256xf32>
      %select_n3A_177 = arith.select %ge3A_173, %add3A_170, %mul3A_176 : vector<8x256xi1>, vector<8x256xf32>
      %get3A_178 = arith.constant 0 : index
      %get3A_179 = arith.constant 0 : index
      %get3A_180 = vector.load %arg24[%get3A_178, %get3A_179] : memref<256x128xf32, #tpu.memory_space<vmem>>, vector<256x128xf32>
      %dot_general3A_181 = arith.constant dense<0.000000e+00> : vector<8x128xf32>
      %dot_general3A_182 = tpu.matmul %select_n3A_177, %get3A_180, %dot_general3A_181 {dimension_numbers = #tpu.dot_dimension_numbers<[1], [0], [0], [1], [0, 0, 1, 1], [], []>, transpose_lhs_hint = false} : vector<8x256xf32>, vector<256x128xf32>, vector<8x128xf32> -> vector<8x128xf32>
      %get3A_183 = arith.constant 0 : index
      %get3A_184 = arith.constant 0 : index
      %get3A_185 = vector.load %arg25[%get3A_183, %get3A_184] : memref<1x128xf32, #tpu.memory_space<vmem>>, vector<1x128xf32>
      %add3A_186 = vector.broadcast %get3A_185 : vector<1x128xf32> to vector<8x128xf32>
      %add3A_187 = arith.addf %dot_general3A_182, %add3A_186 : vector<8x128xf32>
      %max3A_188 = arith.constant 0.000000e+00 : f32
      %max3A_189 = vector.broadcast %max3A_188 : f32 to vector<8x128xf32>
      %max3A_190 = arith.maximumf %add3A_187, %max3A_189 : vector<8x128xf32>
      %get3A_191 = arith.constant 0 : index
      %get3A_192 = arith.constant 0 : index
      %get3A_193 = vector.load %arg26[%get3A_191, %get3A_192] : memref<128x128xf32, #tpu.memory_space<vmem>>, vector<128x128xf32>
      %dot_general3A_194 = arith.constant dense<0.000000e+00> : vector<8x128xf32>
      %dot_general3A_195 = tpu.matmul %max3A_190, %get3A_193, %dot_general3A_194 {dimension_numbers = #tpu.dot_dimension_numbers<[1], [0], [0], [1], [0, 0, 1, 1], [], []>, transpose_lhs_hint = false} : vector<8x128xf32>, vector<128x128xf32>, vector<8x128xf32> -> vector<8x128xf32>
      %get3A_196 = arith.constant 0 : index
      %get3A_197 = arith.constant 0 : index
      %get3A_198 = vector.load %arg27[%get3A_196, %get3A_197] : memref<1x128xf32, #tpu.memory_space<vmem>>, vector<1x128xf32>
      %add3A_199 = vector.broadcast %get3A_198 : vector<1x128xf32> to vector<8x128xf32>
      %add3A_200 = arith.addf %dot_general3A_195, %add3A_199 : vector<8x128xf32>
      %swap3A_201 = arith.constant 0 : index
      %swap3A_202 = arith.constant 0 : index
      %swap3A_203 = vector.load %arg32[%swap3A_201, %swap3A_202] : memref<8x128xf32, #tpu.memory_space<vmem>>, vector<8x128xf32>
      tpu.vector_store %arg32[%swap3A_201, %swap3A_202], %add3A_200 {strides = array<i32>} : memref<8x128xf32, #tpu.memory_space<vmem>>, vector<8x128xf32>,
    } else {
    }
    return
  }
  func.func @transform_0(%arg0: i32) -> (i32, i32) {
    %c0_i32 = arith.constant 0 : i32
    %c0_i32_0 = arith.constant 0 : i32
    return %arg0, %c0_i32 : i32, i32
  }
  func.func @transform_1(%arg0: i32) -> (i32, i32) {
    %c0_i32 = arith.constant 0 : i32
    %c0_i32_0 = arith.constant 0 : i32
    return %arg0, %c0_i32 : i32, i32
  }
  func.func @transform_2(%arg0: i32) -> (i32, i32) {
    %c0_i32 = arith.constant 0 : i32
    %c0_i32_0 = arith.constant 0 : i32
    return %arg0, %c0_i32 : i32, i32
  }
  func.func @transform_3(%arg0: i32) -> (i32, i32) {
    %c0_i32 = arith.constant 0 : i32
    %c0_i32_0 = arith.constant 0 : i32
    return %arg0, %c0_i32 : i32, i32
  }
  func.func @transform_4(%arg0: i32) -> (i32, i32) {
    %c0_i32 = arith.constant 0 : i32
    %c0_i32_0 = arith.constant 0 : i32
    return %arg0, %c0_i32 : i32, i32
  }
  func.func @transform_5(%arg0: i32) -> (i32, i32) {
    %c0_i32 = arith.constant 0 : i32
    %c0_i32_0 = arith.constant 0 : i32
    return %arg0, %c0_i32 : i32, i32
  }
  func.func @transform_6(%arg0: i32) -> (i32, i32) {
    %c0_i32 = arith.constant 0 : i32
    %c0_i32_0 = arith.constant 0 : i32
    return %arg0, %c0_i32 : i32, i32
  }
  func.func @transform_7(%arg0: i32) -> (i32, i32) {
    %c0_i32 = arith.constant 0 : i32
    %c0_i32_0 = arith.constant 0 : i32
    %c0_i32_1 = arith.constant 0 : i32
    return %c0_i32, %c0_i32_0 : i32, i32
  }
  func.func @transform_8(%arg0: i32) -> (i32, i32) {
    %c0_i32 = arith.constant 0 : i32
    %c0_i32_0 = arith.constant 0 : i32
    %c0_i32_1 = arith.constant 0 : i32
    return %c0_i32, %c0_i32_0 : i32, i32
  }
  func.func @transform_9(%arg0: i32) -> (i32, i32) {
    %c0_i32 = arith.constant 0 : i32
    %c0_i32_0 = arith.constant 0 : i32
    %c0_i32_1 = arith.constant 0 : i32
    return %c0_i32, %c0_i32_0 : i32, i32
  }
  func.func @transform_10(%arg0: i32) -> (i32, i32) {
    %c0_i32 = arith.constant 0 : i32
    %c0_i32_0 = arith.constant 0 : i32
    %c0_i32_1 = arith.constant 0 : i32
    return %c0_i32, %c0_i32_0 : i32, i32
  }
  func.func @transform_11(%arg0: i32) -> (i32, i32) {
    %c0_i32 = arith.constant 0 : i32
    %c0_i32_0 = arith.constant 0 : i32
    %c0_i32_1 = arith.constant 0 : i32
    return %c0_i32, %c0_i32_0 : i32, i32
  }
  func.func @transform_12(%arg0: i32) -> (i32, i32) {
    %c0_i32 = arith.constant 0 : i32
    %c0_i32_0 = arith.constant 0 : i32
    %c0_i32_1 = arith.constant 0 : i32
    return %c0_i32, %c0_i32_0 : i32, i32
  }
  func.func @transform_13(%arg0: i32) -> (i32, i32) {
    %c0_i32 = arith.constant 0 : i32
    %c0_i32_0 = arith.constant 0 : i32
    %c0_i32_1 = arith.constant 0 : i32
    return %c0_i32, %c0_i32_0 : i32, i32
  }
  func.func @transform_14(%arg0: i32) -> (i32, i32) {
    %c0_i32 = arith.constant 0 : i32
    %c0_i32_0 = arith.constant 0 : i32
    %c0_i32_1 = arith.constant 0 : i32
    return %c0_i32, %c0_i32_0 : i32, i32
  }
  func.func @transform_15(%arg0: i32) -> (i32, i32) {
    %c0_i32 = arith.constant 0 : i32
    %c0_i32_0 = arith.constant 0 : i32
    %c0_i32_1 = arith.constant 0 : i32
    return %c0_i32, %c0_i32_0 : i32, i32
  }
  func.func @transform_16(%arg0: i32) -> (i32, i32) {
    %c0_i32 = arith.constant 0 : i32
    %c0_i32_0 = arith.constant 0 : i32
    %c0_i32_1 = arith.constant 0 : i32
    return %c0_i32, %c0_i32_0 : i32, i32
  }
  func.func @transform_17(%arg0: i32) -> (i32, i32) {
    %c0_i32 = arith.constant 0 : i32
    %c0_i32_0 = arith.constant 0 : i32
    %c0_i32_1 = arith.constant 0 : i32
    return %c0_i32, %c0_i32_0 : i32, i32
  }
  func.func @transform_18(%arg0: i32) -> (i32, i32) {
    %c0_i32 = arith.constant 0 : i32
    %c0_i32_0 = arith.constant 0 : i32
    %c0_i32_1 = arith.constant 0 : i32
    return %c0_i32, %c0_i32_0 : i32, i32
  }
  func.func @transform_19(%arg0: i32) -> (i32, i32) {
    %c0_i32 = arith.constant 0 : i32
    %c0_i32_0 = arith.constant 0 : i32
    %c0_i32_1 = arith.constant 0 : i32
    return %c0_i32, %c0_i32_0 : i32, i32
  }
  func.func @transform_20(%arg0: i32) -> (i32, i32) {
    %c0_i32 = arith.constant 0 : i32
    %c0_i32_0 = arith.constant 0 : i32
    %c0_i32_1 = arith.constant 0 : i32
    return %c0_i32, %c0_i32_0 : i32, i32
  }
  func.func @transform_21(%arg0: i32) -> (i32, i32) {
    %c0_i32 = arith.constant 0 : i32
    %c0_i32_0 = arith.constant 0 : i32
    %c0_i32_1 = arith.constant 0 : i32
    return %c0_i32, %c0_i32_0 : i32, i32
  }
  func.func @transform_22(%arg0: i32) -> (i32, i32) {
    %c0_i32 = arith.constant 0 : i32
    %c0_i32_0 = arith.constant 0 : i32
    %c0_i32_1 = arith.constant 0 : i32
    return %c0_i32, %c0_i32_0 : i32, i32
  }
  func.func @transform_23(%arg0: i32) -> (i32, i32) {
    %c0_i32 = arith.constant 0 : i32
    %c0_i32_0 = arith.constant 0 : i32
    %c0_i32_1 = arith.constant 0 : i32
    return %c0_i32, %c0_i32_0 : i32, i32
  }
  func.func @transform_24(%arg0: i32) -> (i32, i32) {
    %c0_i32 = arith.constant 0 : i32
    %c0_i32_0 = arith.constant 0 : i32
    %c0_i32_1 = arith.constant 0 : i32
    return %c0_i32, %c0_i32_0 : i32, i32
  }
  func.func @transform_25(%arg0: i32) -> (i32, i32) {
    %c0_i32 = arith.constant 0 : i32
    %c0_i32_0 = arith.constant 0 : i32
    %c0_i32_1 = arith.constant 0 : i32
    return %c0_i32, %c0_i32_0 : i32, i32
  }
  func.func @transform_26(%arg0: i32) -> (i32, i32) {
    %c0_i32 = arith.constant 0 : i32
    %c0_i32_0 = arith.constant 0 : i32
    %c0_i32_1 = arith.constant 0 : i32
    return %c0_i32, %c0_i32_0 : i32, i32
  }
  func.func @transform_27(%arg0: i32) -> (i32, i32) {
    %c0_i32 = arith.constant 0 : i32
    %c0_i32_0 = arith.constant 0 : i32
    %c0_i32_1 = arith.constant 0 : i32
    return %c0_i32, %c0_i32_0 : i32, i32
  }
  func.func @transform_28(%arg0: i32) -> (i32, i32) {
    %c0_i32 = arith.constant 0 : i32
    %c0_i32_0 = arith.constant 0 : i32
    %c0_i32_1 = arith.constant 0 : i32
    return %c0_i32, %c0_i32_0 : i32, i32
  }
  func.func @transform_29(%arg0: i32) -> (i32, i32) {
    %c0_i32 = arith.constant 0 : i32
    %c0_i32_0 = arith.constant 0 : i32
    return %arg0, %c0_i32 : i32, i32
  }
  func.func @transform_30(%arg0: i32) -> (i32, i32) {
    %c0_i32 = arith.constant 0 : i32
    %c0_i32_0 = arith.constant 0 : i32
    return %arg0, %c0_i32 : i32, i32
  }
  func.func @transform_31(%arg0: i32) -> (i32, i32) {
    %c0_i32 = arith.constant 0 : i32
    %c0_i32_0 = arith.constant 0 : i32
    %c0_i32_1 = arith.constant 0 : i32
    return %c0_i32, %c0_i32_0 : i32, i32
  }
  func.func @transform_32(%arg0: i32) -> (i32, i32) {
    %c0_i32 = arith.constant 0 : i32
    %c0_i32_0 = arith.constant 0 : i32
    %c0_i32_1 = arith.constant 0 : i32
    return %c0_i32, %c0_i32_0 : i32, i32
  }
}

module attributes {stable_mosaic.version = 14 : i64} {
  func.func @_tc_f_body(%arg0: i32, %arg1: memref<2000x128xf32, #tpu.memory_space<vmem>>, %arg2: memref<2000x128xf32, #tpu.memory_space<vmem>>, %arg3: memref<128x128xf32, #tpu.memory_space<vmem>>, %arg4: memref<8x128xf32, #tpu.memory_space<vmem>>, %arg5: memref<2000x128xf32, #tpu.memory_space<vmem>>) attributes {dimension_semantics = [#tpu.dimension_semantics<arbitrary>], iteration_bounds = array<i64: 80>, scalar_prefetch = 0 : i64, scratch_operands = 0 : i64, tpu.core_type = #tpu.core_type<tc>, window_params = [{transform_indices = @transform_0, window_bounds = array<i64: 2000, 128>}, {transform_indices = @transform_1, window_bounds = array<i64: 2000, 128>}, {pipeline_mode = #tpu.pipeline_mode<synchronous>, transform_indices = @transform_2, window_bounds = array<i64: 128, 128>}, {pipeline_mode = #tpu.pipeline_mode<synchronous>, transform_indices = @transform_3, window_bounds = array<i64: 8, 128>}, {transform_indices = @transform_4, window_bounds = array<i64: 2000, 128>}]} {
    %get3A = arith.constant 0 : index
    %get3A_0 = arith.constant 0 : index
    %get3A_1 = vector.load %arg1[%get3A, %get3A_0] : memref<2000x128xf32, #tpu.memory_space<vmem>>, vector<2000x128xf32>
    %get3A_2 = arith.constant 0 : index
    %get3A_3 = arith.constant 0 : index
    %get3A_4 = vector.load %arg3[%get3A_2, %get3A_3] : memref<128x128xf32, #tpu.memory_space<vmem>>, vector<128x128xf32>
    %dot_general3A = arith.constant dense<0.000000e+00> : vector<2000x128xf32>
    %dot_general3A_5 = tpu.matmul %get3A_1, %get3A_4, %dot_general3A {dimension_numbers = #tpu.dot_dimension_numbers<[1], [0], [0], [1], [0, 0, 1, 1], [], []>, transpose_lhs_hint = false} : vector<2000x128xf32>, vector<128x128xf32>, vector<2000x128xf32> -> vector<2000x128xf32>
    %get3A_6 = arith.constant 0 : index
    %get3A_7 = arith.constant 0 : index
    %get3A_8 = vector.load %arg2[%get3A_6, %get3A_7] : memref<2000x128xf32, #tpu.memory_space<vmem>>, vector<2000x128xf32>
    %add3A = arith.addf %dot_general3A_5, %get3A_8 : vector<2000x128xf32>
    %get3A_9 = arith.constant 0 : index
    %get3A_10 = arith.constant 0 : index
    %get3A_11 = vector.load %arg4[%get3A_9, %get3A_10] : memref<8x128xf32, #tpu.memory_space<vmem>>, vector<1x128xf32>
    %add3A_12 = vector.broadcast %get3A_11 : vector<1x128xf32> to vector<2000x128xf32>
    %add3A_13 = arith.addf %add3A, %add3A_12 : vector<2000x128xf32>
    %max3A = arith.constant 0.000000e+00 : f32
    %max3A_14 = vector.broadcast %max3A : f32 to vector<2000x128xf32>
    %max3A_15 = arith.maximumf %add3A_13, %max3A_14 : vector<2000x128xf32>
    %reduce_max3A = arith.constant dense<0xFF800000> : vector<2000xf32>
    %reduce_max3A_16 = vector.multi_reduction <maximumf>, %max3A_15, %reduce_max3A [1] : vector<2000x128xf32> to vector<2000xf32>
    %broadcast_in_dim3A = vector.shape_cast %reduce_max3A_16 : vector<2000xf32> to vector<2000x1xf32>
    %sub3A = vector.broadcast %broadcast_in_dim3A : vector<2000x1xf32> to vector<2000x128xf32>
    %sub3A_17 = arith.subf %max3A_15, %sub3A : vector<2000x128xf32>
    %exp3A = math.exp %sub3A_17 : vector<2000x128xf32>
    %reduce_sum3A = arith.constant dense<0.000000e+00> : vector<2000xf32>
    %reduce_sum3A_18 = vector.multi_reduction <add>, %exp3A, %reduce_sum3A [1] : vector<2000x128xf32> to vector<2000xf32>
    %broadcast_in_dim3A_19 = vector.shape_cast %reduce_sum3A_18 : vector<2000xf32> to vector<2000x1xf32>
    %div3A = vector.broadcast %broadcast_in_dim3A_19 : vector<2000x1xf32> to vector<2000x128xf32>
    %div3A_20 = arith.divf %exp3A, %div3A : vector<2000x128xf32>
    %swap3A = arith.constant 0 : index
    %swap3A_21 = arith.constant 0 : index
    %swap3A_22 = vector.load %arg5[%swap3A, %swap3A_21] : memref<2000x128xf32, #tpu.memory_space<vmem>>, vector<2000x128xf32>
    tpu.vector_store %arg5[%swap3A, %swap3A_21], %div3A_20 {strides = array<i32>} : memref<2000x128xf32, #tpu.memory_space<vmem>>, vector<2000x128xf32>,
    return
  }
  func.func @transform_0(%arg0: i32) -> (i32, i32) {
    %c0_i32 = arith.constant 0 : i32
    %c0_i32_0 = arith.constant 0 : i32
    return %arg0, %c0_i32 : i32, i32
  }
  func.func @transform_1(%arg0: i32) -> (i32, i32) {
    %c0_i32 = arith.constant 0 : i32
    %c0_i32_0 = arith.constant 0 : i32
    return %arg0, %c0_i32 : i32, i32
  }
  func.func @transform_2(%arg0: i32) -> (i32, i32) {
    %c0_i32 = arith.constant 0 : i32
    %c0_i32_0 = arith.constant 0 : i32
    %c0_i32_1 = arith.constant 0 : i32
    return %c0_i32, %c0_i32_0 : i32, i32
  }
  func.func @transform_3(%arg0: i32) -> (i32, i32) {
    %c0_i32 = arith.constant 0 : i32
    %c0_i32_0 = arith.constant 0 : i32
    %c0_i32_1 = arith.constant 0 : i32
    return %c0_i32, %c0_i32_0 : i32, i32
  }
  func.func @transform_4(%arg0: i32) -> (i32, i32) {
    %c0_i32 = arith.constant 0 : i32
    %c0_i32_0 = arith.constant 0 : i32
    return %arg0, %c0_i32 : i32, i32
  }
}

</mosaic_0001>

<sc_bundles>
// kernel: kernel.10.cloned.1.call-start
scs
__scs_entry_jumppad:
0x0: {  	(pc) =	sbr.rel $0x88, $3  }
0x1: {  	(tag) =	ssettag $0x0;
	lr =	simm.s32 $0x1  }
0x2: {  	[smem:$0x3F7F] =	sst lr;
	_ =	strace $0xD0000000  }
0x3: {  	_ = 	snop  }
0x4: {  	_ = 	snop  }
0x5: {  	_ = 	snop  }
0x6: {  	_ = 	snop  }
0x7: {  	_ = 	snop  }
__scs_overlays_trampoline_lowered:
0x8: {  	[smem:$0x3F8E] =	sst s0  }
0x9: {  	[smem:$0x3F8F] =	sst s1  }
0xa: {  	[smem:$0x3F90] =	sst s2  }
0xb: {  	[smem:$0x3F91] =	sst s3  }
0xc: {  	[smem:$0x3F92] =	sst s4  }
0xd: {  	[smem:$0x3F93] =	sst s5  }
0xe: {  	[smem:$0x3F94] =	sst s6  }
0xf: {  	[smem:$0x3F95] =	sst s7  }
0x10: {  	[smem:$0x3F96] =	sst s8  }
0x11: {  	[smem:$0x3F97] =	sst s9;
	s0 =	simm.s32 @!p0 $0x0  }
0x12: {  	s1 =	sld [smem:$0x3F7D];
	s0 =	simm.s32 @p0 $0x1  }
0x13: {  	[smem:$0x3F98] =	sst s0;
	s0 =	simm.s32 @!p1 $0x0  }
0x14: {  	s2 =	sld [smem:$0x3F7C];
	s0 =	simm.s32 @p1 $0x1  }
0x15: {  	[smem:$0x3F99] =	sst s0;
	s0 =	simm.s32 @!p2 $0x0  }
0x16: {  	s3 =	sld [smem:$0x3FDB];
	s0 =	simm.s32 @p2 $0x1  }
0x17: {  	s4 =	simm.s32 $0x1BF5;
	[smem:$0x3F9B] =	sst s0  }
0x18: {  	s0 =	sld [smem:$0x3F7E];
	_ =	swait.ge [sflag:s4], $0x0  }
0x19: {  	s7 =	sld [smem:$0x3F7F]  }
0x1a: {  	s8 =	sadd.s32 $0xFFFFE003, lr  }
0x1b: {  	s9 =	sadd.s32 $0xFFFFFEF7, lr;
	s5 =	simm.s32 $0xFFFFFFFF;
	p2 =	slt.u32 s8, $0xFFFFF086  }
0x1c: {  	p1 =	slt.u32 s9, $0xF7A;
	s5 =	simm.s32 @!p2 $0x0  }
0x1d: {  	s5 =	simm.s32 @p1 $0x1;
	p0 =	seq.s32 s7, s2  }
0x1e: {  	s7 =	smul.u32 @!p0 $0xF7A, s2;
	p2 =	seq.s32 @!p0 s5, $0x0  }
0x1f: {  	s9 =	smul.u32 $0xF7A, s1;
	s8 =	simm.s32 @!p0 $0x1BF5;
	p2 =	por !p2, p0  }
0x20: {  	[sflag:s8] =	ssyncset.s32 @!p0 $0xFFFFF086;
	s6 =	sadd.s32 @!p0 s3, s7;
	s7 =	simm.s32 @!p0 $0x108  }
0x21: {  	s3 =	sadd.s32 s3, s9;
	s6 =	sadd.s32 @!p0 $0x88, s6;
	s7 =	simm.s32 @p2 $0x1082  }
0x22: {  	[simem:s7], [sflag:s8] =	dma.local @!p0 [hbm:s6], $0xF7A  }
0x23: {  	s9 =	sor.u32 $0xD0000000, s2;
	s6 =	simm.s32 $0x108;
	_ =	swait.ge @!p0 [sflag:s8], $0x0  }
0x24: {  	s3 =	sadd.s32 $0x88, s3;
	s6 =	simm.s32 @!p1 $0x1082;
	[sflag:s4] =	ssyncset.s32 $0xFFFFF086  }
0x25: {  	[simem:s6], [sflag:s4] =	dma.local [hbm:s3], $0xF7A  }
0x26: {  	[smem:$0x3F7F] =	sst s1;
	(tag) =	ssettag s2;
	_ =	strace s9  }
0x27: {  	s1 =	sld [smem:$0x3F8F]  }
0x28: {  	s2 =	sld [smem:$0x3F90]  }
0x29: {  	s4 =	sld [smem:$0x3F92]  }
0x2a: {  	p0 =	seq.s32 s5, $0x0;
	s5 =	sld [smem:$0x3F93]  }
0x2b: {  	s6 =	sld [smem:$0x3F94]  }
0x2c: {  	s7 =	sld [smem:$0x3F95]  }
0x2d: {  	s3 =	simm.s32 $0x108;
	s8 =	sld [smem:$0x3F96]  }
0x2e: {  	s3 =	simm.s32 @!p0 $0x1082;
	s9 =	sld [smem:$0x3F97]  }
0x2f: {  	lr =	sadd.s32 s0, s3;
	s0 =	sld [smem:$0x3F8E]  }
0x30: {  	s3 =	sld [smem:$0x3F91]  }
0x31: {  	[smem:$0x3F9A] =	sst s10  }
0x32: {  	s10 =	sld [smem:$0x3F98];
	_ =	sdelay $0x3  }
0x33: {  	p0 =	seq.s32 s10, $0x1;
	s10 =	sld [smem:$0x3F9A];
	_ =	sdelay $0x3  }
0x34: {  	[smem:$0x3F9A] =	sst s10  }
0x35: {  	s10 =	sld [smem:$0x3F99];
	_ =	sdelay $0x3  }
0x36: {  	p1 =	seq.s32 s10, $0x1;
	s10 =	sld [smem:$0x3F9A];
	_ =	sdelay $0x3  }
0x37: {  	[smem:$0x3F9A] =	sst s10  }
0x38: {  	s10 =	sld [smem:$0x3F9B]  }
0x39: {  	_ = 	snop;
	(pc) =	sbr.ind lr, $3  }
0x3a: {  	_ = 	snop  }
0x3b: {  	_ = 	snop  }
0x3c: {  	p2 =	seq.s32 s10, $0x1;
	s10 =	sld [smem:$0x3F9A]  }
0x3d: {  	_ =	shalt  }
0x3e: {  	_ =	shalt  }
0x3f: {  	_ =	shalt  }
0x40: {  	_ =	shalt  }
0x41: {  	_ =	shalt  }
0x42: {  	_ =	shalt  }
0x43: {  	_ =	shalt  }
0x44: {  	_ =	shalt  }
0x45: {  	_ =	shalt  }
0x46: {  	_ =	shalt  }
0x47: {  	_ =	shalt  }
0x48: {  	_ =	shalt  }
0x49: {  	_ =	shalt  }
0x4a: {  	_ =	shalt  }
0x4b: {  	_ =	shalt  }
0x4c: {  	_ =	shalt  }
0x4d: {  	_ =	shalt  }
0x4e: {  	_ =	shalt  }
0x4f: {  	_ =	shalt  }
0x50: {  	_ =	shalt  }
0x51: {  	_ =	shalt  }
0x52: {  	_ =	shalt  }
0x53: {  	_ =	shalt  }
0x54: {  	_ =	shalt  }
0x55: {  	_ =	shalt  }
0x56: {  	_ =	shalt  }
0x57: {  	_ =	shalt  }
0x58: {  	_ =	shalt  }
0x59: {  	_ =	shalt  }
0x5a: {  	_ =	shalt  }
0x5b: {  	_ =	shalt  }
0x5c: {  	_ =	shalt  }
0x5d: {  	_ =	shalt  }
0x5e: {  	_ =	shalt  }
0x5f: {  	_ =	shalt  }
0x60: {  	_ =	shalt  }
0x61: {  	_ =	shalt  }
0x62: {  	_ =	shalt  }
0x63: {  	_ =	shalt  }
0x64: {  	_ =	shalt  }
0x65: {  	_ =	shalt  }
0x66: {  	_ =	shalt  }
0x67: {  	_ =	shalt  }
0x68: {  	_ =	shalt  }
0x69: {  	_ =	shalt  }
0x6a: {  	_ =	shalt  }
0x6b: {  	_ =	shalt  }
0x6c: {  	_ =	shalt  }
0x6d: {  	_ =	shalt  }
0x6e: {  	_ =	shalt  }
0x6f: {  	_ =	shalt  }
0x70: {  	_ =	shalt  }
0x71: {  	_ =	shalt  }
0x72: {  	_ =	shalt  }
0x73: {  	_ =	shalt  }
0x74: {  	_ =	shalt  }
0x75: {  	_ =	shalt  }
0x76: {  	_ =	shalt  }
0x77: {  	_ =	shalt  }
0x78: {  	_ =	shalt  }
0x79: {  	_ =	shalt  }
0x7a: {  	_ =	shalt  }
0x7b: {  	_ =	shalt  }
0x7c: {  	_ =	shalt  }
0x7d: {  	_ =	shalt  }
0x7e: {  	_ =	shalt  }
0x7f: {  	_ =	shalt  }
0x80: {  	_ =	shalt  }
0x81: {  	_ =	shalt  }
0x82: {  	_ =	shalt  }
0x83: {  	_ =	shalt  }
0x84: {  	_ =	shalt  }
0x85: {  	_ =	shalt  }
0x86: {  	_ =	shalt  }
0x87: {  	_ =	shalt  }
.Lfunc_end0:
.L_simem_size_0:
called_computation_lowered:
.L_overlay_start_0:
0x88: {  	s2 =	sld [smem:$0x3FD9]  }
0x89: {  	s3 =	sld [smem:$0x3FFE];
	_ =	sdelay $0x1  }
0x8a: {  	s1 =	srdreg.scid  }
0x8b: {  	s0 =	sand.u32 $0x1, s1  }
0x8c: {  	s16 =	sshll.u32 s0, $0xA;
	s2 =	sadd.s32 s3, s2  }
0x8d: {  	s2 =	sadd.s32 s2, s16  }
0x8e: {  	[smem:$0x3FA6] =	sst s2  }
0x8f: {  	_ = 	snop  }
0x90: {  	(tm) =	ssettm $0x1  }
0x91: {  	s17 =	sld [smem:$0x3FFB];
	_ =	sdelay $0x3  }
0x92: {  	_ =	strace s17  }
0x93: {  	s2 =	sld [smem:$0x3FFC];
	_ =	sdelay $0x3  }
0x94: {  	_ =	strace s2  }
0x95: {  	s2 =	sld [smem:$0x3FFD];
	_ =	sdelay $0x3  }
0x96: {  	_ =	strace s2  }
0x97: {  	_ =	strace $0x8FFFFFFF  }
0x98: {  	s18 =	sld [smem:$0x3FDB];
	_ =	sdelay $0x1  }
0x99: {  	s19 =	simm.s32 $_scs_section_size  }
0x9a: {  	s4 =	simm.s32 $_size__tile_overlayer_lowered;
	s5 =	simm.s32 $_tile_overlayer_lowered  }
0x9b: {  	s22 =	simm.s32 $0x1BFF;
	s21 =	sshll.u32 s5, $0x1;
	s2 =	sadd.s32 s19, s18  }
0x9c: {  	s6 =	simm.s32 $0x0;
	s20 =	sshll.u32 s4, $0x1;
	s4 =	sadd.s32 s21, s2  }
0x9d: {  	[timem:s6], [sflag:s22] =	dma.local [hbm:s4], s20  }
0x9e: {  	_ =	swait.ge [sflag:s22], s20  }
0x9f: {  	s3 =	ssub.s32 $0x0, s20;
	[sflag:s22] =	ssyncset.done $0x0  }
0xa0: {  	[sflag:s22] =	ssyncadd.s32 s3;
	_ =	sdelay $0x1  }
0xa1: {  	s23 =	simm.s32 $0x1B8B  }
0xa2: {  	_ =	swait.ge [sflag:s23], $0x1  }
0xa3: {  	[sflag:s23] =	ssyncset.done $0x0  }
0xa4: {  	s25 =	simm.s32 $0x1B8E;
	s24 =	sld [smem:$0x3FFE];
	[sflag:s23] =	ssyncadd.s32 $0xFFFFFFFF  }
0xa5: {  	s26 =	simm.s32 $execute0_lowered;
	[smem:$0x3FD2] =	sst s25  }
0xa6: {  	s4 =	sshll.u32 s26, $0x1;
	_ =	strace $0x80000046;
	[dreg:$0x1] =	wrdreg $0xFFFFFFFF  }
0xa7: {  	s28 =	simm.s32 $_size_execute0_lowered;
	s2 =	sadd.s32 s2, s4;
	[dreg:$0x0] =	wrdreg $0x0  }
0xa8: {  	s4 =	sshll.u32 s28, $0x1;
	[dreg:$0x2] =	wrdreg s2  }
0xa9: {  	[dreg:$0x3] =	wrdreg s4  }
0xaa: {  	[dreg:$0x4] =	wrdreg $0xC0  }
0xab: {  	_ =	task [dreg:s6], $0x5FFFF  }
0xac: {  	[dreg:$0x1] =	wrdreg $0xFFFFFFFF  }
0xad: {  	[dreg:$0x0] =	wrdreg $0x60  }
0xae: {  	[dreg:$0x2] =	wrdreg s24  }
0xaf: {  	[dreg:$0x3] =	wrdreg $0xA  }
0xb0: {  	_ =	task.clear_ibuf [dreg:s6], $0x4FFFF;
	_ =	strace $0x90000046  }
0xb1: {  	s29 =	simm.s32 $0xA;
	_ =	strace $0x80000048  }
0xb2: {  	_ =	swait.ge [sflag:s29], $0x1  }
0xb3: {  	[sflag:s29] =	ssyncadd.s32 $0xFFFFFFFF  }
0xb4: {  	_ =	strace $0x90000048  }
0xb5: {  	_ =	sfence  }
0xb6: {  	s30 =	sld [smem:$0x0];
	_ =	sdelay $0x2  }
0xb7: {  	s31 =	sshll.u32 s1, $0xD;
	s1 =	sshrl.u32 s1, $0x2  }
0xb8: {  	s3 =	sand.u32 $0x4000, s31;
	s1 =	sadd.s32 s1, s30  }
0xb9: {  	s0 =	sor.u32 s3, s0;
	s1 =	sshll.u32 s1, $0x11  }
0xba: {  	s0 =	sor.u32 s1, s0  }
0xbb: {  	s0 =	sadd.s32 $0x8F2B, s0  }
0xbc: {  	[sflag:s0] =	ssyncadd.remote.s32 $0x1  }
0xbd: {  	_ =	sfence.sel $0xFFFF  }
0xbe: {  	[dreg:$0x0] =	wrdreg $0xFFFFFFFF;
	(pc) =	sbr.abs _section_cstart, $3  }
0xbf: {  	[dreg:$0x1] =	wrdreg $0xFFFFFFFF  }
0xc0: {  	_ =	task.clear_ibuf [dreg:s6], $0x2FFFF;
	_ =	strace $0x9FFFFFFF  }
0xc1: {  	(tm) =	ssettm $0x7FFFFFFF  }
tec
execute0_lowered:
.L_overlay_start_1:
0x0: {  	(tag) =	ssettag $0x1  }
0x1: {  	s0 =	rddreg [dreg:$0x0];
	s2 =	simm.s32 $0x0;
	s1 =	srdreg.scid  }
0x2: {  	s4 =	stileid.u32;
	s12 =	simm.s32 $0x3;
	s19 =	simm.s32 $0xDB80  }
0x3: {  	s20 =	simm.s32 $0x10B80;
	s21 =	simm.s32 $0x11380;
	s22 =	simm.s32 $0x11B80  }
0x4: {  	s23 =	simm.s32 $0x12380;
	s28 =	simm.s32 $0x400;
	s29 =	simm.s32 $0x1  }
0x5: {  	s30 =	simm.s32 $0x2;
	s31 =	simm.s32 $0x0;
	[smem:$0x7FF] =	sst s2  }
0x6: {  	s1 =	sand.u32 $0x1, s1;
	s3 =	sshll.u32 s4, $0x1;
	s4 =	sshrl.u32 s4, $0x2  }
0x7: {  	_ =	strace $0x80000047;
	s6 =	sor.u32 s1, s3;
	s3 =	sadd.s32 $0x2D400, s0  }
0x8: {  	s8 =	smul.u32 $0x13C00, s4;
	s4 =	sadd.s32 $0x7B600, s0;
	s1 =	ssub.s32 $0x2, s1  }
0x9: {  	s5 =	smul.u32 $0x280, s6;
	s7 =	sshll.u32 s6, $0xB;
	s9 =	sshll.u32 s6, $0x7  }
0xa: {  	s26 =	sshrl.u32 s1, $0x1;
	s6 =	smul.u32 $0x1388, s6;
	s10 =	sadd.s32 s7, s0  }
0xb: {  	s24 =	sand.u32 $0x380, s9;
	s1 =	ssub.s32 s1, s26;
	s26 =	simm.s32 $0x80  }
0xc: {  	s25 =	sadd.s32 s5, s0;
	s7 =	sor.u32 s8, s24;
	s5 =	sadd.s32 $0x166400, s0  }
0xd: {  	v2 =	vlaneseq.u32;
	vm0 =	vmmov $0xffff;
	s8 =	sadd.s32 $0x18400, s10;
	s11 =	smax.u32 s1, $0x1;
	s7 =	sshrl.u32 s7, $0x3  }
0xe: {  	v3 =	vimm.f32 $0.0e+00;
	v4 =	vimm.f32 $1.000000000e+00;
	v1 =	vshrl.u32 v2, $0x3;
	s24 =	simm.s32 $0x12B80;
	s9 =	sadd.s32 $0x28400, s25;
	s0 =	sadd.s32 s7, s0  }
0xf: {  	v0 =	vand.u32 $0x7, v2;
	v2 =	vor.u32 $0x8, v2;
	v1 =	vmul.u32 $0x8, v1;
	s25 =	simm.s32 $0x9400;
	s7 =	sadd.s32 $0x8400, s10;
	s10 =	sadd.s32 $0x648400, s0  }
.LBB2_1:
0x10: {  	[tilespmem:s2], [sflag:$0x3] =	stream.linear.gather [hbm4b:s7+s2], $0x4000, $0x38;
	[tilespmem:$0x15B80] =	vst v63  }
0x11: {  	_ =	swait.ge [sflag:s12], $0x4000  }
0x12: {  	[sflag:s12] =	ssyncset.done $0x0  }
0x13: {  	s0 =	simm.s32 $0x4000;
	[sflag:s12] =	ssyncadd.s32 $0xFFFFC000  }
0x14: {  	[tilespmem:s0], [sflag:$0x3] =	stream.linear.gather [hbm4b:s8+s2], $0x4000, $0x38;
	[tilespmem:$0x15B80] =	vst v63  }
0x15: {  	_ =	swait.ge [sflag:s12], $0x4000  }
0x16: {  	[sflag:s12] =	ssyncset.done $0x0  }
0x17: {  	s14 =	simm.s32 $0x8000;
	[sflag:s12] =	ssyncadd.s32 $0xFFFFC000  }
0x18: {  	[tilespmem:s14], [sflag:$0x3] =	stream.linear.gather [hbm4b:s9+s2], $0x1400, $0x38;
	[tilespmem:$0x15B80] =	vst v63  }
0x19: {  	_ =	swait.ge [sflag:s12], $0x1400  }
0x1a: {  	[sflag:s12] =	ssyncset.done $0x0  }
0x1b: {  	[sflag:s12] =	ssyncadd.s32 $0xFFFFEC00  }
0x1c: {  	v5 =	vld [tilespmem:$0x0];
	_ =	sdelay $0x4  }
0x1d: {  	v6 =	vshll.u32 v5, $0x1  }
0x1e: {  	v5 =	vand.u32 $0x7, v5;
	v6 =	vand.u32 $0xFFFFFFF0, v6  }
0x1f: {  	v5 =	vor.u32 v5, v6  }
0x20: {  	v6 =	vperm.xlane v5, v0;
	_ =	sdelay $0x1  }
0x21: {  	v5 =	vperm.xlane v5, v2;
	v6 =	vadd.s32 v1, v6;
	_ =	sdelay $0x1  }
0x22: {  	v5 =	vadd.s32 v1, v5;
	_ =	sdelay $0x1  }
0x23: {  	s15 =	simm.s32 $0xBB80  }
0x24: {  	[tilespmem:s15], [sflag:$0x1] =	stream.indirect_vreg.gather [hbm4b:s3+s2], $0x80, v6, vm0, $0xb8;
	[tilespmem:$0x15B80] =	vst v63  }
0x25: {  	s16 =	simm.s32 $0xC380  }
0x26: {  	[tilespmem:s16], [sflag:$0x1] =	stream.indirect_vreg.gather [hbm4b:s3+s2], $0x80, v5, vm0, $0xb8;
	[tilespmem:$0x15B80] =	vst v63  }
0x27: {  	v5 =	vld [tilespmem:$0x10];
	_ =	sdelay $0x4  }
0x28: {  	v6 =	vshll.u32 v5, $0x1  }
0x29: {  	v5 =	vand.u32 $0x7, v5;
	v6 =	vand.u32 $0xFFFFFFF0, v6  }
0x2a: {  	v5 =	vor.u32 v5, v6  }
0x2b: {  	v6 =	vperm.xlane v5, v0;
	_ =	sdelay $0x1  }
0x2c: {  	v5 =	vperm.xlane v5, v2;
	v6 =	vadd.s32 v1, v6;
	_ =	sdelay $0x1  }
0x2d: {  	v5 =	vadd.s32 v1, v5;
	_ =	sdelay $0x1  }
0x2e: {  	s17 =	simm.s32 $0xCB80  }
0x2f: {  	[tilespmem:s17], [sflag:$0x1] =	stream.indirect_vreg.gather [hbm4b:s3+s2], $0x80, v6, vm0, $0xb8;
	[tilespmem:$0x15B80] =	vst v63  }
0x30: {  	s18 =	simm.s32 $0xD380  }
0x31: {  	[tilespmem:s18], [sflag:$0x1] =	stream.indirect_vreg.gather [hbm4b:s3+s2], $0x80, v5, vm0, $0xb8;
	[tilespmem:$0x15B80] =	vst v63  }
0x32: {  	v5 =	vld.msk [tilespmem:$0x20], $0xff;
	_ =	sdelay $0x4  }
0x33: {  	v6 =	vshll.u32 v5, $0x1  }
0x34: {  	v5 =	vand.u32 $0x7, v5;
	v6 =	vand.u32 $0xFFFFFFF0, v6  }
0x35: {  	v5 =	vor.u32 v5, v6  }
0x36: {  	v5 =	vperm.xlane v5, v0;
	_ =	sdelay $0x1  }
0x37: {  	v5 =	vadd.s32 v1, v5;
	_ =	sdelay $0x4  }
0x38: {  	[tilespmem:s19], [sflag:$0x1] =	stream.indirect_vreg.gather [hbm4b:s3+s2], $0x80, v5, vm0, $0xb8;
	[tilespmem:$0x15B80] =	vst v63  }
0x39: {  	v5 =	vld [tilespmem:$0x4000];
	_ =	sdelay $0x4  }
0x3a: {  	v6 =	vshll.u32 v5, $0x1  }
0x3b: {  	v5 =	vand.u32 $0x7, v5;
	v6 =	vand.u32 $0xFFFFFFF0, v6  }
0x3c: {  	v5 =	vor.u32 v5, v6  }
0x3d: {  	v6 =	vperm.xlane v5, v0;
	_ =	sdelay $0x1  }
0x3e: {  	v5 =	vperm.xlane v5, v2;
	v6 =	vadd.s32 v1, v6;
	_ =	sdelay $0x1  }
0x3f: {  	v5 =	vadd.s32 v1, v5;
	_ =	sdelay $0x2  }
0x40: {  	[tilespmem:s20], [sflag:$0x1] =	stream.indirect_vreg.gather [hbm4b:s4+s2], $0x80, v6, vm0, $0xb8;
	[tilespmem:$0x15B80] =	vst v63  }
0x41: {  	_ = 	snop  }
0x42: {  	[tilespmem:s21], [sflag:$0x1] =	stream.indirect_vreg.gather [hbm4b:s4+s2], $0x80, v5, vm0, $0xb8;
	[tilespmem:$0x15B80] =	vst v63  }
0x43: {  	v5 =	vld [tilespmem:$0x4010];
	_ =	sdelay $0x4  }
0x44: {  	v6 =	vshll.u32 v5, $0x1  }
0x45: {  	v5 =	vand.u32 $0x7, v5;
	v6 =	vand.u32 $0xFFFFFFF0, v6  }
0x46: {  	v5 =	vor.u32 v5, v6  }
0x47: {  	v6 =	vperm.xlane v5, v0;
	_ =	sdelay $0x1  }
0x48: {  	v5 =	vperm.xlane v5, v2;
	v6 =	vadd.s32 v1, v6;
	_ =	sdelay $0x1  }
0x49: {  	v5 =	vadd.s32 v1, v5;
	_ =	sdelay $0x2  }
0x4a: {  	[tilespmem:s22], [sflag:$0x1] =	stream.indirect_vreg.gather [hbm4b:s4+s2], $0x80, v6, vm0, $0xb8;
	[tilespmem:$0x15B80] =	vst v63  }
0x4b: {  	_ = 	snop  }
0x4c: {  	[tilespmem:s23], [sflag:$0x1] =	stream.indirect_vreg.gather [hbm4b:s4+s2], $0x80, v5, vm0, $0xb8;
	[tilespmem:$0x15B80] =	vst v63  }
0x4d: {  	v5 =	vld.msk [tilespmem:$0x4020], $0xff;
	_ =	sdelay $0x4  }
0x4e: {  	v6 =	vshll.u32 v5, $0x1  }
0x4f: {  	v5 =	vand.u32 $0x7, v5;
	v6 =	vand.u32 $0xFFFFFFF0, v6  }
0x50: {  	v5 =	vor.u32 v5, v6  }
0x51: {  	v5 =	vperm.xlane v5, v0;
	_ =	sdelay $0x1  }
0x52: {  	v5 =	vadd.s32 v1, v5;
	_ =	sdelay $0x3  }
0x53: {  	s0 =	simm.s32 $0x0  }
0x54: {  	[tilespmem:s24], [sflag:$0x1] =	stream.indirect_vreg.gather [hbm4b:s4+s2], $0x80, v5, vm0, $0xb8;
	[tilespmem:$0x15B80] =	vst v63  }
.LBB2_2:
0x55: {  	p0 =	sne.s32 s0, $0x9C40  }
.Ltmp0:
0x56: {  	_ = 	snop;
	(pc) =	sbr.rel @p0 .LBB2_2-.Ltmp0, $3  }
0x57: {  	_ =	sdelay $0x1  }
0x58: {  	s1 =	sshra.s32 s0, $0x2  }
0x59: {  	s0 =	sadd.s32 $0x40, s0;
	[tilespmem:s1+$0x9400] =	vst v3  }
0x5a: {  	s0 =	simm.s32 $0x0  }
.LBB2_4:
0x5b: {  	s1 =	sshra.s32 s0, $0x2  }
0x5c: {  	v5 =	vld [tilespmem:s1+$0x8000];
	_ =	sdelay $0x7  }
0x5d: {  	[tilespmem:v5+s25+$0x0] =	vst.idx.add.f32.msk $0xffff, v4  }
0x5e: {  	v5 =	vld [tilespmem:s1+$0x8010];
	_ =	sdelay $0x7  }
0x5f: {  	[tilespmem:v5+s25+$0x0] =	vst.idx.add.f32.msk $0xffff, v4  }
0x60: {  	v5 =	vld [tilespmem:s1+$0x8020];
	_ =	sdelay $0x7  }
0x61: {  	[tilespmem:v5+s25+$0x0] =	vst.idx.add.f32.msk $0xffff, v4  }
0x62: {  	v5 =	vld [tilespmem:s1+$0x8030];
	_ =	sdelay $0x7  }
0x63: {  	[tilespmem:v5+s25+$0x0] =	vst.idx.add.f32.msk $0xffff, v4  }
0x64: {  	v5 =	vld [tilespmem:s1+$0x8040];
	_ =	sdelay $0x7  }
0x65: {  	[tilespmem:v5+s25+$0x0] =	vst.idx.add.f32.msk $0xffff, v4  }
0x66: {  	v5 =	vld [tilespmem:s1+$0x8050];
	_ =	sdelay $0x7  }
0x67: {  	[tilespmem:v5+s25+$0x0] =	vst.idx.add.f32.msk $0xffff, v4  }
0x68: {  	v5 =	vld [tilespmem:s1+$0x8060];
	_ =	sdelay $0x7  }
0x69: {  	[tilespmem:v5+s25+$0x0] =	vst.idx.add.f32.msk $0xffff, v4  }
0x6a: {  	v5 =	vld [tilespmem:s1+$0x8070];
	_ =	sdelay $0x2  }
0x6b: {  	p0 =	sne.s32 s0, $0x4E00  }
.Ltmp1:
0x6c: {  	_ = 	snop;
	(pc) =	sbr.rel @p0 .LBB2_4-.Ltmp1, $2  }
0x6d: {  	_ =	sdelay $0x2  }
0x6e: {  	s0 =	sadd.s32 $0x200, s0;
	[tilespmem:v5+s25+$0x0] =	vst.idx.add.f32.msk $0xffff, v4  }
0x6f: {  	[hbm4b:s10+s26] =	stream.strided.scatter [tilespmem:s25], [sflag:$0x3], $0x2780, s28, s26, $0x38;
	[tilespmem:$0x15B80] =	vst v63  }
0x70: {  	_ =	swait.ge [sflag:s12], $0x2780  }
0x71: {  	[sflag:s12] =	ssyncset.done $0x0  }
0x72: {  	s0 =	simm.s32 $0x0;
	[sflag:s12] =	ssyncadd.s32 $0xFFFFD880  }
.LBB2_6:
0x73: {  	p0 =	seq.s32 s0, $0x0  }
0x74: {  	p1 =	seq.s32 @!p0 s0, $0x7C  }
0x75: {  	p1 =	por p0, !p1  }
.Ltmp2:
0x76: {  	_ = 	snop;
	(pc) =	sbr.rel @!p1 .LBB2_8-.Ltmp2, $4  }
0x77: {  	s1 =	simm.s32 @!p0 $0x2  }
0x78: {  	_ =	swait.ge @!p0 [sflag:s1], $0x2800  }
0x79: {  	[sflag:s1] =	ssyncset.done @!p0 $0x0  }
0x7a: {  	[sflag:s1] =	ssyncadd.s32 @!p0 $0xFFFFD800;
	s1 =	simm.s32 @!p0 $0x7D  }
0x7b: {  	s1 =	sadd.s32 @!p0 $0x1, s0  }
0x7c: {  	s1 =	simm.s32 @p0 $0x1  }
0x7d: {  	s13 =	sshll.u32 s1, $0x7  }
0x7e: {  	v5 =	vld [tilespmem:s13+$0x0];
	_ =	sdelay $0x4  }
0x7f: {  	v6 =	vshll.u32 v5, $0x1  }
0x80: {  	v5 =	vand.u32 $0x7, v5;
	v6 =	vand.u32 $0xFFFFFFF0, v6  }
0x81: {  	v5 =	vor.u32 v5, v6  }
0x82: {  	v6 =	vperm.xlane v5, v0;
	_ =	sdelay $0x1  }
0x83: {  	v5 =	vperm.xlane v5, v2;
	v6 =	vadd.s32 v1, v6  }
0x84: {  	s14 =	sand.u32 $0x1, s1  }
0x85: {  	p0 =	seq.s32 s14, $0x1;
	s14 =	simm.s32 $0x2800;
	v5 =	vadd.s32 v1, v5  }
0x86: {  	s14 =	simm.s32 @!p0 $0x0  }
0x87: {  	s15 =	sadd.s32 $0xBB80, s14  }
0x88: {  	[tilespmem:s15], [sflag:$0x1] =	stream.indirect_vreg.gather [hbm4b:s3+s2], $0x80, v6, vm0, $0xb8;
	[tilespmem:$0x15B80] =	vst v63  }
0x89: {  	s18 =	sor.u32 $0xC380, s14  }
0x8a: {  	[tilespmem:s18], [sflag:$0x1] =	stream.indirect_vreg.gather [hbm4b:s3+s2], $0x80, v5, vm0, $0xb8;
	[tilespmem:$0x15B80] =	vst v63  }
0x8b: {  	v5 =	vld [tilespmem:s13+$0x10];
	_ =	sdelay $0x4  }
0x8c: {  	v6 =	vshll.u32 v5, $0x1  }
0x8d: {  	v5 =	vand.u32 $0x7, v5;
	v6 =	vand.u32 $0xFFFFFFF0, v6  }
0x8e: {  	v5 =	vor.u32 v5, v6  }
0x8f: {  	v6 =	vperm.xlane v5, v0;
	_ =	sdelay $0x1  }
0x90: {  	v5 =	vperm.xlane v5, v2;
	v6 =	vadd.s32 v1, v6;
	_ =	sdelay $0x1  }
0x91: {  	v5 =	vadd.s32 v1, v5;
	_ =	sdelay $0x1  }
0x92: {  	s16 =	sadd.s32 $0xCB80, s14  }
0x93: {  	[tilespmem:s16], [sflag:$0x1] =	stream.indirect_vreg.gather [hbm4b:s3+s2], $0x80, v6, vm0, $0xb8;
	[tilespmem:$0x15B80] =	vst v63  }
0x94: {  	s17 =	sor.u32 $0xD380, s14;
	s18 =	sor.u32 $0x20, s13  }
0x95: {  	[tilespmem:s17], [sflag:$0x1] =	stream.indirect_vreg.gather [hbm4b:s3+s2], $0x80, v5, vm0, $0xb8;
	[tilespmem:$0x15B80] =	vst v63  }
0x96: {  	v5 =	vld.msk [tilespmem:s18+$0x0], $0xff;
	_ =	sdelay $0x4  }
0x97: {  	v6 =	vshll.u32 v5, $0x1  }
0x98: {  	v5 =	vand.u32 $0x7, v5;
	v6 =	vand.u32 $0xFFFFFFF0, v6  }
0x99: {  	v5 =	vor.u32 v5, v6  }
0x9a: {  	v5 =	vperm.xlane v5, v0;
	_ =	sdelay $0x1  }
0x9b: {  	v5 =	vadd.s32 v1, v5;
	_ =	sdelay $0x3  }
0x9c: {  	s16 =	sadd.s32 $0xDB80, s14  }
0x9d: {  	[tilespmem:s16], [sflag:$0x1] =	stream.indirect_vreg.gather [hbm4b:s3+s2], $0x80, v5, vm0, $0xb8;
	[tilespmem:$0x15B80] =	vst v63  }
0x9e: {  	v5 =	vld [tilespmem:s13+$0x4000];
	_ =	sdelay $0x4  }
0x9f: {  	v6 =	vshll.u32 v5, $0x1  }
0xa0: {  	v5 =	vand.u32 $0x7, v5;
	v6 =	vand.u32 $0xFFFFFFF0, v6  }
0xa1: {  	v5 =	vor.u32 v5, v6  }
0xa2: {  	v6 =	vperm.xlane v5, v0;
	_ =	sdelay $0x1  }
0xa3: {  	v5 =	vperm.xlane v5, v2;
	v6 =	vadd.s32 v1, v6;
	_ =	sdelay $0x1  }
0xa4: {  	v5 =	vadd.s32 v1, v5;
	_ =	sdelay $0x1  }
0xa5: {  	s17 =	sadd.s32 $0x10B80, s14  }
0xa6: {  	[tilespmem:s17], [sflag:$0x1] =	stream.indirect_vreg.gather [hbm4b:s4+s2], $0x80, v6, vm0, $0xb8;
	[tilespmem:$0x15B80] =	vst v63  }
0xa7: {  	s18 =	sor.u32 $0x11380, s14  }
0xa8: {  	[tilespmem:s18], [sflag:$0x1] =	stream.indirect_vreg.gather [hbm4b:s4+s2], $0x80, v5, vm0, $0xb8;
	[tilespmem:$0x15B80] =	vst v63  }
0xa9: {  	v5 =	vld [tilespmem:s13+$0x4010];
	_ =	sdelay $0x4  }
0xaa: {  	v6 =	vshll.u32 v5, $0x1  }
0xab: {  	v5 =	vand.u32 $0x7, v5;
	v6 =	vand.u32 $0xFFFFFFF0, v6  }
0xac: {  	v5 =	vor.u32 v5, v6  }
0xad: {  	v6 =	vperm.xlane v5, v0;
	_ =	sdelay $0x1  }
0xae: {  	v5 =	vperm.xlane v5, v2;
	v6 =	vadd.s32 v1, v6;
	_ =	sdelay $0x1  }
0xaf: {  	v5 =	vadd.s32 v1, v5;
	_ =	sdelay $0x1  }
0xb0: {  	s16 =	sadd.s32 $0x11B80, s14  }
0xb1: {  	[tilespmem:s16], [sflag:$0x1] =	stream.indirect_vreg.gather [hbm4b:s4+s2], $0x80, v6, vm0, $0xb8;
	[tilespmem:$0x15B80] =	vst v63  }
0xb2: {  	s17 =	sadd.s32 $0x12380, s14  }
0xb3: {  	[tilespmem:s17], [sflag:$0x1] =	stream.indirect_vreg.gather [hbm4b:s4+s2], $0x80, v5, vm0, $0xb8;
	[tilespmem:$0x15B80] =	vst v63  }
0xb4: {  	v5 =	vld.msk [tilespmem:s13+$0x4020], $0xff;
	_ =	sdelay $0x4  }
0xb5: {  	v6 =	vshll.u32 v5, $0x1  }
0xb6: {  	v5 =	vand.u32 $0x7, v5;
	v6 =	vand.u32 $0xFFFFFFF0, v6  }
0xb7: {  	v5 =	vor.u32 v5, v6  }
0xb8: {  	v5 =	vperm.xlane v5, v0;
	_ =	sdelay $0x1  }
0xb9: {  	v5 =	vadd.s32 v1, v5;
	_ =	sdelay $0x3  }
0xba: {  	s18 =	sadd.s32 $0x12B80, s14  }
0xbb: {  	[tilespmem:s18], [sflag:$0x1] =	stream.indirect_vreg.gather [hbm4b:s4+s2], $0x80, v5, vm0, $0xb8;
	[tilespmem:$0x15B80] =	vst v63  }
.LBB2_8:
0xbc: {  	_ =	swait.ge [sflag:s29], $0x2800  }
0xbd: {  	s13 =	sand.u32 $0x1, s0;
	s15 =	simm.s32 $0x0;
	[sflag:s29] =	ssyncset.done $0x0  }
0xbe: {  	p0 =	seq.s32 s13, $0x1;
	s13 =	simm.s32 $0x2800;
	[sflag:s29] =	ssyncadd.s32 $0xFFFFD800  }
0xbf: {  	s14 =	sand.u32 $0x3800, s15;
	s13 =	simm.s32 @!p0 $0x0;
	_ =	swait.ge [sflag:s29], $0x2800  }
0xc0: {  	s16 =	sand.u32 $0x380, s15;
	s14 =	sadd.s32 s13, s14;
	[sflag:s29] =	ssyncset.done $0x0  }
0xc1: {  	s14 =	sor.u32 s16, s14;
	[sflag:s29] =	ssyncadd.s32 $0xFFFFD800  }
0xc2: {  	v13 =	vld [tilespmem:s14+$0x10B80]  }
0xc3: {  	v14 =	vld [tilespmem:s14+$0x10B90]  }
0xc4: {  	v15 =	vld [tilespmem:s14+$0x10BA0]  }
0xc5: {  	v16 =	vld [tilespmem:s14+$0x10BB0]  }
0xc6: {  	v18 =	vld [tilespmem:s14+$0x10BC0]  }
0xc7: {  	v19 =	vld [tilespmem:s14+$0x10BD0]  }
0xc8: {  	v20 =	vld [tilespmem:s14+$0x10BE0]  }
0xc9: {  	v21 =	vld [tilespmem:s14+$0x10BF0]  }
0xca: {  	v12 =	vld [tilespmem:s14+$0x10F80]  }
0xcb: {  	v11 =	vld [tilespmem:s14+$0x10F90]  }
0xcc: {  	v10 =	vld [tilespmem:s14+$0x10FA0]  }
0xcd: {  	v9 =	vld [tilespmem:s14+$0x10FB0]  }
0xce: {  	v8 =	vld [tilespmem:s14+$0x10FC0]  }
0xcf: {  	v7 =	vld [tilespmem:s14+$0x10FD0]  }
0xd0: {  	v6 =	vld [tilespmem:s14+$0x10FE0]  }
0xd1: {  	v5 =	vld [tilespmem:s14+$0x10FF0]  }
0xd2: {  	v17 =	vld [tilespmem:s14+$0xBB80]  }
0xd3: {  	v22 =	vld [tilespmem:s14+$0xBB90]  }
0xd4: {  	v23 =	vld [tilespmem:s14+$0xBBA0]  }
0xd5: {  	v24 =	vld [tilespmem:s14+$0xBBB0]  }
0xd6: {  	v25 =	vld [tilespmem:s14+$0xBBC0]  }
0xd7: {  	v26 =	vld [tilespmem:s14+$0xBBD0];
	v13 =	vadd.f32 v13, v17  }
0xd8: {  	v63 =	vld [tilespmem:s14+$0xBBE0];
	v14 =	vadd.f32 v14, v22  }
0xd9: {  	[tilespmem:s14+$0xBB80] =	vst v13;
	v13 =	vadd.f32 v15, v23;
	v15 =	vld [tilespmem:s14+$0xBBF0]  }
0xda: {  	v17 =	vld [tilespmem:s14+$0xBF80];
	[tilespmem:s14+$0xBB90] =	vst v14;
	v14 =	vadd.f32 v16, v24  }
0xdb: {  	v16 =	vld [tilespmem:s14+$0xBF90];
	[tilespmem:s14+$0xBBA0] =	vst v13;
	v13 =	vadd.f32 v18, v25  }
0xdc: {  	[tilespmem:s14+$0xBBB0] =	vst v14;
	v18 =	vadd.f32 v19, v26;
	v14 =	vld [tilespmem:s14+$0xBFA0]  }
0xdd: {  	v19 =	vadd.f32 v20, v63;
	[tilespmem:s14+$0xBBC0] =	vst v13;
	v13 =	vld [tilespmem:s14+$0xBFB0]  }
0xde: {  	s16 =	simm.s32 $0x100;
	[tilespmem:s14+$0xBBD0] =	vst v18;
	v18 =	vadd.f32 v21, v15;
	v15 =	vld [tilespmem:s14+$0xBFC0]  }
.LBB2_9:
0xdf: {  	s17 =	sand.u32 $0x3800, s16;
	p0 =	sne.s32 s16, $0x2700;
	[tilespmem:s14+$0xBBE0] =	vst v19;
	v12 =	vadd.f32 v12, v17;
	v17 =	vld [tilespmem:s14+$0xBFD0];
	s15 =	sadd.s32 $0x80, s15  }
0xe0: {  	s17 =	sadd.s32 s13, s17;
	s18 =	sand.u32 $0x380, s15;
	[tilespmem:s14+$0xBBF0] =	vst v18;
	v11 =	vadd.f32 v11, v16;
	v16 =	vld [tilespmem:s14+$0xBFE0]  }
0xe1: {  	s17 =	sor.u32 s18, s17;
	[tilespmem:s14+$0xBF80] =	vst v12;
	v10 =	vadd.f32 v10, v14;
	v12 =	vld [tilespmem:s14+$0xBFF0]  }
0xe2: {  	v14 =	vld [tilespmem:s17+$0x10B80];
	[tilespmem:s14+$0xBF90] =	vst v11;
	v9 =	vadd.f32 v9, v13  }
0xe3: {  	v13 =	vld [tilespmem:s17+$0x10B90];
	[tilespmem:s14+$0xBFA0] =	vst v10;
	v8 =	vadd.f32 v8, v15  }
0xe4: {  	v15 =	vld [tilespmem:s17+$0x10BA0];
	[tilespmem:s14+$0xBFB0] =	vst v9;
	v7 =	vadd.f32 v7, v17  }
0xe5: {  	v17 =	vld [tilespmem:s17+$0x10BB0];
	[tilespmem:s14+$0xBFC0] =	vst v8;
	v6 =	vadd.f32 v6, v16  }
0xe6: {  	v16 =	vld [tilespmem:s17+$0x10BC0];
	[tilespmem:s14+$0xBFD0] =	vst v7;
	v5 =	vadd.f32 v5, v12  }
0xe7: {  	v18 =	vld [tilespmem:s17+$0x10BD0];
	[tilespmem:s14+$0xBFE0] =	vst v6  }
0xe8: {  	v19 =	vld [tilespmem:s17+$0x10BE0];
	[tilespmem:s14+$0xBFF0] =	vst v5;
	s14 =	smov.u32 s17  }
0xe9: {  	v20 =	vld [tilespmem:s14+$0x10BF0]  }
0xea: {  	v12 =	vld [tilespmem:s14+$0x10F80]  }
0xeb: {  	v11 =	vld [tilespmem:s14+$0x10F90]  }
0xec: {  	v10 =	vld [tilespmem:s14+$0x10FA0]  }
0xed: {  	v9 =	vld [tilespmem:s14+$0x10FB0]  }
0xee: {  	v8 =	vld [tilespmem:s14+$0x10FC0]  }
0xef: {  	v7 =	vld [tilespmem:s14+$0x10FD0]  }
0xf0: {  	v6 =	vld [tilespmem:s14+$0x10FE0]  }
0xf1: {  	v5 =	vld [tilespmem:s14+$0x10FF0]  }
0xf2: {  	v21 =	vld [tilespmem:s14+$0xBB80]  }
0xf3: {  	v22 =	vld [tilespmem:s14+$0xBB90]  }
0xf4: {  	v23 =	vld [tilespmem:s14+$0xBBA0]  }
0xf5: {  	v24 =	vld [tilespmem:s14+$0xBBB0]  }
0xf6: {  	v25 =	vld [tilespmem:s14+$0xBBC0]  }
0xf7: {  	v14 =	vadd.f32 v14, v21;
	v21 =	vld [tilespmem:s14+$0xBBD0]  }
0xf8: {  	v13 =	vadd.f32 v13, v22;
	v22 =	vld [tilespmem:s14+$0xBBE0]  }
0xf9: {  	[tilespmem:s14+$0xBB80] =	vst v14;
	v14 =	vadd.f32 v15, v23;
	v15 =	vld [tilespmem:s14+$0xBBF0]  }
.Ltmp3:
0xfa: {  	[tilespmem:s14+$0xBB90] =	vst v13;
	v13 =	vadd.f32 v17, v24;
	v17 =	vld [tilespmem:s14+$0xBF80];
	(pc) =	sbr.rel @p0 .LBB2_9-.Ltmp3, $4  }
0xfb: {  	[tilespmem:s14+$0xBBA0] =	vst v14;
	v23 =	vadd.f32 v16, v25;
	v16 =	vld [tilespmem:s14+$0xBF90]  }
0xfc: {  	[tilespmem:s14+$0xBBB0] =	vst v13;
	v18 =	vadd.f32 v18, v21;
	v14 =	vld [tilespmem:s14+$0xBFA0]  }
0xfd: {  	[tilespmem:s14+$0xBBC0] =	vst v23;
	v19 =	vadd.f32 v19, v22;
	v13 =	vld [tilespmem:s14+$0xBFB0]  }
0xfe: {  	s16 =	sadd.s32 $0x100, s16;
	[tilespmem:s14+$0xBBD0] =	vst v18;
	v18 =	vadd.f32 v20, v15;
	v15 =	vld [tilespmem:s14+$0xBFC0]  }
0xff: {  	[tilespmem:s14+$0xBBE0] =	vst v19;
	v12 =	vadd.f32 v12, v17;
	v61 =	vld [tilespmem:s14+$0xBFD0]  }
0x100: {  	v62 =	vld [tilespmem:s14+$0xBFE0];
	[tilespmem:s14+$0xBBF0] =	vst v18;
	v11 =	vadd.f32 v11, v16  }
0x101: {  	v63 =	vld [tilespmem:s14+$0xBFF0];
	[tilespmem:s14+$0xBF80] =	vst v12;
	v10 =	vadd.f32 v10, v14  }
0x102: {  	[tilespmem:s14+$0xBF90] =	vst v11;
	v9 =	vadd.f32 v9, v13  }
0x103: {  	[tilespmem:s14+$0xBFA0] =	vst v10;
	v8 =	vadd.f32 v8, v15  }
0x104: {  	s0 =	smul.u32 $0x28, s0;
	[tilespmem:s14+$0xBFB0] =	vst v9;
	v7 =	vadd.f32 v7, v61  }
0x105: {  	p0 =	slt.u32 s1, $0x7D;
	v6 =	vadd.f32 v6, v62;
	[tilespmem:s14+$0xBFC0] =	vst v8  }
.Ltmp4:
0x106: {  	s0 =	sadd.s32 s6, s0;
	v5 =	vadd.f32 v5, v63;
	[tilespmem:s14+$0xBFD0] =	vst v7;
	(pc) =	sbr.rel @p0 .LBB2_6-.Ltmp4, $4  }
0x107: {  	s0 =	sshll.u32 s0, $0x5;
	[tilespmem:s14+$0xBFE0] =	vst v6  }
0x108: {  	s13 =	sadd.s32 $0xBB80, s13;
	s0 =	sadd.s32 s5, s0;
	[tilespmem:s14+$0xBFF0] =	vst v5  }
0x109: {  	[hbm4b:s0+s2] =	stream.linear.scatter [tilespmem:s13], [sflag:$0x2], $0x2800, $0x38;
	[tilespmem:$0x15B80] =	vst v63  }
0x10a: {  	s0 =	smov.u32 s1  }
0x10b: {  	s31 =	sadd.s32 $0x1, s31  }
0x10c: {  	p0 =	sne.s32 s31, s11  }
.Ltmp5:
0x10d: {  	_ = 	snop;
	(pc) =	sbr.rel @p0 .LBB2_1-.Ltmp5, $4  }
0x10e: {  	_ = 	snop  }
0x10f: {  	_ =	swait.ge [sflag:s30], $0x2800  }
0x110: {  	[sflag:s30] =	ssyncset.done $0x0  }
0x111: {  	[sflag:s30] =	ssyncadd.s32 $0xFFFFD800  }
0x112: {  	_ =	sfence.sel $0x180000  }
0x113: {  	[bflag:$0x0] =	sbarrier.arrive $0xFFFF  }
0x114: {  	_ =	strace $0x90000047  }
0x115: {  	s0 =	stileid.u32;
	[bflag:$0x2] =	sbarrier.arrive $0xFFFF  }
0x116: {  	p0 =	sne.s32 s0, $0x0;
	s0 =	rddreg [dreg:$0x1]  }
0x117: {  	s0 =	sadd.s32 @!p0 $0x100000, s0  }
0x118: {  	[sflag:s0] =	ssyncadd.tile.s32 @!p0 $0x1;
	_ =	shalt  }
.Lfunc_end2:
_tile_overlayer_lowered:
.L_overlay_start_2:
0x119: {  	(tag) =	ssettag $0x2  }
0x11a: {  	s0 =	rddreg [dreg:$0x0];
	s2 =	stileid.u32  }
0x11b: {  	s1 =	rddreg [dreg:$0x1];
	p0 =	sne.s32 s2, $0x0  }
0x11c: {  	s3 =	rddreg [dreg:$0x2];
	[bflag:$0x3] =	sbarrier.arrive $0xFFFF;
	s2 =	simm.s32 @!p0 $0x1C03  }
0x11d: {  	[timem:s3], [sflag:s2] =	dma.local @!p0 [hbm:s0], s1  }
0x11e: {  	s0 =	simm.s32 @!p0 $0x3  }
0x11f: {  	_ =	swait.ge @!p0 [sflag:s0], s1  }
0x120: {  	s1 =	ssub.s32 @!p0 $0x0, s1;
	[sflag:s0] =	ssyncset.done @!p0 $0x0  }
0x121: {  	[sflag:s0] =	ssyncadd.s32 @!p0 s1  }
0x122: {  	[bflag:$0x3] =	sbarrier.arrive $0xFFFF  }
0x123: {  	_ =	shalt  }

// kernel: kernel.13.cloned.1.call-start
scs
__scs_entry_jumppad:
0x0: {  	(pc) =	sbr.rel $0x88, $3  }
0x1: {  	(tag) =	ssettag $0x0;
	lr =	simm.s32 $0x1  }
0x2: {  	[smem:$0x3F7F] =	sst lr;
	_ =	strace $0xD0000000  }
0x3: {  	_ = 	snop  }
0x4: {  	_ = 	snop  }
0x5: {  	_ = 	snop  }
0x6: {  	_ = 	snop  }
0x7: {  	_ = 	snop  }
__scs_overlays_trampoline_lowered:
0x8: {  	[smem:$0x3F8E] =	sst s0  }
0x9: {  	[smem:$0x3F8F] =	sst s1  }
0xa: {  	[smem:$0x3F90] =	sst s2  }
0xb: {  	[smem:$0x3F91] =	sst s3  }
0xc: {  	[smem:$0x3F92] =	sst s4  }
0xd: {  	[smem:$0x3F93] =	sst s5  }
0xe: {  	[smem:$0x3F94] =	sst s6  }
0xf: {  	[smem:$0x3F95] =	sst s7  }
0x10: {  	[smem:$0x3F96] =	sst s8  }
0x11: {  	[smem:$0x3F97] =	sst s9;
	s0 =	simm.s32 @!p0 $0x0  }
0x12: {  	s1 =	sld [smem:$0x3F7D];
	s0 =	simm.s32 @p0 $0x1  }
0x13: {  	[smem:$0x3F98] =	sst s0;
	s0 =	simm.s32 @!p1 $0x0  }
0x14: {  	s2 =	sld [smem:$0x3F7C];
	s0 =	simm.s32 @p1 $0x1  }
0x15: {  	[smem:$0x3F99] =	sst s0;
	s0 =	simm.s32 @!p2 $0x0  }
0x16: {  	s3 =	sld [smem:$0x3FDB];
	s0 =	simm.s32 @p2 $0x1  }
0x17: {  	s4 =	simm.s32 $0x1BF5;
	[smem:$0x3F9B] =	sst s0  }
0x18: {  	s0 =	sld [smem:$0x3F7E];
	_ =	swait.ge [sflag:s4], $0x0  }
0x19: {  	s7 =	sld [smem:$0x3F7F]  }
0x1a: {  	s8 =	sadd.s32 $0xFFFFE003, lr  }
0x1b: {  	s9 =	sadd.s32 $0xFFFFFEF7, lr;
	s5 =	simm.s32 $0xFFFFFFFF;
	p2 =	slt.u32 s8, $0xFFFFF086  }
0x1c: {  	p1 =	slt.u32 s9, $0xF7A;
	s5 =	simm.s32 @!p2 $0x0  }
0x1d: {  	s5 =	simm.s32 @p1 $0x1;
	p0 =	seq.s32 s7, s2  }
0x1e: {  	s7 =	smul.u32 @!p0 $0xF7A, s2;
	p2 =	seq.s32 @!p0 s5, $0x0  }
0x1f: {  	s9 =	smul.u32 $0xF7A, s1;
	s8 =	simm.s32 @!p0 $0x1BF5;
	p2 =	por !p2, p0  }
0x20: {  	[sflag:s8] =	ssyncset.s32 @!p0 $0xFFFFF086;
	s6 =	sadd.s32 @!p0 s3, s7;
	s7 =	simm.s32 @!p0 $0x108  }
0x21: {  	s3 =	sadd.s32 s3, s9;
	s6 =	sadd.s32 @!p0 $0x88, s6;
	s7 =	simm.s32 @p2 $0x1082  }
0x22: {  	[simem:s7], [sflag:s8] =	dma.local @!p0 [hbm:s6], $0xF7A  }
0x23: {  	s9 =	sor.u32 $0xD0000000, s2;
	s6 =	simm.s32 $0x108;
	_ =	swait.ge @!p0 [sflag:s8], $0x0  }
0x24: {  	s3 =	sadd.s32 $0x88, s3;
	s6 =	simm.s32 @!p1 $0x1082;
	[sflag:s4] =	ssyncset.s32 $0xFFFFF086  }
0x25: {  	[simem:s6], [sflag:s4] =	dma.local [hbm:s3], $0xF7A  }
0x26: {  	[smem:$0x3F7F] =	sst s1;
	(tag) =	ssettag s2;
	_ =	strace s9  }
0x27: {  	s1 =	sld [smem:$0x3F8F]  }
0x28: {  	s2 =	sld [smem:$0x3F90]  }
0x29: {  	s4 =	sld [smem:$0x3F92]  }
0x2a: {  	p0 =	seq.s32 s5, $0x0;
	s5 =	sld [smem:$0x3F93]  }
0x2b: {  	s6 =	sld [smem:$0x3F94]  }
0x2c: {  	s7 =	sld [smem:$0x3F95]  }
0x2d: {  	s3 =	simm.s32 $0x108;
	s8 =	sld [smem:$0x3F96]  }
0x2e: {  	s3 =	simm.s32 @!p0 $0x1082;
	s9 =	sld [smem:$0x3F97]  }
0x2f: {  	lr =	sadd.s32 s0, s3;
	s0 =	sld [smem:$0x3F8E]  }
0x30: {  	s3 =	sld [smem:$0x3F91]  }
0x31: {  	[smem:$0x3F9A] =	sst s10  }
0x32: {  	s10 =	sld [smem:$0x3F98];
	_ =	sdelay $0x3  }
0x33: {  	p0 =	seq.s32 s10, $0x1;
	s10 =	sld [smem:$0x3F9A];
	_ =	sdelay $0x3  }
0x34: {  	[smem:$0x3F9A] =	sst s10  }
0x35: {  	s10 =	sld [smem:$0x3F99];
	_ =	sdelay $0x3  }
0x36: {  	p1 =	seq.s32 s10, $0x1;
	s10 =	sld [smem:$0x3F9A];
	_ =	sdelay $0x3  }
0x37: {  	[smem:$0x3F9A] =	sst s10  }
0x38: {  	s10 =	sld [smem:$0x3F9B]  }
0x39: {  	_ = 	snop;
	(pc) =	sbr.ind lr, $3  }
0x3a: {  	_ = 	snop  }
0x3b: {  	_ = 	snop  }
0x3c: {  	p2 =	seq.s32 s10, $0x1;
	s10 =	sld [smem:$0x3F9A]  }
0x3d: {  	_ =	shalt  }
0x3e: {  	_ =	shalt  }
0x3f: {  	_ =	shalt  }
0x40: {  	_ =	shalt  }
0x41: {  	_ =	shalt  }
0x42: {  	_ =	shalt  }
0x43: {  	_ =	shalt  }
0x44: {  	_ =	shalt  }
0x45: {  	_ =	shalt  }
0x46: {  	_ =	shalt  }
0x47: {  	_ =	shalt  }
0x48: {  	_ =	shalt  }
0x49: {  	_ =	shalt  }
0x4a: {  	_ =	shalt  }
0x4b: {  	_ =	shalt  }
0x4c: {  	_ =	shalt  }
0x4d: {  	_ =	shalt  }
0x4e: {  	_ =	shalt  }
0x4f: {  	_ =	shalt  }
0x50: {  	_ =	shalt  }
0x51: {  	_ =	shalt  }
0x52: {  	_ =	shalt  }
0x53: {  	_ =	shalt  }
0x54: {  	_ =	shalt  }
0x55: {  	_ =	shalt  }
0x56: {  	_ =	shalt  }
0x57: {  	_ =	shalt  }
0x58: {  	_ =	shalt  }
0x59: {  	_ =	shalt  }
0x5a: {  	_ =	shalt  }
0x5b: {  	_ =	shalt  }
0x5c: {  	_ =	shalt  }
0x5d: {  	_ =	shalt  }
0x5e: {  	_ =	shalt  }
0x5f: {  	_ =	shalt  }
0x60: {  	_ =	shalt  }
0x61: {  	_ =	shalt  }
0x62: {  	_ =	shalt  }
0x63: {  	_ =	shalt  }
0x64: {  	_ =	shalt  }
0x65: {  	_ =	shalt  }
0x66: {  	_ =	shalt  }
0x67: {  	_ =	shalt  }
0x68: {  	_ =	shalt  }
0x69: {  	_ =	shalt  }
0x6a: {  	_ =	shalt  }
0x6b: {  	_ =	shalt  }
0x6c: {  	_ =	shalt  }
0x6d: {  	_ =	shalt  }
0x6e: {  	_ =	shalt  }
0x6f: {  	_ =	shalt  }
0x70: {  	_ =	shalt  }
0x71: {  	_ =	shalt  }
0x72: {  	_ =	shalt  }
0x73: {  	_ =	shalt  }
0x74: {  	_ =	shalt  }
0x75: {  	_ =	shalt  }
0x76: {  	_ =	shalt  }
0x77: {  	_ =	shalt  }
0x78: {  	_ =	shalt  }
0x79: {  	_ =	shalt  }
0x7a: {  	_ =	shalt  }
0x7b: {  	_ =	shalt  }
0x7c: {  	_ =	shalt  }
0x7d: {  	_ =	shalt  }
0x7e: {  	_ =	shalt  }
0x7f: {  	_ =	shalt  }
0x80: {  	_ =	shalt  }
0x81: {  	_ =	shalt  }
0x82: {  	_ =	shalt  }
0x83: {  	_ =	shalt  }
0x84: {  	_ =	shalt  }
0x85: {  	_ =	shalt  }
0x86: {  	_ =	shalt  }
0x87: {  	_ =	shalt  }
.Lfunc_end0:
.L_simem_size_0:
called_computation.1_lowered:
.L_overlay_start_0:
0x88: {  	s2 =	sld [smem:$0x3FD9]  }
0x89: {  	s3 =	sld [smem:$0x3FFE];
	_ =	sdelay $0x1  }
0x8a: {  	s1 =	srdreg.scid  }
0x8b: {  	s0 =	sand.u32 $0x1, s1  }
0x8c: {  	s17 =	sshll.u32 s0, $0xA;
	s2 =	sadd.s32 s3, s2  }
0x8d: {  	s2 =	sadd.s32 s2, s17  }
0x8e: {  	[smem:$0x3FA6] =	sst s2  }
0x8f: {  	_ = 	snop  }
0x90: {  	(tm) =	ssettm $0x1  }
0x91: {  	s18 =	sld [smem:$0x3FFB];
	_ =	sdelay $0x3  }
0x92: {  	_ =	strace s18  }
0x93: {  	s2 =	sld [smem:$0x3FFC];
	_ =	sdelay $0x3  }
0x94: {  	_ =	strace s2  }
0x95: {  	s2 =	sld [smem:$0x3FFD];
	_ =	sdelay $0x3  }
0x96: {  	_ =	strace s2  }
0x97: {  	_ =	strace $0x8FFFFFFF  }
0x98: {  	s19 =	sld [smem:$0x3FDB];
	_ =	sdelay $0x1  }
0x99: {  	s20 =	simm.s32 $_scs_section_size  }
0x9a: {  	s4 =	simm.s32 $_size__tile_overlayer_lowered;
	s5 =	simm.s32 $_tile_overlayer_lowered  }
0x9b: {  	s6 =	simm.s32 $0x1BFF;
	s21 =	sshll.u32 s5, $0x1;
	s3 =	sadd.s32 s20, s19  }
0x9c: {  	s22 =	simm.s32 $0x0;
	s4 =	sshll.u32 s4, $0x1;
	s5 =	sadd.s32 s21, s3  }
0x9d: {  	[timem:s22], [sflag:s6] =	dma.local [hbm:s5], s4  }
0x9e: {  	_ =	swait.ge [sflag:s6], s4  }
0x9f: {  	s4 =	ssub.s32 $0x0, s4;
	[sflag:s6] =	ssyncset.done $0x0  }
0xa0: {  	[sflag:s6] =	ssyncadd.s32 s4;
	_ =	sdelay $0x1  }
0xa1: {  	s23 =	simm.s32 $0x1B8B  }
0xa2: {  	_ =	swait.ge [sflag:s23], $0x1  }
0xa3: {  	[sflag:s23] =	ssyncset.done $0x0  }
0xa4: {  	[sflag:s23] =	ssyncadd.s32 $0xFFFFFFFF  }
0xa5: {  	s4 =	sld [smem:$0x0]  }
0xa6: {  	s5 =	sand.u32 $0xFFFFFFFE, s1  }
0xa7: {  	p0 =	sne.s32 s1, s5  }
0xa8: {  	s5 =	sshll.u32 @p0 s5, $0xE  }
0xa9: {  	s5 =	sadd.s32 @p0 $0x11B8D, s5;
	s6 =	sshll.u32 @p0 s4, $0x11  }
0xaa: {  	s5 =	sor.u32 @p0 s6, s5  }
0xab: {  	[sflag:s5] =	ssyncadd.remote.s32 @p0 $0x1;
	_ =	sdelay $0x1  }
0xac: {  	s5 =	simm.s32 @p0 $0x1B8D  }
0xad: {  	_ =	swait.eq @p0 [sflag:s5], $0x1  }
0xae: {  	[sflag:s5] =	ssyncadd.s32 @p0 $0xFFFFFFFF  }
0xaf: {  	s6 =	sshll.u32 @!p0 s1, $0xE  }
0xb0: {  	s6 =	sor.u32 @!p0 $0x4000, s6;
	s5 =	simm.s32 @!p0 $0x1B8D  }
0xb1: {  	s4 =	sshll.u32 @!p0 s4, $0x11;
	s6 =	sadd.s32 @!p0 $0x11B8D, s6;
	_ =	swait.eq @!p0 [sflag:s5], $0x1  }
0xb2: {  	s4 =	sor.u32 @!p0 s4, s6;
	[sflag:s5] =	ssyncadd.s32 @!p0 $0xFFFFFFFF  }
0xb3: {  	s25 =	simm.s32 $0x1B8E;
	s24 =	sld [smem:$0x3FFE];
	[sflag:s4] =	ssyncadd.remote.s32 @!p0 $0x1  }
0xb4: {  	s26 =	simm.s32 $execute0_lowered;
	[smem:$0x3FD2] =	sst s25  }
0xb5: {  	s5 =	sshll.u32 s26, $0x1;
	_ =	strace $0x80000049;
	[dreg:$0x1] =	wrdreg $0xFFFFFFFF  }
0xb6: {  	s28 =	simm.s32 $_size_execute0_lowered;
	s3 =	sadd.s32 s3, s5;
	[dreg:$0x0] =	wrdreg $0x0  }
0xb7: {  	s5 =	sshll.u32 s28, $0x1;
	[dreg:$0x2] =	wrdreg s3  }
0xb8: {  	[dreg:$0x3] =	wrdreg s5  }
0xb9: {  	[dreg:$0x4] =	wrdreg $0xC0  }
0xba: {  	_ =	task [dreg:s22], $0x5FFFF  }
0xbb: {  	[dreg:$0x1] =	wrdreg $0xFFFFFFFF  }
0xbc: {  	[dreg:$0x0] =	wrdreg $0x60  }
0xbd: {  	[dreg:$0x2] =	wrdreg s24  }
0xbe: {  	[dreg:$0x3] =	wrdreg $0x0  }
0xbf: {  	[dreg:$0x4] =	wrdreg $0x9  }
0xc0: {  	_ =	task.clear_ibuf [dreg:s22], $0x5FFFF;
	_ =	strace $0x90000049  }
0xc1: {  	s29 =	simm.s32 $0x9;
	_ =	strace $0x8000004B  }
0xc2: {  	_ =	swait.ge [sflag:s29], $0x1  }
0xc3: {  	[sflag:s29] =	ssyncadd.s32 $0xFFFFFFFF  }
0xc4: {  	_ =	strace $0x9000004B  }
0xc5: {  	_ =	sfence  }
0xc6: {  	s30 =	sld [smem:$0x0];
	_ =	sdelay $0x2  }
0xc7: {  	s31 =	sshll.u32 s1, $0xD;
	s1 =	sshrl.u32 s1, $0x2  }
0xc8: {  	s4 =	sand.u32 $0x4000, s31;
	s1 =	sadd.s32 s1, s30  }
0xc9: {  	s0 =	sor.u32 s4, s0;
	s1 =	sshll.u32 s1, $0x11  }
0xca: {  	s0 =	sor.u32 s1, s0  }
0xcb: {  	s0 =	sadd.s32 $0x8F2B, s0  }
0xcc: {  	[sflag:s0] =	ssyncadd.remote.s32 $0x1  }
0xcd: {  	_ =	sfence.sel $0xFFFF  }
0xce: {  	[dreg:$0x0] =	wrdreg $0xFFFFFFFF;
	(pc) =	sbr.abs _section_cstart, $3  }
0xcf: {  	[dreg:$0x1] =	wrdreg $0xFFFFFFFF  }
0xd0: {  	_ =	task.clear_ibuf [dreg:s22], $0x2FFFF;
	_ =	strace $0x9FFFFFFF  }
0xd1: {  	(tm) =	ssettm $0x7FFFFFFF  }
tec
execute0_lowered:
.L_overlay_start_1:
0x0: {  	(tag) =	ssettag $0x1  }
0x1: {  	s0 =	rddreg [dreg:$0x0]  }
0x2: {  	s1 =	rddreg [dreg:$0x1];
	s2 =	simm.s32 $0x0  }
0x3: {  	s7 =	stileid.u32;
	s3 =	srdreg.scid;
	s28 =	simm.s32 $0x1  }
0x4: {  	s29 =	simm.s32 $0x2;
	s31 =	simm.s32 $0x0;
	[smem:$0x7FF] =	sst s2  }
0x5: {  	s4 =	sadd.s32 $0xC9800, s0;
	s5 =	sadd.s32 $0xF0A00, s0;
	s6 =	sadd.s32 $0x652200, s0  }
0x6: {  	s30 =	smul.u32 $0x2780, s7;
	s3 =	sand.u32 $0x1, s3;
	s8 =	sadd.s32 $0x65A200, s0  }
0x7: {  	s10 =	smul.u32 $0x4F000, s7;
	s11 =	sadd.s32 $0x689A00, s0;
	s23 =	sshll.u32 s7, $0x6  }
0x8: {  	_ =	strace $0x8000004A;
	s9 =	ssub.s32 $0x2, s3;
	[dreg:$0x3] =	wrdreg s11  }
0x9: {  	s11 =	sshll.u32 s7, $0xB;
	s13 =	sor.u32 $0x1C03, s23;
	p0 =	sne.s32 s3, $0x0  }
0xa: {  	s23 =	simm.s32 $0x50;
	s12 =	sadd.s32 s30, s0;
	s20 =	sshrl.u32 s9, $0x1  }
0xb: {  	s0 =	sadd.s32 $0x6B1200, s0;
	s22 =	sshrl.u32 s10, $0x2;
	s24 =	sor.u32 $0x10, s11  }
0xc: {  	s15 =	sadd.s32 s6, s11;
	s17 =	sadd.s32 s8, s11;
	[dreg:$0x4] =	wrdreg s0  }
.Ltmp0:
0xd: {  	s21 =	ssub.s32 s9, s20;
	s9 =	sadd.s32 s22, s1;
	(pc) =	sbr.rel .LBB2_1-.Ltmp0, $4  }
0xe: {  	s14 =	sadd.s32 $0x662200, s12;
	s25 =	sadd.s32 s6, s24;
	s26 =	sadd.s32 s8, s24  }
0xf: {  	s20 =	simm.s32 $0x3;
	s22 =	simm.s32 $0x13D00;
	[dreg:$0x5] =	wrdreg s25  }
0x10: {  	s24 =	simm.s32 $0x13E00;
	[dreg:$0x6] =	wrdreg s26;
	s18 =	smax.u32 s21, $0x1  }
0x11: {  	s19 =	sshrl.u32 s9, $0x3;
	s21 =	simm.s32 $0x13C00;
	s25 =	simm.s32 $0x13C80  }
.LBB2_7:
0x12: {  	s0 =	sadd.s32 s8, s26  }
0x13: {  	[tilespmem:s10], [sflag:$0x1] =	stream.linear.gather [hbm4b:s0+s2], $0x80, $0x38;
	[tilespmem:$0x18E00] =	vst v63  }
0x14: {  	_ =	swait.ge [sflag:s28], $0x80  }
0x15: {  	[sflag:s28] =	ssyncset.done $0x0  }
0x16: {  	[sflag:s28] =	ssyncadd.s32 $0xFFFFFF80  }
0x17: {  	_ =	swait.ge [sflag:s28], $0x80  }
0x18: {  	[sflag:s28] =	ssyncset.done $0x0  }
0x19: {  	[sflag:s28] =	ssyncadd.s32 $0xFFFFFF80  }
0x1a: {  	[tilespmem:s9], [sflag:$0x2] =	stream.indirect.gather [hbm4b:s5+s23], $0x80, s10, s23, $0xb8;
	[tilespmem:$0x18E00] =	vst v63  }
0x1b: {  	_ =	swait.ge [sflag:s29], $0x2800  }
0x1c: {  	[sflag:s29] =	ssyncset.done $0x0  }
0x1d: {  	s26 =	simm.s32 $0x16600;
	[sflag:s29] =	ssyncadd.s32 $0xFFFFD800  }
0x1e: {  	[spmem:s1] =	stream.indirect.scatter.add.f32 [tilespmem:s26], [sflag:$0x3], $0x80, s25, s23, $0xb8;
	[tilespmem:$0x18E00] =	vst v63  }
0x1f: {  	_ =	swait.ge [sflag:s20], $0x2800  }
0x20: {  	[sflag:s20] =	ssyncset.done $0x0  }
0x21: {  	s0 =	rddreg [dreg:$0x4];
	[sflag:s20] =	ssyncadd.s32 $0xFFFFD800  }
.LBB2_8:
0x22: {  	_ =	swait.ge [sflag:s29], $0x2800  }
0x23: {  	[sflag:s29] =	ssyncset.done $0x0  }
0x24: {  	[sflag:s29] =	ssyncadd.s32 $0xFFFFD800  }
0x25: {  	[spmem:s1] =	stream.indirect.scatter.add.f32 [tilespmem:s24], [sflag:$0x3], $0x80, s21, s23, $0xb8;
	[tilespmem:$0x18E00] =	vst v63  }
0x26: {  	_ =	swait.ge [sflag:s20], $0x2800  }
0x27: {  	s31 =	sadd.s32 $0x1, s31;
	[sflag:s20] =	ssyncset.done $0x0  }
0x28: {  	p1 =	sne.s32 s31, s18;
	[sflag:s20] =	ssyncadd.s32 $0xFFFFD800  }
.Ltmp1:
0x29: {  	s0 =	sadd.s32 s0, s30;
	[bflag:$0x0] =	sbarrier.arrive $0xFFFF;
	(pc) =	sbr.rel @!p1 .LBB2_9-.Ltmp1, $4  }
0x2a: {  	[hbm:s0], [sflag:s13] =	dma.local [spmem:s19], $0x2780  }
0x2b: {  	_ =	swait.ge [sflag:s20], $0x2780  }
0x2c: {  	[sflag:s20] =	ssyncset.done $0x0  }
0x2d: {  	[sflag:s20] =	ssyncadd.s32 $0xFFFFD880  }
.LBB2_1:
0x2e: {  	[spmem:s19], [sflag:s13] =	dma.local [hbm:s14], $0x2780  }
0x2f: {  	_ =	swait.ge [sflag:s20], $0x2780  }
0x30: {  	[sflag:s20] =	ssyncset.done $0x0  }
0x31: {  	[sflag:s20] =	ssyncadd.s32 $0xFFFFD880  }
0x32: {  	[bflag:$0x0] =	sbarrier.arrive $0xFFFF  }
0x33: {  	[tilespmem:s21], [sflag:$0x3] =	stream.linear.gather [hbm4b:s15+s2], $0x80, $0x38;
	[tilespmem:$0x18E00] =	vst v63  }
0x34: {  	_ =	swait.ge [sflag:s20], $0x80  }
0x35: {  	[sflag:s20] =	ssyncset.done $0x0  }
.Ltmp2:
0x36: {  	[sflag:s20] =	ssyncadd.s32 $0xFFFFFF80;
	(pc) =	sbr.rel @p0 .LBB2_5-.Ltmp2, $4  }
0x37: {  	[tilespmem:s22], [sflag:$0x3] =	stream.linear.gather [hbm4b:s17+s2], $0x80, $0x38;
	[tilespmem:$0x18E00] =	vst v63  }
0x38: {  	_ =	swait.ge [sflag:s20], $0x80  }
0x39: {  	[sflag:s20] =	ssyncset.done $0x0  }
0x3a: {  	[sflag:s20] =	ssyncadd.s32 $0xFFFFFF80  }
0x3b: {  	[tilespmem:s24], [sflag:$0x2] =	stream.indirect.gather [hbm4b:s4+s23], $0x80, s22, s23, $0xb8;
	[tilespmem:$0x18E00] =	vst v63  }
0x3c: {  	s0 =	rddreg [dreg:$0x5]  }
0x3d: {  	[tilespmem:s25], [sflag:$0x1] =	stream.linear.gather [hbm4b:s0+s2], $0x80, $0x38;
	[tilespmem:$0x18E00] =	vst v63  }
0x3e: {  	s16 =	smov.u32 s15;
	s12 =	rddreg [dreg:$0x6];
	s3 =	simm.s32 $0x13D80  }
0x3f: {  	[tilespmem:s3], [sflag:$0x1] =	stream.linear.gather [hbm4b:s12+s2], $0x80, $0x38;
	[tilespmem:$0x18E00] =	vst v63  }
0x40: {  	s15 =	smov.u32 s14;
	s0 =	simm.s32 $0x1;
	_ =	swait.ge [sflag:s28], $0x80  }
0x41: {  	s10 =	simm.s32 $0x0;
	s26 =	sand.u32 $0x1, s0;
	[sflag:s28] =	ssyncset.done $0x0  }
0x42: {  	s10 =	sand.u32 $0x1, s10;
	s3 =	smul.u32 $0xA000, s26;
	[sflag:s28] =	ssyncadd.s32 $0xFFFFFF80  }
0x43: {  	s14 =	smov.u32 s30;
	s30 =	smul.u32 $0xA000, s10;
	_ =	swait.ge [sflag:s28], $0x80  }
0x44: {  	s9 =	sshll.u32 s26, $0x7;
	s3 =	sshrl.u32 s3, $0x2;
	[sflag:s28] =	ssyncset.done $0x0  }
0x45: {  	s9 =	sor.u32 $0x13D00, s9;
	s3 =	sadd.s32 $0x13E00, s3;
	[sflag:s28] =	ssyncadd.s32 $0xFFFFFF80  }
0x46: {  	[tilespmem:s3], [sflag:$0x2] =	stream.indirect.gather [hbm4b:s4+s23], $0x80, s9, s23, $0xb8;
	[tilespmem:$0x18E00] =	vst v63  }
0x47: {  	s7 =	simm.s32 $0x20;
	s10 =	sshll.u32 s10, $0x7;
	_ =	swait.ge [sflag:s29], $0x2800  }
0x48: {  	s12 =	sor.u32 $0x13C00, s10;
	s3 =	sshrl.u32 s30, $0x2;
	[sflag:s29] =	ssyncset.done $0x0  }
0x49: {  	s26 =	sand.u32 $0xF80, s7;
	s3 =	sadd.s32 $0x13E00, s3;
	[sflag:s29] =	ssyncadd.s32 $0xFFFFD800  }
0x4a: {  	[spmem:s1] =	stream.indirect.scatter.add.f32 [tilespmem:s3], [sflag:$0x3], $0x80, s12, s23, $0xb8;
	[tilespmem:$0x18E00] =	vst v63  }
0x4b: {  	s26 =	sadd.s32 s11, s26;
	s9 =	sand.u32 $0x70, s7;
	_ =	swait.ge [sflag:s20], $0x2800  }
0x4c: {  	s26 =	sor.u32 s9, s26;
	[sflag:s20] =	ssyncset.done $0x0  }
0x4d: {  	s3 =	sadd.s32 s6, s26;
	[sflag:s20] =	ssyncadd.s32 $0xFFFFD800  }
0x4e: {  	[tilespmem:s12], [sflag:$0x1] =	stream.linear.gather [hbm4b:s3+s2], $0x80, $0x38;
	[tilespmem:$0x18E00] =	vst v63  }
0x4f: {  	s10 =	sor.u32 $0x13D00, s10;
	s3 =	simm.s32 $0x30  }
.LBB2_3:
0x50: {  	p1 =	seq.s32 s3, $0x7C0;
	s9 =	sadd.s32 s8, s26;
	s0 =	sadd.s32 $0x1, s0  }
0x51: {  	[tilespmem:s10], [sflag:$0x1] =	stream.linear.gather [hbm4b:s9+s2], $0x80, $0x38;
	[tilespmem:$0x18E00] =	vst v63  }
0x52: {  	s10 =	smov.u32 s3;
	s3 =	sadd.s32 $0x10, s3;
	_ =	swait.ge [sflag:s28], $0x80  }
0x53: {  	s9 =	sand.u32 $0x1, s0;
	[sflag:s28] =	ssyncset.done $0x0  }
0x54: {  	s26 =	sshll.u32 s9, $0x7;
	s9 =	smul.u32 $0xA000, s9;
	[sflag:s28] =	ssyncadd.s32 $0xFFFFFF80  }
0x55: {  	s26 =	sor.u32 $0x13D00, s26;
	_ =	swait.ge [sflag:s28], $0x80  }
0x56: {  	s30 =	sadd.s32 $0xFFFFFFFF, s0;
	s9 =	sshrl.u32 s9, $0x2;
	[sflag:s28] =	ssyncset.done $0x0  }
0x57: {  	s30 =	sand.u32 $0x1, s30;
	s9 =	sadd.s32 $0x13E00, s9;
	[sflag:s28] =	ssyncadd.s32 $0xFFFFFF80  }
0x58: {  	[tilespmem:s9], [sflag:$0x2] =	stream.indirect.gather [hbm4b:s4+s23], $0x80, s26, s23, $0xb8;
	[tilespmem:$0x18E00] =	vst v63  }
0x59: {  	s9 =	smul.u32 $0xA000, s30;
	s30 =	sshll.u32 s30, $0x7;
	_ =	swait.ge [sflag:s29], $0x2800  }
0x5a: {  	[sflag:s29] =	ssyncset.done $0x0  }
0x5b: {  	s7 =	sor.u32 $0x13C00, s30;
	s9 =	sshrl.u32 s9, $0x2;
	[sflag:s29] =	ssyncadd.s32 $0xFFFFD800  }
0x5c: {  	s26 =	sand.u32 $0xF80, s10;
	s9 =	sadd.s32 $0x13E00, s9  }
0x5d: {  	[spmem:s1] =	stream.indirect.scatter.add.f32 [tilespmem:s9], [sflag:$0x3], $0x80, s7, s23, $0xb8;
	[tilespmem:$0x18E00] =	vst v63  }
.Ltmp3:
0x5e: {  	_ = 	snop;
	(pc) =	sbr.rel @!p1 .LBB2_3-.Ltmp3, $4  }
0x5f: {  	s10 =	sand.u32 $0x70, s10;
	s26 =	sadd.s32 s11, s26;
	_ =	swait.ge [sflag:s20], $0x2800  }
0x60: {  	s26 =	sor.u32 s10, s26;
	[sflag:s20] =	ssyncset.done $0x0  }
0x61: {  	s10 =	sor.u32 $0x13D00, s30;
	s12 =	sadd.s32 s6, s26;
	[sflag:s20] =	ssyncadd.s32 $0xFFFFD800  }
0x62: {  	[tilespmem:s7], [sflag:$0x1] =	stream.linear.gather [hbm4b:s12+s2], $0x80, $0x38;
	[tilespmem:$0x18E00] =	vst v63  }
0x63: {  	s0 =	sadd.s32 s8, s26  }
0x64: {  	[tilespmem:s10], [sflag:$0x1] =	stream.linear.gather [hbm4b:s0+s2], $0x80, $0x38;
	[tilespmem:$0x18E00] =	vst v63  }
0x65: {  	_ =	swait.ge [sflag:s28], $0x80  }
0x66: {  	[sflag:s28] =	ssyncset.done $0x0  }
0x67: {  	[sflag:s28] =	ssyncadd.s32 $0xFFFFFF80  }
0x68: {  	_ =	swait.ge [sflag:s28], $0x80  }
0x69: {  	[sflag:s28] =	ssyncset.done $0x0  }
0x6a: {  	[sflag:s28] =	ssyncadd.s32 $0xFFFFFF80  }
0x6b: {  	[tilespmem:s9], [sflag:$0x2] =	stream.indirect.gather [hbm4b:s4+s23], $0x80, s10, s23, $0xb8;
	[tilespmem:$0x18E00] =	vst v63  }
0x6c: {  	_ =	swait.ge [sflag:s29], $0x2800  }
0x6d: {  	[sflag:s29] =	ssyncset.done $0x0  }
.Ltmp4:
0x6e: {  	s26 =	simm.s32 $0x16600;
	[sflag:s29] =	ssyncadd.s32 $0xFFFFD800;
	(pc) =	sbr.rel .LBB2_8-.Ltmp4, $4  }
0x6f: {  	[spmem:s1] =	stream.indirect.scatter.add.f32 [tilespmem:s26], [sflag:$0x3], $0x80, s25, s23, $0xb8;
	[tilespmem:$0x18E00] =	vst v63  }
0x70: {  	_ =	swait.ge [sflag:s20], $0x2800  }
0x71: {  	s30 =	smov.u32 s14;
	s14 =	smov.u32 s15;
	[sflag:s20] =	ssyncset.done $0x0  }
0x72: {  	s15 =	smov.u32 s16;
	s0 =	rddreg [dreg:$0x3];
	[sflag:s20] =	ssyncadd.s32 $0xFFFFD800  }
.LBB2_5:
0x73: {  	[tilespmem:s24], [sflag:$0x2] =	stream.indirect.gather [hbm4b:s5+s23], $0x80, s22, s23, $0xb8;
	[tilespmem:$0x18E00] =	vst v63  }
0x74: {  	s0 =	rddreg [dreg:$0x5]  }
0x75: {  	[tilespmem:s25], [sflag:$0x1] =	stream.linear.gather [hbm4b:s0+s2], $0x80, $0x38;
	[tilespmem:$0x18E00] =	vst v63  }
0x76: {  	s9 =	rddreg [dreg:$0x6];
	s3 =	simm.s32 $0x13D80  }
0x77: {  	[tilespmem:s3], [sflag:$0x1] =	stream.linear.gather [hbm4b:s9+s2], $0x80, $0x38;
	[tilespmem:$0x18E00] =	vst v63  }
0x78: {  	s0 =	simm.s32 $0x1;
	_ =	swait.ge [sflag:s28], $0x80  }
0x79: {  	s10 =	sand.u32 $0x1, s0;
	[sflag:s28] =	ssyncset.done $0x0  }
0x7a: {  	s7 =	sshll.u32 s10, $0x7;
	s3 =	smul.u32 $0xA000, s10;
	[sflag:s28] =	ssyncadd.s32 $0xFFFFFF80  }
0x7b: {  	s9 =	simm.s32 $0x0;
	s7 =	sor.u32 $0x13D00, s7;
	_ =	swait.ge [sflag:s28], $0x80  }
0x7c: {  	s9 =	sand.u32 $0x1, s9;
	s3 =	sshrl.u32 s3, $0x2;
	[sflag:s28] =	ssyncset.done $0x0  }
0x7d: {  	s12 =	smul.u32 $0xA000, s9;
	s3 =	sadd.s32 $0x13E00, s3;
	[sflag:s28] =	ssyncadd.s32 $0xFFFFFF80  }
0x7e: {  	[tilespmem:s3], [sflag:$0x2] =	stream.indirect.gather [hbm4b:s5+s23], $0x80, s7, s23, $0xb8;
	[tilespmem:$0x18E00] =	vst v63  }
0x7f: {  	s16 =	simm.s32 $0x20;
	s9 =	sshll.u32 s9, $0x7;
	_ =	swait.ge [sflag:s29], $0x2800  }
0x80: {  	s10 =	sor.u32 $0x13C00, s9;
	s3 =	sshrl.u32 s12, $0x2;
	[sflag:s29] =	ssyncset.done $0x0  }
0x81: {  	s12 =	sand.u32 $0xF80, s16;
	s3 =	sadd.s32 $0x13E00, s3;
	[sflag:s29] =	ssyncadd.s32 $0xFFFFD800  }
0x82: {  	[spmem:s1] =	stream.indirect.scatter.add.f32 [tilespmem:s3], [sflag:$0x3], $0x80, s10, s23, $0xb8;
	[tilespmem:$0x18E00] =	vst v63  }
0x83: {  	s7 =	sand.u32 $0x70, s16;
	s26 =	sadd.s32 s11, s12;
	_ =	swait.ge [sflag:s20], $0x2800  }
0x84: {  	s26 =	sor.u32 s7, s26;
	[sflag:s20] =	ssyncset.done $0x0  }
0x85: {  	s3 =	sadd.s32 s6, s26;
	[sflag:s20] =	ssyncadd.s32 $0xFFFFD800  }
0x86: {  	[tilespmem:s10], [sflag:$0x1] =	stream.linear.gather [hbm4b:s3+s2], $0x80, $0x38;
	[tilespmem:$0x18E00] =	vst v63  }
0x87: {  	s3 =	simm.s32 $0x30;
	s10 =	sor.u32 $0x13D00, s9  }
.LBB2_6:
0x88: {  	p1 =	seq.s32 s3, $0x7C0;
	s7 =	sadd.s32 s8, s26;
	s0 =	sadd.s32 $0x1, s0  }
0x89: {  	[tilespmem:s10], [sflag:$0x1] =	stream.linear.gather [hbm4b:s7+s2], $0x80, $0x38;
	[tilespmem:$0x18E00] =	vst v63  }
0x8a: {  	s7 =	smov.u32 s3;
	s3 =	sadd.s32 $0x10, s3;
	_ =	swait.ge [sflag:s28], $0x80  }
0x8b: {  	s9 =	sand.u32 $0x1, s0;
	[sflag:s28] =	ssyncset.done $0x0  }
0x8c: {  	s10 =	sshll.u32 s9, $0x7;
	s9 =	smul.u32 $0xA000, s9;
	[sflag:s28] =	ssyncadd.s32 $0xFFFFFF80  }
0x8d: {  	s10 =	sor.u32 $0x13D00, s10;
	_ =	swait.ge [sflag:s28], $0x80  }
0x8e: {  	s12 =	sadd.s32 $0xFFFFFFFF, s0;
	s9 =	sshrl.u32 s9, $0x2;
	[sflag:s28] =	ssyncset.done $0x0  }
0x8f: {  	s12 =	sand.u32 $0x1, s12;
	s9 =	sadd.s32 $0x13E00, s9;
	[sflag:s28] =	ssyncadd.s32 $0xFFFFFF80  }
0x90: {  	[tilespmem:s9], [sflag:$0x2] =	stream.indirect.gather [hbm4b:s5+s23], $0x80, s10, s23, $0xb8;
	[tilespmem:$0x18E00] =	vst v63  }
0x91: {  	s9 =	smul.u32 $0xA000, s12;
	s10 =	sshll.u32 s12, $0x7;
	_ =	swait.ge [sflag:s29], $0x2800  }
0x92: {  	[sflag:s29] =	ssyncset.done $0x0  }
0x93: {  	s12 =	sor.u32 $0x13C00, s10;
	s9 =	sshrl.u32 s9, $0x2;
	[sflag:s29] =	ssyncadd.s32 $0xFFFFD800  }
0x94: {  	s26 =	sand.u32 $0xF80, s7;
	s9 =	sadd.s32 $0x13E00, s9  }
0x95: {  	[spmem:s1] =	stream.indirect.scatter.add.f32 [tilespmem:s9], [sflag:$0x3], $0x80, s12, s23, $0xb8;
	[tilespmem:$0x18E00] =	vst v63  }
.Ltmp5:
0x96: {  	_ = 	snop;
	(pc) =	sbr.rel @!p1 .LBB2_6-.Ltmp5, $4  }
0x97: {  	s7 =	sand.u32 $0x70, s7;
	s26 =	sadd.s32 s11, s26;
	_ =	swait.ge [sflag:s20], $0x2800  }
0x98: {  	s26 =	sor.u32 s7, s26;
	[sflag:s20] =	ssyncset.done $0x0  }
0x99: {  	s7 =	sadd.s32 s6, s26;
	s10 =	sor.u32 $0x13D00, s10;
	[sflag:s20] =	ssyncadd.s32 $0xFFFFD800  }
0x9a: {  	[tilespmem:s12], [sflag:$0x1] =	stream.linear.gather [hbm4b:s7+s2], $0x80, $0x38;
	[tilespmem:$0x18E00] =	vst v63  }
.Ltmp6:
0x9b: {  	_ = 	snop;
	(pc) =	sbr.rel .LBB2_7-.Ltmp6, $1  }
0x9c: {  	_ =	sdelay $0x3  }
.LBB2_9:
0x9d: {  	_ =	sfence.sel $0x180000  }
0x9e: {  	[bflag:$0x0] =	sbarrier.arrive $0xFFFF  }
0x9f: {  	_ =	strace $0x9000004A  }
0xa0: {  	s0 =	stileid.u32;
	[bflag:$0x2] =	sbarrier.arrive $0xFFFF  }
0xa1: {  	p0 =	sne.s32 s0, $0x0;
	s0 =	rddreg [dreg:$0x2]  }
0xa2: {  	s0 =	sadd.s32 @!p0 $0x100000, s0  }
0xa3: {  	[sflag:s0] =	ssyncadd.tile.s32 @!p0 $0x1;
	_ =	shalt  }
.Lfunc_end2:
_tile_overlayer_lowered:
.L_overlay_start_2:
0xa4: {  	(tag) =	ssettag $0x2  }
0xa5: {  	s0 =	rddreg [dreg:$0x0];
	s2 =	stileid.u32  }
0xa6: {  	s1 =	rddreg [dreg:$0x1];
	p0 =	sne.s32 s2, $0x0  }
0xa7: {  	s3 =	rddreg [dreg:$0x2];
	[bflag:$0x3] =	sbarrier.arrive $0xFFFF;
	s2 =	simm.s32 @!p0 $0x1C03  }
0xa8: {  	[timem:s3], [sflag:s2] =	dma.local @!p0 [hbm:s0], s1  }
0xa9: {  	s0 =	simm.s32 @!p0 $0x3  }
0xaa: {  	_ =	swait.ge @!p0 [sflag:s0], s1  }
0xab: {  	s1 =	ssub.s32 @!p0 $0x0, s1;
	[sflag:s0] =	ssyncset.done @!p0 $0x0  }
0xac: {  	[sflag:s0] =	ssyncadd.s32 @!p0 s1  }
0xad: {  	[bflag:$0x3] =	sbarrier.arrive $0xFFFF  }
0xae: {  	_ =	shalt  }

// kernel: kernel.16.cloned.1.call-start
scs
__scs_entry_jumppad:
0x0: {  	(pc) =	sbr.rel $0x88, $3  }
0x1: {  	(tag) =	ssettag $0x0;
	lr =	simm.s32 $0x1  }
0x2: {  	[smem:$0x3F7F] =	sst lr;
	_ =	strace $0xD0000000  }
0x3: {  	_ = 	snop  }
0x4: {  	_ = 	snop  }
0x5: {  	_ = 	snop  }
0x6: {  	_ = 	snop  }
0x7: {  	_ = 	snop  }
__scs_overlays_trampoline_lowered:
0x8: {  	[smem:$0x3F8E] =	sst s0  }
0x9: {  	[smem:$0x3F8F] =	sst s1  }
0xa: {  	[smem:$0x3F90] =	sst s2  }
0xb: {  	[smem:$0x3F91] =	sst s3  }
0xc: {  	[smem:$0x3F92] =	sst s4  }
0xd: {  	[smem:$0x3F93] =	sst s5  }
0xe: {  	[smem:$0x3F94] =	sst s6  }
0xf: {  	[smem:$0x3F95] =	sst s7  }
0x10: {  	[smem:$0x3F96] =	sst s8  }
0x11: {  	[smem:$0x3F97] =	sst s9;
	s0 =	simm.s32 @!p0 $0x0  }
0x12: {  	s1 =	sld [smem:$0x3F7D];
	s0 =	simm.s32 @p0 $0x1  }
0x13: {  	[smem:$0x3F98] =	sst s0;
	s0 =	simm.s32 @!p1 $0x0  }
0x14: {  	s2 =	sld [smem:$0x3F7C];
	s0 =	simm.s32 @p1 $0x1  }
0x15: {  	[smem:$0x3F99] =	sst s0;
	s0 =	simm.s32 @!p2 $0x0  }
0x16: {  	s3 =	sld [smem:$0x3FDB];
	s0 =	simm.s32 @p2 $0x1  }
0x17: {  	s4 =	simm.s32 $0x1BF5;
	[smem:$0x3F9B] =	sst s0  }
0x18: {  	s0 =	sld [smem:$0x3F7E];
	_ =	swait.ge [sflag:s4], $0x0  }
0x19: {  	s7 =	sld [smem:$0x3F7F]  }
0x1a: {  	s8 =	sadd.s32 $0xFFFFE003, lr  }
0x1b: {  	s9 =	sadd.s32 $0xFFFFFEF7, lr;
	s5 =	simm.s32 $0xFFFFFFFF;
	p2 =	slt.u32 s8, $0xFFFFF086  }
0x1c: {  	p1 =	slt.u32 s9, $0xF7A;
	s5 =	simm.s32 @!p2 $0x0  }
0x1d: {  	s5 =	simm.s32 @p1 $0x1;
	p0 =	seq.s32 s7, s2  }
0x1e: {  	s7 =	smul.u32 @!p0 $0xF7A, s2;
	p2 =	seq.s32 @!p0 s5, $0x0  }
0x1f: {  	s9 =	smul.u32 $0xF7A, s1;
	s8 =	simm.s32 @!p0 $0x1BF5;
	p2 =	por !p2, p0  }
0x20: {  	[sflag:s8] =	ssyncset.s32 @!p0 $0xFFFFF086;
	s6 =	sadd.s32 @!p0 s3, s7;
	s7 =	simm.s32 @!p0 $0x108  }
0x21: {  	s3 =	sadd.s32 s3, s9;
	s6 =	sadd.s32 @!p0 $0x88, s6;
	s7 =	simm.s32 @p2 $0x1082  }
0x22: {  	[simem:s7], [sflag:s8] =	dma.local @!p0 [hbm:s6], $0xF7A  }
0x23: {  	s9 =	sor.u32 $0xD0000000, s2;
	s6 =	simm.s32 $0x108;
	_ =	swait.ge @!p0 [sflag:s8], $0x0  }
0x24: {  	s3 =	sadd.s32 $0x88, s3;
	s6 =	simm.s32 @!p1 $0x1082;
	[sflag:s4] =	ssyncset.s32 $0xFFFFF086  }
0x25: {  	[simem:s6], [sflag:s4] =	dma.local [hbm:s3], $0xF7A  }
0x26: {  	[smem:$0x3F7F] =	sst s1;
	(tag) =	ssettag s2;
	_ =	strace s9  }
0x27: {  	s1 =	sld [smem:$0x3F8F]  }
0x28: {  	s2 =	sld [smem:$0x3F90]  }
0x29: {  	s4 =	sld [smem:$0x3F92]  }
0x2a: {  	p0 =	seq.s32 s5, $0x0;
	s5 =	sld [smem:$0x3F93]  }
0x2b: {  	s6 =	sld [smem:$0x3F94]  }
0x2c: {  	s7 =	sld [smem:$0x3F95]  }
0x2d: {  	s3 =	simm.s32 $0x108;
	s8 =	sld [smem:$0x3F96]  }
0x2e: {  	s3 =	simm.s32 @!p0 $0x1082;
	s9 =	sld [smem:$0x3F97]  }
0x2f: {  	lr =	sadd.s32 s0, s3;
	s0 =	sld [smem:$0x3F8E]  }
0x30: {  	s3 =	sld [smem:$0x3F91]  }
0x31: {  	[smem:$0x3F9A] =	sst s10  }
0x32: {  	s10 =	sld [smem:$0x3F98];
	_ =	sdelay $0x3  }
0x33: {  	p0 =	seq.s32 s10, $0x1;
	s10 =	sld [smem:$0x3F9A];
	_ =	sdelay $0x3  }
0x34: {  	[smem:$0x3F9A] =	sst s10  }
0x35: {  	s10 =	sld [smem:$0x3F99];
	_ =	sdelay $0x3  }
0x36: {  	p1 =	seq.s32 s10, $0x1;
	s10 =	sld [smem:$0x3F9A];
	_ =	sdelay $0x3  }
0x37: {  	[smem:$0x3F9A] =	sst s10  }
0x38: {  	s10 =	sld [smem:$0x3F9B]  }
0x39: {  	_ = 	snop;
	(pc) =	sbr.ind lr, $3  }
0x3a: {  	_ = 	snop  }
0x3b: {  	_ = 	snop  }
0x3c: {  	p2 =	seq.s32 s10, $0x1;
	s10 =	sld [smem:$0x3F9A]  }
0x3d: {  	_ =	shalt  }
0x3e: {  	_ =	shalt  }
0x3f: {  	_ =	shalt  }
0x40: {  	_ =	shalt  }
0x41: {  	_ =	shalt  }
0x42: {  	_ =	shalt  }
0x43: {  	_ =	shalt  }
0x44: {  	_ =	shalt  }
0x45: {  	_ =	shalt  }
0x46: {  	_ =	shalt  }
0x47: {  	_ =	shalt  }
0x48: {  	_ =	shalt  }
0x49: {  	_ =	shalt  }
0x4a: {  	_ =	shalt  }
0x4b: {  	_ =	shalt  }
0x4c: {  	_ =	shalt  }
0x4d: {  	_ =	shalt  }
0x4e: {  	_ =	shalt  }
0x4f: {  	_ =	shalt  }
0x50: {  	_ =	shalt  }
0x51: {  	_ =	shalt  }
0x52: {  	_ =	shalt  }
0x53: {  	_ =	shalt  }
0x54: {  	_ =	shalt  }
0x55: {  	_ =	shalt  }
0x56: {  	_ =	shalt  }
0x57: {  	_ =	shalt  }
0x58: {  	_ =	shalt  }
0x59: {  	_ =	shalt  }
0x5a: {  	_ =	shalt  }
0x5b: {  	_ =	shalt  }
0x5c: {  	_ =	shalt  }
0x5d: {  	_ =	shalt  }
0x5e: {  	_ =	shalt  }
0x5f: {  	_ =	shalt  }
0x60: {  	_ =	shalt  }
0x61: {  	_ =	shalt  }
0x62: {  	_ =	shalt  }
0x63: {  	_ =	shalt  }
0x64: {  	_ =	shalt  }
0x65: {  	_ =	shalt  }
0x66: {  	_ =	shalt  }
0x67: {  	_ =	shalt  }
0x68: {  	_ =	shalt  }
0x69: {  	_ =	shalt  }
0x6a: {  	_ =	shalt  }
0x6b: {  	_ =	shalt  }
0x6c: {  	_ =	shalt  }
0x6d: {  	_ =	shalt  }
0x6e: {  	_ =	shalt  }
0x6f: {  	_ =	shalt  }
0x70: {  	_ =	shalt  }
0x71: {  	_ =	shalt  }
0x72: {  	_ =	shalt  }
0x73: {  	_ =	shalt  }
0x74: {  	_ =	shalt  }
0x75: {  	_ =	shalt  }
0x76: {  	_ =	shalt  }
0x77: {  	_ =	shalt  }
0x78: {  	_ =	shalt  }
0x79: {  	_ =	shalt  }
0x7a: {  	_ =	shalt  }
0x7b: {  	_ =	shalt  }
0x7c: {  	_ =	shalt  }
0x7d: {  	_ =	shalt  }
0x7e: {  	_ =	shalt  }
0x7f: {  	_ =	shalt  }
0x80: {  	_ =	shalt  }
0x81: {  	_ =	shalt  }
0x82: {  	_ =	shalt  }
0x83: {  	_ =	shalt  }
0x84: {  	_ =	shalt  }
0x85: {  	_ =	shalt  }
0x86: {  	_ =	shalt  }
0x87: {  	_ =	shalt  }
.Lfunc_end0:
.L_simem_size_0:
called_computation.2_lowered:
.L_overlay_start_0:
0x88: {  	s2 =	sld [smem:$0x3FD9]  }
0x89: {  	s3 =	sld [smem:$0x3FFE];
	_ =	sdelay $0x1  }
0x8a: {  	s1 =	srdreg.scid  }
0x8b: {  	s0 =	sand.u32 $0x1, s1  }
0x8c: {  	s17 =	sshll.u32 s0, $0xA;
	s2 =	sadd.s32 s3, s2  }
0x8d: {  	s2 =	sadd.s32 s2, s17  }
0x8e: {  	[smem:$0x3FA6] =	sst s2  }
0x8f: {  	_ = 	snop  }
0x90: {  	s18 =	sld [smem:$0x3FD0];
	(tm) =	ssettm $0x1  }
0x91: {  	s19 =	sld [smem:$0x3FFB];
	_ =	sdelay $0x3  }
0x92: {  	_ =	strace s19  }
0x93: {  	s2 =	sld [smem:$0x3FFC];
	_ =	sdelay $0x3  }
0x94: {  	_ =	strace s2  }
0x95: {  	s2 =	sld [smem:$0x3FFD];
	_ =	sdelay $0x3  }
0x96: {  	_ =	strace s2  }
0x97: {  	_ =	strace $0x8FFFFFFF  }
0x98: {  	s20 =	sld [smem:$0x3FDB];
	_ =	sdelay $0x1  }
0x99: {  	s4 =	simm.s32 $_scs_section_size  }
0x9a: {  	s5 =	simm.s32 $_size__tile_overlayer_lowered;
	s6 =	simm.s32 $_tile_overlayer_lowered  }
0x9b: {  	s7 =	simm.s32 $0x1BFF;
	s21 =	sshll.u32 s6, $0x1;
	s4 =	sadd.s32 s4, s20  }
0x9c: {  	s22 =	simm.s32 $0x0;
	s5 =	sshll.u32 s5, $0x1;
	s6 =	sadd.s32 s21, s4  }
0x9d: {  	[timem:s22], [sflag:s7] =	dma.local [hbm:s6], s5  }
0x9e: {  	_ =	swait.ge [sflag:s7], s5  }
0x9f: {  	s5 =	ssub.s32 $0x0, s5;
	[sflag:s7] =	ssyncset.done $0x0  }
0xa0: {  	[sflag:s7] =	ssyncadd.s32 s5;
	_ =	sdelay $0x1  }
0xa1: {  	s23 =	simm.s32 $0x1B8B  }
0xa2: {  	_ =	swait.ge [sflag:s23], $0x1  }
0xa3: {  	[sflag:s23] =	ssyncset.done $0x0  }
0xa4: {  	[sflag:s23] =	ssyncadd.s32 $0xFFFFFFFF  }
0xa5: {  	s5 =	sld [smem:$0x0]  }
0xa6: {  	s6 =	sand.u32 $0xFFFFFFFE, s1  }
0xa7: {  	p0 =	sne.s32 s1, s6  }
0xa8: {  	s6 =	sshll.u32 @p0 s6, $0xE  }
0xa9: {  	s6 =	sadd.s32 @p0 $0x11B8D, s6;
	s7 =	sshll.u32 @p0 s5, $0x11  }
0xaa: {  	s6 =	sor.u32 @p0 s7, s6  }
0xab: {  	[sflag:s6] =	ssyncadd.remote.s32 @p0 $0x1;
	_ =	sdelay $0x1  }
0xac: {  	s6 =	simm.s32 @p0 $0x1B8D  }
0xad: {  	_ =	swait.eq @p0 [sflag:s6], $0x1  }
0xae: {  	[sflag:s6] =	ssyncadd.s32 @p0 $0xFFFFFFFF  }
0xaf: {  	s7 =	sshll.u32 @!p0 s1, $0xE  }
0xb0: {  	s7 =	sor.u32 @!p0 $0x4000, s7;
	s6 =	simm.s32 @!p0 $0x1B8D  }
0xb1: {  	s5 =	sshll.u32 @!p0 s5, $0x11;
	s7 =	sadd.s32 @!p0 $0x11B8D, s7;
	_ =	swait.eq @!p0 [sflag:s6], $0x1  }
0xb2: {  	s5 =	sor.u32 @!p0 s5, s7;
	[sflag:s6] =	ssyncadd.s32 @!p0 $0xFFFFFFFF  }
0xb3: {  	s25 =	simm.s32 $0x1B8E;
	s24 =	sld [smem:$0x3FFE];
	[sflag:s5] =	ssyncadd.remote.s32 @!p0 $0x1  }
0xb4: {  	s26 =	simm.s32 $execute0_lowered;
	[smem:$0x3FD2] =	sst s25  }
0xb5: {  	s6 =	sshll.u32 s26, $0x1;
	_ =	strace $0x8000004C;
	[dreg:$0x1] =	wrdreg $0xFFFFFFFF  }
0xb6: {  	s28 =	simm.s32 $_size_execute0_lowered;
	s4 =	sadd.s32 s4, s6;
	[dreg:$0x0] =	wrdreg $0x0  }
0xb7: {  	s6 =	sshll.u32 s28, $0x1;
	[dreg:$0x2] =	wrdreg s4  }
0xb8: {  	[dreg:$0x3] =	wrdreg s6  }
0xb9: {  	[dreg:$0x4] =	wrdreg $0xC0  }
0xba: {  	_ =	task [dreg:s22], $0x5FFFF  }
0xbb: {  	[dreg:$0x1] =	wrdreg $0xFFFFFFFF  }
0xbc: {  	[dreg:$0x0] =	wrdreg $0x60  }
0xbd: {  	[dreg:$0x2] =	wrdreg s24  }
0xbe: {  	[dreg:$0x3] =	wrdreg s18  }
0xbf: {  	[dreg:$0x4] =	wrdreg $0x0  }
0xc0: {  	[dreg:$0x5] =	wrdreg $0xA  }
0xc1: {  	_ =	task.clear_ibuf [dreg:s22], $0x6FFFF;
	_ =	strace $0x9000004C  }
0xc2: {  	s29 =	simm.s32 $0xA;
	_ =	strace $0x8000004E  }
0xc3: {  	_ =	swait.ge [sflag:s29], $0x1  }
0xc4: {  	[sflag:s29] =	ssyncadd.s32 $0xFFFFFFFF  }
0xc5: {  	_ =	strace $0x9000004E  }
0xc6: {  	_ =	sfence  }
0xc7: {  	s30 =	sld [smem:$0x0];
	_ =	sdelay $0x2  }
0xc8: {  	s31 =	sshll.u32 s1, $0xD;
	s1 =	sshrl.u32 s1, $0x2  }
0xc9: {  	s4 =	sand.u32 $0x4000, s31;
	s1 =	sadd.s32 s1, s30  }
0xca: {  	s0 =	sor.u32 s4, s0;
	s1 =	sshll.u32 s1, $0x11  }
0xcb: {  	s0 =	sor.u32 s1, s0  }
0xcc: {  	s0 =	sadd.s32 $0x8F2B, s0  }
0xcd: {  	[sflag:s0] =	ssyncadd.remote.s32 $0x1  }
0xce: {  	_ =	sfence.sel $0xFFFF  }
0xcf: {  	[dreg:$0x0] =	wrdreg $0xFFFFFFFF;
	(pc) =	sbr.abs _section_cstart, $3  }
0xd0: {  	[dreg:$0x1] =	wrdreg $0xFFFFFFFF  }
0xd1: {  	_ =	task.clear_ibuf [dreg:s22], $0x2FFFF;
	_ =	strace $0x9FFFFFFF  }
0xd2: {  	(tm) =	ssettm $0x7FFFFFFF  }
0xd3: {  	_ =	shalt  }
tec
execute0_lowered:
.L_overlay_start_1:
0x0: {  	(tag) =	ssettag $0x1  }
0x1: {  	s4 =	rddreg [dreg:$0x0]  }
0x2: {  	s9 =	rddreg [dreg:$0x1]  }
0x3: {  	s1 =	rddreg [dreg:$0x2];
	s2 =	srdreg.scid  }
0x4: {  	s0 =	rddreg [dreg:$0x3];
	s3 =	simm.s32 $0x0;
	s17 =	simm.s32 $0x0  }
0x5: {  	s8 =	sand.u32 $0x1, s2;
	[smem:$0x7FF] =	sst s3;
	s2 =	stileid.u32  }
0x6: {  	s11 =	sadd.s32 $0x6D8A00, s4;
	s14 =	sadd.s32 $0x28400, s4;
	s10 =	smul.u32 $0x2780, s2  }
0x7: {  	s5 =	sshll.u32 s8, $0x4;
	_ =	strace $0x8000004D;
	s7 =	smul.u32 $0x4F000, s2  }
0x8: {  	s13 =	ssub.s32 $0x2, s8;
	s30 =	sshll.u32 s2, $0x6;
	s31 =	smul.u32 $0x138800, s8  }
0x9: {  	s16 =	smul.u32 $0x13880, s2;
	p0 =	seq.s32 s8, $0x1;
	s5 =	sor.u32 s2, s5  }
0xa: {  	s28 =	sshrl.u32 s13, $0x1;
	s9 =	smov.u32 @p0 s14;
	s14 =	simm.s32 $0x1  }
0xb: {  	s6 =	sshll.u32 s5, $0xB;
	s12 =	sadd.s32 s10, s4;
	s7 =	sshrl.u32 s7, $0x2  }
0xc: {  	s13 =	ssub.s32 s13, s28;
	s29 =	smul.u32 $0x13880, s5;
	s5 =	sor.u32 $0x1C02, s30  }
0xd: {  	s9 =	sadd.s32 s9, s10;
	s6 =	sadd.s32 s6, s4;
	s15 =	sadd.s32 s7, s1  }
0xe: {  	s4 =	sadd.s32 $0x662200, s12;
	s8 =	smax.u32 s13, $0x1;
	s12 =	simm.s32 $0x2  }
0xf: {  	s13 =	simm.s32 $0x17C00;
	s7 =	sadd.s32 s11, s29;
	s11 =	sadd.s32 s31, s11  }
0x10: {  	s6 =	sadd.s32 $0x8400, s6;
	s11 =	sadd.s32 s16, s11;
	s16 =	simm.s32 $0x17A00  }
0x11: {  	s10 =	sadd.s32 $0x280, s11;
	s11 =	sshrl.u32 s15, $0x3;
	s15 =	simm.s32 $0x28  }
.LBB2_1:
0x12: {  	[spmem:s11], [sflag:s5] =	dma.local [hbm:s4], $0x2780  }
0x13: {  	_ =	swait.ge [sflag:s12], $0x2780  }
0x14: {  	[sflag:s12] =	ssyncset.done $0x0  }
0x15: {  	s18 =	simm.s32 $0x13C00;
	[sflag:s12] =	ssyncadd.s32 $0xFFFFD880  }
0x16: {  	[tilespmem:s18], [sflag:$0x2] =	stream.linear.gather [hbm4b:s6+s3], $0x4000, $0x38;
	[tilespmem:$0x1A400] =	vst v63  }
0x17: {  	_ =	swait.ge [sflag:s12], $0x4000  }
0x18: {  	[sflag:s12] =	ssyncset.done $0x0  }
0x19: {  	[sflag:s12] =	ssyncadd.s32 $0xFFFFC000  }
0x1a: {  	[bflag:$0x0] =	sbarrier.arrive $0xFFFF  }
0x1b: {  	[tilespmem:s13], [sflag:$0x1] =	stream.linear.gather [hbm4b:s7+s3], $0x1400, $0x38;
	[tilespmem:$0x1A400] =	vst v63  }
0x1c: {  	s19 =	sand.u32 $0x1, s14;
	_ =	swait.ge [sflag:s14], $0x1400  }
0x1d: {  	p0 =	seq.s32 s19, $0x1;
	s19 =	simm.s32 $0x19000;
	[sflag:s14] =	ssyncset.done $0x0  }
0x1e: {  	s19 =	simm.s32 @!p0 $0x17C00;
	[sflag:s14] =	ssyncadd.s32 $0xFFFFEC00  }
0x1f: {  	[tilespmem:s19], [sflag:$0x1] =	stream.linear.gather [hbm4b:s10+s3], $0x1400, $0x38;
	[tilespmem:$0x1A400] =	vst v63  }
0x20: {  	s19 =	simm.s32 $0x17C00  }
0x21: {  	s19 =	simm.s32 @!p0 $0x19000  }
0x22: {  	[spmem:s1] =	stream.indirect.scatter.add.f32 [tilespmem:s19], [sflag:$0x2], $0x80, s18, s15, $0xb8;
	[tilespmem:$0x1A400] =	vst v63  }
0x23: {  	_ =	swait.ge [sflag:s12], $0x1400  }
0x24: {  	s20 =	smov.u32 s10;
	s19 =	simm.s32 $0x2;
	[sflag:s12] =	ssyncset.done $0x0  }
.LBB2_2:
0x25: {  	[sflag:s12] =	ssyncadd.s32 $0xFFFFEC00;
	s18 =	sadd.s32 $0x80, s18;
	s20 =	sadd.s32 $0x280, s20  }
0x26: {  	p0 =	sne.s32 s19, $0x7C;
	s21 =	smov.u32 s19;
	s19 =	sadd.s32 $0x1, s19  }
0x27: {  	s21 =	sand.u32 $0x1, s21;
	_ =	swait.ge [sflag:s14], $0x1400  }
0x28: {  	p1 =	seq.s32 s21, $0x1;
	s21 =	simm.s32 $0x19000;
	[sflag:s14] =	ssyncset.done $0x0  }
0x29: {  	s21 =	simm.s32 @!p1 $0x17C00;
	[sflag:s14] =	ssyncadd.s32 $0xFFFFEC00  }
0x2a: {  	[tilespmem:s21], [sflag:$0x1] =	stream.linear.gather [hbm4b:s20+s3], $0x1400, $0x38;
	[tilespmem:$0x1A400] =	vst v63  }
.Ltmp0:
0x2b: {  	s21 =	simm.s32 $0x17C00;
	(pc) =	sbr.rel @p0 .LBB2_2-.Ltmp0, $4  }
0x2c: {  	s21 =	simm.s32 @!p1 $0x19000  }
0x2d: {  	[spmem:s1] =	stream.indirect.scatter.add.f32 [tilespmem:s21], [sflag:$0x2], $0x80, s18, s15, $0xb8;
	[tilespmem:$0x1A400] =	vst v63  }
0x2e: {  	_ =	swait.ge [sflag:s12], $0x1400  }
0x2f: {  	[sflag:s12] =	ssyncset.done $0x0  }
0x30: {  	[sflag:s12] =	ssyncadd.s32 $0xFFFFEC00  }
0x31: {  	_ =	swait.ge [sflag:s14], $0x1400  }
0x32: {  	[sflag:s14] =	ssyncset.done $0x0  }
0x33: {  	[sflag:s14] =	ssyncadd.s32 $0xFFFFEC00  }
0x34: {  	[spmem:s1] =	stream.indirect.scatter.add.f32 [tilespmem:s13], [sflag:$0x2], $0x80, s16, s15, $0xb8;
	[tilespmem:$0x1A400] =	vst v63  }
0x35: {  	_ =	swait.ge [sflag:s12], $0x1400  }
0x36: {  	s17 =	sadd.s32 $0x1, s17;
	[sflag:s12] =	ssyncset.done $0x0  }
0x37: {  	p0 =	sne.s32 s17, s8;
	[sflag:s12] =	ssyncadd.s32 $0xFFFFEC00  }
.Ltmp1:
0x38: {  	[bflag:$0x0] =	sbarrier.arrive $0xFFFF;
	(pc) =	sbr.rel @p0 .LBB2_1-.Ltmp1, $4  }
0x39: {  	[hbm:s9], [sflag:s5] =	dma.local [spmem:s11], $0x2780  }
0x3a: {  	_ =	swait.ge [sflag:s12], $0x2780  }
0x3b: {  	[sflag:s12] =	ssyncset.done $0x0  }
0x3c: {  	[sflag:s12] =	ssyncadd.s32 $0xFFFFD880  }
0x3d: {  	_ =	sfence.sel $0x180000  }
0x3e: {  	[bflag:$0x0] =	sbarrier.arrive $0xFFFF  }
0x3f: {  	p0 =	sne.s32 s2, $0x0;
	_ =	strace $0x9000004D  }
0x40: {  	s0 =	sadd.s32 @!p0 $0x100000, s0;
	[bflag:$0x2] =	sbarrier.arrive $0xFFFF  }
0x41: {  	[sflag:s0] =	ssyncadd.tile.s32 @!p0 $0x1;
	_ =	shalt  }
.Lfunc_end2:
_tile_overlayer_lowered:
.L_overlay_start_2:
0x42: {  	(tag) =	ssettag $0x2  }
0x43: {  	s0 =	rddreg [dreg:$0x0];
	s2 =	stileid.u32  }
0x44: {  	s1 =	rddreg [dreg:$0x1];
	p0 =	sne.s32 s2, $0x0  }
0x45: {  	s3 =	rddreg [dreg:$0x2];
	[bflag:$0x3] =	sbarrier.arrive $0xFFFF;
	s2 =	simm.s32 @!p0 $0x1C02  }
0x46: {  	[timem:s3], [sflag:s2] =	dma.local @!p0 [hbm:s0], s1  }
0x47: {  	s0 =	simm.s32 @!p0 $0x2  }
0x48: {  	_ =	swait.ge @!p0 [sflag:s0], s1  }
0x49: {  	s1 =	ssub.s32 @!p0 $0x0, s1;
	[sflag:s0] =	ssyncset.done @!p0 $0x0  }
0x4a: {  	[sflag:s0] =	ssyncadd.s32 @!p0 s1  }
0x4b: {  	[bflag:$0x3] =	sbarrier.arrive $0xFFFF  }
0x4c: {  	_ =	shalt  }

// kernel: kernel.19.cloned.1.call-start
scs
__scs_entry_jumppad:
0x0: {  	(pc) =	sbr.rel $0x88, $3  }
0x1: {  	(tag) =	ssettag $0x0;
	lr =	simm.s32 $0x1  }
0x2: {  	[smem:$0x3F7F] =	sst lr;
	_ =	strace $0xD0000000  }
0x3: {  	_ = 	snop  }
0x4: {  	_ = 	snop  }
0x5: {  	_ = 	snop  }
0x6: {  	_ = 	snop  }
0x7: {  	_ = 	snop  }
__scs_overlays_trampoline_lowered:
0x8: {  	[smem:$0x3F8E] =	sst s0  }
0x9: {  	[smem:$0x3F8F] =	sst s1  }
0xa: {  	[smem:$0x3F90] =	sst s2  }
0xb: {  	[smem:$0x3F91] =	sst s3  }
0xc: {  	[smem:$0x3F92] =	sst s4  }
0xd: {  	[smem:$0x3F93] =	sst s5  }
0xe: {  	[smem:$0x3F94] =	sst s6  }
0xf: {  	[smem:$0x3F95] =	sst s7  }
0x10: {  	[smem:$0x3F96] =	sst s8  }
0x11: {  	[smem:$0x3F97] =	sst s9;
	s0 =	simm.s32 @!p0 $0x0  }
0x12: {  	s1 =	sld [smem:$0x3F7D];
	s0 =	simm.s32 @p0 $0x1  }
0x13: {  	[smem:$0x3F98] =	sst s0;
	s0 =	simm.s32 @!p1 $0x0  }
0x14: {  	s2 =	sld [smem:$0x3F7C];
	s0 =	simm.s32 @p1 $0x1  }
0x15: {  	[smem:$0x3F99] =	sst s0;
	s0 =	simm.s32 @!p2 $0x0  }
0x16: {  	s3 =	sld [smem:$0x3FDB];
	s0 =	simm.s32 @p2 $0x1  }
0x17: {  	s4 =	simm.s32 $0x1BF5;
	[smem:$0x3F9B] =	sst s0  }
0x18: {  	s0 =	sld [smem:$0x3F7E];
	_ =	swait.ge [sflag:s4], $0x0  }
0x19: {  	s7 =	sld [smem:$0x3F7F]  }
0x1a: {  	s8 =	sadd.s32 $0xFFFFE003, lr  }
0x1b: {  	s9 =	sadd.s32 $0xFFFFFEF7, lr;
	s5 =	simm.s32 $0xFFFFFFFF;
	p2 =	slt.u32 s8, $0xFFFFF086  }
0x1c: {  	p1 =	slt.u32 s9, $0xF7A;
	s5 =	simm.s32 @!p2 $0x0  }
0x1d: {  	s5 =	simm.s32 @p1 $0x1;
	p0 =	seq.s32 s7, s2  }
0x1e: {  	s7 =	smul.u32 @!p0 $0xF7A, s2;
	p2 =	seq.s32 @!p0 s5, $0x0  }
0x1f: {  	s9 =	smul.u32 $0xF7A, s1;
	s8 =	simm.s32 @!p0 $0x1BF5;
	p2 =	por !p2, p0  }
0x20: {  	[sflag:s8] =	ssyncset.s32 @!p0 $0xFFFFF086;
	s6 =	sadd.s32 @!p0 s3, s7;
	s7 =	simm.s32 @!p0 $0x108  }
0x21: {  	s3 =	sadd.s32 s3, s9;
	s6 =	sadd.s32 @!p0 $0x88, s6;
	s7 =	simm.s32 @p2 $0x1082  }
0x22: {  	[simem:s7], [sflag:s8] =	dma.local @!p0 [hbm:s6], $0xF7A  }
0x23: {  	s9 =	sor.u32 $0xD0000000, s2;
	s6 =	simm.s32 $0x108;
	_ =	swait.ge @!p0 [sflag:s8], $0x0  }
0x24: {  	s3 =	sadd.s32 $0x88, s3;
	s6 =	simm.s32 @!p1 $0x1082;
	[sflag:s4] =	ssyncset.s32 $0xFFFFF086  }
0x25: {  	[simem:s6], [sflag:s4] =	dma.local [hbm:s3], $0xF7A  }
0x26: {  	[smem:$0x3F7F] =	sst s1;
	(tag) =	ssettag s2;
	_ =	strace s9  }
0x27: {  	s1 =	sld [smem:$0x3F8F]  }
0x28: {  	s2 =	sld [smem:$0x3F90]  }
0x29: {  	s4 =	sld [smem:$0x3F92]  }
0x2a: {  	p0 =	seq.s32 s5, $0x0;
	s5 =	sld [smem:$0x3F93]  }
0x2b: {  	s6 =	sld [smem:$0x3F94]  }
0x2c: {  	s7 =	sld [smem:$0x3F95]  }
0x2d: {  	s3 =	simm.s32 $0x108;
	s8 =	sld [smem:$0x3F96]  }
0x2e: {  	s3 =	simm.s32 @!p0 $0x1082;
	s9 =	sld [smem:$0x3F97]  }
0x2f: {  	lr =	sadd.s32 s0, s3;
	s0 =	sld [smem:$0x3F8E]  }
0x30: {  	s3 =	sld [smem:$0x3F91]  }
0x31: {  	[smem:$0x3F9A] =	sst s10  }
0x32: {  	s10 =	sld [smem:$0x3F98];
	_ =	sdelay $0x3  }
0x33: {  	p0 =	seq.s32 s10, $0x1;
	s10 =	sld [smem:$0x3F9A];
	_ =	sdelay $0x3  }
0x34: {  	[smem:$0x3F9A] =	sst s10  }
0x35: {  	s10 =	sld [smem:$0x3F99];
	_ =	sdelay $0x3  }
0x36: {  	p1 =	seq.s32 s10, $0x1;
	s10 =	sld [smem:$0x3F9A];
	_ =	sdelay $0x3  }
0x37: {  	[smem:$0x3F9A] =	sst s10  }
0x38: {  	s10 =	sld [smem:$0x3F9B]  }
0x39: {  	_ = 	snop;
	(pc) =	sbr.ind lr, $3  }
0x3a: {  	_ = 	snop  }
0x3b: {  	_ = 	snop  }
0x3c: {  	p2 =	seq.s32 s10, $0x1;
	s10 =	sld [smem:$0x3F9A]  }
0x3d: {  	_ =	shalt  }
0x3e: {  	_ =	shalt  }
0x3f: {  	_ =	shalt  }
0x40: {  	_ =	shalt  }
0x41: {  	_ =	shalt  }
0x42: {  	_ =	shalt  }
0x43: {  	_ =	shalt  }
0x44: {  	_ =	shalt  }
0x45: {  	_ =	shalt  }
0x46: {  	_ =	shalt  }
0x47: {  	_ =	shalt  }
0x48: {  	_ =	shalt  }
0x49: {  	_ =	shalt  }
0x4a: {  	_ =	shalt  }
0x4b: {  	_ =	shalt  }
0x4c: {  	_ =	shalt  }
0x4d: {  	_ =	shalt  }
0x4e: {  	_ =	shalt  }
0x4f: {  	_ =	shalt  }
0x50: {  	_ =	shalt  }
0x51: {  	_ =	shalt  }
0x52: {  	_ =	shalt  }
0x53: {  	_ =	shalt  }
0x54: {  	_ =	shalt  }
0x55: {  	_ =	shalt  }
0x56: {  	_ =	shalt  }
0x57: {  	_ =	shalt  }
0x58: {  	_ =	shalt  }
0x59: {  	_ =	shalt  }
0x5a: {  	_ =	shalt  }
0x5b: {  	_ =	shalt  }
0x5c: {  	_ =	shalt  }
0x5d: {  	_ =	shalt  }
0x5e: {  	_ =	shalt  }
0x5f: {  	_ =	shalt  }
0x60: {  	_ =	shalt  }
0x61: {  	_ =	shalt  }
0x62: {  	_ =	shalt  }
0x63: {  	_ =	shalt  }
0x64: {  	_ =	shalt  }
0x65: {  	_ =	shalt  }
0x66: {  	_ =	shalt  }
0x67: {  	_ =	shalt  }
0x68: {  	_ =	shalt  }
0x69: {  	_ =	shalt  }
0x6a: {  	_ =	shalt  }
0x6b: {  	_ =	shalt  }
0x6c: {  	_ =	shalt  }
0x6d: {  	_ =	shalt  }
0x6e: {  	_ =	shalt  }
0x6f: {  	_ =	shalt  }
0x70: {  	_ =	shalt  }
0x71: {  	_ =	shalt  }
0x72: {  	_ =	shalt  }
0x73: {  	_ =	shalt  }
0x74: {  	_ =	shalt  }
0x75: {  	_ =	shalt  }
0x76: {  	_ =	shalt  }
0x77: {  	_ =	shalt  }
0x78: {  	_ =	shalt  }
0x79: {  	_ =	shalt  }
0x7a: {  	_ =	shalt  }
0x7b: {  	_ =	shalt  }
0x7c: {  	_ =	shalt  }
0x7d: {  	_ =	shalt  }
0x7e: {  	_ =	shalt  }
0x7f: {  	_ =	shalt  }
0x80: {  	_ =	shalt  }
0x81: {  	_ =	shalt  }
0x82: {  	_ =	shalt  }
0x83: {  	_ =	shalt  }
0x84: {  	_ =	shalt  }
0x85: {  	_ =	shalt  }
0x86: {  	_ =	shalt  }
0x87: {  	_ =	shalt  }
.Lfunc_end0:
.L_simem_size_0:
called_computation.3_lowered:
.L_overlay_start_0:
0x88: {  	s2 =	sld [smem:$0x3FD9]  }
0x89: {  	s3 =	sld [smem:$0x3FFE];
	_ =	sdelay $0x1  }
0x8a: {  	s1 =	srdreg.scid  }
0x8b: {  	s0 =	sand.u32 $0x1, s1  }
0x8c: {  	s17 =	sshll.u32 s0, $0xA;
	s2 =	sadd.s32 s3, s2  }
0x8d: {  	s2 =	sadd.s32 s2, s17  }
0x8e: {  	[smem:$0x3FA6] =	sst s2  }
0x8f: {  	_ = 	snop  }
0x90: {  	s2 =	sld [smem:$0x3FD0];
	(tm) =	ssettm $0x1  }
0x91: {  	s18 =	sld [smem:$0x3FFB];
	_ =	sdelay $0x3  }
0x92: {  	_ =	strace s18  }
0x93: {  	s3 =	sld [smem:$0x3FFC];
	_ =	sdelay $0x3  }
0x94: {  	_ =	strace s3  }
0x95: {  	s3 =	sld [smem:$0x3FFD];
	_ =	sdelay $0x3  }
0x96: {  	_ =	strace s3  }
0x97: {  	_ =	strace $0x8FFFFFFF  }
0x98: {  	s19 =	sld [smem:$0x3FDB];
	_ =	sdelay $0x1  }
0x99: {  	s4 =	simm.s32 $_scs_section_size  }
0x9a: {  	s5 =	simm.s32 $_size__tile_overlayer_lowered;
	s6 =	simm.s32 $_tile_overlayer_lowered  }
0x9b: {  	s22 =	simm.s32 $0x1BFF;
	s21 =	sshll.u32 s6, $0x1;
	s3 =	sadd.s32 s4, s19  }
0x9c: {  	s7 =	simm.s32 $0x0;
	s20 =	sshll.u32 s5, $0x1;
	s5 =	sadd.s32 s21, s3  }
0x9d: {  	[timem:s7], [sflag:s22] =	dma.local [hbm:s5], s20  }
0x9e: {  	_ =	swait.ge [sflag:s22], s20  }
0x9f: {  	s4 =	ssub.s32 $0x0, s20;
	[sflag:s22] =	ssyncset.done $0x0  }
0xa0: {  	[sflag:s22] =	ssyncadd.s32 s4;
	_ =	sdelay $0x1  }
0xa1: {  	s23 =	simm.s32 $0x1B8B  }
0xa2: {  	_ =	swait.ge [sflag:s23], $0x1  }
0xa3: {  	[sflag:s23] =	ssyncset.done $0x0  }
0xa4: {  	s25 =	simm.s32 $0x1B8E;
	s24 =	sld [smem:$0x3FFE];
	[sflag:s23] =	ssyncadd.s32 $0xFFFFFFFF  }
0xa5: {  	s26 =	simm.s32 $execute0_lowered;
	[smem:$0x3FD2] =	sst s25  }
0xa6: {  	s5 =	sshll.u32 s26, $0x1;
	_ =	strace $0x8000004F;
	[dreg:$0x1] =	wrdreg $0xFFFFFFFF  }
0xa7: {  	s28 =	simm.s32 $_size_execute0_lowered;
	s3 =	sadd.s32 s3, s5;
	[dreg:$0x0] =	wrdreg $0x0  }
0xa8: {  	s5 =	sshll.u32 s28, $0x1;
	[dreg:$0x2] =	wrdreg s3  }
0xa9: {  	[dreg:$0x3] =	wrdreg s5  }
0xaa: {  	[dreg:$0x4] =	wrdreg $0xC0  }
0xab: {  	_ =	task [dreg:s7], $0x5FFFF  }
0xac: {  	[dreg:$0x1] =	wrdreg $0xFFFFFFFF  }
0xad: {  	[dreg:$0x0] =	wrdreg $0x60  }
0xae: {  	[dreg:$0x2] =	wrdreg s2  }
0xaf: {  	[dreg:$0x3] =	wrdreg s24  }
0xb0: {  	[dreg:$0x4] =	wrdreg $0x9  }
0xb1: {  	_ =	task.clear_ibuf [dreg:s7], $0x5FFFF;
	_ =	strace $0x9000004F  }
0xb2: {  	s29 =	simm.s32 $0x9;
	_ =	strace $0x80000051  }
0xb3: {  	_ =	swait.ge [sflag:s29], $0x1  }
0xb4: {  	[sflag:s29] =	ssyncadd.s32 $0xFFFFFFFF  }
0xb5: {  	_ =	strace $0x90000051  }
0xb6: {  	_ =	sfence  }
0xb7: {  	s30 =	sld [smem:$0x0];
	_ =	sdelay $0x2  }
0xb8: {  	s31 =	sshll.u32 s1, $0xD;
	s1 =	sshrl.u32 s1, $0x2  }
0xb9: {  	s3 =	sand.u32 $0x4000, s31;
	s1 =	sadd.s32 s1, s30  }
0xba: {  	s0 =	sor.u32 s3, s0;
	s1 =	sshll.u32 s1, $0x11  }
0xbb: {  	s0 =	sor.u32 s1, s0  }
0xbc: {  	s0 =	sadd.s32 $0x8F2B, s0  }
0xbd: {  	[sflag:s0] =	ssyncadd.remote.s32 $0x1  }
0xbe: {  	_ =	sfence.sel $0xFFFF  }
0xbf: {  	[dreg:$0x0] =	wrdreg $0xFFFFFFFF;
	(pc) =	sbr.abs _section_cstart, $3  }
0xc0: {  	[dreg:$0x1] =	wrdreg $0xFFFFFFFF  }
0xc1: {  	_ =	task.clear_ibuf [dreg:s7], $0x2FFFF;
	_ =	strace $0x9FFFFFFF  }
0xc2: {  	(tm) =	ssettm $0x7FFFFFFF  }
0xc3: {  	_ =	shalt  }
tec
execute0_lowered:
.L_overlay_start_1:
0x0: {  	(tag) =	ssettag $0x1  }
0x1: {  	s1 =	rddreg [dreg:$0x0]  }
0x2: {  	s5 =	rddreg [dreg:$0x1]  }
0x3: {  	s0 =	rddreg [dreg:$0x2]  }
0x4: {  	s3 =	simm.s32 $0x0;
	s4 =	srdreg.scid;
	s2 =	stileid.u32  }
0x5: {  	s10 =	simm.s32 $0x3;
	s11 =	simm.s32 $0x4000;
	s12 =	simm.s32 $0x28  }
0x6: {  	s13 =	simm.s32 $0x8000;
	s14 =	simm.s32 $0xA800;
	s15 =	simm.s32 $0x1  }
0x7: {  	s16 =	simm.s32 $0x2;
	s17 =	simm.s32 $0x0;
	[smem:$0x7FF] =	sst s3  }
0x8: {  	s4 =	sand.u32 $0x1, s4;
	s6 =	sshll.u32 s2, $0x1;
	_ =	strace $0x80000050  }
0x9: {  	s6 =	sor.u32 s4, s6;
	s7 =	ssub.s32 $0x2, s4;
	s4 =	sadd.s32 $0x28400, s5  }
0xa: {  	s8 =	sshll.u32 s6, $0xB;
	s9 =	sshrl.u32 s7, $0x1;
	s6 =	smul.u32 $0x1388, s6  }
0xb: {  	s8 =	sadd.s32 s8, s5;
	s5 =	sadd.s32 $0x4F600, s5;
	s9 =	ssub.s32 s7, s9  }
0xc: {  	s7 =	sadd.s32 $0x8400, s8;
	s8 =	sadd.s32 $0x18400, s8;
	s9 =	smax.u32 s9, $0x1  }
.LBB2_1:
0xd: {  	[tilespmem:s3], [sflag:$0x3] =	stream.linear.gather [hbm4b:s7+s3], $0x4000, $0x38;
	[tilespmem:$0xD000] =	vst v63  }
0xe: {  	_ =	swait.ge [sflag:s10], $0x4000  }
0xf: {  	[sflag:s10] =	ssyncset.done $0x0  }
0x10: {  	[sflag:s10] =	ssyncadd.s32 $0xFFFFC000  }
0x11: {  	[tilespmem:s11], [sflag:$0x3] =	stream.linear.gather [hbm4b:s8+s3], $0x4000, $0x38;
	[tilespmem:$0xD000] =	vst v63  }
0x12: {  	_ =	swait.ge [sflag:s10], $0x4000  }
0x13: {  	[sflag:s10] =	ssyncset.done $0x0  }
0x14: {  	[sflag:s10] =	ssyncadd.s32 $0xFFFFC000  }
0x15: {  	[tilespmem:s13], [sflag:$0x1] =	stream.indirect.gather [hbm4b:s1+s12], $0x80, s3, s12, $0xb8;
	[tilespmem:$0xD000] =	vst v63  }
0x16: {  	s18 =	simm.s32 $0x0  }
0x17: {  	[tilespmem:s14], [sflag:$0x1] =	stream.indirect.gather [hbm4b:s4+s12], $0x80, s11, s12, $0xb8;
	[tilespmem:$0xD000] =	vst v63  }
.LBB2_2:
0x18: {  	p0 =	seq.s32 s18, $0x0  }
0x19: {  	p1 =	seq.s32 @!p0 s18, $0x7C  }
0x1a: {  	p1 =	por p0, !p1  }
.Ltmp0:
0x1b: {  	_ = 	snop;
	(pc) =	sbr.rel @!p1 .LBB2_4-.Ltmp0, $4  }
0x1c: {  	s19 =	simm.s32 @!p0 $0x2  }
0x1d: {  	_ =	swait.ge @!p0 [sflag:s19], $0x1400  }
0x1e: {  	[sflag:s19] =	ssyncset.done @!p0 $0x0  }
0x1f: {  	[sflag:s19] =	ssyncadd.s32 @!p0 $0xFFFFEC00;
	s19 =	simm.s32 @!p0 $0x7D  }
0x20: {  	s19 =	sadd.s32 @!p0 $0x1, s18  }
0x21: {  	s19 =	simm.s32 @p0 $0x1  }
0x22: {  	s20 =	sand.u32 $0x1, s19  }
0x23: {  	p0 =	seq.s32 s20, $0x1;
	s20 =	simm.s32 $0x1400  }
0x24: {  	s20 =	simm.s32 @!p0 $0x0  }
0x25: {  	s22 =	sshll.u32 s19, $0x7;
	s21 =	sor.u32 $0x8000, s20  }
0x26: {  	[tilespmem:s21], [sflag:$0x1] =	stream.indirect.gather [hbm4b:s1+s12], $0x80, s22, s12, $0xb8;
	[tilespmem:$0xD000] =	vst v63  }
0x27: {  	s31 =	sadd.s32 $0x4000, s22;
	s20 =	sor.u32 $0xA800, s20  }
0x28: {  	[tilespmem:s20], [sflag:$0x1] =	stream.indirect.gather [hbm4b:s4+s12], $0x80, s31, s12, $0xb8;
	[tilespmem:$0xD000] =	vst v63  }
.LBB2_4:
0x29: {  	s20 =	sand.u32 $0x1, s18  }
0x2a: {  	p0 =	seq.s32 s20, $0x1;
	s20 =	simm.s32 $0x1400  }
0x2b: {  	s20 =	simm.s32 @!p0 $0x0  }
0x2c: {  	_ =	swait.ge [sflag:s15], $0x1400;
	s21 =	sor.u32 $0x8040, s20  }
0x2d: {  	[sflag:s15] =	ssyncset.done $0x0;
	s22 =	sor.u32 $0xA870, s20;
	v0 =	vmov s21  }
0x2e: {  	[sflag:s15] =	ssyncadd.s32 $0xFFFFEC00;
	v1 =	vmov s22  }
0x2f: {  	_ =	swait.ge [sflag:s15], $0x1400  }
0x30: {  	[sflag:s15] =	ssyncset.done $0x0  }
0x31: {  	s21 =	simm.s32 $0x0;
	[sflag:s15] =	ssyncadd.s32 $0xFFFFEC00  }
0x32: {  	v2 =	vld.idx.msk [tilespmem:v0+s21+$0xFFFFFFC0 ss:$0x1], $0xffff  }
0x33: {  	v3 =	vld.idx.msk [tilespmem:v1+s21+$0xFFFFFF90 ss:$0x1], $0xffff;
	_ =	sdelay $0x4  }
0x34: {  	v2 =	vadd.f32 v3, v2;
	_ =	sdelay $0x1  }
0x35: {  	[tilespmem:v0+s21+$0xFFFFFFC0 ss:$0x1] =	vst.idx.msk $0xffff, v2  }
0x36: {  	v2 =	vld.idx.msk [tilespmem:v0+s21+$0xFFFFFFD0 ss:$0x1], $0xffff  }
0x37: {  	v3 =	vld.idx.msk [tilespmem:v1+s21+$0xFFFFFFA0 ss:$0x1], $0xffff;
	_ =	sdelay $0x4  }
0x38: {  	v2 =	vadd.f32 v3, v2;
	_ =	sdelay $0x1  }
0x39: {  	[tilespmem:v0+s21+$0xFFFFFFD0 ss:$0x1] =	vst.idx.msk $0xffff, v2  }
0x3a: {  	v2 =	vld.idx.msk [tilespmem:v0+s21+$0xFFFFFFE0 ss:$0x1], $0xffff  }
0x3b: {  	v3 =	vld.idx.msk [tilespmem:v1+s21+$0xFFFFFFB0 ss:$0x1], $0xffff;
	_ =	sdelay $0x4  }
0x3c: {  	v2 =	vadd.f32 v3, v2;
	_ =	sdelay $0x1  }
0x3d: {  	[tilespmem:v0+s21+$0xFFFFFFE0 ss:$0x1] =	vst.idx.msk $0xffff, v2  }
0x3e: {  	v2 =	vld.idx.msk [tilespmem:v0+s21+$0xFFFFFFF0 ss:$0x1], $0xffff  }
0x3f: {  	v3 =	vld.idx.msk [tilespmem:v1+s21+$0xFFFFFFC0 ss:$0x1], $0xffff;
	_ =	sdelay $0x4  }
0x40: {  	v2 =	vadd.f32 v3, v2;
	_ =	sdelay $0x1  }
0x41: {  	[tilespmem:v0+s21+$0xFFFFFFF0 ss:$0x1] =	vst.idx.msk $0xffff, v2  }
0x42: {  	v2 =	vld.idx.msk [tilespmem:v0+s21+$0x0 ss:$0x1], $0xffff  }
0x43: {  	v3 =	vld.idx.msk [tilespmem:v1+s21+$0xFFFFFFD0 ss:$0x1], $0xffff;
	_ =	sdelay $0x4  }
0x44: {  	v2 =	vadd.f32 v3, v2;
	_ =	sdelay $0x1  }
0x45: {  	[tilespmem:v0+s21+$0x0 ss:$0x1] =	vst.idx.msk $0xffff, v2  }
0x46: {  	v2 =	vld.idx.msk [tilespmem:v0+s21+$0x10 ss:$0x1], $0xffff  }
0x47: {  	v3 =	vld.idx.msk [tilespmem:v1+s21+$0xFFFFFFE0 ss:$0x1], $0xffff;
	_ =	sdelay $0x4  }
0x48: {  	v2 =	vadd.f32 v3, v2;
	_ =	sdelay $0x1  }
0x49: {  	[tilespmem:v0+s21+$0x10 ss:$0x1] =	vst.idx.msk $0xffff, v2  }
0x4a: {  	v2 =	vld.idx.msk [tilespmem:v0+s21+$0x20 ss:$0x1], $0xffff  }
0x4b: {  	v3 =	vld.idx.msk [tilespmem:v1+s21+$0xFFFFFFF0 ss:$0x1], $0xffff;
	_ =	sdelay $0x4  }
0x4c: {  	v2 =	vadd.f32 v3, v2;
	_ =	sdelay $0x1  }
0x4d: {  	[tilespmem:v0+s21+$0x20 ss:$0x1] =	vst.idx.msk $0xffff, v2  }
0x4e: {  	s22 =	simm.s32 $0x200;
	v2 =	vld.idx.msk [tilespmem:v0+s21+$0x30 ss:$0x1], $0xffff  }
.LBB2_5:
0x4f: {  	p0 =	sne.s32 s22, $0x4E00;
	v3 =	vld.idx.msk [tilespmem:v1+s21+$0x0 ss:$0x1], $0xffff;
	s23 =	smov.u32 s22;
	s22 =	sadd.s32 $0x200, s22  }
0x50: {  	_ =	sdelay $0x4  }
0x51: {  	v2 =	vadd.f32 v3, v2;
	_ =	sdelay $0x1  }
0x52: {  	[tilespmem:v0+s21+$0x30 ss:$0x1] =	vst.idx.msk $0xffff, v2;
	s21 =	sshra.s32 s23, $0x2  }
0x53: {  	v2 =	vld.idx.msk [tilespmem:v0+s21+$0xFFFFFFC0 ss:$0x1], $0xffff  }
0x54: {  	v3 =	vld.idx.msk [tilespmem:v1+s21+$0xFFFFFF90 ss:$0x1], $0xffff;
	_ =	sdelay $0x5  }
0x55: {  	v2 =	vadd.f32 v3, v2;
	_ =	sdelay $0x1  }
0x56: {  	[tilespmem:v0+s21+$0xFFFFFFC0 ss:$0x1] =	vst.idx.msk $0xffff, v2  }
0x57: {  	v2 =	vld.idx.msk [tilespmem:v0+s21+$0xFFFFFFD0 ss:$0x1], $0xffff  }
0x58: {  	v3 =	vld.idx.msk [tilespmem:v1+s21+$0xFFFFFFA0 ss:$0x1], $0xffff;
	_ =	sdelay $0x5  }
0x59: {  	v2 =	vadd.f32 v3, v2;
	_ =	sdelay $0x1  }
0x5a: {  	[tilespmem:v0+s21+$0xFFFFFFD0 ss:$0x1] =	vst.idx.msk $0xffff, v2  }
0x5b: {  	v2 =	vld.idx.msk [tilespmem:v0+s21+$0xFFFFFFE0 ss:$0x1], $0xffff  }
0x5c: {  	v3 =	vld.idx.msk [tilespmem:v1+s21+$0xFFFFFFB0 ss:$0x1], $0xffff;
	_ =	sdelay $0x5  }
0x5d: {  	v2 =	vadd.f32 v3, v2;
	_ =	sdelay $0x1  }
0x5e: {  	[tilespmem:v0+s21+$0xFFFFFFE0 ss:$0x1] =	vst.idx.msk $0xffff, v2  }
0x5f: {  	v2 =	vld.idx.msk [tilespmem:v0+s21+$0xFFFFFFF0 ss:$0x1], $0xffff  }
0x60: {  	v3 =	vld.idx.msk [tilespmem:v1+s21+$0xFFFFFFC0 ss:$0x1], $0xffff;
	_ =	sdelay $0x5  }
0x61: {  	v2 =	vadd.f32 v3, v2;
	_ =	sdelay $0x1  }
0x62: {  	[tilespmem:v0+s21+$0xFFFFFFF0 ss:$0x1] =	vst.idx.msk $0xffff, v2  }
0x63: {  	v2 =	vld.idx.msk [tilespmem:v0+s21+$0x0 ss:$0x1], $0xffff  }
0x64: {  	v3 =	vld.idx.msk [tilespmem:v1+s21+$0xFFFFFFD0 ss:$0x1], $0xffff;
	_ =	sdelay $0x5  }
0x65: {  	v2 =	vadd.f32 v3, v2;
	_ =	sdelay $0x1  }
0x66: {  	[tilespmem:v0+s21+$0x0 ss:$0x1] =	vst.idx.msk $0xffff, v2  }
0x67: {  	v2 =	vld.idx.msk [tilespmem:v0+s21+$0x10 ss:$0x1], $0xffff  }
0x68: {  	v3 =	vld.idx.msk [tilespmem:v1+s21+$0xFFFFFFE0 ss:$0x1], $0xffff;
	_ =	sdelay $0x5  }
0x69: {  	v2 =	vadd.f32 v3, v2;
	_ =	sdelay $0x1  }
0x6a: {  	[tilespmem:v0+s21+$0x10 ss:$0x1] =	vst.idx.msk $0xffff, v2  }
0x6b: {  	v2 =	vld.idx.msk [tilespmem:v0+s21+$0x20 ss:$0x1], $0xffff  }
0x6c: {  	v3 =	vld.idx.msk [tilespmem:v1+s21+$0xFFFFFFF0 ss:$0x1], $0xffff;
	_ =	sdelay $0x4  }
.Ltmp1:
0x6d: {  	(pc) =	sbr.rel @p0 .LBB2_5-.Ltmp1, $3  }
0x6e: {  	v2 =	vadd.f32 v3, v2;
	_ =	sdelay $0x1  }
0x6f: {  	[tilespmem:v0+s21+$0x20 ss:$0x1] =	vst.idx.msk $0xffff, v2  }
0x70: {  	v2 =	vld.idx.msk [tilespmem:v0+s21+$0x30 ss:$0x1], $0xffff  }
0x71: {  	_ =	sdelay $0x3  }
0x72: {  	v1 =	vld.idx.msk [tilespmem:v1+s21+$0x0 ss:$0x1], $0xffff;
	_ =	sdelay $0x2  }
0x73: {  	s18 =	smul.u32 $0x28, s18  }
0x74: {  	p0 =	slt.u32 s19, $0x7D  }
.Ltmp2:
0x75: {  	s18 =	sadd.s32 s6, s18;
	v1 =	vadd.f32 v1, v2;
	(pc) =	sbr.rel @p0 .LBB2_2-.Ltmp2, $4  }
0x76: {  	s18 =	sshll.u32 s18, $0x4  }
0x77: {  	s20 =	sor.u32 $0x8000, s20;
	s18 =	sadd.s32 s5, s18;
	[tilespmem:v0+s21+$0x30 ss:$0x1] =	vst.idx.msk $0xffff, v1  }
0x78: {  	[hbm4b:s18+s3] =	stream.linear.scatter [tilespmem:s20], [sflag:$0x2], $0x1400, $0x38;
	[tilespmem:$0xD000] =	vst v63  }
0x79: {  	s18 =	smov.u32 s19  }
0x7a: {  	s17 =	sadd.s32 $0x1, s17  }
0x7b: {  	p0 =	sne.s32 s17, s9  }
.Ltmp3:
0x7c: {  	_ = 	snop;
	(pc) =	sbr.rel @p0 .LBB2_1-.Ltmp3, $4  }
0x7d: {  	_ = 	snop  }
0x7e: {  	_ =	swait.ge [sflag:s16], $0x1400  }
0x7f: {  	[sflag:s16] =	ssyncset.done $0x0  }
0x80: {  	[sflag:s16] =	ssyncadd.s32 $0xFFFFEC00  }
0x81: {  	_ =	sfence.sel $0x180000  }
0x82: {  	[bflag:$0x0] =	sbarrier.arrive $0xFFFF  }
0x83: {  	p0 =	sne.s32 s2, $0x0;
	_ =	strace $0x90000050  }
0x84: {  	s0 =	sadd.s32 @!p0 $0x100000, s0;
	[bflag:$0x2] =	sbarrier.arrive $0xFFFF  }
0x85: {  	[sflag:s0] =	ssyncadd.tile.s32 @!p0 $0x1;
	_ =	shalt  }
.Lfunc_end2:
_tile_overlayer_lowered:
.L_overlay_start_2:
0x86: {  	(tag) =	ssettag $0x2  }
0x87: {  	s0 =	rddreg [dreg:$0x0];
	s2 =	stileid.u32  }
0x88: {  	s1 =	rddreg [dreg:$0x1];
	p0 =	sne.s32 s2, $0x0  }
0x89: {  	s3 =	rddreg [dreg:$0x2];
	[bflag:$0x3] =	sbarrier.arrive $0xFFFF;
	s2 =	simm.s32 @!p0 $0x1C03  }
0x8a: {  	[timem:s3], [sflag:s2] =	dma.local @!p0 [hbm:s0], s1  }
0x8b: {  	s0 =	simm.s32 @!p0 $0x3  }
0x8c: {  	_ =	swait.ge @!p0 [sflag:s0], s1  }
0x8d: {  	s1 =	ssub.s32 @!p0 $0x0, s1;
	[sflag:s0] =	ssyncset.done @!p0 $0x0  }
0x8e: {  	[sflag:s0] =	ssyncadd.s32 @!p0 s1  }
0x8f: {  	[bflag:$0x3] =	sbarrier.arrive $0xFFFF  }
0x90: {  	_ =	shalt  }

</sc_bundles>
